<compile_context>
chip_gen: v7x
topology: tpu7x:2x2x1
jax: 0.10.2.dev20260603
libtpu: 0.0.44.dev20260713+nightly
codegen_flags: <defaults>
</compile_context>

<pallas_src>
import jax
import jax.numpy as jnp
from jax import lax
from jax.experimental import pallas as pl
from jax.experimental.pallas import tpu as pltpu
from jax.experimental.pallas import tpu_sc as plsc

NC = 2
NS = 16
CH = 128
DEG_W = 16
NBUF = 8


def _make_prop2(NP, EPT, H):
    H2 = H // NC
    npc = EPT // CH
    n_groups = npc // NBUF
    rpt = NP // NS
    nz = rpt // CH
    mesh = plsc.VectorSubcoreMesh(
        core_axis_name="c", subcore_axis_name="s",
        num_cores=NC, num_subcores=NS)
    out_type = (jax.ShapeDtypeStruct((NC, NP, H2), jnp.float32),
                jax.ShapeDtypeStruct((NC, NP, H2), jnp.float32))
    scratch = [
        pltpu.VMEM((npc, CH), jnp.int32),
        pltpu.VMEM((npc, CH), jnp.int32),
        pltpu.VMEM_SHARED((NP, H2), jnp.float32),
        pltpu.VMEM_SHARED((NP, H2), jnp.float32),
        pltpu.VMEM((CH, DEG_W), jnp.float32),
        pltpu.VMEM((CH, DEG_W), jnp.float32),
        pltpu.VMEM_SHARED((NP, DEG_W), jnp.float32),
    ]
    scratch += [pltpu.VMEM((CH, H2), jnp.float32) for _ in range(NBUF)]
    scratch += [pltpu.SemaphoreType.DMA for _ in range(3 * NBUF)]

    def body(*refs):
        (h_half, col_hbm, row_hbm, m1_hbm, m2_hbm,
         col_s, row_s, acc, hstage, ones_v, dbuf2, dacc) = refs[0:12]
        rows_v = refs[12:12 + NBUF]
        gsem = refs[12 + NBUF:12 + 2 * NBUF]
        ssem = refs[12 + 2 * NBUF:12 + 3 * NBUF]
        dsem = refs[12 + 3 * NBUF:12 + 4 * NBUF]

        cid = lax.axis_index("c")
        sid = lax.axis_index("s")
        zero16 = jnp.zeros((16,), jnp.float32)
        one16 = jnp.ones((16,), jnp.float32)
        row0 = sid * rpt

        idesc0 = pltpu.async_copy(col_hbm.at[pl.ds(sid * npc, npc)], col_s,
                                  gsem[0])
        idesc1 = pltpu.async_copy(row_hbm.at[pl.ds(sid * npc, npc)], row_s,
                                  gsem[1])
        hdesc = pltpu.async_copy(h_half.at[cid, pl.ds(row0, rpt)],
                                 hstage.at[pl.ds(row0, rpt)], ssem[0])

        def fill_rows0(val16):
            @pl.loop(0, CH)
            def _f(i):
                for j in range(H2 // 16):
                    rows_v[0][i, pl.ds(j * 16, 16)] = val16

        def fill_ones(val16):
            @pl.loop(0, CH)
            def _f(i):
                ones_v[i, pl.ds(0, 16)] = val16

        fill_rows0(zero16)
        fill_ones(zero16)

        @pl.loop(0, nz)
        def _zacc(i):
            pltpu.sync_copy(rows_v[0], acc.at[pl.ds(row0 + i * CH, CH)])
            pltpu.sync_copy(ones_v, dacc.at[pl.ds(row0 + i * CH, CH)])

        fill_ones(one16)
        idesc0.wait()
        idesc1.wait()
        hdesc.wait()

        plsc.subcore_barrier()

        def run_hop(with_deg):
            for b in range(NBUF):
                pltpu.async_copy(hstage.at[col_s.at[b]], rows_v[b], gsem[b])

            @pl.loop(0, n_groups)
            def _edges(g):
                c0 = g * NBUF
                for b in range(NBUF):
                    c = c0 + b
                    pltpu.make_async_copy(hstage.at[col_s.at[c]], rows_v[b],
                                          gsem[b]).wait()
                    pltpu.async_copy(rows_v[b], acc.at[row_s.at[c]], ssem[b],
                                     add=True)
                    if with_deg:
                        pltpu.async_copy(ones_v, dacc.at[row_s.at[c]],
                                         dsem[b], add=True)
                for b in range(NBUF):
                    c = c0 + b
                    pltpu.make_async_copy(rows_v[b], acc.at[row_s.at[c]],
                                          ssem[b]).wait()
                    if with_deg:
                        pltpu.make_async_copy(ones_v, dacc.at[row_s.at[c]],
                                              dsem[b]).wait()

                    @pl.when(g + 1 < n_groups)
                    def _refill():
                        pltpu.async_copy(hstage.at[col_s.at[c + NBUF]],
                                         rows_v[b], gsem[b])

        def combine(out_hbm, first):
            if first:
                fill_rows0(zero16)
            fb = [rows_v[2], rows_v[3]]
            db = [ones_v, dbuf2]
            reads = {}
            writes = {}

            def fire_reads(k):
                r = row0 + k * CH
                reads[k] = (
                    pltpu.async_copy(acc.at[pl.ds(r, CH)], fb[k % 2],
                                     gsem[k % 2]),
                    pltpu.async_copy(dacc.at[pl.ds(r, CH)], db[k % 2],
                                     dsem[k % 2]))

            fire_reads(0)
            if nz > 1:
                fire_reads(1)
            for k in range(nz):
                r = row0 + k * CH
                ra, rd = reads.pop(k)
                ra.wait()
                rd.wait()

                @pl.loop(0, CH)
                def _rows(i, k=k):
                    dv = db[k % 2][i, pl.ds(0, 16)]
                    inv = jnp.where(dv > 0.0, 1.0 / dv, 0.0)
                    for j in range(H2 // 16):
                        fb[k % 2][i, pl.ds(j * 16, 16)] = (
                            fb[k % 2][i, pl.ds(j * 16, 16)] * inv)

                ws = [pltpu.async_copy(fb[k % 2],
                                       out_hbm.at[cid, pl.ds(r, CH)],
                                       ssem[0])]
                if first:
                    ws.append(pltpu.async_copy(fb[k % 2],
                                               hstage.at[pl.ds(r, CH)],
                                               ssem[1]))
                    ws.append(pltpu.async_copy(rows_v[0],
                                               acc.at[pl.ds(r, CH)],
                                               ssem[2]))
                writes[k] = ws
                if k + 2 < nz:
                    for w in writes.pop(k):
                        w.wait()
                    fire_reads(k + 2)
            for k in sorted(writes):
                for w in writes[k]:
                    w.wait()

        run_hop(True)
        plsc.subcore_barrier()
        combine(m1_hbm, True)
        plsc.subcore_barrier()
        run_hop(False)
        plsc.subcore_barrier()
        combine(m2_hbm, False)

    return pl.kernel(body, out_type=out_type, mesh=mesh,
                     scratch_types=tuple(scratch),
                     compiler_params=pltpu.CompilerParams(
                         use_tc_tiling_on_sc=False))


def _lin_in(x, WinT, b_in2, N, NP, D, H, BN):
    H2 = H // NC

    def body(x_ref, w_ref, b_ref, o_ref):
        h = jnp.dot(x_ref[...], w_ref[...], preferred_element_type=jnp.float32)
        h = jnp.maximum(h + b_ref[...], 0.0)
        o_ref[0] = h[:, :H2]
        o_ref[1] = h[:, H2:]

    return pl.pallas_call(
        body,
        grid=(NP // BN,),
        in_specs=[pl.BlockSpec((BN, D), lambda i: (i, 0)),
                  pl.BlockSpec((D, H), lambda i: (0, 0)),
                  pl.BlockSpec((1, H), lambda i: (0, 0))],
        out_specs=pl.BlockSpec((NC, BN, H2), lambda i: (0, i, 0)),
        out_shape=jax.ShapeDtypeStruct((NC, NP, H2), jnp.float32),
    )(x, WinT, b_in2)


def _final(h_half, m1, m2, W_out, b_out2, N, NP, H, O, BN):
    H2 = H // NC

    def body(h0, h1, a0, a1, b0, b1, w_ref, b_ref, o_ref):
        comb = jnp.concatenate(
            [h0[0], h1[0], a0[0], a1[0], b0[0], b1[0]], axis=1)
        w = w_ref[...]
        wc = jnp.concatenate(
            [w[:, 0:H],
             w[:, H:2 * H] + w[:, 2 * H:3 * H],
             w[:, 3 * H:4 * H] + w[:, 4 * H:5 * H]], axis=1)
        o_ref[...] = lax.dot_general(
            comb, wc, (((1,), (1,)), ((), ())),
            preferred_element_type=jnp.float32) + b_ref[...]

    def half(c):
        return pl.BlockSpec((1, BN, H2), lambda i, c=c: (c, i, 0))

    return pl.pallas_call(
        body,
        grid=(-(-N // BN),),
        in_specs=[half(0), half(1), half(0), half(1), half(0), half(1),
                  pl.BlockSpec((O, 5 * H), lambda i: (0, 0)),
                  pl.BlockSpec((1, O), lambda i: (0, 0))],
        out_specs=pl.BlockSpec((BN, O), lambda i: (i, 0)),
        out_shape=jax.ShapeDtypeStruct((N, O), jnp.float32),
    )(h_half, h_half, m1, m1, m2, m2, W_out, b_out2)


def kernel(x, edge_index, W_in, b_in, W_out, b_out):
    N, D = x.shape
    H = W_in.shape[0]
    O = W_out.shape[0]
    E = edge_index.shape[1]

    NP = -(-(N + 1) // 2048) * 2048
    GRP = NS * CH * NBUF
    EPT = (-(-E // GRP)) * CH * NBUF
    Epad = EPT * NS
    BN = 2048

    row = edge_index[0].astype(jnp.int32)
    col = edge_index[1].astype(jnp.int32)
    if E % CH == 0:
        row = jnp.pad(row.reshape(E // CH, CH), ((0, (Epad - E) // CH), (0, 0)),
                      constant_values=N)
        col = jnp.pad(col.reshape(E // CH, CH), ((0, (Epad - E) // CH), (0, 0)))
    else:
        row = jnp.concatenate([row, jnp.full((Epad - E,), N, jnp.int32)])
        col = jnp.concatenate([col, jnp.zeros((Epad - E,), jnp.int32)])
        row = row.reshape(Epad // CH, CH)
        col = col.reshape(Epad // CH, CH)

    WinT = W_in.T
    b_in2 = b_in.reshape(1, H)
    b_out2 = b_out.reshape(1, O)

    h_half = _lin_in(x, WinT, b_in2, N, NP, D, H, BN)
    m1, m2 = _make_prop2(NP, EPT, H)(h_half, col, row)
    return _final(h_half, m1, m2, W_out, b_out2, N, NP, H, O, BN)

# --- scband reference (transcript-rebuilt; emitter-appended) ---
"""Pipeline reference for scband-h2-gcn-83794811945394 (READ-ONLY COPY).

The authoritative reference and input builder live on the scoring server;
editing this copy changes nothing except your own understanding.
"""

import jax, jax.numpy as jnp
import numpy as np

K = 2

def setup_inputs(seed: int = 0) -> dict:
    key = jax.random.key(seed)
    k_x, k_e, k_w1, k_b1, k_w2, k_b2 = jax.random.split(key, 6)
    N, E, D, H, O = 10000, 320000, 128, 64, 64
    x = jax.random.normal(k_x, (N, D), dtype=jnp.float32)
    edge_index = jax.random.randint(k_e, (2, E), 0, N, dtype=jnp.int64)
    W_in = jax.random.normal(k_w1, (H, D), dtype=jnp.float32) * 0.05
    b_in = jax.random.normal(k_b1, (H,), dtype=jnp.float32) * 0.05
    W_out = jax.random.normal(k_w2, (O, H * (1 + 2 * K)), dtype=jnp.float32) * 0.05
    b_out = jax.random.normal(k_b2, (O,), dtype=jnp.float32) * 0.05
    return {"x": x, "edge_index": edge_index, "W_in": W_in, "b_in": b_in, "W_out": W_out, "b_out": b_out}

def reference(x, edge_index, W_in, b_in, W_out, b_out):
    row = edge_index[0]
    col = edge_index[1]
    N = x.shape[0]
    # degree of destination nodes (row), as in torch_geometric.utils.degree
    deg = jax.ops.segment_sum(jnp.ones(row.shape[0], dtype=x.dtype), row, num_segments=N)
    deg_inv = jnp.where(deg > 0, 1.0 / deg, 0.0)
    # lin_in + relu (dropout is identity in eval mode)
    h = jax.nn.relu(x @ W_in.T + b_in)
    features = [h]
    h_self = h
    h_neighbor = h
    for _ in range(K):
        h_new = jax.ops.segment_sum(h_neighbor[col], row, num_segments=N)
        h_new = h_new * deg_inv[:, None]
        features.append(h_new)
        h_higher = jax.ops.segment_sum(h_self[col], row, num_segments=N)
        h_higher = h_higher * deg_inv[:, None]
        features.append(h_higher)
        h_neighbor = h_new
        h_self = h_higher
    combined = jnp.concatenate(features, axis=1)
    out = combined @ W_out.T + b_out
    return out

if __name__ == "__main__":
    import jax
    _d = setup_inputs()
    print(jax.jit(kernel)(*tuple(_d.values())))

</pallas_src>

<mosaic_0001>
#map = affine_map<(d0, d1) -> (0, 0, 0)>
#map1 = affine_map<(d0, d1) -> (0, 0)>
module attributes {stable_mosaic.version = 14 : i64} {
  func.func @body(%arg0: i32, %arg1: i32, %arg2: memref<2x10240x32xf32, #tpu.memory_space<hbm>>, %arg3: memref<2560x128xi32, #tpu.memory_space<hbm>>, %arg4: memref<2560x128xi32, #tpu.memory_space<hbm>>, %arg5: memref<2x10240x32xf32, #tpu.memory_space<hbm>>, %arg6: memref<2x10240x32xf32, #tpu.memory_space<hbm>>, %arg7: memref<160x128xi32, #tpu.memory_space<vmem>>, %arg8: memref<160x128xi32, #tpu.memory_space<vmem>>, %arg9: memref<10240x32xf32, #tpu.memory_space<vmem_shared>>, %arg10: memref<10240x32xf32, #tpu.memory_space<vmem_shared>>, %arg11: memref<128x16xf32, #tpu.memory_space<vmem>>, %arg12: memref<128x16xf32, #tpu.memory_space<vmem>>, %arg13: memref<10240x16xf32, #tpu.memory_space<vmem_shared>>, %arg14: memref<128x32xf32, #tpu.memory_space<vmem>>, %arg15: memref<128x32xf32, #tpu.memory_space<vmem>>, %arg16: memref<128x32xf32, #tpu.memory_space<vmem>>, %arg17: memref<128x32xf32, #tpu.memory_space<vmem>>, %arg18: memref<128x32xf32, #tpu.memory_space<vmem>>, %arg19: memref<128x32xf32, #tpu.memory_space<vmem>>, %arg20: memref<128x32xf32, #tpu.memory_space<vmem>>, %arg21: memref<128x32xf32, #tpu.memory_space<vmem>>, %arg22: memref<!tpu.dma_semaphore, #tpu.memory_space<semaphore_mem>>, %arg23: memref<!tpu.dma_semaphore, #tpu.memory_space<semaphore_mem>>, %arg24: memref<!tpu.dma_semaphore, #tpu.memory_space<semaphore_mem>>, %arg25: memref<!tpu.dma_semaphore, #tpu.memory_space<semaphore_mem>>, %arg26: memref<!tpu.dma_semaphore, #tpu.memory_space<semaphore_mem>>, %arg27: memref<!tpu.dma_semaphore, #tpu.memory_space<semaphore_mem>>, %arg28: memref<!tpu.dma_semaphore, #tpu.memory_space<semaphore_mem>>, %arg29: memref<!tpu.dma_semaphore, #tpu.memory_space<semaphore_mem>>, %arg30: memref<!tpu.dma_semaphore, #tpu.memory_space<semaphore_mem>>, %arg31: memref<!tpu.dma_semaphore, #tpu.memory_space<semaphore_mem>>, %arg32: memref<!tpu.dma_semaphore, #tpu.memory_space<semaphore_mem>>, %arg33: memref<!tpu.dma_semaphore, #tpu.memory_space<semaphore_mem>>, %arg34: memref<!tpu.dma_semaphore, #tpu.memory_space<semaphore_mem>>, %arg35: memref<!tpu.dma_semaphore, #tpu.memory_space<semaphore_mem>>, %arg36: memref<!tpu.dma_semaphore, #tpu.memory_space<semaphore_mem>>, %arg37: memref<!tpu.dma_semaphore, #tpu.memory_space<semaphore_mem>>, %arg38: memref<!tpu.dma_semaphore, #tpu.memory_space<semaphore_mem>>, %arg39: memref<!tpu.dma_semaphore, #tpu.memory_space<semaphore_mem>>, %arg40: memref<!tpu.dma_semaphore, #tpu.memory_space<semaphore_mem>>, %arg41: memref<!tpu.dma_semaphore, #tpu.memory_space<semaphore_mem>>, %arg42: memref<!tpu.dma_semaphore, #tpu.memory_space<semaphore_mem>>, %arg43: memref<!tpu.dma_semaphore, #tpu.memory_space<semaphore_mem>>, %arg44: memref<!tpu.dma_semaphore, #tpu.memory_space<semaphore_mem>>, %arg45: memref<!tpu.dma_semaphore, #tpu.memory_space<semaphore_mem>>) attributes {dimension_semantics = [#tpu.dimension_semantics<core_parallel>, #tpu.dimension_semantics<subcore_parallel>], iteration_bounds = array<i64: 2, 16>, scalar_prefetch = 0 : i64, scratch_operands = 39 : i64, tpu.core_type = #tpu.core_type<sc_vector_subcore>, window_params = [{transform_indices = #map}, {transform_indices = #map1}, {transform_indices = #map1}, {transform_indices = #map}, {transform_indices = #map}]} {
    %broadcast_in_dim3A = arith.constant 0.000000e+00 : f32
    %broadcast_in_dim3A_0 = vector.broadcast %broadcast_in_dim3A : f32 to vector<16xf32>
    %broadcast_in_dim3A_1 = arith.constant 1.000000e+00 : f32
    %broadcast_in_dim3A_2 = vector.broadcast %broadcast_in_dim3A_1 : f32 to vector<16xf32>
    %mul3A = arith.constant 640 : i32
    %mul3A_3 = arith.muli %arg1, %mul3A : i32
    %mul3A_4 = arith.constant 160 : i32
    %mul3A_5 = arith.muli %arg1, %mul3A_4 : i32
    %dma_start3A = arith.constant 0 : i32
    %dma_start3A_6 = tpu.memref_slice %arg3[%mul3A_5, %dma_start3A] : memref<2560x128xi32, #tpu.memory_space<hbm>> -> memref<160x128xi32, #tpu.memory_space<hbm>>
    %dma_start3A_7 = arith.constant 0 : i32
    %dma_start3A_8 = tpu.memref_slice %arg3[%mul3A_5, %dma_start3A_7] : memref<2560x128xi32, #tpu.memory_space<hbm>> -> memref<160x128xi32, #tpu.memory_space<hbm>>
    tpu.enqueue_dma source(%dma_start3A_8 : memref<160x128xi32, #tpu.memory_space<hbm>>) target(%arg7 : memref<160x128xi32, #tpu.memory_space<vmem>>) target_semaphore(%arg22 : memref<!tpu.dma_semaphore, #tpu.memory_space<semaphore_mem>>)
    %mul3A_9 = arith.constant 160 : i32
    %mul3A_10 = arith.muli %arg1, %mul3A_9 : i32
    %dma_start3A_11 = arith.constant 0 : i32
    %dma_start3A_12 = tpu.memref_slice %arg4[%mul3A_10, %dma_start3A_11] : memref<2560x128xi32, #tpu.memory_space<hbm>> -> memref<160x128xi32, #tpu.memory_space<hbm>>
    %dma_start3A_13 = arith.constant 0 : i32
    %dma_start3A_14 = tpu.memref_slice %arg4[%mul3A_10, %dma_start3A_13] : memref<2560x128xi32, #tpu.memory_space<hbm>> -> memref<160x128xi32, #tpu.memory_space<hbm>>
    tpu.enqueue_dma source(%dma_start3A_14 : memref<160x128xi32, #tpu.memory_space<hbm>>) target(%arg8 : memref<160x128xi32, #tpu.memory_space<vmem>>) target_semaphore(%arg23 : memref<!tpu.dma_semaphore, #tpu.memory_space<semaphore_mem>>)
    %dma_start3A_15 = arith.constant 0 : i32
    %dma_start3A_16 = tpu.memref_slice %arg10[%mul3A_3, %dma_start3A_15] : memref<10240x32xf32, #tpu.memory_space<vmem_shared>> -> memref<640x32xf32, #tpu.memory_space<vmem_shared>>
    %dma_start3A_17 = arith.constant 0 : i32
    %dma_start3A_18 = tpu.memref_slice %arg2[%arg0, %mul3A_3, %dma_start3A_17] : memref<2x10240x32xf32, #tpu.memory_space<hbm>> -> memref<1x640x32xf32, #tpu.memory_space<hbm>>
    %dma_start3A_19 = tpu.memref_squeeze %dma_start3A_18 : memref<1x640x32xf32, #tpu.memory_space<hbm>> -> memref<640x32xf32, #tpu.memory_space<hbm>>
    tpu.enqueue_dma source(%dma_start3A_19 : memref<640x32xf32, #tpu.memory_space<hbm>>) target(%dma_start3A_16 : memref<640x32xf32, #tpu.memory_space<vmem_shared>>) target_semaphore(%arg30 : memref<!tpu.dma_semaphore, #tpu.memory_space<semaphore_mem>>)
    %scan3A = arith.constant 0 : i32
    %scan3A_20 = arith.constant 128 : i32
    %scan3A_21 = arith.addi %scan3A, %scan3A_20 : i32
    %scan3A_22 = arith.constant 1 : i32
    scf.for %scan3A_630 = %scan3A to %scan3A_21 step %scan3A_22  : i32 {
      %mul3A_631 = arith.constant 1 : i32
      %mul3A_632 = arith.muli %scan3A_630, %mul3A_631 : i32
      %add3A_633 = arith.constant 0 : i32
      %add3A_634 = arith.addi %add3A_633, %mul3A_632 : i32
      %swap3A = arith.index_cast %add3A_634 : i32 to index
      %swap3A_635 = arith.constant 0 : index
      %swap3A_636 = tpu.vector_load %arg14[%swap3A, %swap3A_635] {strides = array<i32>} : memref<128x32xf32, #tpu.memory_space<vmem>>, vector<1x16xf32>,
      %swap3A_637 = vector.shape_cast %swap3A_636 : vector<1x16xf32> to vector<16xf32>
      %swap3A_638 = vector.shape_cast %broadcast_in_dim3A_0 : vector<16xf32> to vector<1x16xf32>
      tpu.vector_store %arg14[%swap3A, %swap3A_635], %swap3A_638 {strides = array<i32>} : memref<128x32xf32, #tpu.memory_space<vmem>>, vector<1x16xf32>,
      %swap3A_639 = arith.index_cast %add3A_634 : i32 to index
      %swap3A_640 = arith.constant 16 : index
      %swap3A_641 = tpu.vector_load %arg14[%swap3A_639, %swap3A_640] {strides = array<i32>} : memref<128x32xf32, #tpu.memory_space<vmem>>, vector<1x16xf32>,
      %swap3A_642 = vector.shape_cast %swap3A_641 : vector<1x16xf32> to vector<16xf32>
      %swap3A_643 = vector.shape_cast %broadcast_in_dim3A_0 : vector<16xf32> to vector<1x16xf32>
      tpu.vector_store %arg14[%swap3A_639, %swap3A_640], %swap3A_643 {strides = array<i32>} : memref<128x32xf32, #tpu.memory_space<vmem>>, vector<1x16xf32>,
    }
    %scan3A_23 = arith.constant 128 : i32
    %scan3A_24 = arith.constant 0 : i32
    %scan3A_25 = arith.constant 128 : i32
    %scan3A_26 = arith.addi %scan3A_24, %scan3A_25 : i32
    %scan3A_27 = arith.constant 1 : i32
    scf.for %scan3A_630 = %scan3A_24 to %scan3A_26 step %scan3A_27  : i32 {
      %mul3A_631 = arith.constant 1 : i32
      %mul3A_632 = arith.muli %scan3A_630, %mul3A_631 : i32
      %add3A_633 = arith.constant 0 : i32
      %add3A_634 = arith.addi %add3A_633, %mul3A_632 : i32
      %swap3A = arith.index_cast %add3A_634 : i32 to index
      %swap3A_635 = arith.constant 0 : index
      %swap3A_636 = tpu.vector_load %arg11[%swap3A, %swap3A_635] {strides = array<i32>} : memref<128x16xf32, #tpu.memory_space<vmem>>, vector<1x16xf32>,
      %swap3A_637 = vector.shape_cast %swap3A_636 : vector<1x16xf32> to vector<16xf32>
      %swap3A_638 = vector.shape_cast %broadcast_in_dim3A_0 : vector<16xf32> to vector<1x16xf32>
      tpu.vector_store %arg11[%swap3A, %swap3A_635], %swap3A_638 {strides = array<i32>} : memref<128x16xf32, #tpu.memory_space<vmem>>, vector<1x16xf32>,
    }
    %scan3A_28 = arith.constant 128 : i32
    %scan3A_29 = arith.constant 0 : i32
    %scan3A_30 = arith.constant 5 : i32
    %scan3A_31 = arith.addi %scan3A_29, %scan3A_30 : i32
    %scan3A_32 = arith.constant 1 : i32
    scf.for %scan3A_630 = %scan3A_29 to %scan3A_31 step %scan3A_32  : i32 {
      %mul3A_631 = arith.constant 1 : i32
      %mul3A_632 = arith.muli %scan3A_630, %mul3A_631 : i32
      %add3A_633 = arith.constant 0 : i32
      %add3A_634 = arith.addi %add3A_633, %mul3A_632 : i32
      %mul3A_635 = arith.constant 128 : i32
      %mul3A_636 = arith.muli %add3A_634, %mul3A_635 : i32
      %add3A_637 = arith.addi %mul3A_3, %mul3A_636 : i32
      "tpu.region"() ({
        %run_scoped3A = tpu.sem_alloc : memref<!tpu.dma_semaphore, #tpu.memory_space<semaphore_mem>>
        %dma_start3A_641 = arith.constant 0 : i32
        %dma_start3A_642 = tpu.memref_slice %arg9[%add3A_637, %dma_start3A_641] : memref<10240x32xf32, #tpu.memory_space<vmem_shared>> -> memref<128x32xf32, #tpu.memory_space<vmem_shared>>
        %dma_start3A_643 = arith.constant 0 : i32
        %dma_start3A_644 = tpu.memref_slice %arg9[%add3A_637, %dma_start3A_643] : memref<10240x32xf32, #tpu.memory_space<vmem_shared>> -> memref<128x32xf32, #tpu.memory_space<vmem_shared>>
        tpu.enqueue_dma source(%arg14 : memref<128x32xf32, #tpu.memory_space<vmem>>) target(%dma_start3A_644 : memref<128x32xf32, #tpu.memory_space<vmem_shared>>) target_semaphore(%run_scoped3A : memref<!tpu.dma_semaphore, #tpu.memory_space<semaphore_mem>>)
        %dma_wait3A_645 = arith.constant 0 : i32
        %dma_wait3A_646 = tpu.memref_slice %arg9[%add3A_637, %dma_wait3A_645] : memref<10240x32xf32, #tpu.memory_space<vmem_shared>> -> memref<128x32xf32, #tpu.memory_space<vmem_shared>>
        %dma_wait3A_647 = arith.constant 0 : i32
        %dma_wait3A_648 = tpu.memref_slice %arg9[%add3A_637, %dma_wait3A_647] : memref<10240x32xf32, #tpu.memory_space<vmem_shared>> -> memref<128x32xf32, #tpu.memory_space<vmem_shared>>
        tpu.wait_dma2 semaphore(%run_scoped3A : memref<!tpu.dma_semaphore, #tpu.memory_space<semaphore_mem>>) src(%arg14 : memref<128x32xf32, #tpu.memory_space<vmem>>) dst(%dma_wait3A_648 : memref<128x32xf32, #tpu.memory_space<vmem_shared>>)
        tpu.yield
      }) : () -> ()
      %mul3A_638 = arith.constant 128 : i32
      %mul3A_639 = arith.muli %add3A_634, %mul3A_638 : i32
      %add3A_640 = arith.addi %mul3A_3, %mul3A_639 : i32
      "tpu.region"() ({
        %run_scoped3A = tpu.sem_alloc : memref<!tpu.dma_semaphore, #tpu.memory_space<semaphore_mem>>
        %dma_start3A_641 = arith.constant 0 : i32
        %dma_start3A_642 = tpu.memref_slice %arg13[%add3A_640, %dma_start3A_641] : memref<10240x16xf32, #tpu.memory_space<vmem_shared>> -> memref<128x16xf32, #tpu.memory_space<vmem_shared>>
        %dma_start3A_643 = arith.constant 0 : i32
        %dma_start3A_644 = tpu.memref_slice %arg13[%add3A_640, %dma_start3A_643] : memref<10240x16xf32, #tpu.memory_space<vmem_shared>> -> memref<128x16xf32, #tpu.memory_space<vmem_shared>>
        tpu.enqueue_dma source(%arg11 : memref<128x16xf32, #tpu.memory_space<vmem>>) target(%dma_start3A_644 : memref<128x16xf32, #tpu.memory_space<vmem_shared>>) target_semaphore(%run_scoped3A : memref<!tpu.dma_semaphore, #tpu.memory_space<semaphore_mem>>)
        %dma_wait3A_645 = arith.constant 0 : i32
        %dma_wait3A_646 = tpu.memref_slice %arg13[%add3A_640, %dma_wait3A_645] : memref<10240x16xf32, #tpu.memory_space<vmem_shared>> -> memref<128x16xf32, #tpu.memory_space<vmem_shared>>
        %dma_wait3A_647 = arith.constant 0 : i32
        %dma_wait3A_648 = tpu.memref_slice %arg13[%add3A_640, %dma_wait3A_647] : memref<10240x16xf32, #tpu.memory_space<vmem_shared>> -> memref<128x16xf32, #tpu.memory_space<vmem_shared>>
        tpu.wait_dma2 semaphore(%run_scoped3A : memref<!tpu.dma_semaphore, #tpu.memory_space<semaphore_mem>>) src(%arg11 : memref<128x16xf32, #tpu.memory_space<vmem>>) dst(%dma_wait3A_648 : memref<128x16xf32, #tpu.memory_space<vmem_shared>>)
        tpu.yield
      }) : () -> ()
    }
    %scan3A_33 = arith.constant 5 : i32
    %scan3A_34 = arith.constant 0 : i32
    %scan3A_35 = arith.constant 128 : i32
    %scan3A_36 = arith.addi %scan3A_34, %scan3A_35 : i32
    %scan3A_37 = arith.constant 1 : i32
    scf.for %scan3A_630 = %scan3A_34 to %scan3A_36 step %scan3A_37  : i32 {
      %mul3A_631 = arith.constant 1 : i32
      %mul3A_632 = arith.muli %scan3A_630, %mul3A_631 : i32
      %add3A_633 = arith.constant 0 : i32
      %add3A_634 = arith.addi %add3A_633, %mul3A_632 : i32
      %swap3A = arith.index_cast %add3A_634 : i32 to index
      %swap3A_635 = arith.constant 0 : index
      %swap3A_636 = tpu.vector_load %arg11[%swap3A, %swap3A_635] {strides = array<i32>} : memref<128x16xf32, #tpu.memory_space<vmem>>, vector<1x16xf32>,
      %swap3A_637 = vector.shape_cast %swap3A_636 : vector<1x16xf32> to vector<16xf32>
      %swap3A_638 = vector.shape_cast %broadcast_in_dim3A_2 : vector<16xf32> to vector<1x16xf32>
      tpu.vector_store %arg11[%swap3A, %swap3A_635], %swap3A_638 {strides = array<i32>} : memref<128x16xf32, #tpu.memory_space<vmem>>, vector<1x16xf32>,
    }
    %scan3A_38 = arith.constant 128 : i32
    %dma_wait3A = arith.constant 0 : i32
    %dma_wait3A_39 = tpu.memref_slice %arg3[%mul3A_5, %dma_wait3A] : memref<2560x128xi32, #tpu.memory_space<hbm>> -> memref<160x128xi32, #tpu.memory_space<hbm>>
    %dma_wait3A_40 = arith.constant 0 : i32
    %dma_wait3A_41 = tpu.memref_slice %arg3[%mul3A_5, %dma_wait3A_40] : memref<2560x128xi32, #tpu.memory_space<hbm>> -> memref<160x128xi32, #tpu.memory_space<hbm>>
    tpu.wait_dma2 semaphore(%arg22 : memref<!tpu.dma_semaphore, #tpu.memory_space<semaphore_mem>>) src(%dma_wait3A_41 : memref<160x128xi32, #tpu.memory_space<hbm>>) dst(%arg7 : memref<160x128xi32, #tpu.memory_space<vmem>>)
    %dma_wait3A_42 = arith.constant 0 : i32
    %dma_wait3A_43 = tpu.memref_slice %arg4[%mul3A_10, %dma_wait3A_42] : memref<2560x128xi32, #tpu.memory_space<hbm>> -> memref<160x128xi32, #tpu.memory_space<hbm>>
    %dma_wait3A_44 = arith.constant 0 : i32
    %dma_wait3A_45 = tpu.memref_slice %arg4[%mul3A_10, %dma_wait3A_44] : memref<2560x128xi32, #tpu.memory_space<hbm>> -> memref<160x128xi32, #tpu.memory_space<hbm>>
    tpu.wait_dma2 semaphore(%arg23 : memref<!tpu.dma_semaphore, #tpu.memory_space<semaphore_mem>>) src(%dma_wait3A_45 : memref<160x128xi32, #tpu.memory_space<hbm>>) dst(%arg8 : memref<160x128xi32, #tpu.memory_space<vmem>>)
    %dma_wait3A_46 = arith.constant 0 : i32
    %dma_wait3A_47 = tpu.memref_slice %arg10[%mul3A_3, %dma_wait3A_46] : memref<10240x32xf32, #tpu.memory_space<vmem_shared>> -> memref<640x32xf32, #tpu.memory_space<vmem_shared>>
    %dma_wait3A_48 = arith.constant 0 : i32
    %dma_wait3A_49 = tpu.memref_slice %arg2[%arg0, %mul3A_3, %dma_wait3A_48] : memref<2x10240x32xf32, #tpu.memory_space<hbm>> -> memref<1x640x32xf32, #tpu.memory_space<hbm>>
    %dma_wait3A_50 = tpu.memref_squeeze %dma_wait3A_49 : memref<1x640x32xf32, #tpu.memory_space<hbm>> -> memref<640x32xf32, #tpu.memory_space<hbm>>
    tpu.wait_dma2 semaphore(%arg30 : memref<!tpu.dma_semaphore, #tpu.memory_space<semaphore_mem>>) src(%dma_wait3A_50 : memref<640x32xf32, #tpu.memory_space<hbm>>) dst(%dma_wait3A_47 : memref<640x32xf32, #tpu.memory_space<vmem_shared>>)
    %barrier3A = arith.constant 0 : index
    tpu.barrier barrier_id(%barrier3A)
    %dma_start3A_51 = arith.constant 0 : i32
    %dma_start3A_52 = arith.constant 0 : i32
    %dma_start3A_53 = tpu.memref_slice %arg7[%dma_start3A_51, %dma_start3A_52] : memref<160x128xi32, #tpu.memory_space<vmem>> -> memref<1x128xi32, #tpu.memory_space<vmem>>
    %dma_start3A_54 = tpu.memref_squeeze %dma_start3A_53 : memref<1x128xi32, #tpu.memory_space<vmem>> -> memref<128xi32, #tpu.memory_space<vmem>>
    %dma_start3A_55 = arith.constant 0 : i32
    %dma_start3A_56 = arith.constant 0 : i32
    %dma_start3A_57 = tpu.memref_slice %arg10[%dma_start3A_55, %dma_start3A_56] : memref<10240x32xf32, #tpu.memory_space<vmem_shared>> -> memref<10240x32xf32, #tpu.memory_space<vmem_shared>>
    tpu.enqueue_indirect_dma source(%dma_start3A_57 : memref<10240x32xf32, #tpu.memory_space<vmem_shared>>) target(%arg14 : memref<128x32xf32, #tpu.memory_space<vmem>>) offsets(%dma_start3A_54 : memref<128xi32, #tpu.memory_space<vmem>>) semaphore(%arg22 : memref<!tpu.dma_semaphore, #tpu.memory_space<semaphore_mem>>)
    %dma_start3A_58 = arith.constant 1 : i32
    %dma_start3A_59 = arith.constant 0 : i32
    %dma_start3A_60 = tpu.memref_slice %arg7[%dma_start3A_58, %dma_start3A_59] : memref<160x128xi32, #tpu.memory_space<vmem>> -> memref<1x128xi32, #tpu.memory_space<vmem>>
    %dma_start3A_61 = tpu.memref_squeeze %dma_start3A_60 : memref<1x128xi32, #tpu.memory_space<vmem>> -> memref<128xi32, #tpu.memory_space<vmem>>
    %dma_start3A_62 = arith.constant 0 : i32
    %dma_start3A_63 = arith.constant 0 : i32
    %dma_start3A_64 = tpu.memref_slice %arg10[%dma_start3A_62, %dma_start3A_63] : memref<10240x32xf32, #tpu.memory_space<vmem_shared>> -> memref<10240x32xf32, #tpu.memory_space<vmem_shared>>
    tpu.enqueue_indirect_dma source(%dma_start3A_64 : memref<10240x32xf32, #tpu.memory_space<vmem_shared>>) target(%arg15 : memref<128x32xf32, #tpu.memory_space<vmem>>) offsets(%dma_start3A_61 : memref<128xi32, #tpu.memory_space<vmem>>) semaphore(%arg23 : memref<!tpu.dma_semaphore, #tpu.memory_space<semaphore_mem>>)
    %dma_start3A_65 = arith.constant 2 : i32
    %dma_start3A_66 = arith.constant 0 : i32
    %dma_start3A_67 = tpu.memref_slice %arg7[%dma_start3A_65, %dma_start3A_66] : memref<160x128xi32, #tpu.memory_space<vmem>> -> memref<1x128xi32, #tpu.memory_space<vmem>>
    %dma_start3A_68 = tpu.memref_squeeze %dma_start3A_67 : memref<1x128xi32, #tpu.memory_space<vmem>> -> memref<128xi32, #tpu.memory_space<vmem>>
    %dma_start3A_69 = arith.constant 0 : i32
    %dma_start3A_70 = arith.constant 0 : i32
    %dma_start3A_71 = tpu.memref_slice %arg10[%dma_start3A_69, %dma_start3A_70] : memref<10240x32xf32, #tpu.memory_space<vmem_shared>> -> memref<10240x32xf32, #tpu.memory_space<vmem_shared>>
    tpu.enqueue_indirect_dma source(%dma_start3A_71 : memref<10240x32xf32, #tpu.memory_space<vmem_shared>>) target(%arg16 : memref<128x32xf32, #tpu.memory_space<vmem>>) offsets(%dma_start3A_68 : memref<128xi32, #tpu.memory_space<vmem>>) semaphore(%arg24 : memref<!tpu.dma_semaphore, #tpu.memory_space<semaphore_mem>>)
    %dma_start3A_72 = arith.constant 3 : i32
    %dma_start3A_73 = arith.constant 0 : i32
    %dma_start3A_74 = tpu.memref_slice %arg7[%dma_start3A_72, %dma_start3A_73] : memref<160x128xi32, #tpu.memory_space<vmem>> -> memref<1x128xi32, #tpu.memory_space<vmem>>
    %dma_start3A_75 = tpu.memref_squeeze %dma_start3A_74 : memref<1x128xi32, #tpu.memory_space<vmem>> -> memref<128xi32, #tpu.memory_space<vmem>>
    %dma_start3A_76 = arith.constant 0 : i32
    %dma_start3A_77 = arith.constant 0 : i32
    %dma_start3A_78 = tpu.memref_slice %arg10[%dma_start3A_76, %dma_start3A_77] : memref<10240x32xf32, #tpu.memory_space<vmem_shared>> -> memref<10240x32xf32, #tpu.memory_space<vmem_shared>>
    tpu.enqueue_indirect_dma source(%dma_start3A_78 : memref<10240x32xf32, #tpu.memory_space<vmem_shared>>) target(%arg17 : memref<128x32xf32, #tpu.memory_space<vmem>>) offsets(%dma_start3A_75 : memref<128xi32, #tpu.memory_space<vmem>>) semaphore(%arg25 : memref<!tpu.dma_semaphore, #tpu.memory_space<semaphore_mem>>)
    %dma_start3A_79 = arith.constant 4 : i32
    %dma_start3A_80 = arith.constant 0 : i32
    %dma_start3A_81 = tpu.memref_slice %arg7[%dma_start3A_79, %dma_start3A_80] : memref<160x128xi32, #tpu.memory_space<vmem>> -> memref<1x128xi32, #tpu.memory_space<vmem>>
    %dma_start3A_82 = tpu.memref_squeeze %dma_start3A_81 : memref<1x128xi32, #tpu.memory_space<vmem>> -> memref<128xi32, #tpu.memory_space<vmem>>
    %dma_start3A_83 = arith.constant 0 : i32
    %dma_start3A_84 = arith.constant 0 : i32
    %dma_start3A_85 = tpu.memref_slice %arg10[%dma_start3A_83, %dma_start3A_84] : memref<10240x32xf32, #tpu.memory_space<vmem_shared>> -> memref<10240x32xf32, #tpu.memory_space<vmem_shared>>
    tpu.enqueue_indirect_dma source(%dma_start3A_85 : memref<10240x32xf32, #tpu.memory_space<vmem_shared>>) target(%arg18 : memref<128x32xf32, #tpu.memory_space<vmem>>) offsets(%dma_start3A_82 : memref<128xi32, #tpu.memory_space<vmem>>) semaphore(%arg26 : memref<!tpu.dma_semaphore, #tpu.memory_space<semaphore_mem>>)
    %dma_start3A_86 = arith.constant 5 : i32
    %dma_start3A_87 = arith.constant 0 : i32
    %dma_start3A_88 = tpu.memref_slice %arg7[%dma_start3A_86, %dma_start3A_87] : memref<160x128xi32, #tpu.memory_space<vmem>> -> memref<1x128xi32, #tpu.memory_space<vmem>>
    %dma_start3A_89 = tpu.memref_squeeze %dma_start3A_88 : memref<1x128xi32, #tpu.memory_space<vmem>> -> memref<128xi32, #tpu.memory_space<vmem>>
    %dma_start3A_90 = arith.constant 0 : i32
    %dma_start3A_91 = arith.constant 0 : i32
    %dma_start3A_92 = tpu.memref_slice %arg10[%dma_start3A_90, %dma_start3A_91] : memref<10240x32xf32, #tpu.memory_space<vmem_shared>> -> memref<10240x32xf32, #tpu.memory_space<vmem_shared>>
    tpu.enqueue_indirect_dma source(%dma_start3A_92 : memref<10240x32xf32, #tpu.memory_space<vmem_shared>>) target(%arg19 : memref<128x32xf32, #tpu.memory_space<vmem>>) offsets(%dma_start3A_89 : memref<128xi32, #tpu.memory_space<vmem>>) semaphore(%arg27 : memref<!tpu.dma_semaphore, #tpu.memory_space<semaphore_mem>>)
    %dma_start3A_93 = arith.constant 6 : i32
    %dma_start3A_94 = arith.constant 0 : i32
    %dma_start3A_95 = tpu.memref_slice %arg7[%dma_start3A_93, %dma_start3A_94] : memref<160x128xi32, #tpu.memory_space<vmem>> -> memref<1x128xi32, #tpu.memory_space<vmem>>
    %dma_start3A_96 = tpu.memref_squeeze %dma_start3A_95 : memref<1x128xi32, #tpu.memory_space<vmem>> -> memref<128xi32, #tpu.memory_space<vmem>>
    %dma_start3A_97 = arith.constant 0 : i32
    %dma_start3A_98 = arith.constant 0 : i32
    %dma_start3A_99 = tpu.memref_slice %arg10[%dma_start3A_97, %dma_start3A_98] : memref<10240x32xf32, #tpu.memory_space<vmem_shared>> -> memref<10240x32xf32, #tpu.memory_space<vmem_shared>>
    tpu.enqueue_indirect_dma source(%dma_start3A_99 : memref<10240x32xf32, #tpu.memory_space<vmem_shared>>) target(%arg20 : memref<128x32xf32, #tpu.memory_space<vmem>>) offsets(%dma_start3A_96 : memref<128xi32, #tpu.memory_space<vmem>>) semaphore(%arg28 : memref<!tpu.dma_semaphore, #tpu.memory_space<semaphore_mem>>)
    %dma_start3A_100 = arith.constant 7 : i32
    %dma_start3A_101 = arith.constant 0 : i32
    %dma_start3A_102 = tpu.memref_slice %arg7[%dma_start3A_100, %dma_start3A_101] : memref<160x128xi32, #tpu.memory_space<vmem>> -> memref<1x128xi32, #tpu.memory_space<vmem>>
    %dma_start3A_103 = tpu.memref_squeeze %dma_start3A_102 : memref<1x128xi32, #tpu.memory_space<vmem>> -> memref<128xi32, #tpu.memory_space<vmem>>
    %dma_start3A_104 = arith.constant 0 : i32
    %dma_start3A_105 = arith.constant 0 : i32
    %dma_start3A_106 = tpu.memref_slice %arg10[%dma_start3A_104, %dma_start3A_105] : memref<10240x32xf32, #tpu.memory_space<vmem_shared>> -> memref<10240x32xf32, #tpu.memory_space<vmem_shared>>
    tpu.enqueue_indirect_dma source(%dma_start3A_106 : memref<10240x32xf32, #tpu.memory_space<vmem_shared>>) target(%arg21 : memref<128x32xf32, #tpu.memory_space<vmem>>) offsets(%dma_start3A_103 : memref<128xi32, #tpu.memory_space<vmem>>) semaphore(%arg29 : memref<!tpu.dma_semaphore, #tpu.memory_space<semaphore_mem>>)
    %scan3A_107 = arith.constant 0 : i32
    %scan3A_108 = arith.constant 20 : i32
    %scan3A_109 = arith.addi %scan3A_107, %scan3A_108 : i32
    %scan3A_110 = arith.constant 1 : i32
    scf.for %scan3A_630 = %scan3A_107 to %scan3A_109 step %scan3A_110  : i32 {
      %mul3A_631 = arith.constant 1 : i32
      %mul3A_632 = arith.muli %scan3A_630, %mul3A_631 : i32
      %add3A_633 = arith.constant 0 : i32
      %add3A_634 = arith.addi %add3A_633, %mul3A_632 : i32
      %mul3A_635 = arith.constant 8 : i32
      %mul3A_636 = arith.muli %add3A_634, %mul3A_635 : i32
      %add3A_637 = arith.constant 0 : i32
      %add3A_638 = arith.addi %mul3A_636, %add3A_637 : i32
      %dma_wait3A_639 = arith.constant 0 : i32
      %dma_wait3A_640 = tpu.memref_slice %arg7[%add3A_638, %dma_wait3A_639] : memref<160x128xi32, #tpu.memory_space<vmem>> -> memref<1x128xi32, #tpu.memory_space<vmem>>
      %dma_wait3A_641 = tpu.memref_squeeze %dma_wait3A_640 : memref<1x128xi32, #tpu.memory_space<vmem>> -> memref<128xi32, #tpu.memory_space<vmem>>
      %dma_wait3A_642 = arith.constant 0 : i32
      %dma_wait3A_643 = arith.constant 0 : i32
      %dma_wait3A_644 = tpu.memref_slice %arg10[%dma_wait3A_642, %dma_wait3A_643] : memref<10240x32xf32, #tpu.memory_space<vmem_shared>> -> memref<10240x32xf32, #tpu.memory_space<vmem_shared>>
      tpu.wait_indirect_dma semaphore(%arg22 : memref<!tpu.dma_semaphore, #tpu.memory_space<semaphore_mem>>) src(%dma_wait3A_644 : memref<10240x32xf32, #tpu.memory_space<vmem_shared>>) dst(%arg14 : memref<128x32xf32, #tpu.memory_space<vmem>>)
      %dma_start3A_645 = arith.constant 0 : i32
      %dma_start3A_646 = tpu.memref_slice %arg8[%add3A_638, %dma_start3A_645] : memref<160x128xi32, #tpu.memory_space<vmem>> -> memref<1x128xi32, #tpu.memory_space<vmem>>
      %dma_start3A_647 = tpu.memref_squeeze %dma_start3A_646 : memref<1x128xi32, #tpu.memory_space<vmem>> -> memref<128xi32, #tpu.memory_space<vmem>>
      %dma_start3A_648 = arith.constant 0 : i32
      %dma_start3A_649 = arith.constant 0 : i32
      %dma_start3A_650 = tpu.memref_slice %arg9[%dma_start3A_648, %dma_start3A_649] : memref<10240x32xf32, #tpu.memory_space<vmem_shared>> -> memref<10240x32xf32, #tpu.memory_space<vmem_shared>>
      tpu.enqueue_indirect_dma source(%arg14 : memref<128x32xf32, #tpu.memory_space<vmem>>) target(%dma_start3A_650 : memref<10240x32xf32, #tpu.memory_space<vmem_shared>>) offsets(%dma_start3A_647 : memref<128xi32, #tpu.memory_space<vmem>>) semaphore(%arg30 : memref<!tpu.dma_semaphore, #tpu.memory_space<semaphore_mem>>) {add = true}
      %dma_start3A_651 = arith.constant 0 : i32
      %dma_start3A_652 = tpu.memref_slice %arg8[%add3A_638, %dma_start3A_651] : memref<160x128xi32, #tpu.memory_space<vmem>> -> memref<1x128xi32, #tpu.memory_space<vmem>>
      %dma_start3A_653 = tpu.memref_squeeze %dma_start3A_652 : memref<1x128xi32, #tpu.memory_space<vmem>> -> memref<128xi32, #tpu.memory_space<vmem>>
      %dma_start3A_654 = arith.constant 0 : i32
      %dma_start3A_655 = arith.constant 0 : i32
      %dma_start3A_656 = tpu.memref_slice %arg13[%dma_start3A_654, %dma_start3A_655] : memref<10240x16xf32, #tpu.memory_space<vmem_shared>> -> memref<10240x16xf32, #tpu.memory_space<vmem_shared>>
      tpu.enqueue_indirect_dma source(%arg11 : memref<128x16xf32, #tpu.memory_space<vmem>>) target(%dma_start3A_656 : memref<10240x16xf32, #tpu.memory_space<vmem_shared>>) offsets(%dma_start3A_653 : memref<128xi32, #tpu.memory_space<vmem>>) semaphore(%arg38 : memref<!tpu.dma_semaphore, #tpu.memory_space<semaphore_mem>>) {add = true}
      %add3A_657 = arith.constant 1 : i32
      %add3A_658 = arith.addi %mul3A_636, %add3A_657 : i32
      %dma_wait3A_659 = arith.constant 0 : i32
      %dma_wait3A_660 = tpu.memref_slice %arg7[%add3A_658, %dma_wait3A_659] : memref<160x128xi32, #tpu.memory_space<vmem>> -> memref<1x128xi32, #tpu.memory_space<vmem>>
      %dma_wait3A_661 = tpu.memref_squeeze %dma_wait3A_660 : memref<1x128xi32, #tpu.memory_space<vmem>> -> memref<128xi32, #tpu.memory_space<vmem>>
      %dma_wait3A_662 = arith.constant 0 : i32
      %dma_wait3A_663 = arith.constant 0 : i32
      %dma_wait3A_664 = tpu.memref_slice %arg10[%dma_wait3A_662, %dma_wait3A_663] : memref<10240x32xf32, #tpu.memory_space<vmem_shared>> -> memref<10240x32xf32, #tpu.memory_space<vmem_shared>>
      tpu.wait_indirect_dma semaphore(%arg23 : memref<!tpu.dma_semaphore, #tpu.memory_space<semaphore_mem>>) src(%dma_wait3A_664 : memref<10240x32xf32, #tpu.memory_space<vmem_shared>>) dst(%arg15 : memref<128x32xf32, #tpu.memory_space<vmem>>)
      %dma_start3A_665 = arith.constant 0 : i32
      %dma_start3A_666 = tpu.memref_slice %arg8[%add3A_658, %dma_start3A_665] : memref<160x128xi32, #tpu.memory_space<vmem>> -> memref<1x128xi32, #tpu.memory_space<vmem>>
      %dma_start3A_667 = tpu.memref_squeeze %dma_start3A_666 : memref<1x128xi32, #tpu.memory_space<vmem>> -> memref<128xi32, #tpu.memory_space<vmem>>
      %dma_start3A_668 = arith.constant 0 : i32
      %dma_start3A_669 = arith.constant 0 : i32
      %dma_start3A_670 = tpu.memref_slice %arg9[%dma_start3A_668, %dma_start3A_669] : memref<10240x32xf32, #tpu.memory_space<vmem_shared>> -> memref<10240x32xf32, #tpu.memory_space<vmem_shared>>
      tpu.enqueue_indirect_dma source(%arg15 : memref<128x32xf32, #tpu.memory_space<vmem>>) target(%dma_start3A_670 : memref<10240x32xf32, #tpu.memory_space<vmem_shared>>) offsets(%dma_start3A_667 : memref<128xi32, #tpu.memory_space<vmem>>) semaphore(%arg31 : memref<!tpu.dma_semaphore, #tpu.memory_space<semaphore_mem>>) {add = true}
      %dma_start3A_671 = arith.constant 0 : i32
      %dma_start3A_672 = tpu.memref_slice %arg8[%add3A_658, %dma_start3A_671] : memref<160x128xi32, #tpu.memory_space<vmem>> -> memref<1x128xi32, #tpu.memory_space<vmem>>
      %dma_start3A_673 = tpu.memref_squeeze %dma_start3A_672 : memref<1x128xi32, #tpu.memory_space<vmem>> -> memref<128xi32, #tpu.memory_space<vmem>>
      %dma_start3A_674 = arith.constant 0 : i32
      %dma_start3A_675 = arith.constant 0 : i32
      %dma_start3A_676 = tpu.memref_slice %arg13[%dma_start3A_674, %dma_start3A_675] : memref<10240x16xf32, #tpu.memory_space<vmem_shared>> -> memref<10240x16xf32, #tpu.memory_space<vmem_shared>>
      tpu.enqueue_indirect_dma source(%arg11 : memref<128x16xf32, #tpu.memory_space<vmem>>) target(%dma_start3A_676 : memref<10240x16xf32, #tpu.memory_space<vmem_shared>>) offsets(%dma_start3A_673 : memref<128xi32, #tpu.memory_space<vmem>>) semaphore(%arg39 : memref<!tpu.dma_semaphore, #tpu.memory_space<semaphore_mem>>) {add = true}
      %add3A_677 = arith.constant 2 : i32
      %add3A_678 = arith.addi %mul3A_636, %add3A_677 : i32
      %dma_wait3A_679 = arith.constant 0 : i32
      %dma_wait3A_680 = tpu.memref_slice %arg7[%add3A_678, %dma_wait3A_679] : memref<160x128xi32, #tpu.memory_space<vmem>> -> memref<1x128xi32, #tpu.memory_space<vmem>>
      %dma_wait3A_681 = tpu.memref_squeeze %dma_wait3A_680 : memref<1x128xi32, #tpu.memory_space<vmem>> -> memref<128xi32, #tpu.memory_space<vmem>>
      %dma_wait3A_682 = arith.constant 0 : i32
      %dma_wait3A_683 = arith.constant 0 : i32
      %dma_wait3A_684 = tpu.memref_slice %arg10[%dma_wait3A_682, %dma_wait3A_683] : memref<10240x32xf32, #tpu.memory_space<vmem_shared>> -> memref<10240x32xf32, #tpu.memory_space<vmem_shared>>
      tpu.wait_indirect_dma semaphore(%arg24 : memref<!tpu.dma_semaphore, #tpu.memory_space<semaphore_mem>>) src(%dma_wait3A_684 : memref<10240x32xf32, #tpu.memory_space<vmem_shared>>) dst(%arg16 : memref<128x32xf32, #tpu.memory_space<vmem>>)
      %dma_start3A_685 = arith.constant 0 : i32
      %dma_start3A_686 = tpu.memref_slice %arg8[%add3A_678, %dma_start3A_685] : memref<160x128xi32, #tpu.memory_space<vmem>> -> memref<1x128xi32, #tpu.memory_space<vmem>>
      %dma_start3A_687 = tpu.memref_squeeze %dma_start3A_686 : memref<1x128xi32, #tpu.memory_space<vmem>> -> memref<128xi32, #tpu.memory_space<vmem>>
      %dma_start3A_688 = arith.constant 0 : i32
      %dma_start3A_689 = arith.constant 0 : i32
      %dma_start3A_690 = tpu.memref_slice %arg9[%dma_start3A_688, %dma_start3A_689] : memref<10240x32xf32, #tpu.memory_space<vmem_shared>> -> memref<10240x32xf32, #tpu.memory_space<vmem_shared>>
      tpu.enqueue_indirect_dma source(%arg16 : memref<128x32xf32, #tpu.memory_space<vmem>>) target(%dma_start3A_690 : memref<10240x32xf32, #tpu.memory_space<vmem_shared>>) offsets(%dma_start3A_687 : memref<128xi32, #tpu.memory_space<vmem>>) semaphore(%arg32 : memref<!tpu.dma_semaphore, #tpu.memory_space<semaphore_mem>>) {add = true}
      %dma_start3A_691 = arith.constant 0 : i32
      %dma_start3A_692 = tpu.memref_slice %arg8[%add3A_678, %dma_start3A_691] : memref<160x128xi32, #tpu.memory_space<vmem>> -> memref<1x128xi32, #tpu.memory_space<vmem>>
      %dma_start3A_693 = tpu.memref_squeeze %dma_start3A_692 : memref<1x128xi32, #tpu.memory_space<vmem>> -> memref<128xi32, #tpu.memory_space<vmem>>
      %dma_start3A_694 = arith.constant 0 : i32
      %dma_start3A_695 = arith.constant 0 : i32
      %dma_start3A_696 = tpu.memref_slice %arg13[%dma_start3A_694, %dma_start3A_695] : memref<10240x16xf32, #tpu.memory_space<vmem_shared>> -> memref<10240x16xf32, #tpu.memory_space<vmem_shared>>
      tpu.enqueue_indirect_dma source(%arg11 : memref<128x16xf32, #tpu.memory_space<vmem>>) target(%dma_start3A_696 : memref<10240x16xf32, #tpu.memory_space<vmem_shared>>) offsets(%dma_start3A_693 : memref<128xi32, #tpu.memory_space<vmem>>) semaphore(%arg40 : memref<!tpu.dma_semaphore, #tpu.memory_space<semaphore_mem>>) {add = true}
      %add3A_697 = arith.constant 3 : i32
      %add3A_698 = arith.addi %mul3A_636, %add3A_697 : i32
      %dma_wait3A_699 = arith.constant 0 : i32
      %dma_wait3A_700 = tpu.memref_slice %arg7[%add3A_698, %dma_wait3A_699] : memref<160x128xi32, #tpu.memory_space<vmem>> -> memref<1x128xi32, #tpu.memory_space<vmem>>
      %dma_wait3A_701 = tpu.memref_squeeze %dma_wait3A_700 : memref<1x128xi32, #tpu.memory_space<vmem>> -> memref<128xi32, #tpu.memory_space<vmem>>
      %dma_wait3A_702 = arith.constant 0 : i32
      %dma_wait3A_703 = arith.constant 0 : i32
      %dma_wait3A_704 = tpu.memref_slice %arg10[%dma_wait3A_702, %dma_wait3A_703] : memref<10240x32xf32, #tpu.memory_space<vmem_shared>> -> memref<10240x32xf32, #tpu.memory_space<vmem_shared>>
      tpu.wait_indirect_dma semaphore(%arg25 : memref<!tpu.dma_semaphore, #tpu.memory_space<semaphore_mem>>) src(%dma_wait3A_704 : memref<10240x32xf32, #tpu.memory_space<vmem_shared>>) dst(%arg17 : memref<128x32xf32, #tpu.memory_space<vmem>>)
      %dma_start3A_705 = arith.constant 0 : i32
      %dma_start3A_706 = tpu.memref_slice %arg8[%add3A_698, %dma_start3A_705] : memref<160x128xi32, #tpu.memory_space<vmem>> -> memref<1x128xi32, #tpu.memory_space<vmem>>
      %dma_start3A_707 = tpu.memref_squeeze %dma_start3A_706 : memref<1x128xi32, #tpu.memory_space<vmem>> -> memref<128xi32, #tpu.memory_space<vmem>>
      %dma_start3A_708 = arith.constant 0 : i32
      %dma_start3A_709 = arith.constant 0 : i32
      %dma_start3A_710 = tpu.memref_slice %arg9[%dma_start3A_708, %dma_start3A_709] : memref<10240x32xf32, #tpu.memory_space<vmem_shared>> -> memref<10240x32xf32, #tpu.memory_space<vmem_shared>>
      tpu.enqueue_indirect_dma source(%arg17 : memref<128x32xf32, #tpu.memory_space<vmem>>) target(%dma_start3A_710 : memref<10240x32xf32, #tpu.memory_space<vmem_shared>>) offsets(%dma_start3A_707 : memref<128xi32, #tpu.memory_space<vmem>>) semaphore(%arg33 : memref<!tpu.dma_semaphore, #tpu.memory_space<semaphore_mem>>) {add = true}
      %dma_start3A_711 = arith.constant 0 : i32
      %dma_start3A_712 = tpu.memref_slice %arg8[%add3A_698, %dma_start3A_711] : memref<160x128xi32, #tpu.memory_space<vmem>> -> memref<1x128xi32, #tpu.memory_space<vmem>>
      %dma_start3A_713 = tpu.memref_squeeze %dma_start3A_712 : memref<1x128xi32, #tpu.memory_space<vmem>> -> memref<128xi32, #tpu.memory_space<vmem>>
      %dma_start3A_714 = arith.constant 0 : i32
      %dma_start3A_715 = arith.constant 0 : i32
      %dma_start3A_716 = tpu.memref_slice %arg13[%dma_start3A_714, %dma_start3A_715] : memref<10240x16xf32, #tpu.memory_space<vmem_shared>> -> memref<10240x16xf32, #tpu.memory_space<vmem_shared>>
      tpu.enqueue_indirect_dma source(%arg11 : memref<128x16xf32, #tpu.memory_space<vmem>>) target(%dma_start3A_716 : memref<10240x16xf32, #tpu.memory_space<vmem_shared>>) offsets(%dma_start3A_713 : memref<128xi32, #tpu.memory_space<vmem>>) semaphore(%arg41 : memref<!tpu.dma_semaphore, #tpu.memory_space<semaphore_mem>>) {add = true}
      %add3A_717 = arith.constant 4 : i32
      %add3A_718 = arith.addi %mul3A_636, %add3A_717 : i32
      %dma_wait3A_719 = arith.constant 0 : i32
      %dma_wait3A_720 = tpu.memref_slice %arg7[%add3A_718, %dma_wait3A_719] : memref<160x128xi32, #tpu.memory_space<vmem>> -> memref<1x128xi32, #tpu.memory_space<vmem>>
      %dma_wait3A_721 = tpu.memref_squeeze %dma_wait3A_720 : memref<1x128xi32, #tpu.memory_space<vmem>> -> memref<128xi32, #tpu.memory_space<vmem>>
      %dma_wait3A_722 = arith.constant 0 : i32
      %dma_wait3A_723 = arith.constant 0 : i32
      %dma_wait3A_724 = tpu.memref_slice %arg10[%dma_wait3A_722, %dma_wait3A_723] : memref<10240x32xf32, #tpu.memory_space<vmem_shared>> -> memref<10240x32xf32, #tpu.memory_space<vmem_shared>>
      tpu.wait_indirect_dma semaphore(%arg26 : memref<!tpu.dma_semaphore, #tpu.memory_space<semaphore_mem>>) src(%dma_wait3A_724 : memref<10240x32xf32, #tpu.memory_space<vmem_shared>>) dst(%arg18 : memref<128x32xf32, #tpu.memory_space<vmem>>)
      %dma_start3A_725 = arith.constant 0 : i32
      %dma_start3A_726 = tpu.memref_slice %arg8[%add3A_718, %dma_start3A_725] : memref<160x128xi32, #tpu.memory_space<vmem>> -> memref<1x128xi32, #tpu.memory_space<vmem>>
      %dma_start3A_727 = tpu.memref_squeeze %dma_start3A_726 : memref<1x128xi32, #tpu.memory_space<vmem>> -> memref<128xi32, #tpu.memory_space<vmem>>
      %dma_start3A_728 = arith.constant 0 : i32
      %dma_start3A_729 = arith.constant 0 : i32
      %dma_start3A_730 = tpu.memref_slice %arg9[%dma_start3A_728, %dma_start3A_729] : memref<10240x32xf32, #tpu.memory_space<vmem_shared>> -> memref<10240x32xf32, #tpu.memory_space<vmem_shared>>
      tpu.enqueue_indirect_dma source(%arg18 : memref<128x32xf32, #tpu.memory_space<vmem>>) target(%dma_start3A_730 : memref<10240x32xf32, #tpu.memory_space<vmem_shared>>) offsets(%dma_start3A_727 : memref<128xi32, #tpu.memory_space<vmem>>) semaphore(%arg34 : memref<!tpu.dma_semaphore, #tpu.memory_space<semaphore_mem>>) {add = true}
      %dma_start3A_731 = arith.constant 0 : i32
      %dma_start3A_732 = tpu.memref_slice %arg8[%add3A_718, %dma_start3A_731] : memref<160x128xi32, #tpu.memory_space<vmem>> -> memref<1x128xi32, #tpu.memory_space<vmem>>
      %dma_start3A_733 = tpu.memref_squeeze %dma_start3A_732 : memref<1x128xi32, #tpu.memory_space<vmem>> -> memref<128xi32, #tpu.memory_space<vmem>>
      %dma_start3A_734 = arith.constant 0 : i32
      %dma_start3A_735 = arith.constant 0 : i32
      %dma_start3A_736 = tpu.memref_slice %arg13[%dma_start3A_734, %dma_start3A_735] : memref<10240x16xf32, #tpu.memory_space<vmem_shared>> -> memref<10240x16xf32, #tpu.memory_space<vmem_shared>>
      tpu.enqueue_indirect_dma source(%arg11 : memref<128x16xf32, #tpu.memory_space<vmem>>) target(%dma_start3A_736 : memref<10240x16xf32, #tpu.memory_space<vmem_shared>>) offsets(%dma_start3A_733 : memref<128xi32, #tpu.memory_space<vmem>>) semaphore(%arg42 : memref<!tpu.dma_semaphore, #tpu.memory_space<semaphore_mem>>) {add = true}
      %add3A_737 = arith.constant 5 : i32
      %add3A_738 = arith.addi %mul3A_636, %add3A_737 : i32
      %dma_wait3A_739 = arith.constant 0 : i32
      %dma_wait3A_740 = tpu.memref_slice %arg7[%add3A_738, %dma_wait3A_739] : memref<160x128xi32, #tpu.memory_space<vmem>> -> memref<1x128xi32, #tpu.memory_space<vmem>>
      %dma_wait3A_741 = tpu.memref_squeeze %dma_wait3A_740 : memref<1x128xi32, #tpu.memory_space<vmem>> -> memref<128xi32, #tpu.memory_space<vmem>>
      %dma_wait3A_742 = arith.constant 0 : i32
      %dma_wait3A_743 = arith.constant 0 : i32
      %dma_wait3A_744 = tpu.memref_slice %arg10[%dma_wait3A_742, %dma_wait3A_743] : memref<10240x32xf32, #tpu.memory_space<vmem_shared>> -> memref<10240x32xf32, #tpu.memory_space<vmem_shared>>
      tpu.wait_indirect_dma semaphore(%arg27 : memref<!tpu.dma_semaphore, #tpu.memory_space<semaphore_mem>>) src(%dma_wait3A_744 : memref<10240x32xf32, #tpu.memory_space<vmem_shared>>) dst(%arg19 : memref<128x32xf32, #tpu.memory_space<vmem>>)
      %dma_start3A_745 = arith.constant 0 : i32
      %dma_start3A_746 = tpu.memref_slice %arg8[%add3A_738, %dma_start3A_745] : memref<160x128xi32, #tpu.memory_space<vmem>> -> memref<1x128xi32, #tpu.memory_space<vmem>>
      %dma_start3A_747 = tpu.memref_squeeze %dma_start3A_746 : memref<1x128xi32, #tpu.memory_space<vmem>> -> memref<128xi32, #tpu.memory_space<vmem>>
      %dma_start3A_748 = arith.constant 0 : i32
      %dma_start3A_749 = arith.constant 0 : i32
      %dma_start3A_750 = tpu.memref_slice %arg9[%dma_start3A_748, %dma_start3A_749] : memref<10240x32xf32, #tpu.memory_space<vmem_shared>> -> memref<10240x32xf32, #tpu.memory_space<vmem_shared>>
      tpu.enqueue_indirect_dma source(%arg19 : memref<128x32xf32, #tpu.memory_space<vmem>>) target(%dma_start3A_750 : memref<10240x32xf32, #tpu.memory_space<vmem_shared>>) offsets(%dma_start3A_747 : memref<128xi32, #tpu.memory_space<vmem>>) semaphore(%arg35 : memref<!tpu.dma_semaphore, #tpu.memory_space<semaphore_mem>>) {add = true}
      %dma_start3A_751 = arith.constant 0 : i32
      %dma_start3A_752 = tpu.memref_slice %arg8[%add3A_738, %dma_start3A_751] : memref<160x128xi32, #tpu.memory_space<vmem>> -> memref<1x128xi32, #tpu.memory_space<vmem>>
      %dma_start3A_753 = tpu.memref_squeeze %dma_start3A_752 : memref<1x128xi32, #tpu.memory_space<vmem>> -> memref<128xi32, #tpu.memory_space<vmem>>
      %dma_start3A_754 = arith.constant 0 : i32
      %dma_start3A_755 = arith.constant 0 : i32
      %dma_start3A_756 = tpu.memref_slice %arg13[%dma_start3A_754, %dma_start3A_755] : memref<10240x16xf32, #tpu.memory_space<vmem_shared>> -> memref<10240x16xf32, #tpu.memory_space<vmem_shared>>
      tpu.enqueue_indirect_dma source(%arg11 : memref<128x16xf32, #tpu.memory_space<vmem>>) target(%dma_start3A_756 : memref<10240x16xf32, #tpu.memory_space<vmem_shared>>) offsets(%dma_start3A_753 : memref<128xi32, #tpu.memory_space<vmem>>) semaphore(%arg43 : memref<!tpu.dma_semaphore, #tpu.memory_space<semaphore_mem>>) {add = true}
      %add3A_757 = arith.constant 6 : i32
      %add3A_758 = arith.addi %mul3A_636, %add3A_757 : i32
      %dma_wait3A_759 = arith.constant 0 : i32
      %dma_wait3A_760 = tpu.memref_slice %arg7[%add3A_758, %dma_wait3A_759] : memref<160x128xi32, #tpu.memory_space<vmem>> -> memref<1x128xi32, #tpu.memory_space<vmem>>
      %dma_wait3A_761 = tpu.memref_squeeze %dma_wait3A_760 : memref<1x128xi32, #tpu.memory_space<vmem>> -> memref<128xi32, #tpu.memory_space<vmem>>
      %dma_wait3A_762 = arith.constant 0 : i32
      %dma_wait3A_763 = arith.constant 0 : i32
      %dma_wait3A_764 = tpu.memref_slice %arg10[%dma_wait3A_762, %dma_wait3A_763] : memref<10240x32xf32, #tpu.memory_space<vmem_shared>> -> memref<10240x32xf32, #tpu.memory_space<vmem_shared>>
      tpu.wait_indirect_dma semaphore(%arg28 : memref<!tpu.dma_semaphore, #tpu.memory_space<semaphore_mem>>) src(%dma_wait3A_764 : memref<10240x32xf32, #tpu.memory_space<vmem_shared>>) dst(%arg20 : memref<128x32xf32, #tpu.memory_space<vmem>>)
      %dma_start3A_765 = arith.constant 0 : i32
      %dma_start3A_766 = tpu.memref_slice %arg8[%add3A_758, %dma_start3A_765] : memref<160x128xi32, #tpu.memory_space<vmem>> -> memref<1x128xi32, #tpu.memory_space<vmem>>
      %dma_start3A_767 = tpu.memref_squeeze %dma_start3A_766 : memref<1x128xi32, #tpu.memory_space<vmem>> -> memref<128xi32, #tpu.memory_space<vmem>>
      %dma_start3A_768 = arith.constant 0 : i32
      %dma_start3A_769 = arith.constant 0 : i32
      %dma_start3A_770 = tpu.memref_slice %arg9[%dma_start3A_768, %dma_start3A_769] : memref<10240x32xf32, #tpu.memory_space<vmem_shared>> -> memref<10240x32xf32, #tpu.memory_space<vmem_shared>>
      tpu.enqueue_indirect_dma source(%arg20 : memref<128x32xf32, #tpu.memory_space<vmem>>) target(%dma_start3A_770 : memref<10240x32xf32, #tpu.memory_space<vmem_shared>>) offsets(%dma_start3A_767 : memref<128xi32, #tpu.memory_space<vmem>>) semaphore(%arg36 : memref<!tpu.dma_semaphore, #tpu.memory_space<semaphore_mem>>) {add = true}
      %dma_start3A_771 = arith.constant 0 : i32
      %dma_start3A_772 = tpu.memref_slice %arg8[%add3A_758, %dma_start3A_771] : memref<160x128xi32, #tpu.memory_space<vmem>> -> memref<1x128xi32, #tpu.memory_space<vmem>>
      %dma_start3A_773 = tpu.memref_squeeze %dma_start3A_772 : memref<1x128xi32, #tpu.memory_space<vmem>> -> memref<128xi32, #tpu.memory_space<vmem>>
      %dma_start3A_774 = arith.constant 0 : i32
      %dma_start3A_775 = arith.constant 0 : i32
      %dma_start3A_776 = tpu.memref_slice %arg13[%dma_start3A_774, %dma_start3A_775] : memref<10240x16xf32, #tpu.memory_space<vmem_shared>> -> memref<10240x16xf32, #tpu.memory_space<vmem_shared>>
      tpu.enqueue_indirect_dma source(%arg11 : memref<128x16xf32, #tpu.memory_space<vmem>>) target(%dma_start3A_776 : memref<10240x16xf32, #tpu.memory_space<vmem_shared>>) offsets(%dma_start3A_773 : memref<128xi32, #tpu.memory_space<vmem>>) semaphore(%arg44 : memref<!tpu.dma_semaphore, #tpu.memory_space<semaphore_mem>>) {add = true}
      %add3A_777 = arith.constant 7 : i32
      %add3A_778 = arith.addi %mul3A_636, %add3A_777 : i32
      %dma_wait3A_779 = arith.constant 0 : i32
      %dma_wait3A_780 = tpu.memref_slice %arg7[%add3A_778, %dma_wait3A_779] : memref<160x128xi32, #tpu.memory_space<vmem>> -> memref<1x128xi32, #tpu.memory_space<vmem>>
      %dma_wait3A_781 = tpu.memref_squeeze %dma_wait3A_780 : memref<1x128xi32, #tpu.memory_space<vmem>> -> memref<128xi32, #tpu.memory_space<vmem>>
      %dma_wait3A_782 = arith.constant 0 : i32
      %dma_wait3A_783 = arith.constant 0 : i32
      %dma_wait3A_784 = tpu.memref_slice %arg10[%dma_wait3A_782, %dma_wait3A_783] : memref<10240x32xf32, #tpu.memory_space<vmem_shared>> -> memref<10240x32xf32, #tpu.memory_space<vmem_shared>>
      tpu.wait_indirect_dma semaphore(%arg29 : memref<!tpu.dma_semaphore, #tpu.memory_space<semaphore_mem>>) src(%dma_wait3A_784 : memref<10240x32xf32, #tpu.memory_space<vmem_shared>>) dst(%arg21 : memref<128x32xf32, #tpu.memory_space<vmem>>)
      %dma_start3A_785 = arith.constant 0 : i32
      %dma_start3A_786 = tpu.memref_slice %arg8[%add3A_778, %dma_start3A_785] : memref<160x128xi32, #tpu.memory_space<vmem>> -> memref<1x128xi32, #tpu.memory_space<vmem>>
      %dma_start3A_787 = tpu.memref_squeeze %dma_start3A_786 : memref<1x128xi32, #tpu.memory_space<vmem>> -> memref<128xi32, #tpu.memory_space<vmem>>
      %dma_start3A_788 = arith.constant 0 : i32
      %dma_start3A_789 = arith.constant 0 : i32
      %dma_start3A_790 = tpu.memref_slice %arg9[%dma_start3A_788, %dma_start3A_789] : memref<10240x32xf32, #tpu.memory_space<vmem_shared>> -> memref<10240x32xf32, #tpu.memory_space<vmem_shared>>
      tpu.enqueue_indirect_dma source(%arg21 : memref<128x32xf32, #tpu.memory_space<vmem>>) target(%dma_start3A_790 : memref<10240x32xf32, #tpu.memory_space<vmem_shared>>) offsets(%dma_start3A_787 : memref<128xi32, #tpu.memory_space<vmem>>) semaphore(%arg37 : memref<!tpu.dma_semaphore, #tpu.memory_space<semaphore_mem>>) {add = true}
      %dma_start3A_791 = arith.constant 0 : i32
      %dma_start3A_792 = tpu.memref_slice %arg8[%add3A_778, %dma_start3A_791] : memref<160x128xi32, #tpu.memory_space<vmem>> -> memref<1x128xi32, #tpu.memory_space<vmem>>
      %dma_start3A_793 = tpu.memref_squeeze %dma_start3A_792 : memref<1x128xi32, #tpu.memory_space<vmem>> -> memref<128xi32, #tpu.memory_space<vmem>>
      %dma_start3A_794 = arith.constant 0 : i32
      %dma_start3A_795 = arith.constant 0 : i32
      %dma_start3A_796 = tpu.memref_slice %arg13[%dma_start3A_794, %dma_start3A_795] : memref<10240x16xf32, #tpu.memory_space<vmem_shared>> -> memref<10240x16xf32, #tpu.memory_space<vmem_shared>>
      tpu.enqueue_indirect_dma source(%arg11 : memref<128x16xf32, #tpu.memory_space<vmem>>) target(%dma_start3A_796 : memref<10240x16xf32, #tpu.memory_space<vmem_shared>>) offsets(%dma_start3A_793 : memref<128xi32, #tpu.memory_space<vmem>>) semaphore(%arg45 : memref<!tpu.dma_semaphore, #tpu.memory_space<semaphore_mem>>) {add = true}
      %add3A_797 = arith.constant 0 : i32
      %add3A_798 = arith.addi %mul3A_636, %add3A_797 : i32
      %dma_wait3A_799 = arith.constant 0 : i32
      %dma_wait3A_800 = tpu.memref_slice %arg8[%add3A_798, %dma_wait3A_799] : memref<160x128xi32, #tpu.memory_space<vmem>> -> memref<1x128xi32, #tpu.memory_space<vmem>>
      %dma_wait3A_801 = tpu.memref_squeeze %dma_wait3A_800 : memref<1x128xi32, #tpu.memory_space<vmem>> -> memref<128xi32, #tpu.memory_space<vmem>>
      %dma_wait3A_802 = arith.constant 0 : i32
      %dma_wait3A_803 = arith.constant 0 : i32
      %dma_wait3A_804 = tpu.memref_slice %arg9[%dma_wait3A_802, %dma_wait3A_803] : memref<10240x32xf32, #tpu.memory_space<vmem_shared>> -> memref<10240x32xf32, #tpu.memory_space<vmem_shared>>
      tpu.wait_indirect_dma semaphore(%arg30 : memref<!tpu.dma_semaphore, #tpu.memory_space<semaphore_mem>>) src(%arg14 : memref<128x32xf32, #tpu.memory_space<vmem>>) dst(%dma_wait3A_804 : memref<10240x32xf32, #tpu.memory_space<vmem_shared>>)
      %dma_wait3A_805 = arith.constant 0 : i32
      %dma_wait3A_806 = tpu.memref_slice %arg8[%add3A_798, %dma_wait3A_805] : memref<160x128xi32, #tpu.memory_space<vmem>> -> memref<1x128xi32, #tpu.memory_space<vmem>>
      %dma_wait3A_807 = tpu.memref_squeeze %dma_wait3A_806 : memref<1x128xi32, #tpu.memory_space<vmem>> -> memref<128xi32, #tpu.memory_space<vmem>>
      %dma_wait3A_808 = arith.constant 0 : i32
      %dma_wait3A_809 = arith.constant 0 : i32
      %dma_wait3A_810 = tpu.memref_slice %arg13[%dma_wait3A_808, %dma_wait3A_809] : memref<10240x16xf32, #tpu.memory_space<vmem_shared>> -> memref<10240x16xf32, #tpu.memory_space<vmem_shared>>
      tpu.wait_indirect_dma semaphore(%arg38 : memref<!tpu.dma_semaphore, #tpu.memory_space<semaphore_mem>>) src(%arg11 : memref<128x16xf32, #tpu.memory_space<vmem>>) dst(%dma_wait3A_810 : memref<10240x16xf32, #tpu.memory_space<vmem_shared>>)
      %add3A_811 = arith.constant 1 : i32
      %add3A_812 = arith.addi %add3A_634, %add3A_811 : i32
      %lt3A = arith.constant 20 : i32
      %lt3A_813 = arith.cmpi slt, %add3A_812, %lt3A : i32
      %convert_element_type3A = arith.extui %lt3A_813 : i1 to i32
      %cond3A = arith.constant 0 : i32
      %cond3A_814 = arith.cmpi ne, %convert_element_type3A, %cond3A : i32
      scf.if %cond3A_814 {
        %add3A_962 = arith.constant 8 : i32
        %add3A_963 = arith.addi %add3A_798, %add3A_962 : i32
        %dma_start3A_964 = arith.constant 0 : i32
        %dma_start3A_965 = tpu.memref_slice %arg7[%add3A_963, %dma_start3A_964] : memref<160x128xi32, #tpu.memory_space<vmem>> -> memref<1x128xi32, #tpu.memory_space<vmem>>
        %dma_start3A_966 = tpu.memref_squeeze %dma_start3A_965 : memref<1x128xi32, #tpu.memory_space<vmem>> -> memref<128xi32, #tpu.memory_space<vmem>>
        %dma_start3A_967 = arith.constant 0 : i32
        %dma_start3A_968 = arith.constant 0 : i32
        %dma_start3A_969 = tpu.memref_slice %arg10[%dma_start3A_967, %dma_start3A_968] : memref<10240x32xf32, #tpu.memory_space<vmem_shared>> -> memref<10240x32xf32, #tpu.memory_space<vmem_shared>>
        tpu.enqueue_indirect_dma source(%dma_start3A_969 : memref<10240x32xf32, #tpu.memory_space<vmem_shared>>) target(%arg14 : memref<128x32xf32, #tpu.memory_space<vmem>>) offsets(%dma_start3A_966 : memref<128xi32, #tpu.memory_space<vmem>>) semaphore(%arg22 : memref<!tpu.dma_semaphore, #tpu.memory_space<semaphore_mem>>)
      } else {
      }
      %add3A_815 = arith.constant 1 : i32
      %add3A_816 = arith.addi %mul3A_636, %add3A_815 : i32
      %dma_wait3A_817 = arith.constant 0 : i32
      %dma_wait3A_818 = tpu.memref_slice %arg8[%add3A_816, %dma_wait3A_817] : memref<160x128xi32, #tpu.memory_space<vmem>> -> memref<1x128xi32, #tpu.memory_space<vmem>>
      %dma_wait3A_819 = tpu.memref_squeeze %dma_wait3A_818 : memref<1x128xi32, #tpu.memory_space<vmem>> -> memref<128xi32, #tpu.memory_space<vmem>>
      %dma_wait3A_820 = arith.constant 0 : i32
      %dma_wait3A_821 = arith.constant 0 : i32
      %dma_wait3A_822 = tpu.memref_slice %arg9[%dma_wait3A_820, %dma_wait3A_821] : memref<10240x32xf32, #tpu.memory_space<vmem_shared>> -> memref<10240x32xf32, #tpu.memory_space<vmem_shared>>
      tpu.wait_indirect_dma semaphore(%arg31 : memref<!tpu.dma_semaphore, #tpu.memory_space<semaphore_mem>>) src(%arg15 : memref<128x32xf32, #tpu.memory_space<vmem>>) dst(%dma_wait3A_822 : memref<10240x32xf32, #tpu.memory_space<vmem_shared>>)
      %dma_wait3A_823 = arith.constant 0 : i32
      %dma_wait3A_824 = tpu.memref_slice %arg8[%add3A_816, %dma_wait3A_823] : memref<160x128xi32, #tpu.memory_space<vmem>> -> memref<1x128xi32, #tpu.memory_space<vmem>>
      %dma_wait3A_825 = tpu.memref_squeeze %dma_wait3A_824 : memref<1x128xi32, #tpu.memory_space<vmem>> -> memref<128xi32, #tpu.memory_space<vmem>>
      %dma_wait3A_826 = arith.constant 0 : i32
      %dma_wait3A_827 = arith.constant 0 : i32
      %dma_wait3A_828 = tpu.memref_slice %arg13[%dma_wait3A_826, %dma_wait3A_827] : memref<10240x16xf32, #tpu.memory_space<vmem_shared>> -> memref<10240x16xf32, #tpu.memory_space<vmem_shared>>
      tpu.wait_indirect_dma semaphore(%arg39 : memref<!tpu.dma_semaphore, #tpu.memory_space<semaphore_mem>>) src(%arg11 : memref<128x16xf32, #tpu.memory_space<vmem>>) dst(%dma_wait3A_828 : memref<10240x16xf32, #tpu.memory_space<vmem_shared>>)
      %add3A_829 = arith.constant 1 : i32
      %add3A_830 = arith.addi %add3A_634, %add3A_829 : i32
      %lt3A_831 = arith.constant 20 : i32
      %lt3A_832 = arith.cmpi slt, %add3A_830, %lt3A_831 : i32
      %convert_element_type3A_833 = arith.extui %lt3A_832 : i1 to i32
      %cond3A_834 = arith.constant 0 : i32
      %cond3A_835 = arith.cmpi ne, %convert_element_type3A_833, %cond3A_834 : i32
      scf.if %cond3A_835 {
        %add3A_962 = arith.constant 8 : i32
        %add3A_963 = arith.addi %add3A_816, %add3A_962 : i32
        %dma_start3A_964 = arith.constant 0 : i32
        %dma_start3A_965 = tpu.memref_slice %arg7[%add3A_963, %dma_start3A_964] : memref<160x128xi32, #tpu.memory_space<vmem>> -> memref<1x128xi32, #tpu.memory_space<vmem>>
        %dma_start3A_966 = tpu.memref_squeeze %dma_start3A_965 : memref<1x128xi32, #tpu.memory_space<vmem>> -> memref<128xi32, #tpu.memory_space<vmem>>
        %dma_start3A_967 = arith.constant 0 : i32
        %dma_start3A_968 = arith.constant 0 : i32
        %dma_start3A_969 = tpu.memref_slice %arg10[%dma_start3A_967, %dma_start3A_968] : memref<10240x32xf32, #tpu.memory_space<vmem_shared>> -> memref<10240x32xf32, #tpu.memory_space<vmem_shared>>
        tpu.enqueue_indirect_dma source(%dma_start3A_969 : memref<10240x32xf32, #tpu.memory_space<vmem_shared>>) target(%arg15 : memref<128x32xf32, #tpu.memory_space<vmem>>) offsets(%dma_start3A_966 : memref<128xi32, #tpu.memory_space<vmem>>) semaphore(%arg23 : memref<!tpu.dma_semaphore, #tpu.memory_space<semaphore_mem>>)
      } else {
      }
      %add3A_836 = arith.constant 2 : i32
      %add3A_837 = arith.addi %mul3A_636, %add3A_836 : i32
      %dma_wait3A_838 = arith.constant 0 : i32
      %dma_wait3A_839 = tpu.memref_slice %arg8[%add3A_837, %dma_wait3A_838] : memref<160x128xi32, #tpu.memory_space<vmem>> -> memref<1x128xi32, #tpu.memory_space<vmem>>
      %dma_wait3A_840 = tpu.memref_squeeze %dma_wait3A_839 : memref<1x128xi32, #tpu.memory_space<vmem>> -> memref<128xi32, #tpu.memory_space<vmem>>
      %dma_wait3A_841 = arith.constant 0 : i32
      %dma_wait3A_842 = arith.constant 0 : i32
      %dma_wait3A_843 = tpu.memref_slice %arg9[%dma_wait3A_841, %dma_wait3A_842] : memref<10240x32xf32, #tpu.memory_space<vmem_shared>> -> memref<10240x32xf32, #tpu.memory_space<vmem_shared>>
      tpu.wait_indirect_dma semaphore(%arg32 : memref<!tpu.dma_semaphore, #tpu.memory_space<semaphore_mem>>) src(%arg16 : memref<128x32xf32, #tpu.memory_space<vmem>>) dst(%dma_wait3A_843 : memref<10240x32xf32, #tpu.memory_space<vmem_shared>>)
      %dma_wait3A_844 = arith.constant 0 : i32
      %dma_wait3A_845 = tpu.memref_slice %arg8[%add3A_837, %dma_wait3A_844] : memref<160x128xi32, #tpu.memory_space<vmem>> -> memref<1x128xi32, #tpu.memory_space<vmem>>
      %dma_wait3A_846 = tpu.memref_squeeze %dma_wait3A_845 : memref<1x128xi32, #tpu.memory_space<vmem>> -> memref<128xi32, #tpu.memory_space<vmem>>
      %dma_wait3A_847 = arith.constant 0 : i32
      %dma_wait3A_848 = arith.constant 0 : i32
      %dma_wait3A_849 = tpu.memref_slice %arg13[%dma_wait3A_847, %dma_wait3A_848] : memref<10240x16xf32, #tpu.memory_space<vmem_shared>> -> memref<10240x16xf32, #tpu.memory_space<vmem_shared>>
      tpu.wait_indirect_dma semaphore(%arg40 : memref<!tpu.dma_semaphore, #tpu.memory_space<semaphore_mem>>) src(%arg11 : memref<128x16xf32, #tpu.memory_space<vmem>>) dst(%dma_wait3A_849 : memref<10240x16xf32, #tpu.memory_space<vmem_shared>>)
      %add3A_850 = arith.constant 1 : i32
      %add3A_851 = arith.addi %add3A_634, %add3A_850 : i32
      %lt3A_852 = arith.constant 20 : i32
      %lt3A_853 = arith.cmpi slt, %add3A_851, %lt3A_852 : i32
      %convert_element_type3A_854 = arith.extui %lt3A_853 : i1 to i32
      %cond3A_855 = arith.constant 0 : i32
      %cond3A_856 = arith.cmpi ne, %convert_element_type3A_854, %cond3A_855 : i32
      scf.if %cond3A_856 {
        %add3A_962 = arith.constant 8 : i32
        %add3A_963 = arith.addi %add3A_837, %add3A_962 : i32
        %dma_start3A_964 = arith.constant 0 : i32
        %dma_start3A_965 = tpu.memref_slice %arg7[%add3A_963, %dma_start3A_964] : memref<160x128xi32, #tpu.memory_space<vmem>> -> memref<1x128xi32, #tpu.memory_space<vmem>>
        %dma_start3A_966 = tpu.memref_squeeze %dma_start3A_965 : memref<1x128xi32, #tpu.memory_space<vmem>> -> memref<128xi32, #tpu.memory_space<vmem>>
        %dma_start3A_967 = arith.constant 0 : i32
        %dma_start3A_968 = arith.constant 0 : i32
        %dma_start3A_969 = tpu.memref_slice %arg10[%dma_start3A_967, %dma_start3A_968] : memref<10240x32xf32, #tpu.memory_space<vmem_shared>> -> memref<10240x32xf32, #tpu.memory_space<vmem_shared>>
        tpu.enqueue_indirect_dma source(%dma_start3A_969 : memref<10240x32xf32, #tpu.memory_space<vmem_shared>>) target(%arg16 : memref<128x32xf32, #tpu.memory_space<vmem>>) offsets(%dma_start3A_966 : memref<128xi32, #tpu.memory_space<vmem>>) semaphore(%arg24 : memref<!tpu.dma_semaphore, #tpu.memory_space<semaphore_mem>>)
      } else {
      }
      %add3A_857 = arith.constant 3 : i32
      %add3A_858 = arith.addi %mul3A_636, %add3A_857 : i32
      %dma_wait3A_859 = arith.constant 0 : i32
      %dma_wait3A_860 = tpu.memref_slice %arg8[%add3A_858, %dma_wait3A_859] : memref<160x128xi32, #tpu.memory_space<vmem>> -> memref<1x128xi32, #tpu.memory_space<vmem>>
      %dma_wait3A_861 = tpu.memref_squeeze %dma_wait3A_860 : memref<1x128xi32, #tpu.memory_space<vmem>> -> memref<128xi32, #tpu.memory_space<vmem>>
      %dma_wait3A_862 = arith.constant 0 : i32
      %dma_wait3A_863 = arith.constant 0 : i32
      %dma_wait3A_864 = tpu.memref_slice %arg9[%dma_wait3A_862, %dma_wait3A_863] : memref<10240x32xf32, #tpu.memory_space<vmem_shared>> -> memref<10240x32xf32, #tpu.memory_space<vmem_shared>>
      tpu.wait_indirect_dma semaphore(%arg33 : memref<!tpu.dma_semaphore, #tpu.memory_space<semaphore_mem>>) src(%arg17 : memref<128x32xf32, #tpu.memory_space<vmem>>) dst(%dma_wait3A_864 : memref<10240x32xf32, #tpu.memory_space<vmem_shared>>)
      %dma_wait3A_865 = arith.constant 0 : i32
      %dma_wait3A_866 = tpu.memref_slice %arg8[%add3A_858, %dma_wait3A_865] : memref<160x128xi32, #tpu.memory_space<vmem>> -> memref<1x128xi32, #tpu.memory_space<vmem>>
      %dma_wait3A_867 = tpu.memref_squeeze %dma_wait3A_866 : memref<1x128xi32, #tpu.memory_space<vmem>> -> memref<128xi32, #tpu.memory_space<vmem>>
      %dma_wait3A_868 = arith.constant 0 : i32
      %dma_wait3A_869 = arith.constant 0 : i32
      %dma_wait3A_870 = tpu.memref_slice %arg13[%dma_wait3A_868, %dma_wait3A_869] : memref<10240x16xf32, #tpu.memory_space<vmem_shared>> -> memref<10240x16xf32, #tpu.memory_space<vmem_shared>>
      tpu.wait_indirect_dma semaphore(%arg41 : memref<!tpu.dma_semaphore, #tpu.memory_space<semaphore_mem>>) src(%arg11 : memref<128x16xf32, #tpu.memory_space<vmem>>) dst(%dma_wait3A_870 : memref<10240x16xf32, #tpu.memory_space<vmem_shared>>)
      %add3A_871 = arith.constant 1 : i32
      %add3A_872 = arith.addi %add3A_634, %add3A_871 : i32
      %lt3A_873 = arith.constant 20 : i32
      %lt3A_874 = arith.cmpi slt, %add3A_872, %lt3A_873 : i32
      %convert_element_type3A_875 = arith.extui %lt3A_874 : i1 to i32
      %cond3A_876 = arith.constant 0 : i32
      %cond3A_877 = arith.cmpi ne, %convert_element_type3A_875, %cond3A_876 : i32
      scf.if %cond3A_877 {
        %add3A_962 = arith.constant 8 : i32
        %add3A_963 = arith.addi %add3A_858, %add3A_962 : i32
        %dma_start3A_964 = arith.constant 0 : i32
        %dma_start3A_965 = tpu.memref_slice %arg7[%add3A_963, %dma_start3A_964] : memref<160x128xi32, #tpu.memory_space<vmem>> -> memref<1x128xi32, #tpu.memory_space<vmem>>
        %dma_start3A_966 = tpu.memref_squeeze %dma_start3A_965 : memref<1x128xi32, #tpu.memory_space<vmem>> -> memref<128xi32, #tpu.memory_space<vmem>>
        %dma_start3A_967 = arith.constant 0 : i32
        %dma_start3A_968 = arith.constant 0 : i32
        %dma_start3A_969 = tpu.memref_slice %arg10[%dma_start3A_967, %dma_start3A_968] : memref<10240x32xf32, #tpu.memory_space<vmem_shared>> -> memref<10240x32xf32, #tpu.memory_space<vmem_shared>>
        tpu.enqueue_indirect_dma source(%dma_start3A_969 : memref<10240x32xf32, #tpu.memory_space<vmem_shared>>) target(%arg17 : memref<128x32xf32, #tpu.memory_space<vmem>>) offsets(%dma_start3A_966 : memref<128xi32, #tpu.memory_space<vmem>>) semaphore(%arg25 : memref<!tpu.dma_semaphore, #tpu.memory_space<semaphore_mem>>)
      } else {
      }
      %add3A_878 = arith.constant 4 : i32
      %add3A_879 = arith.addi %mul3A_636, %add3A_878 : i32
      %dma_wait3A_880 = arith.constant 0 : i32
      %dma_wait3A_881 = tpu.memref_slice %arg8[%add3A_879, %dma_wait3A_880] : memref<160x128xi32, #tpu.memory_space<vmem>> -> memref<1x128xi32, #tpu.memory_space<vmem>>
      %dma_wait3A_882 = tpu.memref_squeeze %dma_wait3A_881 : memref<1x128xi32, #tpu.memory_space<vmem>> -> memref<128xi32, #tpu.memory_space<vmem>>
      %dma_wait3A_883 = arith.constant 0 : i32
      %dma_wait3A_884 = arith.constant 0 : i32
      %dma_wait3A_885 = tpu.memref_slice %arg9[%dma_wait3A_883, %dma_wait3A_884] : memref<10240x32xf32, #tpu.memory_space<vmem_shared>> -> memref<10240x32xf32, #tpu.memory_space<vmem_shared>>
      tpu.wait_indirect_dma semaphore(%arg34 : memref<!tpu.dma_semaphore, #tpu.memory_space<semaphore_mem>>) src(%arg18 : memref<128x32xf32, #tpu.memory_space<vmem>>) dst(%dma_wait3A_885 : memref<10240x32xf32, #tpu.memory_space<vmem_shared>>)
      %dma_wait3A_886 = arith.constant 0 : i32
      %dma_wait3A_887 = tpu.memref_slice %arg8[%add3A_879, %dma_wait3A_886] : memref<160x128xi32, #tpu.memory_space<vmem>> -> memref<1x128xi32, #tpu.memory_space<vmem>>
      %dma_wait3A_888 = tpu.memref_squeeze %dma_wait3A_887 : memref<1x128xi32, #tpu.memory_space<vmem>> -> memref<128xi32, #tpu.memory_space<vmem>>
      %dma_wait3A_889 = arith.constant 0 : i32
      %dma_wait3A_890 = arith.constant 0 : i32
      %dma_wait3A_891 = tpu.memref_slice %arg13[%dma_wait3A_889, %dma_wait3A_890] : memref<10240x16xf32, #tpu.memory_space<vmem_shared>> -> memref<10240x16xf32, #tpu.memory_space<vmem_shared>>
      tpu.wait_indirect_dma semaphore(%arg42 : memref<!tpu.dma_semaphore, #tpu.memory_space<semaphore_mem>>) src(%arg11 : memref<128x16xf32, #tpu.memory_space<vmem>>) dst(%dma_wait3A_891 : memref<10240x16xf32, #tpu.memory_space<vmem_shared>>)
      %add3A_892 = arith.constant 1 : i32
      %add3A_893 = arith.addi %add3A_634, %add3A_892 : i32
      %lt3A_894 = arith.constant 20 : i32
      %lt3A_895 = arith.cmpi slt, %add3A_893, %lt3A_894 : i32
      %convert_element_type3A_896 = arith.extui %lt3A_895 : i1 to i32
      %cond3A_897 = arith.constant 0 : i32
      %cond3A_898 = arith.cmpi ne, %convert_element_type3A_896, %cond3A_897 : i32
      scf.if %cond3A_898 {
        %add3A_962 = arith.constant 8 : i32
        %add3A_963 = arith.addi %add3A_879, %add3A_962 : i32
        %dma_start3A_964 = arith.constant 0 : i32
        %dma_start3A_965 = tpu.memref_slice %arg7[%add3A_963, %dma_start3A_964] : memref<160x128xi32, #tpu.memory_space<vmem>> -> memref<1x128xi32, #tpu.memory_space<vmem>>
        %dma_start3A_966 = tpu.memref_squeeze %dma_start3A_965 : memref<1x128xi32, #tpu.memory_space<vmem>> -> memref<128xi32, #tpu.memory_space<vmem>>
        %dma_start3A_967 = arith.constant 0 : i32
        %dma_start3A_968 = arith.constant 0 : i32
        %dma_start3A_969 = tpu.memref_slice %arg10[%dma_start3A_967, %dma_start3A_968] : memref<10240x32xf32, #tpu.memory_space<vmem_shared>> -> memref<10240x32xf32, #tpu.memory_space<vmem_shared>>
        tpu.enqueue_indirect_dma source(%dma_start3A_969 : memref<10240x32xf32, #tpu.memory_space<vmem_shared>>) target(%arg18 : memref<128x32xf32, #tpu.memory_space<vmem>>) offsets(%dma_start3A_966 : memref<128xi32, #tpu.memory_space<vmem>>) semaphore(%arg26 : memref<!tpu.dma_semaphore, #tpu.memory_space<semaphore_mem>>)
      } else {
      }
      %add3A_899 = arith.constant 5 : i32
      %add3A_900 = arith.addi %mul3A_636, %add3A_899 : i32
      %dma_wait3A_901 = arith.constant 0 : i32
      %dma_wait3A_902 = tpu.memref_slice %arg8[%add3A_900, %dma_wait3A_901] : memref<160x128xi32, #tpu.memory_space<vmem>> -> memref<1x128xi32, #tpu.memory_space<vmem>>
      %dma_wait3A_903 = tpu.memref_squeeze %dma_wait3A_902 : memref<1x128xi32, #tpu.memory_space<vmem>> -> memref<128xi32, #tpu.memory_space<vmem>>
      %dma_wait3A_904 = arith.constant 0 : i32
      %dma_wait3A_905 = arith.constant 0 : i32
      %dma_wait3A_906 = tpu.memref_slice %arg9[%dma_wait3A_904, %dma_wait3A_905] : memref<10240x32xf32, #tpu.memory_space<vmem_shared>> -> memref<10240x32xf32, #tpu.memory_space<vmem_shared>>
      tpu.wait_indirect_dma semaphore(%arg35 : memref<!tpu.dma_semaphore, #tpu.memory_space<semaphore_mem>>) src(%arg19 : memref<128x32xf32, #tpu.memory_space<vmem>>) dst(%dma_wait3A_906 : memref<10240x32xf32, #tpu.memory_space<vmem_shared>>)
      %dma_wait3A_907 = arith.constant 0 : i32
      %dma_wait3A_908 = tpu.memref_slice %arg8[%add3A_900, %dma_wait3A_907] : memref<160x128xi32, #tpu.memory_space<vmem>> -> memref<1x128xi32, #tpu.memory_space<vmem>>
      %dma_wait3A_909 = tpu.memref_squeeze %dma_wait3A_908 : memref<1x128xi32, #tpu.memory_space<vmem>> -> memref<128xi32, #tpu.memory_space<vmem>>
      %dma_wait3A_910 = arith.constant 0 : i32
      %dma_wait3A_911 = arith.constant 0 : i32
      %dma_wait3A_912 = tpu.memref_slice %arg13[%dma_wait3A_910, %dma_wait3A_911] : memref<10240x16xf32, #tpu.memory_space<vmem_shared>> -> memref<10240x16xf32, #tpu.memory_space<vmem_shared>>
      tpu.wait_indirect_dma semaphore(%arg43 : memref<!tpu.dma_semaphore, #tpu.memory_space<semaphore_mem>>) src(%arg11 : memref<128x16xf32, #tpu.memory_space<vmem>>) dst(%dma_wait3A_912 : memref<10240x16xf32, #tpu.memory_space<vmem_shared>>)
      %add3A_913 = arith.constant 1 : i32
      %add3A_914 = arith.addi %add3A_634, %add3A_913 : i32
      %lt3A_915 = arith.constant 20 : i32
      %lt3A_916 = arith.cmpi slt, %add3A_914, %lt3A_915 : i32
      %convert_element_type3A_917 = arith.extui %lt3A_916 : i1 to i32
      %cond3A_918 = arith.constant 0 : i32
      %cond3A_919 = arith.cmpi ne, %convert_element_type3A_917, %cond3A_918 : i32
      scf.if %cond3A_919 {
        %add3A_962 = arith.constant 8 : i32
        %add3A_963 = arith.addi %add3A_900, %add3A_962 : i32
        %dma_start3A_964 = arith.constant 0 : i32
        %dma_start3A_965 = tpu.memref_slice %arg7[%add3A_963, %dma_start3A_964] : memref<160x128xi32, #tpu.memory_space<vmem>> -> memref<1x128xi32, #tpu.memory_space<vmem>>
        %dma_start3A_966 = tpu.memref_squeeze %dma_start3A_965 : memref<1x128xi32, #tpu.memory_space<vmem>> -> memref<128xi32, #tpu.memory_space<vmem>>
        %dma_start3A_967 = arith.constant 0 : i32
        %dma_start3A_968 = arith.constant 0 : i32
        %dma_start3A_969 = tpu.memref_slice %arg10[%dma_start3A_967, %dma_start3A_968] : memref<10240x32xf32, #tpu.memory_space<vmem_shared>> -> memref<10240x32xf32, #tpu.memory_space<vmem_shared>>
        tpu.enqueue_indirect_dma source(%dma_start3A_969 : memref<10240x32xf32, #tpu.memory_space<vmem_shared>>) target(%arg19 : memref<128x32xf32, #tpu.memory_space<vmem>>) offsets(%dma_start3A_966 : memref<128xi32, #tpu.memory_space<vmem>>) semaphore(%arg27 : memref<!tpu.dma_semaphore, #tpu.memory_space<semaphore_mem>>)
      } else {
      }
      %add3A_920 = arith.constant 6 : i32
      %add3A_921 = arith.addi %mul3A_636, %add3A_920 : i32
      %dma_wait3A_922 = arith.constant 0 : i32
      %dma_wait3A_923 = tpu.memref_slice %arg8[%add3A_921, %dma_wait3A_922] : memref<160x128xi32, #tpu.memory_space<vmem>> -> memref<1x128xi32, #tpu.memory_space<vmem>>
      %dma_wait3A_924 = tpu.memref_squeeze %dma_wait3A_923 : memref<1x128xi32, #tpu.memory_space<vmem>> -> memref<128xi32, #tpu.memory_space<vmem>>
      %dma_wait3A_925 = arith.constant 0 : i32
      %dma_wait3A_926 = arith.constant 0 : i32
      %dma_wait3A_927 = tpu.memref_slice %arg9[%dma_wait3A_925, %dma_wait3A_926] : memref<10240x32xf32, #tpu.memory_space<vmem_shared>> -> memref<10240x32xf32, #tpu.memory_space<vmem_shared>>
      tpu.wait_indirect_dma semaphore(%arg36 : memref<!tpu.dma_semaphore, #tpu.memory_space<semaphore_mem>>) src(%arg20 : memref<128x32xf32, #tpu.memory_space<vmem>>) dst(%dma_wait3A_927 : memref<10240x32xf32, #tpu.memory_space<vmem_shared>>)
      %dma_wait3A_928 = arith.constant 0 : i32
      %dma_wait3A_929 = tpu.memref_slice %arg8[%add3A_921, %dma_wait3A_928] : memref<160x128xi32, #tpu.memory_space<vmem>> -> memref<1x128xi32, #tpu.memory_space<vmem>>
      %dma_wait3A_930 = tpu.memref_squeeze %dma_wait3A_929 : memref<1x128xi32, #tpu.memory_space<vmem>> -> memref<128xi32, #tpu.memory_space<vmem>>
      %dma_wait3A_931 = arith.constant 0 : i32
      %dma_wait3A_932 = arith.constant 0 : i32
      %dma_wait3A_933 = tpu.memref_slice %arg13[%dma_wait3A_931, %dma_wait3A_932] : memref<10240x16xf32, #tpu.memory_space<vmem_shared>> -> memref<10240x16xf32, #tpu.memory_space<vmem_shared>>
      tpu.wait_indirect_dma semaphore(%arg44 : memref<!tpu.dma_semaphore, #tpu.memory_space<semaphore_mem>>) src(%arg11 : memref<128x16xf32, #tpu.memory_space<vmem>>) dst(%dma_wait3A_933 : memref<10240x16xf32, #tpu.memory_space<vmem_shared>>)
      %add3A_934 = arith.constant 1 : i32
      %add3A_935 = arith.addi %add3A_634, %add3A_934 : i32
      %lt3A_936 = arith.constant 20 : i32
      %lt3A_937 = arith.cmpi slt, %add3A_935, %lt3A_936 : i32
      %convert_element_type3A_938 = arith.extui %lt3A_937 : i1 to i32
      %cond3A_939 = arith.constant 0 : i32
      %cond3A_940 = arith.cmpi ne, %convert_element_type3A_938, %cond3A_939 : i32
      scf.if %cond3A_940 {
        %add3A_962 = arith.constant 8 : i32
        %add3A_963 = arith.addi %add3A_921, %add3A_962 : i32
        %dma_start3A_964 = arith.constant 0 : i32
        %dma_start3A_965 = tpu.memref_slice %arg7[%add3A_963, %dma_start3A_964] : memref<160x128xi32, #tpu.memory_space<vmem>> -> memref<1x128xi32, #tpu.memory_space<vmem>>
        %dma_start3A_966 = tpu.memref_squeeze %dma_start3A_965 : memref<1x128xi32, #tpu.memory_space<vmem>> -> memref<128xi32, #tpu.memory_space<vmem>>
        %dma_start3A_967 = arith.constant 0 : i32
        %dma_start3A_968 = arith.constant 0 : i32
        %dma_start3A_969 = tpu.memref_slice %arg10[%dma_start3A_967, %dma_start3A_968] : memref<10240x32xf32, #tpu.memory_space<vmem_shared>> -> memref<10240x32xf32, #tpu.memory_space<vmem_shared>>
        tpu.enqueue_indirect_dma source(%dma_start3A_969 : memref<10240x32xf32, #tpu.memory_space<vmem_shared>>) target(%arg20 : memref<128x32xf32, #tpu.memory_space<vmem>>) offsets(%dma_start3A_966 : memref<128xi32, #tpu.memory_space<vmem>>) semaphore(%arg28 : memref<!tpu.dma_semaphore, #tpu.memory_space<semaphore_mem>>)
      } else {
      }
      %add3A_941 = arith.constant 7 : i32
      %add3A_942 = arith.addi %mul3A_636, %add3A_941 : i32
      %dma_wait3A_943 = arith.constant 0 : i32
      %dma_wait3A_944 = tpu.memref_slice %arg8[%add3A_942, %dma_wait3A_943] : memref<160x128xi32, #tpu.memory_space<vmem>> -> memref<1x128xi32, #tpu.memory_space<vmem>>
      %dma_wait3A_945 = tpu.memref_squeeze %dma_wait3A_944 : memref<1x128xi32, #tpu.memory_space<vmem>> -> memref<128xi32, #tpu.memory_space<vmem>>
      %dma_wait3A_946 = arith.constant 0 : i32
      %dma_wait3A_947 = arith.constant 0 : i32
      %dma_wait3A_948 = tpu.memref_slice %arg9[%dma_wait3A_946, %dma_wait3A_947] : memref<10240x32xf32, #tpu.memory_space<vmem_shared>> -> memref<10240x32xf32, #tpu.memory_space<vmem_shared>>
      tpu.wait_indirect_dma semaphore(%arg37 : memref<!tpu.dma_semaphore, #tpu.memory_space<semaphore_mem>>) src(%arg21 : memref<128x32xf32, #tpu.memory_space<vmem>>) dst(%dma_wait3A_948 : memref<10240x32xf32, #tpu.memory_space<vmem_shared>>)
      %dma_wait3A_949 = arith.constant 0 : i32
      %dma_wait3A_950 = tpu.memref_slice %arg8[%add3A_942, %dma_wait3A_949] : memref<160x128xi32, #tpu.memory_space<vmem>> -> memref<1x128xi32, #tpu.memory_space<vmem>>
      %dma_wait3A_951 = tpu.memref_squeeze %dma_wait3A_950 : memref<1x128xi32, #tpu.memory_space<vmem>> -> memref<128xi32, #tpu.memory_space<vmem>>
      %dma_wait3A_952 = arith.constant 0 : i32
      %dma_wait3A_953 = arith.constant 0 : i32
      %dma_wait3A_954 = tpu.memref_slice %arg13[%dma_wait3A_952, %dma_wait3A_953] : memref<10240x16xf32, #tpu.memory_space<vmem_shared>> -> memref<10240x16xf32, #tpu.memory_space<vmem_shared>>
      tpu.wait_indirect_dma semaphore(%arg45 : memref<!tpu.dma_semaphore, #tpu.memory_space<semaphore_mem>>) src(%arg11 : memref<128x16xf32, #tpu.memory_space<vmem>>) dst(%dma_wait3A_954 : memref<10240x16xf32, #tpu.memory_space<vmem_shared>>)
      %add3A_955 = arith.constant 1 : i32
      %add3A_956 = arith.addi %add3A_634, %add3A_955 : i32
      %lt3A_957 = arith.constant 20 : i32
      %lt3A_958 = arith.cmpi slt, %add3A_956, %lt3A_957 : i32
      %convert_element_type3A_959 = arith.extui %lt3A_958 : i1 to i32
      %cond3A_960 = arith.constant 0 : i32
      %cond3A_961 = arith.cmpi ne, %convert_element_type3A_959, %cond3A_960 : i32
      scf.if %cond3A_961 {
        %add3A_962 = arith.constant 8 : i32
        %add3A_963 = arith.addi %add3A_942, %add3A_962 : i32
        %dma_start3A_964 = arith.constant 0 : i32
        %dma_start3A_965 = tpu.memref_slice %arg7[%add3A_963, %dma_start3A_964] : memref<160x128xi32, #tpu.memory_space<vmem>> -> memref<1x128xi32, #tpu.memory_space<vmem>>
        %dma_start3A_966 = tpu.memref_squeeze %dma_start3A_965 : memref<1x128xi32, #tpu.memory_space<vmem>> -> memref<128xi32, #tpu.memory_space<vmem>>
        %dma_start3A_967 = arith.constant 0 : i32
        %dma_start3A_968 = arith.constant 0 : i32
        %dma_start3A_969 = tpu.memref_slice %arg10[%dma_start3A_967, %dma_start3A_968] : memref<10240x32xf32, #tpu.memory_space<vmem_shared>> -> memref<10240x32xf32, #tpu.memory_space<vmem_shared>>
        tpu.enqueue_indirect_dma source(%dma_start3A_969 : memref<10240x32xf32, #tpu.memory_space<vmem_shared>>) target(%arg21 : memref<128x32xf32, #tpu.memory_space<vmem>>) offsets(%dma_start3A_966 : memref<128xi32, #tpu.memory_space<vmem>>) semaphore(%arg29 : memref<!tpu.dma_semaphore, #tpu.memory_space<semaphore_mem>>)
      } else {
      }
    }
    %scan3A_111 = arith.constant 20 : i32
    %barrier3A_112 = arith.constant 0 : index
    tpu.barrier barrier_id(%barrier3A_112)
    %scan3A_113 = arith.constant 0 : i32
    %scan3A_114 = arith.constant 128 : i32
    %scan3A_115 = arith.addi %scan3A_113, %scan3A_114 : i32
    %scan3A_116 = arith.constant 1 : i32
    scf.for %scan3A_630 = %scan3A_113 to %scan3A_115 step %scan3A_116  : i32 {
      %mul3A_631 = arith.constant 1 : i32
      %mul3A_632 = arith.muli %scan3A_630, %mul3A_631 : i32
      %add3A_633 = arith.constant 0 : i32
      %add3A_634 = arith.addi %add3A_633, %mul3A_632 : i32
      %swap3A = arith.index_cast %add3A_634 : i32 to index
      %swap3A_635 = arith.constant 0 : index
      %swap3A_636 = tpu.vector_load %arg14[%swap3A, %swap3A_635] {strides = array<i32>} : memref<128x32xf32, #tpu.memory_space<vmem>>, vector<1x16xf32>,
      %swap3A_637 = vector.shape_cast %swap3A_636 : vector<1x16xf32> to vector<16xf32>
      %swap3A_638 = vector.shape_cast %broadcast_in_dim3A_0 : vector<16xf32> to vector<1x16xf32>
      tpu.vector_store %arg14[%swap3A, %swap3A_635], %swap3A_638 {strides = array<i32>} : memref<128x32xf32, #tpu.memory_space<vmem>>, vector<1x16xf32>,
      %swap3A_639 = arith.index_cast %add3A_634 : i32 to index
      %swap3A_640 = arith.constant 16 : index
      %swap3A_641 = tpu.vector_load %arg14[%swap3A_639, %swap3A_640] {strides = array<i32>} : memref<128x32xf32, #tpu.memory_space<vmem>>, vector<1x16xf32>,
      %swap3A_642 = vector.shape_cast %swap3A_641 : vector<1x16xf32> to vector<16xf32>
      %swap3A_643 = vector.shape_cast %broadcast_in_dim3A_0 : vector<16xf32> to vector<1x16xf32>
      tpu.vector_store %arg14[%swap3A_639, %swap3A_640], %swap3A_643 {strides = array<i32>} : memref<128x32xf32, #tpu.memory_space<vmem>>, vector<1x16xf32>,
    }
    %scan3A_117 = arith.constant 128 : i32
    %add3A = arith.constant 0 : i32
    %add3A_118 = arith.addi %mul3A_3, %add3A : i32
    %dma_start3A_119 = arith.constant 0 : i32
    %dma_start3A_120 = tpu.memref_slice %arg9[%add3A_118, %dma_start3A_119] : memref<10240x32xf32, #tpu.memory_space<vmem_shared>> -> memref<128x32xf32, #tpu.memory_space<vmem_shared>>
    %dma_start3A_121 = arith.constant 0 : i32
    %dma_start3A_122 = tpu.memref_slice %arg9[%add3A_118, %dma_start3A_121] : memref<10240x32xf32, #tpu.memory_space<vmem_shared>> -> memref<128x32xf32, #tpu.memory_space<vmem_shared>>
    tpu.enqueue_dma source(%dma_start3A_122 : memref<128x32xf32, #tpu.memory_space<vmem_shared>>) target(%arg16 : memref<128x32xf32, #tpu.memory_space<vmem>>) target_semaphore(%arg22 : memref<!tpu.dma_semaphore, #tpu.memory_space<semaphore_mem>>)
    %dma_start3A_123 = arith.constant 0 : i32
    %dma_start3A_124 = tpu.memref_slice %arg13[%add3A_118, %dma_start3A_123] : memref<10240x16xf32, #tpu.memory_space<vmem_shared>> -> memref<128x16xf32, #tpu.memory_space<vmem_shared>>
    %dma_start3A_125 = arith.constant 0 : i32
    %dma_start3A_126 = tpu.memref_slice %arg13[%add3A_118, %dma_start3A_125] : memref<10240x16xf32, #tpu.memory_space<vmem_shared>> -> memref<128x16xf32, #tpu.memory_space<vmem_shared>>
    tpu.enqueue_dma source(%dma_start3A_126 : memref<128x16xf32, #tpu.memory_space<vmem_shared>>) target(%arg11 : memref<128x16xf32, #tpu.memory_space<vmem>>) target_semaphore(%arg38 : memref<!tpu.dma_semaphore, #tpu.memory_space<semaphore_mem>>)
    %add3A_127 = arith.constant 128 : i32
    %add3A_128 = arith.addi %mul3A_3, %add3A_127 : i32
    %dma_start3A_129 = arith.constant 0 : i32
    %dma_start3A_130 = tpu.memref_slice %arg9[%add3A_128, %dma_start3A_129] : memref<10240x32xf32, #tpu.memory_space<vmem_shared>> -> memref<128x32xf32, #tpu.memory_space<vmem_shared>>
    %dma_start3A_131 = arith.constant 0 : i32
    %dma_start3A_132 = tpu.memref_slice %arg9[%add3A_128, %dma_start3A_131] : memref<10240x32xf32, #tpu.memory_space<vmem_shared>> -> memref<128x32xf32, #tpu.memory_space<vmem_shared>>
    tpu.enqueue_dma source(%dma_start3A_132 : memref<128x32xf32, #tpu.memory_space<vmem_shared>>) target(%arg17 : memref<128x32xf32, #tpu.memory_space<vmem>>) target_semaphore(%arg23 : memref<!tpu.dma_semaphore, #tpu.memory_space<semaphore_mem>>)
    %dma_start3A_133 = arith.constant 0 : i32
    %dma_start3A_134 = tpu.memref_slice %arg13[%add3A_128, %dma_start3A_133] : memref<10240x16xf32, #tpu.memory_space<vmem_shared>> -> memref<128x16xf32, #tpu.memory_space<vmem_shared>>
    %dma_start3A_135 = arith.constant 0 : i32
    %dma_start3A_136 = tpu.memref_slice %arg13[%add3A_128, %dma_start3A_135] : memref<10240x16xf32, #tpu.memory_space<vmem_shared>> -> memref<128x16xf32, #tpu.memory_space<vmem_shared>>
    tpu.enqueue_dma source(%dma_start3A_136 : memref<128x16xf32, #tpu.memory_space<vmem_shared>>) target(%arg12 : memref<128x16xf32, #tpu.memory_space<vmem>>) target_semaphore(%arg39 : memref<!tpu.dma_semaphore, #tpu.memory_space<semaphore_mem>>)
    %add3A_137 = arith.constant 0 : i32
    %add3A_138 = arith.addi %mul3A_3, %add3A_137 : i32
    %dma_wait3A_139 = arith.constant 0 : i32
    %dma_wait3A_140 = tpu.memref_slice %arg9[%add3A_118, %dma_wait3A_139] : memref<10240x32xf32, #tpu.memory_space<vmem_shared>> -> memref<128x32xf32, #tpu.memory_space<vmem_shared>>
    %dma_wait3A_141 = arith.constant 0 : i32
    %dma_wait3A_142 = tpu.memref_slice %arg9[%add3A_118, %dma_wait3A_141] : memref<10240x32xf32, #tpu.memory_space<vmem_shared>> -> memref<128x32xf32, #tpu.memory_space<vmem_shared>>
    tpu.wait_dma2 semaphore(%arg22 : memref<!tpu.dma_semaphore, #tpu.memory_space<semaphore_mem>>) src(%dma_wait3A_142 : memref<128x32xf32, #tpu.memory_space<vmem_shared>>) dst(%arg16 : memref<128x32xf32, #tpu.memory_space<vmem>>)
    %dma_wait3A_143 = arith.constant 0 : i32
    %dma_wait3A_144 = tpu.memref_slice %arg13[%add3A_118, %dma_wait3A_143] : memref<10240x16xf32, #tpu.memory_space<vmem_shared>> -> memref<128x16xf32, #tpu.memory_space<vmem_shared>>
    %dma_wait3A_145 = arith.constant 0 : i32
    %dma_wait3A_146 = tpu.memref_slice %arg13[%add3A_118, %dma_wait3A_145] : memref<10240x16xf32, #tpu.memory_space<vmem_shared>> -> memref<128x16xf32, #tpu.memory_space<vmem_shared>>
    tpu.wait_dma2 semaphore(%arg38 : memref<!tpu.dma_semaphore, #tpu.memory_space<semaphore_mem>>) src(%dma_wait3A_146 : memref<128x16xf32, #tpu.memory_space<vmem_shared>>) dst(%arg11 : memref<128x16xf32, #tpu.memory_space<vmem>>)
    %scan3A_147 = arith.constant 0 : i32
    %scan3A_148 = arith.constant 128 : i32
    %scan3A_149 = arith.addi %scan3A_147, %scan3A_148 : i32
    %scan3A_150 = arith.constant 1 : i32
    scf.for %scan3A_630 = %scan3A_147 to %scan3A_149 step %scan3A_150  : i32 {
      %mul3A_631 = arith.constant 1 : i32
      %mul3A_632 = arith.muli %scan3A_630, %mul3A_631 : i32
      %add3A_633 = arith.constant 0 : i32
      %add3A_634 = arith.addi %add3A_633, %mul3A_632 : i32
      %get3A = arith.index_cast %add3A_634 : i32 to index
      %get3A_635 = arith.constant 0 : index
      %get3A_636 = tpu.vector_load %arg11[%get3A, %get3A_635] {strides = array<i32>} : memref<128x16xf32, #tpu.memory_space<vmem>>, vector<1x16xf32>,
      %get3A_637 = vector.shape_cast %get3A_636 : vector<1x16xf32> to vector<16xf32>
      %gt3A = arith.constant 0.000000e+00 : f32
      %gt3A_638 = vector.broadcast %gt3A : f32 to vector<16xf32>
      %gt3A_639 = arith.cmpf ogt, %get3A_637, %gt3A_638 : vector<16xf32>
      %div3A = arith.constant 1.000000e+00 : f32
      %div3A_640 = vector.broadcast %div3A : f32 to vector<16xf32>
      %div3A_641 = arith.divf %div3A_640, %get3A_637 : vector<16xf32>
      %jit3A = arith.constant 0.000000e+00 : f32
      %broadcast_in_dim3A_642 = vector.broadcast %jit3A : f32 to vector<16xf32>
      %select_n3A = arith.select %gt3A_639, %div3A_641, %broadcast_in_dim3A_642 : vector<16xi1>, vector<16xf32>
      %get3A_643 = arith.index_cast %add3A_634 : i32 to index
      %get3A_644 = arith.constant 0 : index
      %get3A_645 = tpu.vector_load %arg16[%get3A_643, %get3A_644] {strides = array<i32>} : memref<128x32xf32, #tpu.memory_space<vmem>>, vector<1x16xf32>,
      %get3A_646 = vector.shape_cast %get3A_645 : vector<1x16xf32> to vector<16xf32>
      %mul3A_647 = arith.mulf %get3A_646, %select_n3A : vector<16xf32>
      %swap3A = arith.index_cast %add3A_634 : i32 to index
      %swap3A_648 = arith.constant 0 : index
      %swap3A_649 = tpu.vector_load %arg16[%swap3A, %swap3A_648] {strides = array<i32>} : memref<128x32xf32, #tpu.memory_space<vmem>>, vector<1x16xf32>,
      %swap3A_650 = vector.shape_cast %swap3A_649 : vector<1x16xf32> to vector<16xf32>
      %swap3A_651 = vector.shape_cast %mul3A_647 : vector<16xf32> to vector<1x16xf32>
      tpu.vector_store %arg16[%swap3A, %swap3A_648], %swap3A_651 {strides = array<i32>} : memref<128x32xf32, #tpu.memory_space<vmem>>, vector<1x16xf32>,
      %get3A_652 = arith.index_cast %add3A_634 : i32 to index
      %get3A_653 = arith.constant 16 : index
      %get3A_654 = tpu.vector_load %arg16[%get3A_652, %get3A_653] {strides = array<i32>} : memref<128x32xf32, #tpu.memory_space<vmem>>, vector<1x16xf32>,
      %get3A_655 = vector.shape_cast %get3A_654 : vector<1x16xf32> to vector<16xf32>
      %mul3A_656 = arith.mulf %get3A_655, %select_n3A : vector<16xf32>
      %swap3A_657 = arith.index_cast %add3A_634 : i32 to index
      %swap3A_658 = arith.constant 16 : index
      %swap3A_659 = tpu.vector_load %arg16[%swap3A_657, %swap3A_658] {strides = array<i32>} : memref<128x32xf32, #tpu.memory_space<vmem>>, vector<1x16xf32>,
      %swap3A_660 = vector.shape_cast %swap3A_659 : vector<1x16xf32> to vector<16xf32>
      %swap3A_661 = vector.shape_cast %mul3A_656 : vector<16xf32> to vector<1x16xf32>
      tpu.vector_store %arg16[%swap3A_657, %swap3A_658], %swap3A_661 {strides = array<i32>} : memref<128x32xf32, #tpu.memory_space<vmem>>, vector<1x16xf32>,
    }
    %scan3A_151 = arith.constant 128 : i32
    %dma_start3A_152 = arith.constant 0 : i32
    %dma_start3A_153 = tpu.memref_slice %arg5[%arg0, %add3A_138, %dma_start3A_152] : memref<2x10240x32xf32, #tpu.memory_space<hbm>> -> memref<1x128x32xf32, #tpu.memory_space<hbm>>
    %dma_start3A_154 = tpu.memref_squeeze %dma_start3A_153 : memref<1x128x32xf32, #tpu.memory_space<hbm>> -> memref<128x32xf32, #tpu.memory_space<hbm>>
    %dma_start3A_155 = arith.constant 0 : i32
    %dma_start3A_156 = tpu.memref_slice %arg5[%arg0, %add3A_138, %dma_start3A_155] : memref<2x10240x32xf32, #tpu.memory_space<hbm>> -> memref<1x128x32xf32, #tpu.memory_space<hbm>>
    %dma_start3A_157 = tpu.memref_squeeze %dma_start3A_156 : memref<1x128x32xf32, #tpu.memory_space<hbm>> -> memref<128x32xf32, #tpu.memory_space<hbm>>
    tpu.enqueue_dma source(%arg16 : memref<128x32xf32, #tpu.memory_space<vmem>>) target(%dma_start3A_157 : memref<128x32xf32, #tpu.memory_space<hbm>>) target_semaphore(%arg30 : memref<!tpu.dma_semaphore, #tpu.memory_space<semaphore_mem>>)
    %dma_start3A_158 = arith.constant 0 : i32
    %dma_start3A_159 = tpu.memref_slice %arg10[%add3A_138, %dma_start3A_158] : memref<10240x32xf32, #tpu.memory_space<vmem_shared>> -> memref<128x32xf32, #tpu.memory_space<vmem_shared>>
    %dma_start3A_160 = arith.constant 0 : i32
    %dma_start3A_161 = tpu.memref_slice %arg10[%add3A_138, %dma_start3A_160] : memref<10240x32xf32, #tpu.memory_space<vmem_shared>> -> memref<128x32xf32, #tpu.memory_space<vmem_shared>>
    tpu.enqueue_dma source(%arg16 : memref<128x32xf32, #tpu.memory_space<vmem>>) target(%dma_start3A_161 : memref<128x32xf32, #tpu.memory_space<vmem_shared>>) target_semaphore(%arg31 : memref<!tpu.dma_semaphore, #tpu.memory_space<semaphore_mem>>)
    %dma_start3A_162 = arith.constant 0 : i32
    %dma_start3A_163 = tpu.memref_slice %arg9[%add3A_138, %dma_start3A_162] : memref<10240x32xf32, #tpu.memory_space<vmem_shared>> -> memref<128x32xf32, #tpu.memory_space<vmem_shared>>
    %dma_start3A_164 = arith.constant 0 : i32
    %dma_start3A_165 = tpu.memref_slice %arg9[%add3A_138, %dma_start3A_164] : memref<10240x32xf32, #tpu.memory_space<vmem_shared>> -> memref<128x32xf32, #tpu.memory_space<vmem_shared>>
    tpu.enqueue_dma source(%arg14 : memref<128x32xf32, #tpu.memory_space<vmem>>) target(%dma_start3A_165 : memref<128x32xf32, #tpu.memory_space<vmem_shared>>) target_semaphore(%arg32 : memref<!tpu.dma_semaphore, #tpu.memory_space<semaphore_mem>>)
    %dma_wait3A_166 = arith.constant 0 : i32
    %dma_wait3A_167 = tpu.memref_slice %arg5[%arg0, %add3A_138, %dma_wait3A_166] : memref<2x10240x32xf32, #tpu.memory_space<hbm>> -> memref<1x128x32xf32, #tpu.memory_space<hbm>>
    %dma_wait3A_168 = tpu.memref_squeeze %dma_wait3A_167 : memref<1x128x32xf32, #tpu.memory_space<hbm>> -> memref<128x32xf32, #tpu.memory_space<hbm>>
    %dma_wait3A_169 = arith.constant 0 : i32
    %dma_wait3A_170 = tpu.memref_slice %arg5[%arg0, %add3A_138, %dma_wait3A_169] : memref<2x10240x32xf32, #tpu.memory_space<hbm>> -> memref<1x128x32xf32, #tpu.memory_space<hbm>>
    %dma_wait3A_171 = tpu.memref_squeeze %dma_wait3A_170 : memref<1x128x32xf32, #tpu.memory_space<hbm>> -> memref<128x32xf32, #tpu.memory_space<hbm>>
    tpu.wait_dma2 semaphore(%arg30 : memref<!tpu.dma_semaphore, #tpu.memory_space<semaphore_mem>>) src(%arg16 : memref<128x32xf32, #tpu.memory_space<vmem>>) dst(%dma_wait3A_171 : memref<128x32xf32, #tpu.memory_space<hbm>>)
    %dma_wait3A_172 = arith.constant 0 : i32
    %dma_wait3A_173 = tpu.memref_slice %arg10[%add3A_138, %dma_wait3A_172] : memref<10240x32xf32, #tpu.memory_space<vmem_shared>> -> memref<128x32xf32, #tpu.memory_space<vmem_shared>>
    %dma_wait3A_174 = arith.constant 0 : i32
    %dma_wait3A_175 = tpu.memref_slice %arg10[%add3A_138, %dma_wait3A_174] : memref<10240x32xf32, #tpu.memory_space<vmem_shared>> -> memref<128x32xf32, #tpu.memory_space<vmem_shared>>
    tpu.wait_dma2 semaphore(%arg31 : memref<!tpu.dma_semaphore, #tpu.memory_space<semaphore_mem>>) src(%arg16 : memref<128x32xf32, #tpu.memory_space<vmem>>) dst(%dma_wait3A_175 : memref<128x32xf32, #tpu.memory_space<vmem_shared>>)
    %dma_wait3A_176 = arith.constant 0 : i32
    %dma_wait3A_177 = tpu.memref_slice %arg9[%add3A_138, %dma_wait3A_176] : memref<10240x32xf32, #tpu.memory_space<vmem_shared>> -> memref<128x32xf32, #tpu.memory_space<vmem_shared>>
    %dma_wait3A_178 = arith.constant 0 : i32
    %dma_wait3A_179 = tpu.memref_slice %arg9[%add3A_138, %dma_wait3A_178] : memref<10240x32xf32, #tpu.memory_space<vmem_shared>> -> memref<128x32xf32, #tpu.memory_space<vmem_shared>>
    tpu.wait_dma2 semaphore(%arg32 : memref<!tpu.dma_semaphore, #tpu.memory_space<semaphore_mem>>) src(%arg14 : memref<128x32xf32, #tpu.memory_space<vmem>>) dst(%dma_wait3A_179 : memref<128x32xf32, #tpu.memory_space<vmem_shared>>)
    %add3A_180 = arith.constant 256 : i32
    %add3A_181 = arith.addi %mul3A_3, %add3A_180 : i32
    %dma_start3A_182 = arith.constant 0 : i32
    %dma_start3A_183 = tpu.memref_slice %arg9[%add3A_181, %dma_start3A_182] : memref<10240x32xf32, #tpu.memory_space<vmem_shared>> -> memref<128x32xf32, #tpu.memory_space<vmem_shared>>
    %dma_start3A_184 = arith.constant 0 : i32
    %dma_start3A_185 = tpu.memref_slice %arg9[%add3A_181, %dma_start3A_184] : memref<10240x32xf32, #tpu.memory_space<vmem_shared>> -> memref<128x32xf32, #tpu.memory_space<vmem_shared>>
    tpu.enqueue_dma source(%dma_start3A_185 : memref<128x32xf32, #tpu.memory_space<vmem_shared>>) target(%arg16 : memref<128x32xf32, #tpu.memory_space<vmem>>) target_semaphore(%arg22 : memref<!tpu.dma_semaphore, #tpu.memory_space<semaphore_mem>>)
    %dma_start3A_186 = arith.constant 0 : i32
    %dma_start3A_187 = tpu.memref_slice %arg13[%add3A_181, %dma_start3A_186] : memref<10240x16xf32, #tpu.memory_space<vmem_shared>> -> memref<128x16xf32, #tpu.memory_space<vmem_shared>>
    %dma_start3A_188 = arith.constant 0 : i32
    %dma_start3A_189 = tpu.memref_slice %arg13[%add3A_181, %dma_start3A_188] : memref<10240x16xf32, #tpu.memory_space<vmem_shared>> -> memref<128x16xf32, #tpu.memory_space<vmem_shared>>
    tpu.enqueue_dma source(%dma_start3A_189 : memref<128x16xf32, #tpu.memory_space<vmem_shared>>) target(%arg11 : memref<128x16xf32, #tpu.memory_space<vmem>>) target_semaphore(%arg38 : memref<!tpu.dma_semaphore, #tpu.memory_space<semaphore_mem>>)
    %add3A_190 = arith.constant 128 : i32
    %add3A_191 = arith.addi %mul3A_3, %add3A_190 : i32
    %dma_wait3A_192 = arith.constant 0 : i32
    %dma_wait3A_193 = tpu.memref_slice %arg9[%add3A_128, %dma_wait3A_192] : memref<10240x32xf32, #tpu.memory_space<vmem_shared>> -> memref<128x32xf32, #tpu.memory_space<vmem_shared>>
    %dma_wait3A_194 = arith.constant 0 : i32
    %dma_wait3A_195 = tpu.memref_slice %arg9[%add3A_128, %dma_wait3A_194] : memref<10240x32xf32, #tpu.memory_space<vmem_shared>> -> memref<128x32xf32, #tpu.memory_space<vmem_shared>>
    tpu.wait_dma2 semaphore(%arg23 : memref<!tpu.dma_semaphore, #tpu.memory_space<semaphore_mem>>) src(%dma_wait3A_195 : memref<128x32xf32, #tpu.memory_space<vmem_shared>>) dst(%arg17 : memref<128x32xf32, #tpu.memory_space<vmem>>)
    %dma_wait3A_196 = arith.constant 0 : i32
    %dma_wait3A_197 = tpu.memref_slice %arg13[%add3A_128, %dma_wait3A_196] : memref<10240x16xf32, #tpu.memory_space<vmem_shared>> -> memref<128x16xf32, #tpu.memory_space<vmem_shared>>
    %dma_wait3A_198 = arith.constant 0 : i32
    %dma_wait3A_199 = tpu.memref_slice %arg13[%add3A_128, %dma_wait3A_198] : memref<10240x16xf32, #tpu.memory_space<vmem_shared>> -> memref<128x16xf32, #tpu.memory_space<vmem_shared>>
    tpu.wait_dma2 semaphore(%arg39 : memref<!tpu.dma_semaphore, #tpu.memory_space<semaphore_mem>>) src(%dma_wait3A_199 : memref<128x16xf32, #tpu.memory_space<vmem_shared>>) dst(%arg12 : memref<128x16xf32, #tpu.memory_space<vmem>>)
    %scan3A_200 = arith.constant 0 : i32
    %scan3A_201 = arith.constant 128 : i32
    %scan3A_202 = arith.addi %scan3A_200, %scan3A_201 : i32
    %scan3A_203 = arith.constant 1 : i32
    scf.for %scan3A_630 = %scan3A_200 to %scan3A_202 step %scan3A_203  : i32 {
      %mul3A_631 = arith.constant 1 : i32
      %mul3A_632 = arith.muli %scan3A_630, %mul3A_631 : i32
      %add3A_633 = arith.constant 0 : i32
      %add3A_634 = arith.addi %add3A_633, %mul3A_632 : i32
      %get3A = arith.index_cast %add3A_634 : i32 to index
      %get3A_635 = arith.constant 0 : index
      %get3A_636 = tpu.vector_load %arg12[%get3A, %get3A_635] {strides = array<i32>} : memref<128x16xf32, #tpu.memory_space<vmem>>, vector<1x16xf32>,
      %get3A_637 = vector.shape_cast %get3A_636 : vector<1x16xf32> to vector<16xf32>
      %gt3A = arith.constant 0.000000e+00 : f32
      %gt3A_638 = vector.broadcast %gt3A : f32 to vector<16xf32>
      %gt3A_639 = arith.cmpf ogt, %get3A_637, %gt3A_638 : vector<16xf32>
      %div3A = arith.constant 1.000000e+00 : f32
      %div3A_640 = vector.broadcast %div3A : f32 to vector<16xf32>
      %div3A_641 = arith.divf %div3A_640, %get3A_637 : vector<16xf32>
      %jit3A = arith.constant 0.000000e+00 : f32
      %broadcast_in_dim3A_642 = vector.broadcast %jit3A : f32 to vector<16xf32>
      %select_n3A = arith.select %gt3A_639, %div3A_641, %broadcast_in_dim3A_642 : vector<16xi1>, vector<16xf32>
      %get3A_643 = arith.index_cast %add3A_634 : i32 to index
      %get3A_644 = arith.constant 0 : index
      %get3A_645 = tpu.vector_load %arg17[%get3A_643, %get3A_644] {strides = array<i32>} : memref<128x32xf32, #tpu.memory_space<vmem>>, vector<1x16xf32>,
      %get3A_646 = vector.shape_cast %get3A_645 : vector<1x16xf32> to vector<16xf32>
      %mul3A_647 = arith.mulf %get3A_646, %select_n3A : vector<16xf32>
      %swap3A = arith.index_cast %add3A_634 : i32 to index
      %swap3A_648 = arith.constant 0 : index
      %swap3A_649 = tpu.vector_load %arg17[%swap3A, %swap3A_648] {strides = array<i32>} : memref<128x32xf32, #tpu.memory_space<vmem>>, vector<1x16xf32>,
      %swap3A_650 = vector.shape_cast %swap3A_649 : vector<1x16xf32> to vector<16xf32>
      %swap3A_651 = vector.shape_cast %mul3A_647 : vector<16xf32> to vector<1x16xf32>
      tpu.vector_store %arg17[%swap3A, %swap3A_648], %swap3A_651 {strides = array<i32>} : memref<128x32xf32, #tpu.memory_space<vmem>>, vector<1x16xf32>,
      %get3A_652 = arith.index_cast %add3A_634 : i32 to index
      %get3A_653 = arith.constant 16 : index
      %get3A_654 = tpu.vector_load %arg17[%get3A_652, %get3A_653] {strides = array<i32>} : memref<128x32xf32, #tpu.memory_space<vmem>>, vector<1x16xf32>,
      %get3A_655 = vector.shape_cast %get3A_654 : vector<1x16xf32> to vector<16xf32>
      %mul3A_656 = arith.mulf %get3A_655, %select_n3A : vector<16xf32>
      %swap3A_657 = arith.index_cast %add3A_634 : i32 to index
      %swap3A_658 = arith.constant 16 : index
      %swap3A_659 = tpu.vector_load %arg17[%swap3A_657, %swap3A_658] {strides = array<i32>} : memref<128x32xf32, #tpu.memory_space<vmem>>, vector<1x16xf32>,
      %swap3A_660 = vector.shape_cast %swap3A_659 : vector<1x16xf32> to vector<16xf32>
      %swap3A_661 = vector.shape_cast %mul3A_656 : vector<16xf32> to vector<1x16xf32>
      tpu.vector_store %arg17[%swap3A_657, %swap3A_658], %swap3A_661 {strides = array<i32>} : memref<128x32xf32, #tpu.memory_space<vmem>>, vector<1x16xf32>,
    }
    %scan3A_204 = arith.constant 128 : i32
    %dma_start3A_205 = arith.constant 0 : i32
    %dma_start3A_206 = tpu.memref_slice %arg5[%arg0, %add3A_191, %dma_start3A_205] : memref<2x10240x32xf32, #tpu.memory_space<hbm>> -> memref<1x128x32xf32, #tpu.memory_space<hbm>>
    %dma_start3A_207 = tpu.memref_squeeze %dma_start3A_206 : memref<1x128x32xf32, #tpu.memory_space<hbm>> -> memref<128x32xf32, #tpu.memory_space<hbm>>
    %dma_start3A_208 = arith.constant 0 : i32
    %dma_start3A_209 = tpu.memref_slice %arg5[%arg0, %add3A_191, %dma_start3A_208] : memref<2x10240x32xf32, #tpu.memory_space<hbm>> -> memref<1x128x32xf32, #tpu.memory_space<hbm>>
    %dma_start3A_210 = tpu.memref_squeeze %dma_start3A_209 : memref<1x128x32xf32, #tpu.memory_space<hbm>> -> memref<128x32xf32, #tpu.memory_space<hbm>>
    tpu.enqueue_dma source(%arg17 : memref<128x32xf32, #tpu.memory_space<vmem>>) target(%dma_start3A_210 : memref<128x32xf32, #tpu.memory_space<hbm>>) target_semaphore(%arg30 : memref<!tpu.dma_semaphore, #tpu.memory_space<semaphore_mem>>)
    %dma_start3A_211 = arith.constant 0 : i32
    %dma_start3A_212 = tpu.memref_slice %arg10[%add3A_191, %dma_start3A_211] : memref<10240x32xf32, #tpu.memory_space<vmem_shared>> -> memref<128x32xf32, #tpu.memory_space<vmem_shared>>
    %dma_start3A_213 = arith.constant 0 : i32
    %dma_start3A_214 = tpu.memref_slice %arg10[%add3A_191, %dma_start3A_213] : memref<10240x32xf32, #tpu.memory_space<vmem_shared>> -> memref<128x32xf32, #tpu.memory_space<vmem_shared>>
    tpu.enqueue_dma source(%arg17 : memref<128x32xf32, #tpu.memory_space<vmem>>) target(%dma_start3A_214 : memref<128x32xf32, #tpu.memory_space<vmem_shared>>) target_semaphore(%arg31 : memref<!tpu.dma_semaphore, #tpu.memory_space<semaphore_mem>>)
    %dma_start3A_215 = arith.constant 0 : i32
    %dma_start3A_216 = tpu.memref_slice %arg9[%add3A_191, %dma_start3A_215] : memref<10240x32xf32, #tpu.memory_space<vmem_shared>> -> memref<128x32xf32, #tpu.memory_space<vmem_shared>>
    %dma_start3A_217 = arith.constant 0 : i32
    %dma_start3A_218 = tpu.memref_slice %arg9[%add3A_191, %dma_start3A_217] : memref<10240x32xf32, #tpu.memory_space<vmem_shared>> -> memref<128x32xf32, #tpu.memory_space<vmem_shared>>
    tpu.enqueue_dma source(%arg14 : memref<128x32xf32, #tpu.memory_space<vmem>>) target(%dma_start3A_218 : memref<128x32xf32, #tpu.memory_space<vmem_shared>>) target_semaphore(%arg32 : memref<!tpu.dma_semaphore, #tpu.memory_space<semaphore_mem>>)
    %dma_wait3A_219 = arith.constant 0 : i32
    %dma_wait3A_220 = tpu.memref_slice %arg5[%arg0, %add3A_191, %dma_wait3A_219] : memref<2x10240x32xf32, #tpu.memory_space<hbm>> -> memref<1x128x32xf32, #tpu.memory_space<hbm>>
    %dma_wait3A_221 = tpu.memref_squeeze %dma_wait3A_220 : memref<1x128x32xf32, #tpu.memory_space<hbm>> -> memref<128x32xf32, #tpu.memory_space<hbm>>
    %dma_wait3A_222 = arith.constant 0 : i32
    %dma_wait3A_223 = tpu.memref_slice %arg5[%arg0, %add3A_191, %dma_wait3A_222] : memref<2x10240x32xf32, #tpu.memory_space<hbm>> -> memref<1x128x32xf32, #tpu.memory_space<hbm>>
    %dma_wait3A_224 = tpu.memref_squeeze %dma_wait3A_223 : memref<1x128x32xf32, #tpu.memory_space<hbm>> -> memref<128x32xf32, #tpu.memory_space<hbm>>
    tpu.wait_dma2 semaphore(%arg30 : memref<!tpu.dma_semaphore, #tpu.memory_space<semaphore_mem>>) src(%arg17 : memref<128x32xf32, #tpu.memory_space<vmem>>) dst(%dma_wait3A_224 : memref<128x32xf32, #tpu.memory_space<hbm>>)
    %dma_wait3A_225 = arith.constant 0 : i32
    %dma_wait3A_226 = tpu.memref_slice %arg10[%add3A_191, %dma_wait3A_225] : memref<10240x32xf32, #tpu.memory_space<vmem_shared>> -> memref<128x32xf32, #tpu.memory_space<vmem_shared>>
    %dma_wait3A_227 = arith.constant 0 : i32
    %dma_wait3A_228 = tpu.memref_slice %arg10[%add3A_191, %dma_wait3A_227] : memref<10240x32xf32, #tpu.memory_space<vmem_shared>> -> memref<128x32xf32, #tpu.memory_space<vmem_shared>>
    tpu.wait_dma2 semaphore(%arg31 : memref<!tpu.dma_semaphore, #tpu.memory_space<semaphore_mem>>) src(%arg17 : memref<128x32xf32, #tpu.memory_space<vmem>>) dst(%dma_wait3A_228 : memref<128x32xf32, #tpu.memory_space<vmem_shared>>)
    %dma_wait3A_229 = arith.constant 0 : i32
    %dma_wait3A_230 = tpu.memref_slice %arg9[%add3A_191, %dma_wait3A_229] : memref<10240x32xf32, #tpu.memory_space<vmem_shared>> -> memref<128x32xf32, #tpu.memory_space<vmem_shared>>
    %dma_wait3A_231 = arith.constant 0 : i32
    %dma_wait3A_232 = tpu.memref_slice %arg9[%add3A_191, %dma_wait3A_231] : memref<10240x32xf32, #tpu.memory_space<vmem_shared>> -> memref<128x32xf32, #tpu.memory_space<vmem_shared>>
    tpu.wait_dma2 semaphore(%arg32 : memref<!tpu.dma_semaphore, #tpu.memory_space<semaphore_mem>>) src(%arg14 : memref<128x32xf32, #tpu.memory_space<vmem>>) dst(%dma_wait3A_232 : memref<128x32xf32, #tpu.memory_space<vmem_shared>>)
    %add3A_233 = arith.constant 384 : i32
    %add3A_234 = arith.addi %mul3A_3, %add3A_233 : i32
    %dma_start3A_235 = arith.constant 0 : i32
    %dma_start3A_236 = tpu.memref_slice %arg9[%add3A_234, %dma_start3A_235] : memref<10240x32xf32, #tpu.memory_space<vmem_shared>> -> memref<128x32xf32, #tpu.memory_space<vmem_shared>>
    %dma_start3A_237 = arith.constant 0 : i32
    %dma_start3A_238 = tpu.memref_slice %arg9[%add3A_234, %dma_start3A_237] : memref<10240x32xf32, #tpu.memory_space<vmem_shared>> -> memref<128x32xf32, #tpu.memory_space<vmem_shared>>
    tpu.enqueue_dma source(%dma_start3A_238 : memref<128x32xf32, #tpu.memory_space<vmem_shared>>) target(%arg17 : memref<128x32xf32, #tpu.memory_space<vmem>>) target_semaphore(%arg23 : memref<!tpu.dma_semaphore, #tpu.memory_space<semaphore_mem>>)
    %dma_start3A_239 = arith.constant 0 : i32
    %dma_start3A_240 = tpu.memref_slice %arg13[%add3A_234, %dma_start3A_239] : memref<10240x16xf32, #tpu.memory_space<vmem_shared>> -> memref<128x16xf32, #tpu.memory_space<vmem_shared>>
    %dma_start3A_241 = arith.constant 0 : i32
    %dma_start3A_242 = tpu.memref_slice %arg13[%add3A_234, %dma_start3A_241] : memref<10240x16xf32, #tpu.memory_space<vmem_shared>> -> memref<128x16xf32, #tpu.memory_space<vmem_shared>>
    tpu.enqueue_dma source(%dma_start3A_242 : memref<128x16xf32, #tpu.memory_space<vmem_shared>>) target(%arg12 : memref<128x16xf32, #tpu.memory_space<vmem>>) target_semaphore(%arg39 : memref<!tpu.dma_semaphore, #tpu.memory_space<semaphore_mem>>)
    %add3A_243 = arith.constant 256 : i32
    %add3A_244 = arith.addi %mul3A_3, %add3A_243 : i32
    %dma_wait3A_245 = arith.constant 0 : i32
    %dma_wait3A_246 = tpu.memref_slice %arg9[%add3A_181, %dma_wait3A_245] : memref<10240x32xf32, #tpu.memory_space<vmem_shared>> -> memref<128x32xf32, #tpu.memory_space<vmem_shared>>
    %dma_wait3A_247 = arith.constant 0 : i32
    %dma_wait3A_248 = tpu.memref_slice %arg9[%add3A_181, %dma_wait3A_247] : memref<10240x32xf32, #tpu.memory_space<vmem_shared>> -> memref<128x32xf32, #tpu.memory_space<vmem_shared>>
    tpu.wait_dma2 semaphore(%arg22 : memref<!tpu.dma_semaphore, #tpu.memory_space<semaphore_mem>>) src(%dma_wait3A_248 : memref<128x32xf32, #tpu.memory_space<vmem_shared>>) dst(%arg16 : memref<128x32xf32, #tpu.memory_space<vmem>>)
    %dma_wait3A_249 = arith.constant 0 : i32
    %dma_wait3A_250 = tpu.memref_slice %arg13[%add3A_181, %dma_wait3A_249] : memref<10240x16xf32, #tpu.memory_space<vmem_shared>> -> memref<128x16xf32, #tpu.memory_space<vmem_shared>>
    %dma_wait3A_251 = arith.constant 0 : i32
    %dma_wait3A_252 = tpu.memref_slice %arg13[%add3A_181, %dma_wait3A_251] : memref<10240x16xf32, #tpu.memory_space<vmem_shared>> -> memref<128x16xf32, #tpu.memory_space<vmem_shared>>
    tpu.wait_dma2 semaphore(%arg38 : memref<!tpu.dma_semaphore, #tpu.memory_space<semaphore_mem>>) src(%dma_wait3A_252 : memref<128x16xf32, #tpu.memory_space<vmem_shared>>) dst(%arg11 : memref<128x16xf32, #tpu.memory_space<vmem>>)
    %scan3A_253 = arith.constant 0 : i32
    %scan3A_254 = arith.constant 128 : i32
    %scan3A_255 = arith.addi %scan3A_253, %scan3A_254 : i32
    %scan3A_256 = arith.constant 1 : i32
    scf.for %scan3A_630 = %scan3A_253 to %scan3A_255 step %scan3A_256  : i32 {
      %mul3A_631 = arith.constant 1 : i32
      %mul3A_632 = arith.muli %scan3A_630, %mul3A_631 : i32
      %add3A_633 = arith.constant 0 : i32
      %add3A_634 = arith.addi %add3A_633, %mul3A_632 : i32
      %get3A = arith.index_cast %add3A_634 : i32 to index
      %get3A_635 = arith.constant 0 : index
      %get3A_636 = tpu.vector_load %arg11[%get3A, %get3A_635] {strides = array<i32>} : memref<128x16xf32, #tpu.memory_space<vmem>>, vector<1x16xf32>,
      %get3A_637 = vector.shape_cast %get3A_636 : vector<1x16xf32> to vector<16xf32>
      %gt3A = arith.constant 0.000000e+00 : f32
      %gt3A_638 = vector.broadcast %gt3A : f32 to vector<16xf32>
      %gt3A_639 = arith.cmpf ogt, %get3A_637, %gt3A_638 : vector<16xf32>
      %div3A = arith.constant 1.000000e+00 : f32
      %div3A_640 = vector.broadcast %div3A : f32 to vector<16xf32>
      %div3A_641 = arith.divf %div3A_640, %get3A_637 : vector<16xf32>
      %jit3A = arith.constant 0.000000e+00 : f32
      %broadcast_in_dim3A_642 = vector.broadcast %jit3A : f32 to vector<16xf32>
      %select_n3A = arith.select %gt3A_639, %div3A_641, %broadcast_in_dim3A_642 : vector<16xi1>, vector<16xf32>
      %get3A_643 = arith.index_cast %add3A_634 : i32 to index
      %get3A_644 = arith.constant 0 : index
      %get3A_645 = tpu.vector_load %arg16[%get3A_643, %get3A_644] {strides = array<i32>} : memref<128x32xf32, #tpu.memory_space<vmem>>, vector<1x16xf32>,
      %get3A_646 = vector.shape_cast %get3A_645 : vector<1x16xf32> to vector<16xf32>
      %mul3A_647 = arith.mulf %get3A_646, %select_n3A : vector<16xf32>
      %swap3A = arith.index_cast %add3A_634 : i32 to index
      %swap3A_648 = arith.constant 0 : index
      %swap3A_649 = tpu.vector_load %arg16[%swap3A, %swap3A_648] {strides = array<i32>} : memref<128x32xf32, #tpu.memory_space<vmem>>, vector<1x16xf32>,
      %swap3A_650 = vector.shape_cast %swap3A_649 : vector<1x16xf32> to vector<16xf32>
      %swap3A_651 = vector.shape_cast %mul3A_647 : vector<16xf32> to vector<1x16xf32>
      tpu.vector_store %arg16[%swap3A, %swap3A_648], %swap3A_651 {strides = array<i32>} : memref<128x32xf32, #tpu.memory_space<vmem>>, vector<1x16xf32>,
      %get3A_652 = arith.index_cast %add3A_634 : i32 to index
      %get3A_653 = arith.constant 16 : index
      %get3A_654 = tpu.vector_load %arg16[%get3A_652, %get3A_653] {strides = array<i32>} : memref<128x32xf32, #tpu.memory_space<vmem>>, vector<1x16xf32>,
      %get3A_655 = vector.shape_cast %get3A_654 : vector<1x16xf32> to vector<16xf32>
      %mul3A_656 = arith.mulf %get3A_655, %select_n3A : vector<16xf32>
      %swap3A_657 = arith.index_cast %add3A_634 : i32 to index
      %swap3A_658 = arith.constant 16 : index
      %swap3A_659 = tpu.vector_load %arg16[%swap3A_657, %swap3A_658] {strides = array<i32>} : memref<128x32xf32, #tpu.memory_space<vmem>>, vector<1x16xf32>,
      %swap3A_660 = vector.shape_cast %swap3A_659 : vector<1x16xf32> to vector<16xf32>
      %swap3A_661 = vector.shape_cast %mul3A_656 : vector<16xf32> to vector<1x16xf32>
      tpu.vector_store %arg16[%swap3A_657, %swap3A_658], %swap3A_661 {strides = array<i32>} : memref<128x32xf32, #tpu.memory_space<vmem>>, vector<1x16xf32>,
    }
    %scan3A_257 = arith.constant 128 : i32
    %dma_start3A_258 = arith.constant 0 : i32
    %dma_start3A_259 = tpu.memref_slice %arg5[%arg0, %add3A_244, %dma_start3A_258] : memref<2x10240x32xf32, #tpu.memory_space<hbm>> -> memref<1x128x32xf32, #tpu.memory_space<hbm>>
    %dma_start3A_260 = tpu.memref_squeeze %dma_start3A_259 : memref<1x128x32xf32, #tpu.memory_space<hbm>> -> memref<128x32xf32, #tpu.memory_space<hbm>>
    %dma_start3A_261 = arith.constant 0 : i32
    %dma_start3A_262 = tpu.memref_slice %arg5[%arg0, %add3A_244, %dma_start3A_261] : memref<2x10240x32xf32, #tpu.memory_space<hbm>> -> memref<1x128x32xf32, #tpu.memory_space<hbm>>
    %dma_start3A_263 = tpu.memref_squeeze %dma_start3A_262 : memref<1x128x32xf32, #tpu.memory_space<hbm>> -> memref<128x32xf32, #tpu.memory_space<hbm>>
    tpu.enqueue_dma source(%arg16 : memref<128x32xf32, #tpu.memory_space<vmem>>) target(%dma_start3A_263 : memref<128x32xf32, #tpu.memory_space<hbm>>) target_semaphore(%arg30 : memref<!tpu.dma_semaphore, #tpu.memory_space<semaphore_mem>>)
    %dma_start3A_264 = arith.constant 0 : i32
    %dma_start3A_265 = tpu.memref_slice %arg10[%add3A_244, %dma_start3A_264] : memref<10240x32xf32, #tpu.memory_space<vmem_shared>> -> memref<128x32xf32, #tpu.memory_space<vmem_shared>>
    %dma_start3A_266 = arith.constant 0 : i32
    %dma_start3A_267 = tpu.memref_slice %arg10[%add3A_244, %dma_start3A_266] : memref<10240x32xf32, #tpu.memory_space<vmem_shared>> -> memref<128x32xf32, #tpu.memory_space<vmem_shared>>
    tpu.enqueue_dma source(%arg16 : memref<128x32xf32, #tpu.memory_space<vmem>>) target(%dma_start3A_267 : memref<128x32xf32, #tpu.memory_space<vmem_shared>>) target_semaphore(%arg31 : memref<!tpu.dma_semaphore, #tpu.memory_space<semaphore_mem>>)
    %dma_start3A_268 = arith.constant 0 : i32
    %dma_start3A_269 = tpu.memref_slice %arg9[%add3A_244, %dma_start3A_268] : memref<10240x32xf32, #tpu.memory_space<vmem_shared>> -> memref<128x32xf32, #tpu.memory_space<vmem_shared>>
    %dma_start3A_270 = arith.constant 0 : i32
    %dma_start3A_271 = tpu.memref_slice %arg9[%add3A_244, %dma_start3A_270] : memref<10240x32xf32, #tpu.memory_space<vmem_shared>> -> memref<128x32xf32, #tpu.memory_space<vmem_shared>>
    tpu.enqueue_dma source(%arg14 : memref<128x32xf32, #tpu.memory_space<vmem>>) target(%dma_start3A_271 : memref<128x32xf32, #tpu.memory_space<vmem_shared>>) target_semaphore(%arg32 : memref<!tpu.dma_semaphore, #tpu.memory_space<semaphore_mem>>)
    %dma_wait3A_272 = arith.constant 0 : i32
    %dma_wait3A_273 = tpu.memref_slice %arg5[%arg0, %add3A_244, %dma_wait3A_272] : memref<2x10240x32xf32, #tpu.memory_space<hbm>> -> memref<1x128x32xf32, #tpu.memory_space<hbm>>
    %dma_wait3A_274 = tpu.memref_squeeze %dma_wait3A_273 : memref<1x128x32xf32, #tpu.memory_space<hbm>> -> memref<128x32xf32, #tpu.memory_space<hbm>>
    %dma_wait3A_275 = arith.constant 0 : i32
    %dma_wait3A_276 = tpu.memref_slice %arg5[%arg0, %add3A_244, %dma_wait3A_275] : memref<2x10240x32xf32, #tpu.memory_space<hbm>> -> memref<1x128x32xf32, #tpu.memory_space<hbm>>
    %dma_wait3A_277 = tpu.memref_squeeze %dma_wait3A_276 : memref<1x128x32xf32, #tpu.memory_space<hbm>> -> memref<128x32xf32, #tpu.memory_space<hbm>>
    tpu.wait_dma2 semaphore(%arg30 : memref<!tpu.dma_semaphore, #tpu.memory_space<semaphore_mem>>) src(%arg16 : memref<128x32xf32, #tpu.memory_space<vmem>>) dst(%dma_wait3A_277 : memref<128x32xf32, #tpu.memory_space<hbm>>)
    %dma_wait3A_278 = arith.constant 0 : i32
    %dma_wait3A_279 = tpu.memref_slice %arg10[%add3A_244, %dma_wait3A_278] : memref<10240x32xf32, #tpu.memory_space<vmem_shared>> -> memref<128x32xf32, #tpu.memory_space<vmem_shared>>
    %dma_wait3A_280 = arith.constant 0 : i32
    %dma_wait3A_281 = tpu.memref_slice %arg10[%add3A_244, %dma_wait3A_280] : memref<10240x32xf32, #tpu.memory_space<vmem_shared>> -> memref<128x32xf32, #tpu.memory_space<vmem_shared>>
    tpu.wait_dma2 semaphore(%arg31 : memref<!tpu.dma_semaphore, #tpu.memory_space<semaphore_mem>>) src(%arg16 : memref<128x32xf32, #tpu.memory_space<vmem>>) dst(%dma_wait3A_281 : memref<128x32xf32, #tpu.memory_space<vmem_shared>>)
    %dma_wait3A_282 = arith.constant 0 : i32
    %dma_wait3A_283 = tpu.memref_slice %arg9[%add3A_244, %dma_wait3A_282] : memref<10240x32xf32, #tpu.memory_space<vmem_shared>> -> memref<128x32xf32, #tpu.memory_space<vmem_shared>>
    %dma_wait3A_284 = arith.constant 0 : i32
    %dma_wait3A_285 = tpu.memref_slice %arg9[%add3A_244, %dma_wait3A_284] : memref<10240x32xf32, #tpu.memory_space<vmem_shared>> -> memref<128x32xf32, #tpu.memory_space<vmem_shared>>
    tpu.wait_dma2 semaphore(%arg32 : memref<!tpu.dma_semaphore, #tpu.memory_space<semaphore_mem>>) src(%arg14 : memref<128x32xf32, #tpu.memory_space<vmem>>) dst(%dma_wait3A_285 : memref<128x32xf32, #tpu.memory_space<vmem_shared>>)
    %add3A_286 = arith.constant 512 : i32
    %add3A_287 = arith.addi %mul3A_3, %add3A_286 : i32
    %dma_start3A_288 = arith.constant 0 : i32
    %dma_start3A_289 = tpu.memref_slice %arg9[%add3A_287, %dma_start3A_288] : memref<10240x32xf32, #tpu.memory_space<vmem_shared>> -> memref<128x32xf32, #tpu.memory_space<vmem_shared>>
    %dma_start3A_290 = arith.constant 0 : i32
    %dma_start3A_291 = tpu.memref_slice %arg9[%add3A_287, %dma_start3A_290] : memref<10240x32xf32, #tpu.memory_space<vmem_shared>> -> memref<128x32xf32, #tpu.memory_space<vmem_shared>>
    tpu.enqueue_dma source(%dma_start3A_291 : memref<128x32xf32, #tpu.memory_space<vmem_shared>>) target(%arg16 : memref<128x32xf32, #tpu.memory_space<vmem>>) target_semaphore(%arg22 : memref<!tpu.dma_semaphore, #tpu.memory_space<semaphore_mem>>)
    %dma_start3A_292 = arith.constant 0 : i32
    %dma_start3A_293 = tpu.memref_slice %arg13[%add3A_287, %dma_start3A_292] : memref<10240x16xf32, #tpu.memory_space<vmem_shared>> -> memref<128x16xf32, #tpu.memory_space<vmem_shared>>
    %dma_start3A_294 = arith.constant 0 : i32
    %dma_start3A_295 = tpu.memref_slice %arg13[%add3A_287, %dma_start3A_294] : memref<10240x16xf32, #tpu.memory_space<vmem_shared>> -> memref<128x16xf32, #tpu.memory_space<vmem_shared>>
    tpu.enqueue_dma source(%dma_start3A_295 : memref<128x16xf32, #tpu.memory_space<vmem_shared>>) target(%arg11 : memref<128x16xf32, #tpu.memory_space<vmem>>) target_semaphore(%arg38 : memref<!tpu.dma_semaphore, #tpu.memory_space<semaphore_mem>>)
    %add3A_296 = arith.constant 384 : i32
    %add3A_297 = arith.addi %mul3A_3, %add3A_296 : i32
    %dma_wait3A_298 = arith.constant 0 : i32
    %dma_wait3A_299 = tpu.memref_slice %arg9[%add3A_234, %dma_wait3A_298] : memref<10240x32xf32, #tpu.memory_space<vmem_shared>> -> memref<128x32xf32, #tpu.memory_space<vmem_shared>>
    %dma_wait3A_300 = arith.constant 0 : i32
    %dma_wait3A_301 = tpu.memref_slice %arg9[%add3A_234, %dma_wait3A_300] : memref<10240x32xf32, #tpu.memory_space<vmem_shared>> -> memref<128x32xf32, #tpu.memory_space<vmem_shared>>
    tpu.wait_dma2 semaphore(%arg23 : memref<!tpu.dma_semaphore, #tpu.memory_space<semaphore_mem>>) src(%dma_wait3A_301 : memref<128x32xf32, #tpu.memory_space<vmem_shared>>) dst(%arg17 : memref<128x32xf32, #tpu.memory_space<vmem>>)
    %dma_wait3A_302 = arith.constant 0 : i32
    %dma_wait3A_303 = tpu.memref_slice %arg13[%add3A_234, %dma_wait3A_302] : memref<10240x16xf32, #tpu.memory_space<vmem_shared>> -> memref<128x16xf32, #tpu.memory_space<vmem_shared>>
    %dma_wait3A_304 = arith.constant 0 : i32
    %dma_wait3A_305 = tpu.memref_slice %arg13[%add3A_234, %dma_wait3A_304] : memref<10240x16xf32, #tpu.memory_space<vmem_shared>> -> memref<128x16xf32, #tpu.memory_space<vmem_shared>>
    tpu.wait_dma2 semaphore(%arg39 : memref<!tpu.dma_semaphore, #tpu.memory_space<semaphore_mem>>) src(%dma_wait3A_305 : memref<128x16xf32, #tpu.memory_space<vmem_shared>>) dst(%arg12 : memref<128x16xf32, #tpu.memory_space<vmem>>)
    %scan3A_306 = arith.constant 0 : i32
    %scan3A_307 = arith.constant 128 : i32
    %scan3A_308 = arith.addi %scan3A_306, %scan3A_307 : i32
    %scan3A_309 = arith.constant 1 : i32
    scf.for %scan3A_630 = %scan3A_306 to %scan3A_308 step %scan3A_309  : i32 {
      %mul3A_631 = arith.constant 1 : i32
      %mul3A_632 = arith.muli %scan3A_630, %mul3A_631 : i32
      %add3A_633 = arith.constant 0 : i32
      %add3A_634 = arith.addi %add3A_633, %mul3A_632 : i32
      %get3A = arith.index_cast %add3A_634 : i32 to index
      %get3A_635 = arith.constant 0 : index
      %get3A_636 = tpu.vector_load %arg12[%get3A, %get3A_635] {strides = array<i32>} : memref<128x16xf32, #tpu.memory_space<vmem>>, vector<1x16xf32>,
      %get3A_637 = vector.shape_cast %get3A_636 : vector<1x16xf32> to vector<16xf32>
      %gt3A = arith.constant 0.000000e+00 : f32
      %gt3A_638 = vector.broadcast %gt3A : f32 to vector<16xf32>
      %gt3A_639 = arith.cmpf ogt, %get3A_637, %gt3A_638 : vector<16xf32>
      %div3A = arith.constant 1.000000e+00 : f32
      %div3A_640 = vector.broadcast %div3A : f32 to vector<16xf32>
      %div3A_641 = arith.divf %div3A_640, %get3A_637 : vector<16xf32>
      %jit3A = arith.constant 0.000000e+00 : f32
      %broadcast_in_dim3A_642 = vector.broadcast %jit3A : f32 to vector<16xf32>
      %select_n3A = arith.select %gt3A_639, %div3A_641, %broadcast_in_dim3A_642 : vector<16xi1>, vector<16xf32>
      %get3A_643 = arith.index_cast %add3A_634 : i32 to index
      %get3A_644 = arith.constant 0 : index
      %get3A_645 = tpu.vector_load %arg17[%get3A_643, %get3A_644] {strides = array<i32>} : memref<128x32xf32, #tpu.memory_space<vmem>>, vector<1x16xf32>,
      %get3A_646 = vector.shape_cast %get3A_645 : vector<1x16xf32> to vector<16xf32>
      %mul3A_647 = arith.mulf %get3A_646, %select_n3A : vector<16xf32>
      %swap3A = arith.index_cast %add3A_634 : i32 to index
      %swap3A_648 = arith.constant 0 : index
      %swap3A_649 = tpu.vector_load %arg17[%swap3A, %swap3A_648] {strides = array<i32>} : memref<128x32xf32, #tpu.memory_space<vmem>>, vector<1x16xf32>,
      %swap3A_650 = vector.shape_cast %swap3A_649 : vector<1x16xf32> to vector<16xf32>
      %swap3A_651 = vector.shape_cast %mul3A_647 : vector<16xf32> to vector<1x16xf32>
      tpu.vector_store %arg17[%swap3A, %swap3A_648], %swap3A_651 {strides = array<i32>} : memref<128x32xf32, #tpu.memory_space<vmem>>, vector<1x16xf32>,
      %get3A_652 = arith.index_cast %add3A_634 : i32 to index
      %get3A_653 = arith.constant 16 : index
      %get3A_654 = tpu.vector_load %arg17[%get3A_652, %get3A_653] {strides = array<i32>} : memref<128x32xf32, #tpu.memory_space<vmem>>, vector<1x16xf32>,
      %get3A_655 = vector.shape_cast %get3A_654 : vector<1x16xf32> to vector<16xf32>
      %mul3A_656 = arith.mulf %get3A_655, %select_n3A : vector<16xf32>
      %swap3A_657 = arith.index_cast %add3A_634 : i32 to index
      %swap3A_658 = arith.constant 16 : index
      %swap3A_659 = tpu.vector_load %arg17[%swap3A_657, %swap3A_658] {strides = array<i32>} : memref<128x32xf32, #tpu.memory_space<vmem>>, vector<1x16xf32>,
      %swap3A_660 = vector.shape_cast %swap3A_659 : vector<1x16xf32> to vector<16xf32>
      %swap3A_661 = vector.shape_cast %mul3A_656 : vector<16xf32> to vector<1x16xf32>
      tpu.vector_store %arg17[%swap3A_657, %swap3A_658], %swap3A_661 {strides = array<i32>} : memref<128x32xf32, #tpu.memory_space<vmem>>, vector<1x16xf32>,
    }
    %scan3A_310 = arith.constant 128 : i32
    %dma_start3A_311 = arith.constant 0 : i32
    %dma_start3A_312 = tpu.memref_slice %arg5[%arg0, %add3A_297, %dma_start3A_311] : memref<2x10240x32xf32, #tpu.memory_space<hbm>> -> memref<1x128x32xf32, #tpu.memory_space<hbm>>
    %dma_start3A_313 = tpu.memref_squeeze %dma_start3A_312 : memref<1x128x32xf32, #tpu.memory_space<hbm>> -> memref<128x32xf32, #tpu.memory_space<hbm>>
    %dma_start3A_314 = arith.constant 0 : i32
    %dma_start3A_315 = tpu.memref_slice %arg5[%arg0, %add3A_297, %dma_start3A_314] : memref<2x10240x32xf32, #tpu.memory_space<hbm>> -> memref<1x128x32xf32, #tpu.memory_space<hbm>>
    %dma_start3A_316 = tpu.memref_squeeze %dma_start3A_315 : memref<1x128x32xf32, #tpu.memory_space<hbm>> -> memref<128x32xf32, #tpu.memory_space<hbm>>
    tpu.enqueue_dma source(%arg17 : memref<128x32xf32, #tpu.memory_space<vmem>>) target(%dma_start3A_316 : memref<128x32xf32, #tpu.memory_space<hbm>>) target_semaphore(%arg30 : memref<!tpu.dma_semaphore, #tpu.memory_space<semaphore_mem>>)
    %dma_start3A_317 = arith.constant 0 : i32
    %dma_start3A_318 = tpu.memref_slice %arg10[%add3A_297, %dma_start3A_317] : memref<10240x32xf32, #tpu.memory_space<vmem_shared>> -> memref<128x32xf32, #tpu.memory_space<vmem_shared>>
    %dma_start3A_319 = arith.constant 0 : i32
    %dma_start3A_320 = tpu.memref_slice %arg10[%add3A_297, %dma_start3A_319] : memref<10240x32xf32, #tpu.memory_space<vmem_shared>> -> memref<128x32xf32, #tpu.memory_space<vmem_shared>>
    tpu.enqueue_dma source(%arg17 : memref<128x32xf32, #tpu.memory_space<vmem>>) target(%dma_start3A_320 : memref<128x32xf32, #tpu.memory_space<vmem_shared>>) target_semaphore(%arg31 : memref<!tpu.dma_semaphore, #tpu.memory_space<semaphore_mem>>)
    %dma_start3A_321 = arith.constant 0 : i32
    %dma_start3A_322 = tpu.memref_slice %arg9[%add3A_297, %dma_start3A_321] : memref<10240x32xf32, #tpu.memory_space<vmem_shared>> -> memref<128x32xf32, #tpu.memory_space<vmem_shared>>
    %dma_start3A_323 = arith.constant 0 : i32
    %dma_start3A_324 = tpu.memref_slice %arg9[%add3A_297, %dma_start3A_323] : memref<10240x32xf32, #tpu.memory_space<vmem_shared>> -> memref<128x32xf32, #tpu.memory_space<vmem_shared>>
    tpu.enqueue_dma source(%arg14 : memref<128x32xf32, #tpu.memory_space<vmem>>) target(%dma_start3A_324 : memref<128x32xf32, #tpu.memory_space<vmem_shared>>) target_semaphore(%arg32 : memref<!tpu.dma_semaphore, #tpu.memory_space<semaphore_mem>>)
    %add3A_325 = arith.constant 512 : i32
    %add3A_326 = arith.addi %mul3A_3, %add3A_325 : i32
    %dma_wait3A_327 = arith.constant 0 : i32
    %dma_wait3A_328 = tpu.memref_slice %arg9[%add3A_287, %dma_wait3A_327] : memref<10240x32xf32, #tpu.memory_space<vmem_shared>> -> memref<128x32xf32, #tpu.memory_space<vmem_shared>>
    %dma_wait3A_329 = arith.constant 0 : i32
    %dma_wait3A_330 = tpu.memref_slice %arg9[%add3A_287, %dma_wait3A_329] : memref<10240x32xf32, #tpu.memory_space<vmem_shared>> -> memref<128x32xf32, #tpu.memory_space<vmem_shared>>
    tpu.wait_dma2 semaphore(%arg22 : memref<!tpu.dma_semaphore, #tpu.memory_space<semaphore_mem>>) src(%dma_wait3A_330 : memref<128x32xf32, #tpu.memory_space<vmem_shared>>) dst(%arg16 : memref<128x32xf32, #tpu.memory_space<vmem>>)
    %dma_wait3A_331 = arith.constant 0 : i32
    %dma_wait3A_332 = tpu.memref_slice %arg13[%add3A_287, %dma_wait3A_331] : memref<10240x16xf32, #tpu.memory_space<vmem_shared>> -> memref<128x16xf32, #tpu.memory_space<vmem_shared>>
    %dma_wait3A_333 = arith.constant 0 : i32
    %dma_wait3A_334 = tpu.memref_slice %arg13[%add3A_287, %dma_wait3A_333] : memref<10240x16xf32, #tpu.memory_space<vmem_shared>> -> memref<128x16xf32, #tpu.memory_space<vmem_shared>>
    tpu.wait_dma2 semaphore(%arg38 : memref<!tpu.dma_semaphore, #tpu.memory_space<semaphore_mem>>) src(%dma_wait3A_334 : memref<128x16xf32, #tpu.memory_space<vmem_shared>>) dst(%arg11 : memref<128x16xf32, #tpu.memory_space<vmem>>)
    %scan3A_335 = arith.constant 0 : i32
    %scan3A_336 = arith.constant 128 : i32
    %scan3A_337 = arith.addi %scan3A_335, %scan3A_336 : i32
    %scan3A_338 = arith.constant 1 : i32
    scf.for %scan3A_630 = %scan3A_335 to %scan3A_337 step %scan3A_338  : i32 {
      %mul3A_631 = arith.constant 1 : i32
      %mul3A_632 = arith.muli %scan3A_630, %mul3A_631 : i32
      %add3A_633 = arith.constant 0 : i32
      %add3A_634 = arith.addi %add3A_633, %mul3A_632 : i32
      %get3A = arith.index_cast %add3A_634 : i32 to index
      %get3A_635 = arith.constant 0 : index
      %get3A_636 = tpu.vector_load %arg11[%get3A, %get3A_635] {strides = array<i32>} : memref<128x16xf32, #tpu.memory_space<vmem>>, vector<1x16xf32>,
      %get3A_637 = vector.shape_cast %get3A_636 : vector<1x16xf32> to vector<16xf32>
      %gt3A = arith.constant 0.000000e+00 : f32
      %gt3A_638 = vector.broadcast %gt3A : f32 to vector<16xf32>
      %gt3A_639 = arith.cmpf ogt, %get3A_637, %gt3A_638 : vector<16xf32>
      %div3A = arith.constant 1.000000e+00 : f32
      %div3A_640 = vector.broadcast %div3A : f32 to vector<16xf32>
      %div3A_641 = arith.divf %div3A_640, %get3A_637 : vector<16xf32>
      %jit3A = arith.constant 0.000000e+00 : f32
      %broadcast_in_dim3A_642 = vector.broadcast %jit3A : f32 to vector<16xf32>
      %select_n3A = arith.select %gt3A_639, %div3A_641, %broadcast_in_dim3A_642 : vector<16xi1>, vector<16xf32>
      %get3A_643 = arith.index_cast %add3A_634 : i32 to index
      %get3A_644 = arith.constant 0 : index
      %get3A_645 = tpu.vector_load %arg16[%get3A_643, %get3A_644] {strides = array<i32>} : memref<128x32xf32, #tpu.memory_space<vmem>>, vector<1x16xf32>,
      %get3A_646 = vector.shape_cast %get3A_645 : vector<1x16xf32> to vector<16xf32>
      %mul3A_647 = arith.mulf %get3A_646, %select_n3A : vector<16xf32>
      %swap3A = arith.index_cast %add3A_634 : i32 to index
      %swap3A_648 = arith.constant 0 : index
      %swap3A_649 = tpu.vector_load %arg16[%swap3A, %swap3A_648] {strides = array<i32>} : memref<128x32xf32, #tpu.memory_space<vmem>>, vector<1x16xf32>,
      %swap3A_650 = vector.shape_cast %swap3A_649 : vector<1x16xf32> to vector<16xf32>
      %swap3A_651 = vector.shape_cast %mul3A_647 : vector<16xf32> to vector<1x16xf32>
      tpu.vector_store %arg16[%swap3A, %swap3A_648], %swap3A_651 {strides = array<i32>} : memref<128x32xf32, #tpu.memory_space<vmem>>, vector<1x16xf32>,
      %get3A_652 = arith.index_cast %add3A_634 : i32 to index
      %get3A_653 = arith.constant 16 : index
      %get3A_654 = tpu.vector_load %arg16[%get3A_652, %get3A_653] {strides = array<i32>} : memref<128x32xf32, #tpu.memory_space<vmem>>, vector<1x16xf32>,
      %get3A_655 = vector.shape_cast %get3A_654 : vector<1x16xf32> to vector<16xf32>
      %mul3A_656 = arith.mulf %get3A_655, %select_n3A : vector<16xf32>
      %swap3A_657 = arith.index_cast %add3A_634 : i32 to index
      %swap3A_658 = arith.constant 16 : index
      %swap3A_659 = tpu.vector_load %arg16[%swap3A_657, %swap3A_658] {strides = array<i32>} : memref<128x32xf32, #tpu.memory_space<vmem>>, vector<1x16xf32>,
      %swap3A_660 = vector.shape_cast %swap3A_659 : vector<1x16xf32> to vector<16xf32>
      %swap3A_661 = vector.shape_cast %mul3A_656 : vector<16xf32> to vector<1x16xf32>
      tpu.vector_store %arg16[%swap3A_657, %swap3A_658], %swap3A_661 {strides = array<i32>} : memref<128x32xf32, #tpu.memory_space<vmem>>, vector<1x16xf32>,
    }
    %scan3A_339 = arith.constant 128 : i32
    %dma_start3A_340 = arith.constant 0 : i32
    %dma_start3A_341 = tpu.memref_slice %arg5[%arg0, %add3A_326, %dma_start3A_340] : memref<2x10240x32xf32, #tpu.memory_space<hbm>> -> memref<1x128x32xf32, #tpu.memory_space<hbm>>
    %dma_start3A_342 = tpu.memref_squeeze %dma_start3A_341 : memref<1x128x32xf32, #tpu.memory_space<hbm>> -> memref<128x32xf32, #tpu.memory_space<hbm>>
    %dma_start3A_343 = arith.constant 0 : i32
    %dma_start3A_344 = tpu.memref_slice %arg5[%arg0, %add3A_326, %dma_start3A_343] : memref<2x10240x32xf32, #tpu.memory_space<hbm>> -> memref<1x128x32xf32, #tpu.memory_space<hbm>>
    %dma_start3A_345 = tpu.memref_squeeze %dma_start3A_344 : memref<1x128x32xf32, #tpu.memory_space<hbm>> -> memref<128x32xf32, #tpu.memory_space<hbm>>
    tpu.enqueue_dma source(%arg16 : memref<128x32xf32, #tpu.memory_space<vmem>>) target(%dma_start3A_345 : memref<128x32xf32, #tpu.memory_space<hbm>>) target_semaphore(%arg30 : memref<!tpu.dma_semaphore, #tpu.memory_space<semaphore_mem>>)
    %dma_start3A_346 = arith.constant 0 : i32
    %dma_start3A_347 = tpu.memref_slice %arg10[%add3A_326, %dma_start3A_346] : memref<10240x32xf32, #tpu.memory_space<vmem_shared>> -> memref<128x32xf32, #tpu.memory_space<vmem_shared>>
    %dma_start3A_348 = arith.constant 0 : i32
    %dma_start3A_349 = tpu.memref_slice %arg10[%add3A_326, %dma_start3A_348] : memref<10240x32xf32, #tpu.memory_space<vmem_shared>> -> memref<128x32xf32, #tpu.memory_space<vmem_shared>>
    tpu.enqueue_dma source(%arg16 : memref<128x32xf32, #tpu.memory_space<vmem>>) target(%dma_start3A_349 : memref<128x32xf32, #tpu.memory_space<vmem_shared>>) target_semaphore(%arg31 : memref<!tpu.dma_semaphore, #tpu.memory_space<semaphore_mem>>)
    %dma_start3A_350 = arith.constant 0 : i32
    %dma_start3A_351 = tpu.memref_slice %arg9[%add3A_326, %dma_start3A_350] : memref<10240x32xf32, #tpu.memory_space<vmem_shared>> -> memref<128x32xf32, #tpu.memory_space<vmem_shared>>
    %dma_start3A_352 = arith.constant 0 : i32
    %dma_start3A_353 = tpu.memref_slice %arg9[%add3A_326, %dma_start3A_352] : memref<10240x32xf32, #tpu.memory_space<vmem_shared>> -> memref<128x32xf32, #tpu.memory_space<vmem_shared>>
    tpu.enqueue_dma source(%arg14 : memref<128x32xf32, #tpu.memory_space<vmem>>) target(%dma_start3A_353 : memref<128x32xf32, #tpu.memory_space<vmem_shared>>) target_semaphore(%arg32 : memref<!tpu.dma_semaphore, #tpu.memory_space<semaphore_mem>>)
    %dma_wait3A_354 = arith.constant 0 : i32
    %dma_wait3A_355 = tpu.memref_slice %arg5[%arg0, %add3A_297, %dma_wait3A_354] : memref<2x10240x32xf32, #tpu.memory_space<hbm>> -> memref<1x128x32xf32, #tpu.memory_space<hbm>>
    %dma_wait3A_356 = tpu.memref_squeeze %dma_wait3A_355 : memref<1x128x32xf32, #tpu.memory_space<hbm>> -> memref<128x32xf32, #tpu.memory_space<hbm>>
    %dma_wait3A_357 = arith.constant 0 : i32
    %dma_wait3A_358 = tpu.memref_slice %arg5[%arg0, %add3A_297, %dma_wait3A_357] : memref<2x10240x32xf32, #tpu.memory_space<hbm>> -> memref<1x128x32xf32, #tpu.memory_space<hbm>>
    %dma_wait3A_359 = tpu.memref_squeeze %dma_wait3A_358 : memref<1x128x32xf32, #tpu.memory_space<hbm>> -> memref<128x32xf32, #tpu.memory_space<hbm>>
    tpu.wait_dma2 semaphore(%arg30 : memref<!tpu.dma_semaphore, #tpu.memory_space<semaphore_mem>>) src(%arg17 : memref<128x32xf32, #tpu.memory_space<vmem>>) dst(%dma_wait3A_359 : memref<128x32xf32, #tpu.memory_space<hbm>>)
    %dma_wait3A_360 = arith.constant 0 : i32
    %dma_wait3A_361 = tpu.memref_slice %arg10[%add3A_297, %dma_wait3A_360] : memref<10240x32xf32, #tpu.memory_space<vmem_shared>> -> memref<128x32xf32, #tpu.memory_space<vmem_shared>>
    %dma_wait3A_362 = arith.constant 0 : i32
    %dma_wait3A_363 = tpu.memref_slice %arg10[%add3A_297, %dma_wait3A_362] : memref<10240x32xf32, #tpu.memory_space<vmem_shared>> -> memref<128x32xf32, #tpu.memory_space<vmem_shared>>
    tpu.wait_dma2 semaphore(%arg31 : memref<!tpu.dma_semaphore, #tpu.memory_space<semaphore_mem>>) src(%arg17 : memref<128x32xf32, #tpu.memory_space<vmem>>) dst(%dma_wait3A_363 : memref<128x32xf32, #tpu.memory_space<vmem_shared>>)
    %dma_wait3A_364 = arith.constant 0 : i32
    %dma_wait3A_365 = tpu.memref_slice %arg9[%add3A_297, %dma_wait3A_364] : memref<10240x32xf32, #tpu.memory_space<vmem_shared>> -> memref<128x32xf32, #tpu.memory_space<vmem_shared>>
    %dma_wait3A_366 = arith.constant 0 : i32
    %dma_wait3A_367 = tpu.memref_slice %arg9[%add3A_297, %dma_wait3A_366] : memref<10240x32xf32, #tpu.memory_space<vmem_shared>> -> memref<128x32xf32, #tpu.memory_space<vmem_shared>>
    tpu.wait_dma2 semaphore(%arg32 : memref<!tpu.dma_semaphore, #tpu.memory_space<semaphore_mem>>) src(%arg14 : memref<128x32xf32, #tpu.memory_space<vmem>>) dst(%dma_wait3A_367 : memref<128x32xf32, #tpu.memory_space<vmem_shared>>)
    %dma_wait3A_368 = arith.constant 0 : i32
    %dma_wait3A_369 = tpu.memref_slice %arg5[%arg0, %add3A_326, %dma_wait3A_368] : memref<2x10240x32xf32, #tpu.memory_space<hbm>> -> memref<1x128x32xf32, #tpu.memory_space<hbm>>
    %dma_wait3A_370 = tpu.memref_squeeze %dma_wait3A_369 : memref<1x128x32xf32, #tpu.memory_space<hbm>> -> memref<128x32xf32, #tpu.memory_space<hbm>>
    %dma_wait3A_371 = arith.constant 0 : i32
    %dma_wait3A_372 = tpu.memref_slice %arg5[%arg0, %add3A_326, %dma_wait3A_371] : memref<2x10240x32xf32, #tpu.memory_space<hbm>> -> memref<1x128x32xf32, #tpu.memory_space<hbm>>
    %dma_wait3A_373 = tpu.memref_squeeze %dma_wait3A_372 : memref<1x128x32xf32, #tpu.memory_space<hbm>> -> memref<128x32xf32, #tpu.memory_space<hbm>>
    tpu.wait_dma2 semaphore(%arg30 : memref<!tpu.dma_semaphore, #tpu.memory_space<semaphore_mem>>) src(%arg16 : memref<128x32xf32, #tpu.memory_space<vmem>>) dst(%dma_wait3A_373 : memref<128x32xf32, #tpu.memory_space<hbm>>)
    %dma_wait3A_374 = arith.constant 0 : i32
    %dma_wait3A_375 = tpu.memref_slice %arg10[%add3A_326, %dma_wait3A_374] : memref<10240x32xf32, #tpu.memory_space<vmem_shared>> -> memref<128x32xf32, #tpu.memory_space<vmem_shared>>
    %dma_wait3A_376 = arith.constant 0 : i32
    %dma_wait3A_377 = tpu.memref_slice %arg10[%add3A_326, %dma_wait3A_376] : memref<10240x32xf32, #tpu.memory_space<vmem_shared>> -> memref<128x32xf32, #tpu.memory_space<vmem_shared>>
    tpu.wait_dma2 semaphore(%arg31 : memref<!tpu.dma_semaphore, #tpu.memory_space<semaphore_mem>>) src(%arg16 : memref<128x32xf32, #tpu.memory_space<vmem>>) dst(%dma_wait3A_377 : memref<128x32xf32, #tpu.memory_space<vmem_shared>>)
    %dma_wait3A_378 = arith.constant 0 : i32
    %dma_wait3A_379 = tpu.memref_slice %arg9[%add3A_326, %dma_wait3A_378] : memref<10240x32xf32, #tpu.memory_space<vmem_shared>> -> memref<128x32xf32, #tpu.memory_space<vmem_shared>>
    %dma_wait3A_380 = arith.constant 0 : i32
    %dma_wait3A_381 = tpu.memref_slice %arg9[%add3A_326, %dma_wait3A_380] : memref<10240x32xf32, #tpu.memory_space<vmem_shared>> -> memref<128x32xf32, #tpu.memory_space<vmem_shared>>
    tpu.wait_dma2 semaphore(%arg32 : memref<!tpu.dma_semaphore, #tpu.memory_space<semaphore_mem>>) src(%arg14 : memref<128x32xf32, #tpu.memory_space<vmem>>) dst(%dma_wait3A_381 : memref<128x32xf32, #tpu.memory_space<vmem_shared>>)
    %barrier3A_382 = arith.constant 0 : index
    tpu.barrier barrier_id(%barrier3A_382)
    %dma_start3A_383 = arith.constant 0 : i32
    %dma_start3A_384 = arith.constant 0 : i32
    %dma_start3A_385 = tpu.memref_slice %arg7[%dma_start3A_383, %dma_start3A_384] : memref<160x128xi32, #tpu.memory_space<vmem>> -> memref<1x128xi32, #tpu.memory_space<vmem>>
    %dma_start3A_386 = tpu.memref_squeeze %dma_start3A_385 : memref<1x128xi32, #tpu.memory_space<vmem>> -> memref<128xi32, #tpu.memory_space<vmem>>
    %dma_start3A_387 = arith.constant 0 : i32
    %dma_start3A_388 = arith.constant 0 : i32
    %dma_start3A_389 = tpu.memref_slice %arg10[%dma_start3A_387, %dma_start3A_388] : memref<10240x32xf32, #tpu.memory_space<vmem_shared>> -> memref<10240x32xf32, #tpu.memory_space<vmem_shared>>
    tpu.enqueue_indirect_dma source(%dma_start3A_389 : memref<10240x32xf32, #tpu.memory_space<vmem_shared>>) target(%arg14 : memref<128x32xf32, #tpu.memory_space<vmem>>) offsets(%dma_start3A_386 : memref<128xi32, #tpu.memory_space<vmem>>) semaphore(%arg22 : memref<!tpu.dma_semaphore, #tpu.memory_space<semaphore_mem>>)
    %dma_start3A_390 = arith.constant 1 : i32
    %dma_start3A_391 = arith.constant 0 : i32
    %dma_start3A_392 = tpu.memref_slice %arg7[%dma_start3A_390, %dma_start3A_391] : memref<160x128xi32, #tpu.memory_space<vmem>> -> memref<1x128xi32, #tpu.memory_space<vmem>>
    %dma_start3A_393 = tpu.memref_squeeze %dma_start3A_392 : memref<1x128xi32, #tpu.memory_space<vmem>> -> memref<128xi32, #tpu.memory_space<vmem>>
    %dma_start3A_394 = arith.constant 0 : i32
    %dma_start3A_395 = arith.constant 0 : i32
    %dma_start3A_396 = tpu.memref_slice %arg10[%dma_start3A_394, %dma_start3A_395] : memref<10240x32xf32, #tpu.memory_space<vmem_shared>> -> memref<10240x32xf32, #tpu.memory_space<vmem_shared>>
    tpu.enqueue_indirect_dma source(%dma_start3A_396 : memref<10240x32xf32, #tpu.memory_space<vmem_shared>>) target(%arg15 : memref<128x32xf32, #tpu.memory_space<vmem>>) offsets(%dma_start3A_393 : memref<128xi32, #tpu.memory_space<vmem>>) semaphore(%arg23 : memref<!tpu.dma_semaphore, #tpu.memory_space<semaphore_mem>>)
    %dma_start3A_397 = arith.constant 2 : i32
    %dma_start3A_398 = arith.constant 0 : i32
    %dma_start3A_399 = tpu.memref_slice %arg7[%dma_start3A_397, %dma_start3A_398] : memref<160x128xi32, #tpu.memory_space<vmem>> -> memref<1x128xi32, #tpu.memory_space<vmem>>
    %dma_start3A_400 = tpu.memref_squeeze %dma_start3A_399 : memref<1x128xi32, #tpu.memory_space<vmem>> -> memref<128xi32, #tpu.memory_space<vmem>>
    %dma_start3A_401 = arith.constant 0 : i32
    %dma_start3A_402 = arith.constant 0 : i32
    %dma_start3A_403 = tpu.memref_slice %arg10[%dma_start3A_401, %dma_start3A_402] : memref<10240x32xf32, #tpu.memory_space<vmem_shared>> -> memref<10240x32xf32, #tpu.memory_space<vmem_shared>>
    tpu.enqueue_indirect_dma source(%dma_start3A_403 : memref<10240x32xf32, #tpu.memory_space<vmem_shared>>) target(%arg16 : memref<128x32xf32, #tpu.memory_space<vmem>>) offsets(%dma_start3A_400 : memref<128xi32, #tpu.memory_space<vmem>>) semaphore(%arg24 : memref<!tpu.dma_semaphore, #tpu.memory_space<semaphore_mem>>)
    %dma_start3A_404 = arith.constant 3 : i32
    %dma_start3A_405 = arith.constant 0 : i32
    %dma_start3A_406 = tpu.memref_slice %arg7[%dma_start3A_404, %dma_start3A_405] : memref<160x128xi32, #tpu.memory_space<vmem>> -> memref<1x128xi32, #tpu.memory_space<vmem>>
    %dma_start3A_407 = tpu.memref_squeeze %dma_start3A_406 : memref<1x128xi32, #tpu.memory_space<vmem>> -> memref<128xi32, #tpu.memory_space<vmem>>
    %dma_start3A_408 = arith.constant 0 : i32
    %dma_start3A_409 = arith.constant 0 : i32
    %dma_start3A_410 = tpu.memref_slice %arg10[%dma_start3A_408, %dma_start3A_409] : memref<10240x32xf32, #tpu.memory_space<vmem_shared>> -> memref<10240x32xf32, #tpu.memory_space<vmem_shared>>
    tpu.enqueue_indirect_dma source(%dma_start3A_410 : memref<10240x32xf32, #tpu.memory_space<vmem_shared>>) target(%arg17 : memref<128x32xf32, #tpu.memory_space<vmem>>) offsets(%dma_start3A_407 : memref<128xi32, #tpu.memory_space<vmem>>) semaphore(%arg25 : memref<!tpu.dma_semaphore, #tpu.memory_space<semaphore_mem>>)
    %dma_start3A_411 = arith.constant 4 : i32
    %dma_start3A_412 = arith.constant 0 : i32
    %dma_start3A_413 = tpu.memref_slice %arg7[%dma_start3A_411, %dma_start3A_412] : memref<160x128xi32, #tpu.memory_space<vmem>> -> memref<1x128xi32, #tpu.memory_space<vmem>>
    %dma_start3A_414 = tpu.memref_squeeze %dma_start3A_413 : memref<1x128xi32, #tpu.memory_space<vmem>> -> memref<128xi32, #tpu.memory_space<vmem>>
    %dma_start3A_415 = arith.constant 0 : i32
    %dma_start3A_416 = arith.constant 0 : i32
    %dma_start3A_417 = tpu.memref_slice %arg10[%dma_start3A_415, %dma_start3A_416] : memref<10240x32xf32, #tpu.memory_space<vmem_shared>> -> memref<10240x32xf32, #tpu.memory_space<vmem_shared>>
    tpu.enqueue_indirect_dma source(%dma_start3A_417 : memref<10240x32xf32, #tpu.memory_space<vmem_shared>>) target(%arg18 : memref<128x32xf32, #tpu.memory_space<vmem>>) offsets(%dma_start3A_414 : memref<128xi32, #tpu.memory_space<vmem>>) semaphore(%arg26 : memref<!tpu.dma_semaphore, #tpu.memory_space<semaphore_mem>>)
    %dma_start3A_418 = arith.constant 5 : i32
    %dma_start3A_419 = arith.constant 0 : i32
    %dma_start3A_420 = tpu.memref_slice %arg7[%dma_start3A_418, %dma_start3A_419] : memref<160x128xi32, #tpu.memory_space<vmem>> -> memref<1x128xi32, #tpu.memory_space<vmem>>
    %dma_start3A_421 = tpu.memref_squeeze %dma_start3A_420 : memref<1x128xi32, #tpu.memory_space<vmem>> -> memref<128xi32, #tpu.memory_space<vmem>>
    %dma_start3A_422 = arith.constant 0 : i32
    %dma_start3A_423 = arith.constant 0 : i32
    %dma_start3A_424 = tpu.memref_slice %arg10[%dma_start3A_422, %dma_start3A_423] : memref<10240x32xf32, #tpu.memory_space<vmem_shared>> -> memref<10240x32xf32, #tpu.memory_space<vmem_shared>>
    tpu.enqueue_indirect_dma source(%dma_start3A_424 : memref<10240x32xf32, #tpu.memory_space<vmem_shared>>) target(%arg19 : memref<128x32xf32, #tpu.memory_space<vmem>>) offsets(%dma_start3A_421 : memref<128xi32, #tpu.memory_space<vmem>>) semaphore(%arg27 : memref<!tpu.dma_semaphore, #tpu.memory_space<semaphore_mem>>)
    %dma_start3A_425 = arith.constant 6 : i32
    %dma_start3A_426 = arith.constant 0 : i32
    %dma_start3A_427 = tpu.memref_slice %arg7[%dma_start3A_425, %dma_start3A_426] : memref<160x128xi32, #tpu.memory_space<vmem>> -> memref<1x128xi32, #tpu.memory_space<vmem>>
    %dma_start3A_428 = tpu.memref_squeeze %dma_start3A_427 : memref<1x128xi32, #tpu.memory_space<vmem>> -> memref<128xi32, #tpu.memory_space<vmem>>
    %dma_start3A_429 = arith.constant 0 : i32
    %dma_start3A_430 = arith.constant 0 : i32
    %dma_start3A_431 = tpu.memref_slice %arg10[%dma_start3A_429, %dma_start3A_430] : memref<10240x32xf32, #tpu.memory_space<vmem_shared>> -> memref<10240x32xf32, #tpu.memory_space<vmem_shared>>
    tpu.enqueue_indirect_dma source(%dma_start3A_431 : memref<10240x32xf32, #tpu.memory_space<vmem_shared>>) target(%arg20 : memref<128x32xf32, #tpu.memory_space<vmem>>) offsets(%dma_start3A_428 : memref<128xi32, #tpu.memory_space<vmem>>) semaphore(%arg28 : memref<!tpu.dma_semaphore, #tpu.memory_space<semaphore_mem>>)
    %dma_start3A_432 = arith.constant 7 : i32
    %dma_start3A_433 = arith.constant 0 : i32
    %dma_start3A_434 = tpu.memref_slice %arg7[%dma_start3A_432, %dma_start3A_433] : memref<160x128xi32, #tpu.memory_space<vmem>> -> memref<1x128xi32, #tpu.memory_space<vmem>>
    %dma_start3A_435 = tpu.memref_squeeze %dma_start3A_434 : memref<1x128xi32, #tpu.memory_space<vmem>> -> memref<128xi32, #tpu.memory_space<vmem>>
    %dma_start3A_436 = arith.constant 0 : i32
    %dma_start3A_437 = arith.constant 0 : i32
    %dma_start3A_438 = tpu.memref_slice %arg10[%dma_start3A_436, %dma_start3A_437] : memref<10240x32xf32, #tpu.memory_space<vmem_shared>> -> memref<10240x32xf32, #tpu.memory_space<vmem_shared>>
    tpu.enqueue_indirect_dma source(%dma_start3A_438 : memref<10240x32xf32, #tpu.memory_space<vmem_shared>>) target(%arg21 : memref<128x32xf32, #tpu.memory_space<vmem>>) offsets(%dma_start3A_435 : memref<128xi32, #tpu.memory_space<vmem>>) semaphore(%arg29 : memref<!tpu.dma_semaphore, #tpu.memory_space<semaphore_mem>>)
    %scan3A_439 = arith.constant 0 : i32
    %scan3A_440 = arith.constant 20 : i32
    %scan3A_441 = arith.addi %scan3A_439, %scan3A_440 : i32
    %scan3A_442 = arith.constant 1 : i32
    scf.for %scan3A_630 = %scan3A_439 to %scan3A_441 step %scan3A_442  : i32 {
      %mul3A_631 = arith.constant 1 : i32
      %mul3A_632 = arith.muli %scan3A_630, %mul3A_631 : i32
      %add3A_633 = arith.constant 0 : i32
      %add3A_634 = arith.addi %add3A_633, %mul3A_632 : i32
      %mul3A_635 = arith.constant 8 : i32
      %mul3A_636 = arith.muli %add3A_634, %mul3A_635 : i32
      %add3A_637 = arith.constant 0 : i32
      %add3A_638 = arith.addi %mul3A_636, %add3A_637 : i32
      %dma_wait3A_639 = arith.constant 0 : i32
      %dma_wait3A_640 = tpu.memref_slice %arg7[%add3A_638, %dma_wait3A_639] : memref<160x128xi32, #tpu.memory_space<vmem>> -> memref<1x128xi32, #tpu.memory_space<vmem>>
      %dma_wait3A_641 = tpu.memref_squeeze %dma_wait3A_640 : memref<1x128xi32, #tpu.memory_space<vmem>> -> memref<128xi32, #tpu.memory_space<vmem>>
      %dma_wait3A_642 = arith.constant 0 : i32
      %dma_wait3A_643 = arith.constant 0 : i32
      %dma_wait3A_644 = tpu.memref_slice %arg10[%dma_wait3A_642, %dma_wait3A_643] : memref<10240x32xf32, #tpu.memory_space<vmem_shared>> -> memref<10240x32xf32, #tpu.memory_space<vmem_shared>>
      tpu.wait_indirect_dma semaphore(%arg22 : memref<!tpu.dma_semaphore, #tpu.memory_space<semaphore_mem>>) src(%dma_wait3A_644 : memref<10240x32xf32, #tpu.memory_space<vmem_shared>>) dst(%arg14 : memref<128x32xf32, #tpu.memory_space<vmem>>)
      %dma_start3A_645 = arith.constant 0 : i32
      %dma_start3A_646 = tpu.memref_slice %arg8[%add3A_638, %dma_start3A_645] : memref<160x128xi32, #tpu.memory_space<vmem>> -> memref<1x128xi32, #tpu.memory_space<vmem>>
      %dma_start3A_647 = tpu.memref_squeeze %dma_start3A_646 : memref<1x128xi32, #tpu.memory_space<vmem>> -> memref<128xi32, #tpu.memory_space<vmem>>
      %dma_start3A_648 = arith.constant 0 : i32
      %dma_start3A_649 = arith.constant 0 : i32
      %dma_start3A_650 = tpu.memref_slice %arg9[%dma_start3A_648, %dma_start3A_649] : memref<10240x32xf32, #tpu.memory_space<vmem_shared>> -> memref<10240x32xf32, #tpu.memory_space<vmem_shared>>
      tpu.enqueue_indirect_dma source(%arg14 : memref<128x32xf32, #tpu.memory_space<vmem>>) target(%dma_start3A_650 : memref<10240x32xf32, #tpu.memory_space<vmem_shared>>) offsets(%dma_start3A_647 : memref<128xi32, #tpu.memory_space<vmem>>) semaphore(%arg30 : memref<!tpu.dma_semaphore, #tpu.memory_space<semaphore_mem>>) {add = true}
      %add3A_651 = arith.constant 1 : i32
      %add3A_652 = arith.addi %mul3A_636, %add3A_651 : i32
      %dma_wait3A_653 = arith.constant 0 : i32
      %dma_wait3A_654 = tpu.memref_slice %arg7[%add3A_652, %dma_wait3A_653] : memref<160x128xi32, #tpu.memory_space<vmem>> -> memref<1x128xi32, #tpu.memory_space<vmem>>
      %dma_wait3A_655 = tpu.memref_squeeze %dma_wait3A_654 : memref<1x128xi32, #tpu.memory_space<vmem>> -> memref<128xi32, #tpu.memory_space<vmem>>
      %dma_wait3A_656 = arith.constant 0 : i32
      %dma_wait3A_657 = arith.constant 0 : i32
      %dma_wait3A_658 = tpu.memref_slice %arg10[%dma_wait3A_656, %dma_wait3A_657] : memref<10240x32xf32, #tpu.memory_space<vmem_shared>> -> memref<10240x32xf32, #tpu.memory_space<vmem_shared>>
      tpu.wait_indirect_dma semaphore(%arg23 : memref<!tpu.dma_semaphore, #tpu.memory_space<semaphore_mem>>) src(%dma_wait3A_658 : memref<10240x32xf32, #tpu.memory_space<vmem_shared>>) dst(%arg15 : memref<128x32xf32, #tpu.memory_space<vmem>>)
      %dma_start3A_659 = arith.constant 0 : i32
      %dma_start3A_660 = tpu.memref_slice %arg8[%add3A_652, %dma_start3A_659] : memref<160x128xi32, #tpu.memory_space<vmem>> -> memref<1x128xi32, #tpu.memory_space<vmem>>
      %dma_start3A_661 = tpu.memref_squeeze %dma_start3A_660 : memref<1x128xi32, #tpu.memory_space<vmem>> -> memref<128xi32, #tpu.memory_space<vmem>>
      %dma_start3A_662 = arith.constant 0 : i32
      %dma_start3A_663 = arith.constant 0 : i32
      %dma_start3A_664 = tpu.memref_slice %arg9[%dma_start3A_662, %dma_start3A_663] : memref<10240x32xf32, #tpu.memory_space<vmem_shared>> -> memref<10240x32xf32, #tpu.memory_space<vmem_shared>>
      tpu.enqueue_indirect_dma source(%arg15 : memref<128x32xf32, #tpu.memory_space<vmem>>) target(%dma_start3A_664 : memref<10240x32xf32, #tpu.memory_space<vmem_shared>>) offsets(%dma_start3A_661 : memref<128xi32, #tpu.memory_space<vmem>>) semaphore(%arg31 : memref<!tpu.dma_semaphore, #tpu.memory_space<semaphore_mem>>) {add = true}
      %add3A_665 = arith.constant 2 : i32
      %add3A_666 = arith.addi %mul3A_636, %add3A_665 : i32
      %dma_wait3A_667 = arith.constant 0 : i32
      %dma_wait3A_668 = tpu.memref_slice %arg7[%add3A_666, %dma_wait3A_667] : memref<160x128xi32, #tpu.memory_space<vmem>> -> memref<1x128xi32, #tpu.memory_space<vmem>>
      %dma_wait3A_669 = tpu.memref_squeeze %dma_wait3A_668 : memref<1x128xi32, #tpu.memory_space<vmem>> -> memref<128xi32, #tpu.memory_space<vmem>>
      %dma_wait3A_670 = arith.constant 0 : i32
      %dma_wait3A_671 = arith.constant 0 : i32
      %dma_wait3A_672 = tpu.memref_slice %arg10[%dma_wait3A_670, %dma_wait3A_671] : memref<10240x32xf32, #tpu.memory_space<vmem_shared>> -> memref<10240x32xf32, #tpu.memory_space<vmem_shared>>
      tpu.wait_indirect_dma semaphore(%arg24 : memref<!tpu.dma_semaphore, #tpu.memory_space<semaphore_mem>>) src(%dma_wait3A_672 : memref<10240x32xf32, #tpu.memory_space<vmem_shared>>) dst(%arg16 : memref<128x32xf32, #tpu.memory_space<vmem>>)
      %dma_start3A_673 = arith.constant 0 : i32
      %dma_start3A_674 = tpu.memref_slice %arg8[%add3A_666, %dma_start3A_673] : memref<160x128xi32, #tpu.memory_space<vmem>> -> memref<1x128xi32, #tpu.memory_space<vmem>>
      %dma_start3A_675 = tpu.memref_squeeze %dma_start3A_674 : memref<1x128xi32, #tpu.memory_space<vmem>> -> memref<128xi32, #tpu.memory_space<vmem>>
      %dma_start3A_676 = arith.constant 0 : i32
      %dma_start3A_677 = arith.constant 0 : i32
      %dma_start3A_678 = tpu.memref_slice %arg9[%dma_start3A_676, %dma_start3A_677] : memref<10240x32xf32, #tpu.memory_space<vmem_shared>> -> memref<10240x32xf32, #tpu.memory_space<vmem_shared>>
      tpu.enqueue_indirect_dma source(%arg16 : memref<128x32xf32, #tpu.memory_space<vmem>>) target(%dma_start3A_678 : memref<10240x32xf32, #tpu.memory_space<vmem_shared>>) offsets(%dma_start3A_675 : memref<128xi32, #tpu.memory_space<vmem>>) semaphore(%arg32 : memref<!tpu.dma_semaphore, #tpu.memory_space<semaphore_mem>>) {add = true}
      %add3A_679 = arith.constant 3 : i32
      %add3A_680 = arith.addi %mul3A_636, %add3A_679 : i32
      %dma_wait3A_681 = arith.constant 0 : i32
      %dma_wait3A_682 = tpu.memref_slice %arg7[%add3A_680, %dma_wait3A_681] : memref<160x128xi32, #tpu.memory_space<vmem>> -> memref<1x128xi32, #tpu.memory_space<vmem>>
      %dma_wait3A_683 = tpu.memref_squeeze %dma_wait3A_682 : memref<1x128xi32, #tpu.memory_space<vmem>> -> memref<128xi32, #tpu.memory_space<vmem>>
      %dma_wait3A_684 = arith.constant 0 : i32
      %dma_wait3A_685 = arith.constant 0 : i32
      %dma_wait3A_686 = tpu.memref_slice %arg10[%dma_wait3A_684, %dma_wait3A_685] : memref<10240x32xf32, #tpu.memory_space<vmem_shared>> -> memref<10240x32xf32, #tpu.memory_space<vmem_shared>>
      tpu.wait_indirect_dma semaphore(%arg25 : memref<!tpu.dma_semaphore, #tpu.memory_space<semaphore_mem>>) src(%dma_wait3A_686 : memref<10240x32xf32, #tpu.memory_space<vmem_shared>>) dst(%arg17 : memref<128x32xf32, #tpu.memory_space<vmem>>)
      %dma_start3A_687 = arith.constant 0 : i32
      %dma_start3A_688 = tpu.memref_slice %arg8[%add3A_680, %dma_start3A_687] : memref<160x128xi32, #tpu.memory_space<vmem>> -> memref<1x128xi32, #tpu.memory_space<vmem>>
      %dma_start3A_689 = tpu.memref_squeeze %dma_start3A_688 : memref<1x128xi32, #tpu.memory_space<vmem>> -> memref<128xi32, #tpu.memory_space<vmem>>
      %dma_start3A_690 = arith.constant 0 : i32
      %dma_start3A_691 = arith.constant 0 : i32
      %dma_start3A_692 = tpu.memref_slice %arg9[%dma_start3A_690, %dma_start3A_691] : memref<10240x32xf32, #tpu.memory_space<vmem_shared>> -> memref<10240x32xf32, #tpu.memory_space<vmem_shared>>
      tpu.enqueue_indirect_dma source(%arg17 : memref<128x32xf32, #tpu.memory_space<vmem>>) target(%dma_start3A_692 : memref<10240x32xf32, #tpu.memory_space<vmem_shared>>) offsets(%dma_start3A_689 : memref<128xi32, #tpu.memory_space<vmem>>) semaphore(%arg33 : memref<!tpu.dma_semaphore, #tpu.memory_space<semaphore_mem>>) {add = true}
      %add3A_693 = arith.constant 4 : i32
      %add3A_694 = arith.addi %mul3A_636, %add3A_693 : i32
      %dma_wait3A_695 = arith.constant 0 : i32
      %dma_wait3A_696 = tpu.memref_slice %arg7[%add3A_694, %dma_wait3A_695] : memref<160x128xi32, #tpu.memory_space<vmem>> -> memref<1x128xi32, #tpu.memory_space<vmem>>
      %dma_wait3A_697 = tpu.memref_squeeze %dma_wait3A_696 : memref<1x128xi32, #tpu.memory_space<vmem>> -> memref<128xi32, #tpu.memory_space<vmem>>
      %dma_wait3A_698 = arith.constant 0 : i32
      %dma_wait3A_699 = arith.constant 0 : i32
      %dma_wait3A_700 = tpu.memref_slice %arg10[%dma_wait3A_698, %dma_wait3A_699] : memref<10240x32xf32, #tpu.memory_space<vmem_shared>> -> memref<10240x32xf32, #tpu.memory_space<vmem_shared>>
      tpu.wait_indirect_dma semaphore(%arg26 : memref<!tpu.dma_semaphore, #tpu.memory_space<semaphore_mem>>) src(%dma_wait3A_700 : memref<10240x32xf32, #tpu.memory_space<vmem_shared>>) dst(%arg18 : memref<128x32xf32, #tpu.memory_space<vmem>>)
      %dma_start3A_701 = arith.constant 0 : i32
      %dma_start3A_702 = tpu.memref_slice %arg8[%add3A_694, %dma_start3A_701] : memref<160x128xi32, #tpu.memory_space<vmem>> -> memref<1x128xi32, #tpu.memory_space<vmem>>
      %dma_start3A_703 = tpu.memref_squeeze %dma_start3A_702 : memref<1x128xi32, #tpu.memory_space<vmem>> -> memref<128xi32, #tpu.memory_space<vmem>>
      %dma_start3A_704 = arith.constant 0 : i32
      %dma_start3A_705 = arith.constant 0 : i32
      %dma_start3A_706 = tpu.memref_slice %arg9[%dma_start3A_704, %dma_start3A_705] : memref<10240x32xf32, #tpu.memory_space<vmem_shared>> -> memref<10240x32xf32, #tpu.memory_space<vmem_shared>>
      tpu.enqueue_indirect_dma source(%arg18 : memref<128x32xf32, #tpu.memory_space<vmem>>) target(%dma_start3A_706 : memref<10240x32xf32, #tpu.memory_space<vmem_shared>>) offsets(%dma_start3A_703 : memref<128xi32, #tpu.memory_space<vmem>>) semaphore(%arg34 : memref<!tpu.dma_semaphore, #tpu.memory_space<semaphore_mem>>) {add = true}
      %add3A_707 = arith.constant 5 : i32
      %add3A_708 = arith.addi %mul3A_636, %add3A_707 : i32
      %dma_wait3A_709 = arith.constant 0 : i32
      %dma_wait3A_710 = tpu.memref_slice %arg7[%add3A_708, %dma_wait3A_709] : memref<160x128xi32, #tpu.memory_space<vmem>> -> memref<1x128xi32, #tpu.memory_space<vmem>>
      %dma_wait3A_711 = tpu.memref_squeeze %dma_wait3A_710 : memref<1x128xi32, #tpu.memory_space<vmem>> -> memref<128xi32, #tpu.memory_space<vmem>>
      %dma_wait3A_712 = arith.constant 0 : i32
      %dma_wait3A_713 = arith.constant 0 : i32
      %dma_wait3A_714 = tpu.memref_slice %arg10[%dma_wait3A_712, %dma_wait3A_713] : memref<10240x32xf32, #tpu.memory_space<vmem_shared>> -> memref<10240x32xf32, #tpu.memory_space<vmem_shared>>
      tpu.wait_indirect_dma semaphore(%arg27 : memref<!tpu.dma_semaphore, #tpu.memory_space<semaphore_mem>>) src(%dma_wait3A_714 : memref<10240x32xf32, #tpu.memory_space<vmem_shared>>) dst(%arg19 : memref<128x32xf32, #tpu.memory_space<vmem>>)
      %dma_start3A_715 = arith.constant 0 : i32
      %dma_start3A_716 = tpu.memref_slice %arg8[%add3A_708, %dma_start3A_715] : memref<160x128xi32, #tpu.memory_space<vmem>> -> memref<1x128xi32, #tpu.memory_space<vmem>>
      %dma_start3A_717 = tpu.memref_squeeze %dma_start3A_716 : memref<1x128xi32, #tpu.memory_space<vmem>> -> memref<128xi32, #tpu.memory_space<vmem>>
      %dma_start3A_718 = arith.constant 0 : i32
      %dma_start3A_719 = arith.constant 0 : i32
      %dma_start3A_720 = tpu.memref_slice %arg9[%dma_start3A_718, %dma_start3A_719] : memref<10240x32xf32, #tpu.memory_space<vmem_shared>> -> memref<10240x32xf32, #tpu.memory_space<vmem_shared>>
      tpu.enqueue_indirect_dma source(%arg19 : memref<128x32xf32, #tpu.memory_space<vmem>>) target(%dma_start3A_720 : memref<10240x32xf32, #tpu.memory_space<vmem_shared>>) offsets(%dma_start3A_717 : memref<128xi32, #tpu.memory_space<vmem>>) semaphore(%arg35 : memref<!tpu.dma_semaphore, #tpu.memory_space<semaphore_mem>>) {add = true}
      %add3A_721 = arith.constant 6 : i32
      %add3A_722 = arith.addi %mul3A_636, %add3A_721 : i32
      %dma_wait3A_723 = arith.constant 0 : i32
      %dma_wait3A_724 = tpu.memref_slice %arg7[%add3A_722, %dma_wait3A_723] : memref<160x128xi32, #tpu.memory_space<vmem>> -> memref<1x128xi32, #tpu.memory_space<vmem>>
      %dma_wait3A_725 = tpu.memref_squeeze %dma_wait3A_724 : memref<1x128xi32, #tpu.memory_space<vmem>> -> memref<128xi32, #tpu.memory_space<vmem>>
      %dma_wait3A_726 = arith.constant 0 : i32
      %dma_wait3A_727 = arith.constant 0 : i32
      %dma_wait3A_728 = tpu.memref_slice %arg10[%dma_wait3A_726, %dma_wait3A_727] : memref<10240x32xf32, #tpu.memory_space<vmem_shared>> -> memref<10240x32xf32, #tpu.memory_space<vmem_shared>>
      tpu.wait_indirect_dma semaphore(%arg28 : memref<!tpu.dma_semaphore, #tpu.memory_space<semaphore_mem>>) src(%dma_wait3A_728 : memref<10240x32xf32, #tpu.memory_space<vmem_shared>>) dst(%arg20 : memref<128x32xf32, #tpu.memory_space<vmem>>)
      %dma_start3A_729 = arith.constant 0 : i32
      %dma_start3A_730 = tpu.memref_slice %arg8[%add3A_722, %dma_start3A_729] : memref<160x128xi32, #tpu.memory_space<vmem>> -> memref<1x128xi32, #tpu.memory_space<vmem>>
      %dma_start3A_731 = tpu.memref_squeeze %dma_start3A_730 : memref<1x128xi32, #tpu.memory_space<vmem>> -> memref<128xi32, #tpu.memory_space<vmem>>
      %dma_start3A_732 = arith.constant 0 : i32
      %dma_start3A_733 = arith.constant 0 : i32
      %dma_start3A_734 = tpu.memref_slice %arg9[%dma_start3A_732, %dma_start3A_733] : memref<10240x32xf32, #tpu.memory_space<vmem_shared>> -> memref<10240x32xf32, #tpu.memory_space<vmem_shared>>
      tpu.enqueue_indirect_dma source(%arg20 : memref<128x32xf32, #tpu.memory_space<vmem>>) target(%dma_start3A_734 : memref<10240x32xf32, #tpu.memory_space<vmem_shared>>) offsets(%dma_start3A_731 : memref<128xi32, #tpu.memory_space<vmem>>) semaphore(%arg36 : memref<!tpu.dma_semaphore, #tpu.memory_space<semaphore_mem>>) {add = true}
      %add3A_735 = arith.constant 7 : i32
      %add3A_736 = arith.addi %mul3A_636, %add3A_735 : i32
      %dma_wait3A_737 = arith.constant 0 : i32
      %dma_wait3A_738 = tpu.memref_slice %arg7[%add3A_736, %dma_wait3A_737] : memref<160x128xi32, #tpu.memory_space<vmem>> -> memref<1x128xi32, #tpu.memory_space<vmem>>
      %dma_wait3A_739 = tpu.memref_squeeze %dma_wait3A_738 : memref<1x128xi32, #tpu.memory_space<vmem>> -> memref<128xi32, #tpu.memory_space<vmem>>
      %dma_wait3A_740 = arith.constant 0 : i32
      %dma_wait3A_741 = arith.constant 0 : i32
      %dma_wait3A_742 = tpu.memref_slice %arg10[%dma_wait3A_740, %dma_wait3A_741] : memref<10240x32xf32, #tpu.memory_space<vmem_shared>> -> memref<10240x32xf32, #tpu.memory_space<vmem_shared>>
      tpu.wait_indirect_dma semaphore(%arg29 : memref<!tpu.dma_semaphore, #tpu.memory_space<semaphore_mem>>) src(%dma_wait3A_742 : memref<10240x32xf32, #tpu.memory_space<vmem_shared>>) dst(%arg21 : memref<128x32xf32, #tpu.memory_space<vmem>>)
      %dma_start3A_743 = arith.constant 0 : i32
      %dma_start3A_744 = tpu.memref_slice %arg8[%add3A_736, %dma_start3A_743] : memref<160x128xi32, #tpu.memory_space<vmem>> -> memref<1x128xi32, #tpu.memory_space<vmem>>
      %dma_start3A_745 = tpu.memref_squeeze %dma_start3A_744 : memref<1x128xi32, #tpu.memory_space<vmem>> -> memref<128xi32, #tpu.memory_space<vmem>>
      %dma_start3A_746 = arith.constant 0 : i32
      %dma_start3A_747 = arith.constant 0 : i32
      %dma_start3A_748 = tpu.memref_slice %arg9[%dma_start3A_746, %dma_start3A_747] : memref<10240x32xf32, #tpu.memory_space<vmem_shared>> -> memref<10240x32xf32, #tpu.memory_space<vmem_shared>>
      tpu.enqueue_indirect_dma source(%arg21 : memref<128x32xf32, #tpu.memory_space<vmem>>) target(%dma_start3A_748 : memref<10240x32xf32, #tpu.memory_space<vmem_shared>>) offsets(%dma_start3A_745 : memref<128xi32, #tpu.memory_space<vmem>>) semaphore(%arg37 : memref<!tpu.dma_semaphore, #tpu.memory_space<semaphore_mem>>) {add = true}
      %add3A_749 = arith.constant 0 : i32
      %add3A_750 = arith.addi %mul3A_636, %add3A_749 : i32
      %dma_wait3A_751 = arith.constant 0 : i32
      %dma_wait3A_752 = tpu.memref_slice %arg8[%add3A_750, %dma_wait3A_751] : memref<160x128xi32, #tpu.memory_space<vmem>> -> memref<1x128xi32, #tpu.memory_space<vmem>>
      %dma_wait3A_753 = tpu.memref_squeeze %dma_wait3A_752 : memref<1x128xi32, #tpu.memory_space<vmem>> -> memref<128xi32, #tpu.memory_space<vmem>>
      %dma_wait3A_754 = arith.constant 0 : i32
      %dma_wait3A_755 = arith.constant 0 : i32
      %dma_wait3A_756 = tpu.memref_slice %arg9[%dma_wait3A_754, %dma_wait3A_755] : memref<10240x32xf32, #tpu.memory_space<vmem_shared>> -> memref<10240x32xf32, #tpu.memory_space<vmem_shared>>
      tpu.wait_indirect_dma semaphore(%arg30 : memref<!tpu.dma_semaphore, #tpu.memory_space<semaphore_mem>>) src(%arg14 : memref<128x32xf32, #tpu.memory_space<vmem>>) dst(%dma_wait3A_756 : memref<10240x32xf32, #tpu.memory_space<vmem_shared>>)
      %add3A_757 = arith.constant 1 : i32
      %add3A_758 = arith.addi %add3A_634, %add3A_757 : i32
      %lt3A = arith.constant 20 : i32
      %lt3A_759 = arith.cmpi slt, %add3A_758, %lt3A : i32
      %convert_element_type3A = arith.extui %lt3A_759 : i1 to i32
      %cond3A = arith.constant 0 : i32
      %cond3A_760 = arith.cmpi ne, %convert_element_type3A, %cond3A : i32
      scf.if %cond3A_760 {
        %add3A_866 = arith.constant 8 : i32
        %add3A_867 = arith.addi %add3A_750, %add3A_866 : i32
        %dma_start3A_868 = arith.constant 0 : i32
        %dma_start3A_869 = tpu.memref_slice %arg7[%add3A_867, %dma_start3A_868] : memref<160x128xi32, #tpu.memory_space<vmem>> -> memref<1x128xi32, #tpu.memory_space<vmem>>
        %dma_start3A_870 = tpu.memref_squeeze %dma_start3A_869 : memref<1x128xi32, #tpu.memory_space<vmem>> -> memref<128xi32, #tpu.memory_space<vmem>>
        %dma_start3A_871 = arith.constant 0 : i32
        %dma_start3A_872 = arith.constant 0 : i32
        %dma_start3A_873 = tpu.memref_slice %arg10[%dma_start3A_871, %dma_start3A_872] : memref<10240x32xf32, #tpu.memory_space<vmem_shared>> -> memref<10240x32xf32, #tpu.memory_space<vmem_shared>>
        tpu.enqueue_indirect_dma source(%dma_start3A_873 : memref<10240x32xf32, #tpu.memory_space<vmem_shared>>) target(%arg14 : memref<128x32xf32, #tpu.memory_space<vmem>>) offsets(%dma_start3A_870 : memref<128xi32, #tpu.memory_space<vmem>>) semaphore(%arg22 : memref<!tpu.dma_semaphore, #tpu.memory_space<semaphore_mem>>)
      } else {
      }
      %add3A_761 = arith.constant 1 : i32
      %add3A_762 = arith.addi %mul3A_636, %add3A_761 : i32
      %dma_wait3A_763 = arith.constant 0 : i32
      %dma_wait3A_764 = tpu.memref_slice %arg8[%add3A_762, %dma_wait3A_763] : memref<160x128xi32, #tpu.memory_space<vmem>> -> memref<1x128xi32, #tpu.memory_space<vmem>>
      %dma_wait3A_765 = tpu.memref_squeeze %dma_wait3A_764 : memref<1x128xi32, #tpu.memory_space<vmem>> -> memref<128xi32, #tpu.memory_space<vmem>>
      %dma_wait3A_766 = arith.constant 0 : i32
      %dma_wait3A_767 = arith.constant 0 : i32
      %dma_wait3A_768 = tpu.memref_slice %arg9[%dma_wait3A_766, %dma_wait3A_767] : memref<10240x32xf32, #tpu.memory_space<vmem_shared>> -> memref<10240x32xf32, #tpu.memory_space<vmem_shared>>
      tpu.wait_indirect_dma semaphore(%arg31 : memref<!tpu.dma_semaphore, #tpu.memory_space<semaphore_mem>>) src(%arg15 : memref<128x32xf32, #tpu.memory_space<vmem>>) dst(%dma_wait3A_768 : memref<10240x32xf32, #tpu.memory_space<vmem_shared>>)
      %add3A_769 = arith.constant 1 : i32
      %add3A_770 = arith.addi %add3A_634, %add3A_769 : i32
      %lt3A_771 = arith.constant 20 : i32
      %lt3A_772 = arith.cmpi slt, %add3A_770, %lt3A_771 : i32
      %convert_element_type3A_773 = arith.extui %lt3A_772 : i1 to i32
      %cond3A_774 = arith.constant 0 : i32
      %cond3A_775 = arith.cmpi ne, %convert_element_type3A_773, %cond3A_774 : i32
      scf.if %cond3A_775 {
        %add3A_866 = arith.constant 8 : i32
        %add3A_867 = arith.addi %add3A_762, %add3A_866 : i32
        %dma_start3A_868 = arith.constant 0 : i32
        %dma_start3A_869 = tpu.memref_slice %arg7[%add3A_867, %dma_start3A_868] : memref<160x128xi32, #tpu.memory_space<vmem>> -> memref<1x128xi32, #tpu.memory_space<vmem>>
        %dma_start3A_870 = tpu.memref_squeeze %dma_start3A_869 : memref<1x128xi32, #tpu.memory_space<vmem>> -> memref<128xi32, #tpu.memory_space<vmem>>
        %dma_start3A_871 = arith.constant 0 : i32
        %dma_start3A_872 = arith.constant 0 : i32
        %dma_start3A_873 = tpu.memref_slice %arg10[%dma_start3A_871, %dma_start3A_872] : memref<10240x32xf32, #tpu.memory_space<vmem_shared>> -> memref<10240x32xf32, #tpu.memory_space<vmem_shared>>
        tpu.enqueue_indirect_dma source(%dma_start3A_873 : memref<10240x32xf32, #tpu.memory_space<vmem_shared>>) target(%arg15 : memref<128x32xf32, #tpu.memory_space<vmem>>) offsets(%dma_start3A_870 : memref<128xi32, #tpu.memory_space<vmem>>) semaphore(%arg23 : memref<!tpu.dma_semaphore, #tpu.memory_space<semaphore_mem>>)
      } else {
      }
      %add3A_776 = arith.constant 2 : i32
      %add3A_777 = arith.addi %mul3A_636, %add3A_776 : i32
      %dma_wait3A_778 = arith.constant 0 : i32
      %dma_wait3A_779 = tpu.memref_slice %arg8[%add3A_777, %dma_wait3A_778] : memref<160x128xi32, #tpu.memory_space<vmem>> -> memref<1x128xi32, #tpu.memory_space<vmem>>
      %dma_wait3A_780 = tpu.memref_squeeze %dma_wait3A_779 : memref<1x128xi32, #tpu.memory_space<vmem>> -> memref<128xi32, #tpu.memory_space<vmem>>
      %dma_wait3A_781 = arith.constant 0 : i32
      %dma_wait3A_782 = arith.constant 0 : i32
      %dma_wait3A_783 = tpu.memref_slice %arg9[%dma_wait3A_781, %dma_wait3A_782] : memref<10240x32xf32, #tpu.memory_space<vmem_shared>> -> memref<10240x32xf32, #tpu.memory_space<vmem_shared>>
      tpu.wait_indirect_dma semaphore(%arg32 : memref<!tpu.dma_semaphore, #tpu.memory_space<semaphore_mem>>) src(%arg16 : memref<128x32xf32, #tpu.memory_space<vmem>>) dst(%dma_wait3A_783 : memref<10240x32xf32, #tpu.memory_space<vmem_shared>>)
      %add3A_784 = arith.constant 1 : i32
      %add3A_785 = arith.addi %add3A_634, %add3A_784 : i32
      %lt3A_786 = arith.constant 20 : i32
      %lt3A_787 = arith.cmpi slt, %add3A_785, %lt3A_786 : i32
      %convert_element_type3A_788 = arith.extui %lt3A_787 : i1 to i32
      %cond3A_789 = arith.constant 0 : i32
      %cond3A_790 = arith.cmpi ne, %convert_element_type3A_788, %cond3A_789 : i32
      scf.if %cond3A_790 {
        %add3A_866 = arith.constant 8 : i32
        %add3A_867 = arith.addi %add3A_777, %add3A_866 : i32
        %dma_start3A_868 = arith.constant 0 : i32
        %dma_start3A_869 = tpu.memref_slice %arg7[%add3A_867, %dma_start3A_868] : memref<160x128xi32, #tpu.memory_space<vmem>> -> memref<1x128xi32, #tpu.memory_space<vmem>>
        %dma_start3A_870 = tpu.memref_squeeze %dma_start3A_869 : memref<1x128xi32, #tpu.memory_space<vmem>> -> memref<128xi32, #tpu.memory_space<vmem>>
        %dma_start3A_871 = arith.constant 0 : i32
        %dma_start3A_872 = arith.constant 0 : i32
        %dma_start3A_873 = tpu.memref_slice %arg10[%dma_start3A_871, %dma_start3A_872] : memref<10240x32xf32, #tpu.memory_space<vmem_shared>> -> memref<10240x32xf32, #tpu.memory_space<vmem_shared>>
        tpu.enqueue_indirect_dma source(%dma_start3A_873 : memref<10240x32xf32, #tpu.memory_space<vmem_shared>>) target(%arg16 : memref<128x32xf32, #tpu.memory_space<vmem>>) offsets(%dma_start3A_870 : memref<128xi32, #tpu.memory_space<vmem>>) semaphore(%arg24 : memref<!tpu.dma_semaphore, #tpu.memory_space<semaphore_mem>>)
      } else {
      }
      %add3A_791 = arith.constant 3 : i32
      %add3A_792 = arith.addi %mul3A_636, %add3A_791 : i32
      %dma_wait3A_793 = arith.constant 0 : i32
      %dma_wait3A_794 = tpu.memref_slice %arg8[%add3A_792, %dma_wait3A_793] : memref<160x128xi32, #tpu.memory_space<vmem>> -> memref<1x128xi32, #tpu.memory_space<vmem>>
      %dma_wait3A_795 = tpu.memref_squeeze %dma_wait3A_794 : memref<1x128xi32, #tpu.memory_space<vmem>> -> memref<128xi32, #tpu.memory_space<vmem>>
      %dma_wait3A_796 = arith.constant 0 : i32
      %dma_wait3A_797 = arith.constant 0 : i32
      %dma_wait3A_798 = tpu.memref_slice %arg9[%dma_wait3A_796, %dma_wait3A_797] : memref<10240x32xf32, #tpu.memory_space<vmem_shared>> -> memref<10240x32xf32, #tpu.memory_space<vmem_shared>>
      tpu.wait_indirect_dma semaphore(%arg33 : memref<!tpu.dma_semaphore, #tpu.memory_space<semaphore_mem>>) src(%arg17 : memref<128x32xf32, #tpu.memory_space<vmem>>) dst(%dma_wait3A_798 : memref<10240x32xf32, #tpu.memory_space<vmem_shared>>)
      %add3A_799 = arith.constant 1 : i32
      %add3A_800 = arith.addi %add3A_634, %add3A_799 : i32
      %lt3A_801 = arith.constant 20 : i32
      %lt3A_802 = arith.cmpi slt, %add3A_800, %lt3A_801 : i32
      %convert_element_type3A_803 = arith.extui %lt3A_802 : i1 to i32
      %cond3A_804 = arith.constant 0 : i32
      %cond3A_805 = arith.cmpi ne, %convert_element_type3A_803, %cond3A_804 : i32
      scf.if %cond3A_805 {
        %add3A_866 = arith.constant 8 : i32
        %add3A_867 = arith.addi %add3A_792, %add3A_866 : i32
        %dma_start3A_868 = arith.constant 0 : i32
        %dma_start3A_869 = tpu.memref_slice %arg7[%add3A_867, %dma_start3A_868] : memref<160x128xi32, #tpu.memory_space<vmem>> -> memref<1x128xi32, #tpu.memory_space<vmem>>
        %dma_start3A_870 = tpu.memref_squeeze %dma_start3A_869 : memref<1x128xi32, #tpu.memory_space<vmem>> -> memref<128xi32, #tpu.memory_space<vmem>>
        %dma_start3A_871 = arith.constant 0 : i32
        %dma_start3A_872 = arith.constant 0 : i32
        %dma_start3A_873 = tpu.memref_slice %arg10[%dma_start3A_871, %dma_start3A_872] : memref<10240x32xf32, #tpu.memory_space<vmem_shared>> -> memref<10240x32xf32, #tpu.memory_space<vmem_shared>>
        tpu.enqueue_indirect_dma source(%dma_start3A_873 : memref<10240x32xf32, #tpu.memory_space<vmem_shared>>) target(%arg17 : memref<128x32xf32, #tpu.memory_space<vmem>>) offsets(%dma_start3A_870 : memref<128xi32, #tpu.memory_space<vmem>>) semaphore(%arg25 : memref<!tpu.dma_semaphore, #tpu.memory_space<semaphore_mem>>)
      } else {
      }
      %add3A_806 = arith.constant 4 : i32
      %add3A_807 = arith.addi %mul3A_636, %add3A_806 : i32
      %dma_wait3A_808 = arith.constant 0 : i32
      %dma_wait3A_809 = tpu.memref_slice %arg8[%add3A_807, %dma_wait3A_808] : memref<160x128xi32, #tpu.memory_space<vmem>> -> memref<1x128xi32, #tpu.memory_space<vmem>>
      %dma_wait3A_810 = tpu.memref_squeeze %dma_wait3A_809 : memref<1x128xi32, #tpu.memory_space<vmem>> -> memref<128xi32, #tpu.memory_space<vmem>>
      %dma_wait3A_811 = arith.constant 0 : i32
      %dma_wait3A_812 = arith.constant 0 : i32
      %dma_wait3A_813 = tpu.memref_slice %arg9[%dma_wait3A_811, %dma_wait3A_812] : memref<10240x32xf32, #tpu.memory_space<vmem_shared>> -> memref<10240x32xf32, #tpu.memory_space<vmem_shared>>
      tpu.wait_indirect_dma semaphore(%arg34 : memref<!tpu.dma_semaphore, #tpu.memory_space<semaphore_mem>>) src(%arg18 : memref<128x32xf32, #tpu.memory_space<vmem>>) dst(%dma_wait3A_813 : memref<10240x32xf32, #tpu.memory_space<vmem_shared>>)
      %add3A_814 = arith.constant 1 : i32
      %add3A_815 = arith.addi %add3A_634, %add3A_814 : i32
      %lt3A_816 = arith.constant 20 : i32
      %lt3A_817 = arith.cmpi slt, %add3A_815, %lt3A_816 : i32
      %convert_element_type3A_818 = arith.extui %lt3A_817 : i1 to i32
      %cond3A_819 = arith.constant 0 : i32
      %cond3A_820 = arith.cmpi ne, %convert_element_type3A_818, %cond3A_819 : i32
      scf.if %cond3A_820 {
        %add3A_866 = arith.constant 8 : i32
        %add3A_867 = arith.addi %add3A_807, %add3A_866 : i32
        %dma_start3A_868 = arith.constant 0 : i32
        %dma_start3A_869 = tpu.memref_slice %arg7[%add3A_867, %dma_start3A_868] : memref<160x128xi32, #tpu.memory_space<vmem>> -> memref<1x128xi32, #tpu.memory_space<vmem>>
        %dma_start3A_870 = tpu.memref_squeeze %dma_start3A_869 : memref<1x128xi32, #tpu.memory_space<vmem>> -> memref<128xi32, #tpu.memory_space<vmem>>
        %dma_start3A_871 = arith.constant 0 : i32
        %dma_start3A_872 = arith.constant 0 : i32
        %dma_start3A_873 = tpu.memref_slice %arg10[%dma_start3A_871, %dma_start3A_872] : memref<10240x32xf32, #tpu.memory_space<vmem_shared>> -> memref<10240x32xf32, #tpu.memory_space<vmem_shared>>
        tpu.enqueue_indirect_dma source(%dma_start3A_873 : memref<10240x32xf32, #tpu.memory_space<vmem_shared>>) target(%arg18 : memref<128x32xf32, #tpu.memory_space<vmem>>) offsets(%dma_start3A_870 : memref<128xi32, #tpu.memory_space<vmem>>) semaphore(%arg26 : memref<!tpu.dma_semaphore, #tpu.memory_space<semaphore_mem>>)
      } else {
      }
      %add3A_821 = arith.constant 5 : i32
      %add3A_822 = arith.addi %mul3A_636, %add3A_821 : i32
      %dma_wait3A_823 = arith.constant 0 : i32
      %dma_wait3A_824 = tpu.memref_slice %arg8[%add3A_822, %dma_wait3A_823] : memref<160x128xi32, #tpu.memory_space<vmem>> -> memref<1x128xi32, #tpu.memory_space<vmem>>
      %dma_wait3A_825 = tpu.memref_squeeze %dma_wait3A_824 : memref<1x128xi32, #tpu.memory_space<vmem>> -> memref<128xi32, #tpu.memory_space<vmem>>
      %dma_wait3A_826 = arith.constant 0 : i32
      %dma_wait3A_827 = arith.constant 0 : i32
      %dma_wait3A_828 = tpu.memref_slice %arg9[%dma_wait3A_826, %dma_wait3A_827] : memref<10240x32xf32, #tpu.memory_space<vmem_shared>> -> memref<10240x32xf32, #tpu.memory_space<vmem_shared>>
      tpu.wait_indirect_dma semaphore(%arg35 : memref<!tpu.dma_semaphore, #tpu.memory_space<semaphore_mem>>) src(%arg19 : memref<128x32xf32, #tpu.memory_space<vmem>>) dst(%dma_wait3A_828 : memref<10240x32xf32, #tpu.memory_space<vmem_shared>>)
      %add3A_829 = arith.constant 1 : i32
      %add3A_830 = arith.addi %add3A_634, %add3A_829 : i32
      %lt3A_831 = arith.constant 20 : i32
      %lt3A_832 = arith.cmpi slt, %add3A_830, %lt3A_831 : i32
      %convert_element_type3A_833 = arith.extui %lt3A_832 : i1 to i32
      %cond3A_834 = arith.constant 0 : i32
      %cond3A_835 = arith.cmpi ne, %convert_element_type3A_833, %cond3A_834 : i32
      scf.if %cond3A_835 {
        %add3A_866 = arith.constant 8 : i32
        %add3A_867 = arith.addi %add3A_822, %add3A_866 : i32
        %dma_start3A_868 = arith.constant 0 : i32
        %dma_start3A_869 = tpu.memref_slice %arg7[%add3A_867, %dma_start3A_868] : memref<160x128xi32, #tpu.memory_space<vmem>> -> memref<1x128xi32, #tpu.memory_space<vmem>>
        %dma_start3A_870 = tpu.memref_squeeze %dma_start3A_869 : memref<1x128xi32, #tpu.memory_space<vmem>> -> memref<128xi32, #tpu.memory_space<vmem>>
        %dma_start3A_871 = arith.constant 0 : i32
        %dma_start3A_872 = arith.constant 0 : i32
        %dma_start3A_873 = tpu.memref_slice %arg10[%dma_start3A_871, %dma_start3A_872] : memref<10240x32xf32, #tpu.memory_space<vmem_shared>> -> memref<10240x32xf32, #tpu.memory_space<vmem_shared>>
        tpu.enqueue_indirect_dma source(%dma_start3A_873 : memref<10240x32xf32, #tpu.memory_space<vmem_shared>>) target(%arg19 : memref<128x32xf32, #tpu.memory_space<vmem>>) offsets(%dma_start3A_870 : memref<128xi32, #tpu.memory_space<vmem>>) semaphore(%arg27 : memref<!tpu.dma_semaphore, #tpu.memory_space<semaphore_mem>>)
      } else {
      }
      %add3A_836 = arith.constant 6 : i32
      %add3A_837 = arith.addi %mul3A_636, %add3A_836 : i32
      %dma_wait3A_838 = arith.constant 0 : i32
      %dma_wait3A_839 = tpu.memref_slice %arg8[%add3A_837, %dma_wait3A_838] : memref<160x128xi32, #tpu.memory_space<vmem>> -> memref<1x128xi32, #tpu.memory_space<vmem>>
      %dma_wait3A_840 = tpu.memref_squeeze %dma_wait3A_839 : memref<1x128xi32, #tpu.memory_space<vmem>> -> memref<128xi32, #tpu.memory_space<vmem>>
      %dma_wait3A_841 = arith.constant 0 : i32
      %dma_wait3A_842 = arith.constant 0 : i32
      %dma_wait3A_843 = tpu.memref_slice %arg9[%dma_wait3A_841, %dma_wait3A_842] : memref<10240x32xf32, #tpu.memory_space<vmem_shared>> -> memref<10240x32xf32, #tpu.memory_space<vmem_shared>>
      tpu.wait_indirect_dma semaphore(%arg36 : memref<!tpu.dma_semaphore, #tpu.memory_space<semaphore_mem>>) src(%arg20 : memref<128x32xf32, #tpu.memory_space<vmem>>) dst(%dma_wait3A_843 : memref<10240x32xf32, #tpu.memory_space<vmem_shared>>)
      %add3A_844 = arith.constant 1 : i32
      %add3A_845 = arith.addi %add3A_634, %add3A_844 : i32
      %lt3A_846 = arith.constant 20 : i32
      %lt3A_847 = arith.cmpi slt, %add3A_845, %lt3A_846 : i32
      %convert_element_type3A_848 = arith.extui %lt3A_847 : i1 to i32
      %cond3A_849 = arith.constant 0 : i32
      %cond3A_850 = arith.cmpi ne, %convert_element_type3A_848, %cond3A_849 : i32
      scf.if %cond3A_850 {
        %add3A_866 = arith.constant 8 : i32
        %add3A_867 = arith.addi %add3A_837, %add3A_866 : i32
        %dma_start3A_868 = arith.constant 0 : i32
        %dma_start3A_869 = tpu.memref_slice %arg7[%add3A_867, %dma_start3A_868] : memref<160x128xi32, #tpu.memory_space<vmem>> -> memref<1x128xi32, #tpu.memory_space<vmem>>
        %dma_start3A_870 = tpu.memref_squeeze %dma_start3A_869 : memref<1x128xi32, #tpu.memory_space<vmem>> -> memref<128xi32, #tpu.memory_space<vmem>>
        %dma_start3A_871 = arith.constant 0 : i32
        %dma_start3A_872 = arith.constant 0 : i32
        %dma_start3A_873 = tpu.memref_slice %arg10[%dma_start3A_871, %dma_start3A_872] : memref<10240x32xf32, #tpu.memory_space<vmem_shared>> -> memref<10240x32xf32, #tpu.memory_space<vmem_shared>>
        tpu.enqueue_indirect_dma source(%dma_start3A_873 : memref<10240x32xf32, #tpu.memory_space<vmem_shared>>) target(%arg20 : memref<128x32xf32, #tpu.memory_space<vmem>>) offsets(%dma_start3A_870 : memref<128xi32, #tpu.memory_space<vmem>>) semaphore(%arg28 : memref<!tpu.dma_semaphore, #tpu.memory_space<semaphore_mem>>)
      } else {
      }
      %add3A_851 = arith.constant 7 : i32
      %add3A_852 = arith.addi %mul3A_636, %add3A_851 : i32
      %dma_wait3A_853 = arith.constant 0 : i32
      %dma_wait3A_854 = tpu.memref_slice %arg8[%add3A_852, %dma_wait3A_853] : memref<160x128xi32, #tpu.memory_space<vmem>> -> memref<1x128xi32, #tpu.memory_space<vmem>>
      %dma_wait3A_855 = tpu.memref_squeeze %dma_wait3A_854 : memref<1x128xi32, #tpu.memory_space<vmem>> -> memref<128xi32, #tpu.memory_space<vmem>>
      %dma_wait3A_856 = arith.constant 0 : i32
      %dma_wait3A_857 = arith.constant 0 : i32
      %dma_wait3A_858 = tpu.memref_slice %arg9[%dma_wait3A_856, %dma_wait3A_857] : memref<10240x32xf32, #tpu.memory_space<vmem_shared>> -> memref<10240x32xf32, #tpu.memory_space<vmem_shared>>
      tpu.wait_indirect_dma semaphore(%arg37 : memref<!tpu.dma_semaphore, #tpu.memory_space<semaphore_mem>>) src(%arg21 : memref<128x32xf32, #tpu.memory_space<vmem>>) dst(%dma_wait3A_858 : memref<10240x32xf32, #tpu.memory_space<vmem_shared>>)
      %add3A_859 = arith.constant 1 : i32
      %add3A_860 = arith.addi %add3A_634, %add3A_859 : i32
      %lt3A_861 = arith.constant 20 : i32
      %lt3A_862 = arith.cmpi slt, %add3A_860, %lt3A_861 : i32
      %convert_element_type3A_863 = arith.extui %lt3A_862 : i1 to i32
      %cond3A_864 = arith.constant 0 : i32
      %cond3A_865 = arith.cmpi ne, %convert_element_type3A_863, %cond3A_864 : i32
      scf.if %cond3A_865 {
        %add3A_866 = arith.constant 8 : i32
        %add3A_867 = arith.addi %add3A_852, %add3A_866 : i32
        %dma_start3A_868 = arith.constant 0 : i32
        %dma_start3A_869 = tpu.memref_slice %arg7[%add3A_867, %dma_start3A_868] : memref<160x128xi32, #tpu.memory_space<vmem>> -> memref<1x128xi32, #tpu.memory_space<vmem>>
        %dma_start3A_870 = tpu.memref_squeeze %dma_start3A_869 : memref<1x128xi32, #tpu.memory_space<vmem>> -> memref<128xi32, #tpu.memory_space<vmem>>
        %dma_start3A_871 = arith.constant 0 : i32
        %dma_start3A_872 = arith.constant 0 : i32
        %dma_start3A_873 = tpu.memref_slice %arg10[%dma_start3A_871, %dma_start3A_872] : memref<10240x32xf32, #tpu.memory_space<vmem_shared>> -> memref<10240x32xf32, #tpu.memory_space<vmem_shared>>
        tpu.enqueue_indirect_dma source(%dma_start3A_873 : memref<10240x32xf32, #tpu.memory_space<vmem_shared>>) target(%arg21 : memref<128x32xf32, #tpu.memory_space<vmem>>) offsets(%dma_start3A_870 : memref<128xi32, #tpu.memory_space<vmem>>) semaphore(%arg29 : memref<!tpu.dma_semaphore, #tpu.memory_space<semaphore_mem>>)
      } else {
      }
    }
    %scan3A_443 = arith.constant 20 : i32
    %barrier3A_444 = arith.constant 0 : index
    tpu.barrier barrier_id(%barrier3A_444)
    %add3A_445 = arith.constant 0 : i32
    %add3A_446 = arith.addi %mul3A_3, %add3A_445 : i32
    %dma_start3A_447 = arith.constant 0 : i32
    %dma_start3A_448 = tpu.memref_slice %arg9[%add3A_446, %dma_start3A_447] : memref<10240x32xf32, #tpu.memory_space<vmem_shared>> -> memref<128x32xf32, #tpu.memory_space<vmem_shared>>
    %dma_start3A_449 = arith.constant 0 : i32
    %dma_start3A_450 = tpu.memref_slice %arg9[%add3A_446, %dma_start3A_449] : memref<10240x32xf32, #tpu.memory_space<vmem_shared>> -> memref<128x32xf32, #tpu.memory_space<vmem_shared>>
    tpu.enqueue_dma source(%dma_start3A_450 : memref<128x32xf32, #tpu.memory_space<vmem_shared>>) target(%arg16 : memref<128x32xf32, #tpu.memory_space<vmem>>) target_semaphore(%arg22 : memref<!tpu.dma_semaphore, #tpu.memory_space<semaphore_mem>>)
    %dma_start3A_451 = arith.constant 0 : i32
    %dma_start3A_452 = tpu.memref_slice %arg13[%add3A_446, %dma_start3A_451] : memref<10240x16xf32, #tpu.memory_space<vmem_shared>> -> memref<128x16xf32, #tpu.memory_space<vmem_shared>>
    %dma_start3A_453 = arith.constant 0 : i32
    %dma_start3A_454 = tpu.memref_slice %arg13[%add3A_446, %dma_start3A_453] : memref<10240x16xf32, #tpu.memory_space<vmem_shared>> -> memref<128x16xf32, #tpu.memory_space<vmem_shared>>
    tpu.enqueue_dma source(%dma_start3A_454 : memref<128x16xf32, #tpu.memory_space<vmem_shared>>) target(%arg11 : memref<128x16xf32, #tpu.memory_space<vmem>>) target_semaphore(%arg38 : memref<!tpu.dma_semaphore, #tpu.memory_space<semaphore_mem>>)
    %add3A_455 = arith.constant 128 : i32
    %add3A_456 = arith.addi %mul3A_3, %add3A_455 : i32
    %dma_start3A_457 = arith.constant 0 : i32
    %dma_start3A_458 = tpu.memref_slice %arg9[%add3A_456, %dma_start3A_457] : memref<10240x32xf32, #tpu.memory_space<vmem_shared>> -> memref<128x32xf32, #tpu.memory_space<vmem_shared>>
    %dma_start3A_459 = arith.constant 0 : i32
    %dma_start3A_460 = tpu.memref_slice %arg9[%add3A_456, %dma_start3A_459] : memref<10240x32xf32, #tpu.memory_space<vmem_shared>> -> memref<128x32xf32, #tpu.memory_space<vmem_shared>>
    tpu.enqueue_dma source(%dma_start3A_460 : memref<128x32xf32, #tpu.memory_space<vmem_shared>>) target(%arg17 : memref<128x32xf32, #tpu.memory_space<vmem>>) target_semaphore(%arg23 : memref<!tpu.dma_semaphore, #tpu.memory_space<semaphore_mem>>)
    %dma_start3A_461 = arith.constant 0 : i32
    %dma_start3A_462 = tpu.memref_slice %arg13[%add3A_456, %dma_start3A_461] : memref<10240x16xf32, #tpu.memory_space<vmem_shared>> -> memref<128x16xf32, #tpu.memory_space<vmem_shared>>
    %dma_start3A_463 = arith.constant 0 : i32
    %dma_start3A_464 = tpu.memref_slice %arg13[%add3A_456, %dma_start3A_463] : memref<10240x16xf32, #tpu.memory_space<vmem_shared>> -> memref<128x16xf32, #tpu.memory_space<vmem_shared>>
    tpu.enqueue_dma source(%dma_start3A_464 : memref<128x16xf32, #tpu.memory_space<vmem_shared>>) target(%arg12 : memref<128x16xf32, #tpu.memory_space<vmem>>) target_semaphore(%arg39 : memref<!tpu.dma_semaphore, #tpu.memory_space<semaphore_mem>>)
    %add3A_465 = arith.constant 0 : i32
    %add3A_466 = arith.addi %mul3A_3, %add3A_465 : i32
    %dma_wait3A_467 = arith.constant 0 : i32
    %dma_wait3A_468 = tpu.memref_slice %arg9[%add3A_446, %dma_wait3A_467] : memref<10240x32xf32, #tpu.memory_space<vmem_shared>> -> memref<128x32xf32, #tpu.memory_space<vmem_shared>>
    %dma_wait3A_469 = arith.constant 0 : i32
    %dma_wait3A_470 = tpu.memref_slice %arg9[%add3A_446, %dma_wait3A_469] : memref<10240x32xf32, #tpu.memory_space<vmem_shared>> -> memref<128x32xf32, #tpu.memory_space<vmem_shared>>
    tpu.wait_dma2 semaphore(%arg22 : memref<!tpu.dma_semaphore, #tpu.memory_space<semaphore_mem>>) src(%dma_wait3A_470 : memref<128x32xf32, #tpu.memory_space<vmem_shared>>) dst(%arg16 : memref<128x32xf32, #tpu.memory_space<vmem>>)
    %dma_wait3A_471 = arith.constant 0 : i32
    %dma_wait3A_472 = tpu.memref_slice %arg13[%add3A_446, %dma_wait3A_471] : memref<10240x16xf32, #tpu.memory_space<vmem_shared>> -> memref<128x16xf32, #tpu.memory_space<vmem_shared>>
    %dma_wait3A_473 = arith.constant 0 : i32
    %dma_wait3A_474 = tpu.memref_slice %arg13[%add3A_446, %dma_wait3A_473] : memref<10240x16xf32, #tpu.memory_space<vmem_shared>> -> memref<128x16xf32, #tpu.memory_space<vmem_shared>>
    tpu.wait_dma2 semaphore(%arg38 : memref<!tpu.dma_semaphore, #tpu.memory_space<semaphore_mem>>) src(%dma_wait3A_474 : memref<128x16xf32, #tpu.memory_space<vmem_shared>>) dst(%arg11 : memref<128x16xf32, #tpu.memory_space<vmem>>)
    %scan3A_475 = arith.constant 0 : i32
    %scan3A_476 = arith.constant 128 : i32
    %scan3A_477 = arith.addi %scan3A_475, %scan3A_476 : i32
    %scan3A_478 = arith.constant 1 : i32
    scf.for %scan3A_630 = %scan3A_475 to %scan3A_477 step %scan3A_478  : i32 {
      %mul3A_631 = arith.constant 1 : i32
      %mul3A_632 = arith.muli %scan3A_630, %mul3A_631 : i32
      %add3A_633 = arith.constant 0 : i32
      %add3A_634 = arith.addi %add3A_633, %mul3A_632 : i32
      %get3A = arith.index_cast %add3A_634 : i32 to index
      %get3A_635 = arith.constant 0 : index
      %get3A_636 = tpu.vector_load %arg11[%get3A, %get3A_635] {strides = array<i32>} : memref<128x16xf32, #tpu.memory_space<vmem>>, vector<1x16xf32>,
      %get3A_637 = vector.shape_cast %get3A_636 : vector<1x16xf32> to vector<16xf32>
      %gt3A = arith.constant 0.000000e+00 : f32
      %gt3A_638 = vector.broadcast %gt3A : f32 to vector<16xf32>
      %gt3A_639 = arith.cmpf ogt, %get3A_637, %gt3A_638 : vector<16xf32>
      %div3A = arith.constant 1.000000e+00 : f32
      %div3A_640 = vector.broadcast %div3A : f32 to vector<16xf32>
      %div3A_641 = arith.divf %div3A_640, %get3A_637 : vector<16xf32>
      %jit3A = arith.constant 0.000000e+00 : f32
      %broadcast_in_dim3A_642 = vector.broadcast %jit3A : f32 to vector<16xf32>
      %select_n3A = arith.select %gt3A_639, %div3A_641, %broadcast_in_dim3A_642 : vector<16xi1>, vector<16xf32>
      %get3A_643 = arith.index_cast %add3A_634 : i32 to index
      %get3A_644 = arith.constant 0 : index
      %get3A_645 = tpu.vector_load %arg16[%get3A_643, %get3A_644] {strides = array<i32>} : memref<128x32xf32, #tpu.memory_space<vmem>>, vector<1x16xf32>,
      %get3A_646 = vector.shape_cast %get3A_645 : vector<1x16xf32> to vector<16xf32>
      %mul3A_647 = arith.mulf %get3A_646, %select_n3A : vector<16xf32>
      %swap3A = arith.index_cast %add3A_634 : i32 to index
      %swap3A_648 = arith.constant 0 : index
      %swap3A_649 = tpu.vector_load %arg16[%swap3A, %swap3A_648] {strides = array<i32>} : memref<128x32xf32, #tpu.memory_space<vmem>>, vector<1x16xf32>,
      %swap3A_650 = vector.shape_cast %swap3A_649 : vector<1x16xf32> to vector<16xf32>
      %swap3A_651 = vector.shape_cast %mul3A_647 : vector<16xf32> to vector<1x16xf32>
      tpu.vector_store %arg16[%swap3A, %swap3A_648], %swap3A_651 {strides = array<i32>} : memref<128x32xf32, #tpu.memory_space<vmem>>, vector<1x16xf32>,
      %get3A_652 = arith.index_cast %add3A_634 : i32 to index
      %get3A_653 = arith.constant 16 : index
      %get3A_654 = tpu.vector_load %arg16[%get3A_652, %get3A_653] {strides = array<i32>} : memref<128x32xf32, #tpu.memory_space<vmem>>, vector<1x16xf32>,
      %get3A_655 = vector.shape_cast %get3A_654 : vector<1x16xf32> to vector<16xf32>
      %mul3A_656 = arith.mulf %get3A_655, %select_n3A : vector<16xf32>
      %swap3A_657 = arith.index_cast %add3A_634 : i32 to index
      %swap3A_658 = arith.constant 16 : index
      %swap3A_659 = tpu.vector_load %arg16[%swap3A_657, %swap3A_658] {strides = array<i32>} : memref<128x32xf32, #tpu.memory_space<vmem>>, vector<1x16xf32>,
      %swap3A_660 = vector.shape_cast %swap3A_659 : vector<1x16xf32> to vector<16xf32>
      %swap3A_661 = vector.shape_cast %mul3A_656 : vector<16xf32> to vector<1x16xf32>
      tpu.vector_store %arg16[%swap3A_657, %swap3A_658], %swap3A_661 {strides = array<i32>} : memref<128x32xf32, #tpu.memory_space<vmem>>, vector<1x16xf32>,
    }
    %scan3A_479 = arith.constant 128 : i32
    %dma_start3A_480 = arith.constant 0 : i32
    %dma_start3A_481 = tpu.memref_slice %arg6[%arg0, %add3A_466, %dma_start3A_480] : memref<2x10240x32xf32, #tpu.memory_space<hbm>> -> memref<1x128x32xf32, #tpu.memory_space<hbm>>
    %dma_start3A_482 = tpu.memref_squeeze %dma_start3A_481 : memref<1x128x32xf32, #tpu.memory_space<hbm>> -> memref<128x32xf32, #tpu.memory_space<hbm>>
    %dma_start3A_483 = arith.constant 0 : i32
    %dma_start3A_484 = tpu.memref_slice %arg6[%arg0, %add3A_466, %dma_start3A_483] : memref<2x10240x32xf32, #tpu.memory_space<hbm>> -> memref<1x128x32xf32, #tpu.memory_space<hbm>>
    %dma_start3A_485 = tpu.memref_squeeze %dma_start3A_484 : memref<1x128x32xf32, #tpu.memory_space<hbm>> -> memref<128x32xf32, #tpu.memory_space<hbm>>
    tpu.enqueue_dma source(%arg16 : memref<128x32xf32, #tpu.memory_space<vmem>>) target(%dma_start3A_485 : memref<128x32xf32, #tpu.memory_space<hbm>>) target_semaphore(%arg30 : memref<!tpu.dma_semaphore, #tpu.memory_space<semaphore_mem>>)
    %dma_wait3A_486 = arith.constant 0 : i32
    %dma_wait3A_487 = tpu.memref_slice %arg6[%arg0, %add3A_466, %dma_wait3A_486] : memref<2x10240x32xf32, #tpu.memory_space<hbm>> -> memref<1x128x32xf32, #tpu.memory_space<hbm>>
    %dma_wait3A_488 = tpu.memref_squeeze %dma_wait3A_487 : memref<1x128x32xf32, #tpu.memory_space<hbm>> -> memref<128x32xf32, #tpu.memory_space<hbm>>
    %dma_wait3A_489 = arith.constant 0 : i32
    %dma_wait3A_490 = tpu.memref_slice %arg6[%arg0, %add3A_466, %dma_wait3A_489] : memref<2x10240x32xf32, #tpu.memory_space<hbm>> -> memref<1x128x32xf32, #tpu.memory_space<hbm>>
    %dma_wait3A_491 = tpu.memref_squeeze %dma_wait3A_490 : memref<1x128x32xf32, #tpu.memory_space<hbm>> -> memref<128x32xf32, #tpu.memory_space<hbm>>
    tpu.wait_dma2 semaphore(%arg30 : memref<!tpu.dma_semaphore, #tpu.memory_space<semaphore_mem>>) src(%arg16 : memref<128x32xf32, #tpu.memory_space<vmem>>) dst(%dma_wait3A_491 : memref<128x32xf32, #tpu.memory_space<hbm>>)
    %add3A_492 = arith.constant 256 : i32
    %add3A_493 = arith.addi %mul3A_3, %add3A_492 : i32
    %dma_start3A_494 = arith.constant 0 : i32
    %dma_start3A_495 = tpu.memref_slice %arg9[%add3A_493, %dma_start3A_494] : memref<10240x32xf32, #tpu.memory_space<vmem_shared>> -> memref<128x32xf32, #tpu.memory_space<vmem_shared>>
    %dma_start3A_496 = arith.constant 0 : i32
    %dma_start3A_497 = tpu.memref_slice %arg9[%add3A_493, %dma_start3A_496] : memref<10240x32xf32, #tpu.memory_space<vmem_shared>> -> memref<128x32xf32, #tpu.memory_space<vmem_shared>>
    tpu.enqueue_dma source(%dma_start3A_497 : memref<128x32xf32, #tpu.memory_space<vmem_shared>>) target(%arg16 : memref<128x32xf32, #tpu.memory_space<vmem>>) target_semaphore(%arg22 : memref<!tpu.dma_semaphore, #tpu.memory_space<semaphore_mem>>)
    %dma_start3A_498 = arith.constant 0 : i32
    %dma_start3A_499 = tpu.memref_slice %arg13[%add3A_493, %dma_start3A_498] : memref<10240x16xf32, #tpu.memory_space<vmem_shared>> -> memref<128x16xf32, #tpu.memory_space<vmem_shared>>
    %dma_start3A_500 = arith.constant 0 : i32
    %dma_start3A_501 = tpu.memref_slice %arg13[%add3A_493, %dma_start3A_500] : memref<10240x16xf32, #tpu.memory_space<vmem_shared>> -> memref<128x16xf32, #tpu.memory_space<vmem_shared>>
    tpu.enqueue_dma source(%dma_start3A_501 : memref<128x16xf32, #tpu.memory_space<vmem_shared>>) target(%arg11 : memref<128x16xf32, #tpu.memory_space<vmem>>) target_semaphore(%arg38 : memref<!tpu.dma_semaphore, #tpu.memory_space<semaphore_mem>>)
    %add3A_502 = arith.constant 128 : i32
    %add3A_503 = arith.addi %mul3A_3, %add3A_502 : i32
    %dma_wait3A_504 = arith.constant 0 : i32
    %dma_wait3A_505 = tpu.memref_slice %arg9[%add3A_456, %dma_wait3A_504] : memref<10240x32xf32, #tpu.memory_space<vmem_shared>> -> memref<128x32xf32, #tpu.memory_space<vmem_shared>>
    %dma_wait3A_506 = arith.constant 0 : i32
    %dma_wait3A_507 = tpu.memref_slice %arg9[%add3A_456, %dma_wait3A_506] : memref<10240x32xf32, #tpu.memory_space<vmem_shared>> -> memref<128x32xf32, #tpu.memory_space<vmem_shared>>
    tpu.wait_dma2 semaphore(%arg23 : memref<!tpu.dma_semaphore, #tpu.memory_space<semaphore_mem>>) src(%dma_wait3A_507 : memref<128x32xf32, #tpu.memory_space<vmem_shared>>) dst(%arg17 : memref<128x32xf32, #tpu.memory_space<vmem>>)
    %dma_wait3A_508 = arith.constant 0 : i32
    %dma_wait3A_509 = tpu.memref_slice %arg13[%add3A_456, %dma_wait3A_508] : memref<10240x16xf32, #tpu.memory_space<vmem_shared>> -> memref<128x16xf32, #tpu.memory_space<vmem_shared>>
    %dma_wait3A_510 = arith.constant 0 : i32
    %dma_wait3A_511 = tpu.memref_slice %arg13[%add3A_456, %dma_wait3A_510] : memref<10240x16xf32, #tpu.memory_space<vmem_shared>> -> memref<128x16xf32, #tpu.memory_space<vmem_shared>>
    tpu.wait_dma2 semaphore(%arg39 : memref<!tpu.dma_semaphore, #tpu.memory_space<semaphore_mem>>) src(%dma_wait3A_511 : memref<128x16xf32, #tpu.memory_space<vmem_shared>>) dst(%arg12 : memref<128x16xf32, #tpu.memory_space<vmem>>)
    %scan3A_512 = arith.constant 0 : i32
    %scan3A_513 = arith.constant 128 : i32
    %scan3A_514 = arith.addi %scan3A_512, %scan3A_513 : i32
    %scan3A_515 = arith.constant 1 : i32
    scf.for %scan3A_630 = %scan3A_512 to %scan3A_514 step %scan3A_515  : i32 {
      %mul3A_631 = arith.constant 1 : i32
      %mul3A_632 = arith.muli %scan3A_630, %mul3A_631 : i32
      %add3A_633 = arith.constant 0 : i32
      %add3A_634 = arith.addi %add3A_633, %mul3A_632 : i32
      %get3A = arith.index_cast %add3A_634 : i32 to index
      %get3A_635 = arith.constant 0 : index
      %get3A_636 = tpu.vector_load %arg12[%get3A, %get3A_635] {strides = array<i32>} : memref<128x16xf32, #tpu.memory_space<vmem>>, vector<1x16xf32>,
      %get3A_637 = vector.shape_cast %get3A_636 : vector<1x16xf32> to vector<16xf32>
      %gt3A = arith.constant 0.000000e+00 : f32
      %gt3A_638 = vector.broadcast %gt3A : f32 to vector<16xf32>
      %gt3A_639 = arith.cmpf ogt, %get3A_637, %gt3A_638 : vector<16xf32>
      %div3A = arith.constant 1.000000e+00 : f32
      %div3A_640 = vector.broadcast %div3A : f32 to vector<16xf32>
      %div3A_641 = arith.divf %div3A_640, %get3A_637 : vector<16xf32>
      %jit3A = arith.constant 0.000000e+00 : f32
      %broadcast_in_dim3A_642 = vector.broadcast %jit3A : f32 to vector<16xf32>
      %select_n3A = arith.select %gt3A_639, %div3A_641, %broadcast_in_dim3A_642 : vector<16xi1>, vector<16xf32>
      %get3A_643 = arith.index_cast %add3A_634 : i32 to index
      %get3A_644 = arith.constant 0 : index
      %get3A_645 = tpu.vector_load %arg17[%get3A_643, %get3A_644] {strides = array<i32>} : memref<128x32xf32, #tpu.memory_space<vmem>>, vector<1x16xf32>,
      %get3A_646 = vector.shape_cast %get3A_645 : vector<1x16xf32> to vector<16xf32>
      %mul3A_647 = arith.mulf %get3A_646, %select_n3A : vector<16xf32>
      %swap3A = arith.index_cast %add3A_634 : i32 to index
      %swap3A_648 = arith.constant 0 : index
      %swap3A_649 = tpu.vector_load %arg17[%swap3A, %swap3A_648] {strides = array<i32>} : memref<128x32xf32, #tpu.memory_space<vmem>>, vector<1x16xf32>,
      %swap3A_650 = vector.shape_cast %swap3A_649 : vector<1x16xf32> to vector<16xf32>
      %swap3A_651 = vector.shape_cast %mul3A_647 : vector<16xf32> to vector<1x16xf32>
      tpu.vector_store %arg17[%swap3A, %swap3A_648], %swap3A_651 {strides = array<i32>} : memref<128x32xf32, #tpu.memory_space<vmem>>, vector<1x16xf32>,
      %get3A_652 = arith.index_cast %add3A_634 : i32 to index
      %get3A_653 = arith.constant 16 : index
      %get3A_654 = tpu.vector_load %arg17[%get3A_652, %get3A_653] {strides = array<i32>} : memref<128x32xf32, #tpu.memory_space<vmem>>, vector<1x16xf32>,
      %get3A_655 = vector.shape_cast %get3A_654 : vector<1x16xf32> to vector<16xf32>
      %mul3A_656 = arith.mulf %get3A_655, %select_n3A : vector<16xf32>
      %swap3A_657 = arith.index_cast %add3A_634 : i32 to index
      %swap3A_658 = arith.constant 16 : index
      %swap3A_659 = tpu.vector_load %arg17[%swap3A_657, %swap3A_658] {strides = array<i32>} : memref<128x32xf32, #tpu.memory_space<vmem>>, vector<1x16xf32>,
      %swap3A_660 = vector.shape_cast %swap3A_659 : vector<1x16xf32> to vector<16xf32>
      %swap3A_661 = vector.shape_cast %mul3A_656 : vector<16xf32> to vector<1x16xf32>
      tpu.vector_store %arg17[%swap3A_657, %swap3A_658], %swap3A_661 {strides = array<i32>} : memref<128x32xf32, #tpu.memory_space<vmem>>, vector<1x16xf32>,
    }
    %scan3A_516 = arith.constant 128 : i32
    %dma_start3A_517 = arith.constant 0 : i32
    %dma_start3A_518 = tpu.memref_slice %arg6[%arg0, %add3A_503, %dma_start3A_517] : memref<2x10240x32xf32, #tpu.memory_space<hbm>> -> memref<1x128x32xf32, #tpu.memory_space<hbm>>
    %dma_start3A_519 = tpu.memref_squeeze %dma_start3A_518 : memref<1x128x32xf32, #tpu.memory_space<hbm>> -> memref<128x32xf32, #tpu.memory_space<hbm>>
    %dma_start3A_520 = arith.constant 0 : i32
    %dma_start3A_521 = tpu.memref_slice %arg6[%arg0, %add3A_503, %dma_start3A_520] : memref<2x10240x32xf32, #tpu.memory_space<hbm>> -> memref<1x128x32xf32, #tpu.memory_space<hbm>>
    %dma_start3A_522 = tpu.memref_squeeze %dma_start3A_521 : memref<1x128x32xf32, #tpu.memory_space<hbm>> -> memref<128x32xf32, #tpu.memory_space<hbm>>
    tpu.enqueue_dma source(%arg17 : memref<128x32xf32, #tpu.memory_space<vmem>>) target(%dma_start3A_522 : memref<128x32xf32, #tpu.memory_space<hbm>>) target_semaphore(%arg30 : memref<!tpu.dma_semaphore, #tpu.memory_space<semaphore_mem>>)
    %dma_wait3A_523 = arith.constant 0 : i32
    %dma_wait3A_524 = tpu.memref_slice %arg6[%arg0, %add3A_503, %dma_wait3A_523] : memref<2x10240x32xf32, #tpu.memory_space<hbm>> -> memref<1x128x32xf32, #tpu.memory_space<hbm>>
    %dma_wait3A_525 = tpu.memref_squeeze %dma_wait3A_524 : memref<1x128x32xf32, #tpu.memory_space<hbm>> -> memref<128x32xf32, #tpu.memory_space<hbm>>
    %dma_wait3A_526 = arith.constant 0 : i32
    %dma_wait3A_527 = tpu.memref_slice %arg6[%arg0, %add3A_503, %dma_wait3A_526] : memref<2x10240x32xf32, #tpu.memory_space<hbm>> -> memref<1x128x32xf32, #tpu.memory_space<hbm>>
    %dma_wait3A_528 = tpu.memref_squeeze %dma_wait3A_527 : memref<1x128x32xf32, #tpu.memory_space<hbm>> -> memref<128x32xf32, #tpu.memory_space<hbm>>
    tpu.wait_dma2 semaphore(%arg30 : memref<!tpu.dma_semaphore, #tpu.memory_space<semaphore_mem>>) src(%arg17 : memref<128x32xf32, #tpu.memory_space<vmem>>) dst(%dma_wait3A_528 : memref<128x32xf32, #tpu.memory_space<hbm>>)
    %add3A_529 = arith.constant 384 : i32
    %add3A_530 = arith.addi %mul3A_3, %add3A_529 : i32
    %dma_start3A_531 = arith.constant 0 : i32
    %dma_start3A_532 = tpu.memref_slice %arg9[%add3A_530, %dma_start3A_531] : memref<10240x32xf32, #tpu.memory_space<vmem_shared>> -> memref<128x32xf32, #tpu.memory_space<vmem_shared>>
    %dma_start3A_533 = arith.constant 0 : i32
    %dma_start3A_534 = tpu.memref_slice %arg9[%add3A_530, %dma_start3A_533] : memref<10240x32xf32, #tpu.memory_space<vmem_shared>> -> memref<128x32xf32, #tpu.memory_space<vmem_shared>>
    tpu.enqueue_dma source(%dma_start3A_534 : memref<128x32xf32, #tpu.memory_space<vmem_shared>>) target(%arg17 : memref<128x32xf32, #tpu.memory_space<vmem>>) target_semaphore(%arg23 : memref<!tpu.dma_semaphore, #tpu.memory_space<semaphore_mem>>)
    %dma_start3A_535 = arith.constant 0 : i32
    %dma_start3A_536 = tpu.memref_slice %arg13[%add3A_530, %dma_start3A_535] : memref<10240x16xf32, #tpu.memory_space<vmem_shared>> -> memref<128x16xf32, #tpu.memory_space<vmem_shared>>
    %dma_start3A_537 = arith.constant 0 : i32
    %dma_start3A_538 = tpu.memref_slice %arg13[%add3A_530, %dma_start3A_537] : memref<10240x16xf32, #tpu.memory_space<vmem_shared>> -> memref<128x16xf32, #tpu.memory_space<vmem_shared>>
    tpu.enqueue_dma source(%dma_start3A_538 : memref<128x16xf32, #tpu.memory_space<vmem_shared>>) target(%arg12 : memref<128x16xf32, #tpu.memory_space<vmem>>) target_semaphore(%arg39 : memref<!tpu.dma_semaphore, #tpu.memory_space<semaphore_mem>>)
    %add3A_539 = arith.constant 256 : i32
    %add3A_540 = arith.addi %mul3A_3, %add3A_539 : i32
    %dma_wait3A_541 = arith.constant 0 : i32
    %dma_wait3A_542 = tpu.memref_slice %arg9[%add3A_493, %dma_wait3A_541] : memref<10240x32xf32, #tpu.memory_space<vmem_shared>> -> memref<128x32xf32, #tpu.memory_space<vmem_shared>>
    %dma_wait3A_543 = arith.constant 0 : i32
    %dma_wait3A_544 = tpu.memref_slice %arg9[%add3A_493, %dma_wait3A_543] : memref<10240x32xf32, #tpu.memory_space<vmem_shared>> -> memref<128x32xf32, #tpu.memory_space<vmem_shared>>
    tpu.wait_dma2 semaphore(%arg22 : memref<!tpu.dma_semaphore, #tpu.memory_space<semaphore_mem>>) src(%dma_wait3A_544 : memref<128x32xf32, #tpu.memory_space<vmem_shared>>) dst(%arg16 : memref<128x32xf32, #tpu.memory_space<vmem>>)
    %dma_wait3A_545 = arith.constant 0 : i32
    %dma_wait3A_546 = tpu.memref_slice %arg13[%add3A_493, %dma_wait3A_545] : memref<10240x16xf32, #tpu.memory_space<vmem_shared>> -> memref<128x16xf32, #tpu.memory_space<vmem_shared>>
    %dma_wait3A_547 = arith.constant 0 : i32
    %dma_wait3A_548 = tpu.memref_slice %arg13[%add3A_493, %dma_wait3A_547] : memref<10240x16xf32, #tpu.memory_space<vmem_shared>> -> memref<128x16xf32, #tpu.memory_space<vmem_shared>>
    tpu.wait_dma2 semaphore(%arg38 : memref<!tpu.dma_semaphore, #tpu.memory_space<semaphore_mem>>) src(%dma_wait3A_548 : memref<128x16xf32, #tpu.memory_space<vmem_shared>>) dst(%arg11 : memref<128x16xf32, #tpu.memory_space<vmem>>)
    %scan3A_549 = arith.constant 0 : i32
    %scan3A_550 = arith.constant 128 : i32
    %scan3A_551 = arith.addi %scan3A_549, %scan3A_550 : i32
    %scan3A_552 = arith.constant 1 : i32
    scf.for %scan3A_630 = %scan3A_549 to %scan3A_551 step %scan3A_552  : i32 {
      %mul3A_631 = arith.constant 1 : i32
      %mul3A_632 = arith.muli %scan3A_630, %mul3A_631 : i32
      %add3A_633 = arith.constant 0 : i32
      %add3A_634 = arith.addi %add3A_633, %mul3A_632 : i32
      %get3A = arith.index_cast %add3A_634 : i32 to index
      %get3A_635 = arith.constant 0 : index
      %get3A_636 = tpu.vector_load %arg11[%get3A, %get3A_635] {strides = array<i32>} : memref<128x16xf32, #tpu.memory_space<vmem>>, vector<1x16xf32>,
      %get3A_637 = vector.shape_cast %get3A_636 : vector<1x16xf32> to vector<16xf32>
      %gt3A = arith.constant 0.000000e+00 : f32
      %gt3A_638 = vector.broadcast %gt3A : f32 to vector<16xf32>
      %gt3A_639 = arith.cmpf ogt, %get3A_637, %gt3A_638 : vector<16xf32>
      %div3A = arith.constant 1.000000e+00 : f32
      %div3A_640 = vector.broadcast %div3A : f32 to vector<16xf32>
      %div3A_641 = arith.divf %div3A_640, %get3A_637 : vector<16xf32>
      %jit3A = arith.constant 0.000000e+00 : f32
      %broadcast_in_dim3A_642 = vector.broadcast %jit3A : f32 to vector<16xf32>
      %select_n3A = arith.select %gt3A_639, %div3A_641, %broadcast_in_dim3A_642 : vector<16xi1>, vector<16xf32>
      %get3A_643 = arith.index_cast %add3A_634 : i32 to index
      %get3A_644 = arith.constant 0 : index
      %get3A_645 = tpu.vector_load %arg16[%get3A_643, %get3A_644] {strides = array<i32>} : memref<128x32xf32, #tpu.memory_space<vmem>>, vector<1x16xf32>,
      %get3A_646 = vector.shape_cast %get3A_645 : vector<1x16xf32> to vector<16xf32>
      %mul3A_647 = arith.mulf %get3A_646, %select_n3A : vector<16xf32>
      %swap3A = arith.index_cast %add3A_634 : i32 to index
      %swap3A_648 = arith.constant 0 : index
      %swap3A_649 = tpu.vector_load %arg16[%swap3A, %swap3A_648] {strides = array<i32>} : memref<128x32xf32, #tpu.memory_space<vmem>>, vector<1x16xf32>,
      %swap3A_650 = vector.shape_cast %swap3A_649 : vector<1x16xf32> to vector<16xf32>
      %swap3A_651 = vector.shape_cast %mul3A_647 : vector<16xf32> to vector<1x16xf32>
      tpu.vector_store %arg16[%swap3A, %swap3A_648], %swap3A_651 {strides = array<i32>} : memref<128x32xf32, #tpu.memory_space<vmem>>, vector<1x16xf32>,
      %get3A_652 = arith.index_cast %add3A_634 : i32 to index
      %get3A_653 = arith.constant 16 : index
      %get3A_654 = tpu.vector_load %arg16[%get3A_652, %get3A_653] {strides = array<i32>} : memref<128x32xf32, #tpu.memory_space<vmem>>, vector<1x16xf32>,
      %get3A_655 = vector.shape_cast %get3A_654 : vector<1x16xf32> to vector<16xf32>
      %mul3A_656 = arith.mulf %get3A_655, %select_n3A : vector<16xf32>
      %swap3A_657 = arith.index_cast %add3A_634 : i32 to index
      %swap3A_658 = arith.constant 16 : index
      %swap3A_659 = tpu.vector_load %arg16[%swap3A_657, %swap3A_658] {strides = array<i32>} : memref<128x32xf32, #tpu.memory_space<vmem>>, vector<1x16xf32>,
      %swap3A_660 = vector.shape_cast %swap3A_659 : vector<1x16xf32> to vector<16xf32>
      %swap3A_661 = vector.shape_cast %mul3A_656 : vector<16xf32> to vector<1x16xf32>
      tpu.vector_store %arg16[%swap3A_657, %swap3A_658], %swap3A_661 {strides = array<i32>} : memref<128x32xf32, #tpu.memory_space<vmem>>, vector<1x16xf32>,
    }
    %scan3A_553 = arith.constant 128 : i32
    %dma_start3A_554 = arith.constant 0 : i32
    %dma_start3A_555 = tpu.memref_slice %arg6[%arg0, %add3A_540, %dma_start3A_554] : memref<2x10240x32xf32, #tpu.memory_space<hbm>> -> memref<1x128x32xf32, #tpu.memory_space<hbm>>
    %dma_start3A_556 = tpu.memref_squeeze %dma_start3A_555 : memref<1x128x32xf32, #tpu.memory_space<hbm>> -> memref<128x32xf32, #tpu.memory_space<hbm>>
    %dma_start3A_557 = arith.constant 0 : i32
    %dma_start3A_558 = tpu.memref_slice %arg6[%arg0, %add3A_540, %dma_start3A_557] : memref<2x10240x32xf32, #tpu.memory_space<hbm>> -> memref<1x128x32xf32, #tpu.memory_space<hbm>>
    %dma_start3A_559 = tpu.memref_squeeze %dma_start3A_558 : memref<1x128x32xf32, #tpu.memory_space<hbm>> -> memref<128x32xf32, #tpu.memory_space<hbm>>
    tpu.enqueue_dma source(%arg16 : memref<128x32xf32, #tpu.memory_space<vmem>>) target(%dma_start3A_559 : memref<128x32xf32, #tpu.memory_space<hbm>>) target_semaphore(%arg30 : memref<!tpu.dma_semaphore, #tpu.memory_space<semaphore_mem>>)
    %dma_wait3A_560 = arith.constant 0 : i32
    %dma_wait3A_561 = tpu.memref_slice %arg6[%arg0, %add3A_540, %dma_wait3A_560] : memref<2x10240x32xf32, #tpu.memory_space<hbm>> -> memref<1x128x32xf32, #tpu.memory_space<hbm>>
    %dma_wait3A_562 = tpu.memref_squeeze %dma_wait3A_561 : memref<1x128x32xf32, #tpu.memory_space<hbm>> -> memref<128x32xf32, #tpu.memory_space<hbm>>
    %dma_wait3A_563 = arith.constant 0 : i32
    %dma_wait3A_564 = tpu.memref_slice %arg6[%arg0, %add3A_540, %dma_wait3A_563] : memref<2x10240x32xf32, #tpu.memory_space<hbm>> -> memref<1x128x32xf32, #tpu.memory_space<hbm>>
    %dma_wait3A_565 = tpu.memref_squeeze %dma_wait3A_564 : memref<1x128x32xf32, #tpu.memory_space<hbm>> -> memref<128x32xf32, #tpu.memory_space<hbm>>
    tpu.wait_dma2 semaphore(%arg30 : memref<!tpu.dma_semaphore, #tpu.memory_space<semaphore_mem>>) src(%arg16 : memref<128x32xf32, #tpu.memory_space<vmem>>) dst(%dma_wait3A_565 : memref<128x32xf32, #tpu.memory_space<hbm>>)
    %add3A_566 = arith.constant 512 : i32
    %add3A_567 = arith.addi %mul3A_3, %add3A_566 : i32
    %dma_start3A_568 = arith.constant 0 : i32
    %dma_start3A_569 = tpu.memref_slice %arg9[%add3A_567, %dma_start3A_568] : memref<10240x32xf32, #tpu.memory_space<vmem_shared>> -> memref<128x32xf32, #tpu.memory_space<vmem_shared>>
    %dma_start3A_570 = arith.constant 0 : i32
    %dma_start3A_571 = tpu.memref_slice %arg9[%add3A_567, %dma_start3A_570] : memref<10240x32xf32, #tpu.memory_space<vmem_shared>> -> memref<128x32xf32, #tpu.memory_space<vmem_shared>>
    tpu.enqueue_dma source(%dma_start3A_571 : memref<128x32xf32, #tpu.memory_space<vmem_shared>>) target(%arg16 : memref<128x32xf32, #tpu.memory_space<vmem>>) target_semaphore(%arg22 : memref<!tpu.dma_semaphore, #tpu.memory_space<semaphore_mem>>)
    %dma_start3A_572 = arith.constant 0 : i32
    %dma_start3A_573 = tpu.memref_slice %arg13[%add3A_567, %dma_start3A_572] : memref<10240x16xf32, #tpu.memory_space<vmem_shared>> -> memref<128x16xf32, #tpu.memory_space<vmem_shared>>
    %dma_start3A_574 = arith.constant 0 : i32
    %dma_start3A_575 = tpu.memref_slice %arg13[%add3A_567, %dma_start3A_574] : memref<10240x16xf32, #tpu.memory_space<vmem_shared>> -> memref<128x16xf32, #tpu.memory_space<vmem_shared>>
    tpu.enqueue_dma source(%dma_start3A_575 : memref<128x16xf32, #tpu.memory_space<vmem_shared>>) target(%arg11 : memref<128x16xf32, #tpu.memory_space<vmem>>) target_semaphore(%arg38 : memref<!tpu.dma_semaphore, #tpu.memory_space<semaphore_mem>>)
    %add3A_576 = arith.constant 384 : i32
    %add3A_577 = arith.addi %mul3A_3, %add3A_576 : i32
    %dma_wait3A_578 = arith.constant 0 : i32
    %dma_wait3A_579 = tpu.memref_slice %arg9[%add3A_530, %dma_wait3A_578] : memref<10240x32xf32, #tpu.memory_space<vmem_shared>> -> memref<128x32xf32, #tpu.memory_space<vmem_shared>>
    %dma_wait3A_580 = arith.constant 0 : i32
    %dma_wait3A_581 = tpu.memref_slice %arg9[%add3A_530, %dma_wait3A_580] : memref<10240x32xf32, #tpu.memory_space<vmem_shared>> -> memref<128x32xf32, #tpu.memory_space<vmem_shared>>
    tpu.wait_dma2 semaphore(%arg23 : memref<!tpu.dma_semaphore, #tpu.memory_space<semaphore_mem>>) src(%dma_wait3A_581 : memref<128x32xf32, #tpu.memory_space<vmem_shared>>) dst(%arg17 : memref<128x32xf32, #tpu.memory_space<vmem>>)
    %dma_wait3A_582 = arith.constant 0 : i32
    %dma_wait3A_583 = tpu.memref_slice %arg13[%add3A_530, %dma_wait3A_582] : memref<10240x16xf32, #tpu.memory_space<vmem_shared>> -> memref<128x16xf32, #tpu.memory_space<vmem_shared>>
    %dma_wait3A_584 = arith.constant 0 : i32
    %dma_wait3A_585 = tpu.memref_slice %arg13[%add3A_530, %dma_wait3A_584] : memref<10240x16xf32, #tpu.memory_space<vmem_shared>> -> memref<128x16xf32, #tpu.memory_space<vmem_shared>>
    tpu.wait_dma2 semaphore(%arg39 : memref<!tpu.dma_semaphore, #tpu.memory_space<semaphore_mem>>) src(%dma_wait3A_585 : memref<128x16xf32, #tpu.memory_space<vmem_shared>>) dst(%arg12 : memref<128x16xf32, #tpu.memory_space<vmem>>)
    %scan3A_586 = arith.constant 0 : i32
    %scan3A_587 = arith.constant 128 : i32
    %scan3A_588 = arith.addi %scan3A_586, %scan3A_587 : i32
    %scan3A_589 = arith.constant 1 : i32
    scf.for %scan3A_630 = %scan3A_586 to %scan3A_588 step %scan3A_589  : i32 {
      %mul3A_631 = arith.constant 1 : i32
      %mul3A_632 = arith.muli %scan3A_630, %mul3A_631 : i32
      %add3A_633 = arith.constant 0 : i32
      %add3A_634 = arith.addi %add3A_633, %mul3A_632 : i32
      %get3A = arith.index_cast %add3A_634 : i32 to index
      %get3A_635 = arith.constant 0 : index
      %get3A_636 = tpu.vector_load %arg12[%get3A, %get3A_635] {strides = array<i32>} : memref<128x16xf32, #tpu.memory_space<vmem>>, vector<1x16xf32>,
      %get3A_637 = vector.shape_cast %get3A_636 : vector<1x16xf32> to vector<16xf32>
      %gt3A = arith.constant 0.000000e+00 : f32
      %gt3A_638 = vector.broadcast %gt3A : f32 to vector<16xf32>
      %gt3A_639 = arith.cmpf ogt, %get3A_637, %gt3A_638 : vector<16xf32>
      %div3A = arith.constant 1.000000e+00 : f32
      %div3A_640 = vector.broadcast %div3A : f32 to vector<16xf32>
      %div3A_641 = arith.divf %div3A_640, %get3A_637 : vector<16xf32>
      %jit3A = arith.constant 0.000000e+00 : f32
      %broadcast_in_dim3A_642 = vector.broadcast %jit3A : f32 to vector<16xf32>
      %select_n3A = arith.select %gt3A_639, %div3A_641, %broadcast_in_dim3A_642 : vector<16xi1>, vector<16xf32>
      %get3A_643 = arith.index_cast %add3A_634 : i32 to index
      %get3A_644 = arith.constant 0 : index
      %get3A_645 = tpu.vector_load %arg17[%get3A_643, %get3A_644] {strides = array<i32>} : memref<128x32xf32, #tpu.memory_space<vmem>>, vector<1x16xf32>,
      %get3A_646 = vector.shape_cast %get3A_645 : vector<1x16xf32> to vector<16xf32>
      %mul3A_647 = arith.mulf %get3A_646, %select_n3A : vector<16xf32>
      %swap3A = arith.index_cast %add3A_634 : i32 to index
      %swap3A_648 = arith.constant 0 : index
      %swap3A_649 = tpu.vector_load %arg17[%swap3A, %swap3A_648] {strides = array<i32>} : memref<128x32xf32, #tpu.memory_space<vmem>>, vector<1x16xf32>,
      %swap3A_650 = vector.shape_cast %swap3A_649 : vector<1x16xf32> to vector<16xf32>
      %swap3A_651 = vector.shape_cast %mul3A_647 : vector<16xf32> to vector<1x16xf32>
      tpu.vector_store %arg17[%swap3A, %swap3A_648], %swap3A_651 {strides = array<i32>} : memref<128x32xf32, #tpu.memory_space<vmem>>, vector<1x16xf32>,
      %get3A_652 = arith.index_cast %add3A_634 : i32 to index
      %get3A_653 = arith.constant 16 : index
      %get3A_654 = tpu.vector_load %arg17[%get3A_652, %get3A_653] {strides = array<i32>} : memref<128x32xf32, #tpu.memory_space<vmem>>, vector<1x16xf32>,
      %get3A_655 = vector.shape_cast %get3A_654 : vector<1x16xf32> to vector<16xf32>
      %mul3A_656 = arith.mulf %get3A_655, %select_n3A : vector<16xf32>
      %swap3A_657 = arith.index_cast %add3A_634 : i32 to index
      %swap3A_658 = arith.constant 16 : index
      %swap3A_659 = tpu.vector_load %arg17[%swap3A_657, %swap3A_658] {strides = array<i32>} : memref<128x32xf32, #tpu.memory_space<vmem>>, vector<1x16xf32>,
      %swap3A_660 = vector.shape_cast %swap3A_659 : vector<1x16xf32> to vector<16xf32>
      %swap3A_661 = vector.shape_cast %mul3A_656 : vector<16xf32> to vector<1x16xf32>
      tpu.vector_store %arg17[%swap3A_657, %swap3A_658], %swap3A_661 {strides = array<i32>} : memref<128x32xf32, #tpu.memory_space<vmem>>, vector<1x16xf32>,
    }
    %scan3A_590 = arith.constant 128 : i32
    %dma_start3A_591 = arith.constant 0 : i32
    %dma_start3A_592 = tpu.memref_slice %arg6[%arg0, %add3A_577, %dma_start3A_591] : memref<2x10240x32xf32, #tpu.memory_space<hbm>> -> memref<1x128x32xf32, #tpu.memory_space<hbm>>
    %dma_start3A_593 = tpu.memref_squeeze %dma_start3A_592 : memref<1x128x32xf32, #tpu.memory_space<hbm>> -> memref<128x32xf32, #tpu.memory_space<hbm>>
    %dma_start3A_594 = arith.constant 0 : i32
    %dma_start3A_595 = tpu.memref_slice %arg6[%arg0, %add3A_577, %dma_start3A_594] : memref<2x10240x32xf32, #tpu.memory_space<hbm>> -> memref<1x128x32xf32, #tpu.memory_space<hbm>>
    %dma_start3A_596 = tpu.memref_squeeze %dma_start3A_595 : memref<1x128x32xf32, #tpu.memory_space<hbm>> -> memref<128x32xf32, #tpu.memory_space<hbm>>
    tpu.enqueue_dma source(%arg17 : memref<128x32xf32, #tpu.memory_space<vmem>>) target(%dma_start3A_596 : memref<128x32xf32, #tpu.memory_space<hbm>>) target_semaphore(%arg30 : memref<!tpu.dma_semaphore, #tpu.memory_space<semaphore_mem>>)
    %add3A_597 = arith.constant 512 : i32
    %add3A_598 = arith.addi %mul3A_3, %add3A_597 : i32
    %dma_wait3A_599 = arith.constant 0 : i32
    %dma_wait3A_600 = tpu.memref_slice %arg9[%add3A_567, %dma_wait3A_599] : memref<10240x32xf32, #tpu.memory_space<vmem_shared>> -> memref<128x32xf32, #tpu.memory_space<vmem_shared>>
    %dma_wait3A_601 = arith.constant 0 : i32
    %dma_wait3A_602 = tpu.memref_slice %arg9[%add3A_567, %dma_wait3A_601] : memref<10240x32xf32, #tpu.memory_space<vmem_shared>> -> memref<128x32xf32, #tpu.memory_space<vmem_shared>>
    tpu.wait_dma2 semaphore(%arg22 : memref<!tpu.dma_semaphore, #tpu.memory_space<semaphore_mem>>) src(%dma_wait3A_602 : memref<128x32xf32, #tpu.memory_space<vmem_shared>>) dst(%arg16 : memref<128x32xf32, #tpu.memory_space<vmem>>)
    %dma_wait3A_603 = arith.constant 0 : i32
    %dma_wait3A_604 = tpu.memref_slice %arg13[%add3A_567, %dma_wait3A_603] : memref<10240x16xf32, #tpu.memory_space<vmem_shared>> -> memref<128x16xf32, #tpu.memory_space<vmem_shared>>
    %dma_wait3A_605 = arith.constant 0 : i32
    %dma_wait3A_606 = tpu.memref_slice %arg13[%add3A_567, %dma_wait3A_605] : memref<10240x16xf32, #tpu.memory_space<vmem_shared>> -> memref<128x16xf32, #tpu.memory_space<vmem_shared>>
    tpu.wait_dma2 semaphore(%arg38 : memref<!tpu.dma_semaphore, #tpu.memory_space<semaphore_mem>>) src(%dma_wait3A_606 : memref<128x16xf32, #tpu.memory_space<vmem_shared>>) dst(%arg11 : memref<128x16xf32, #tpu.memory_space<vmem>>)
    %scan3A_607 = arith.constant 0 : i32
    %scan3A_608 = arith.constant 128 : i32
    %scan3A_609 = arith.addi %scan3A_607, %scan3A_608 : i32
    %scan3A_610 = arith.constant 1 : i32
    scf.for %scan3A_630 = %scan3A_607 to %scan3A_609 step %scan3A_610  : i32 {
      %mul3A_631 = arith.constant 1 : i32
      %mul3A_632 = arith.muli %scan3A_630, %mul3A_631 : i32
      %add3A_633 = arith.constant 0 : i32
      %add3A_634 = arith.addi %add3A_633, %mul3A_632 : i32
      %get3A = arith.index_cast %add3A_634 : i32 to index
      %get3A_635 = arith.constant 0 : index
      %get3A_636 = tpu.vector_load %arg11[%get3A, %get3A_635] {strides = array<i32>} : memref<128x16xf32, #tpu.memory_space<vmem>>, vector<1x16xf32>,
      %get3A_637 = vector.shape_cast %get3A_636 : vector<1x16xf32> to vector<16xf32>
      %gt3A = arith.constant 0.000000e+00 : f32
      %gt3A_638 = vector.broadcast %gt3A : f32 to vector<16xf32>
      %gt3A_639 = arith.cmpf ogt, %get3A_637, %gt3A_638 : vector<16xf32>
      %div3A = arith.constant 1.000000e+00 : f32
      %div3A_640 = vector.broadcast %div3A : f32 to vector<16xf32>
      %div3A_641 = arith.divf %div3A_640, %get3A_637 : vector<16xf32>
      %jit3A = arith.constant 0.000000e+00 : f32
      %broadcast_in_dim3A_642 = vector.broadcast %jit3A : f32 to vector<16xf32>
      %select_n3A = arith.select %gt3A_639, %div3A_641, %broadcast_in_dim3A_642 : vector<16xi1>, vector<16xf32>
      %get3A_643 = arith.index_cast %add3A_634 : i32 to index
      %get3A_644 = arith.constant 0 : index
      %get3A_645 = tpu.vector_load %arg16[%get3A_643, %get3A_644] {strides = array<i32>} : memref<128x32xf32, #tpu.memory_space<vmem>>, vector<1x16xf32>,
      %get3A_646 = vector.shape_cast %get3A_645 : vector<1x16xf32> to vector<16xf32>
      %mul3A_647 = arith.mulf %get3A_646, %select_n3A : vector<16xf32>
      %swap3A = arith.index_cast %add3A_634 : i32 to index
      %swap3A_648 = arith.constant 0 : index
      %swap3A_649 = tpu.vector_load %arg16[%swap3A, %swap3A_648] {strides = array<i32>} : memref<128x32xf32, #tpu.memory_space<vmem>>, vector<1x16xf32>,
      %swap3A_650 = vector.shape_cast %swap3A_649 : vector<1x16xf32> to vector<16xf32>
      %swap3A_651 = vector.shape_cast %mul3A_647 : vector<16xf32> to vector<1x16xf32>
      tpu.vector_store %arg16[%swap3A, %swap3A_648], %swap3A_651 {strides = array<i32>} : memref<128x32xf32, #tpu.memory_space<vmem>>, vector<1x16xf32>,
      %get3A_652 = arith.index_cast %add3A_634 : i32 to index
      %get3A_653 = arith.constant 16 : index
      %get3A_654 = tpu.vector_load %arg16[%get3A_652, %get3A_653] {strides = array<i32>} : memref<128x32xf32, #tpu.memory_space<vmem>>, vector<1x16xf32>,
      %get3A_655 = vector.shape_cast %get3A_654 : vector<1x16xf32> to vector<16xf32>
      %mul3A_656 = arith.mulf %get3A_655, %select_n3A : vector<16xf32>
      %swap3A_657 = arith.index_cast %add3A_634 : i32 to index
      %swap3A_658 = arith.constant 16 : index
      %swap3A_659 = tpu.vector_load %arg16[%swap3A_657, %swap3A_658] {strides = array<i32>} : memref<128x32xf32, #tpu.memory_space<vmem>>, vector<1x16xf32>,
      %swap3A_660 = vector.shape_cast %swap3A_659 : vector<1x16xf32> to vector<16xf32>
      %swap3A_661 = vector.shape_cast %mul3A_656 : vector<16xf32> to vector<1x16xf32>
      tpu.vector_store %arg16[%swap3A_657, %swap3A_658], %swap3A_661 {strides = array<i32>} : memref<128x32xf32, #tpu.memory_space<vmem>>, vector<1x16xf32>,
    }
    %scan3A_611 = arith.constant 128 : i32
    %dma_start3A_612 = arith.constant 0 : i32
    %dma_start3A_613 = tpu.memref_slice %arg6[%arg0, %add3A_598, %dma_start3A_612] : memref<2x10240x32xf32, #tpu.memory_space<hbm>> -> memref<1x128x32xf32, #tpu.memory_space<hbm>>
    %dma_start3A_614 = tpu.memref_squeeze %dma_start3A_613 : memref<1x128x32xf32, #tpu.memory_space<hbm>> -> memref<128x32xf32, #tpu.memory_space<hbm>>
    %dma_start3A_615 = arith.constant 0 : i32
    %dma_start3A_616 = tpu.memref_slice %arg6[%arg0, %add3A_598, %dma_start3A_615] : memref<2x10240x32xf32, #tpu.memory_space<hbm>> -> memref<1x128x32xf32, #tpu.memory_space<hbm>>
    %dma_start3A_617 = tpu.memref_squeeze %dma_start3A_616 : memref<1x128x32xf32, #tpu.memory_space<hbm>> -> memref<128x32xf32, #tpu.memory_space<hbm>>
    tpu.enqueue_dma source(%arg16 : memref<128x32xf32, #tpu.memory_space<vmem>>) target(%dma_start3A_617 : memref<128x32xf32, #tpu.memory_space<hbm>>) target_semaphore(%arg30 : memref<!tpu.dma_semaphore, #tpu.memory_space<semaphore_mem>>)
    %dma_wait3A_618 = arith.constant 0 : i32
    %dma_wait3A_619 = tpu.memref_slice %arg6[%arg0, %add3A_577, %dma_wait3A_618] : memref<2x10240x32xf32, #tpu.memory_space<hbm>> -> memref<1x128x32xf32, #tpu.memory_space<hbm>>
    %dma_wait3A_620 = tpu.memref_squeeze %dma_wait3A_619 : memref<1x128x32xf32, #tpu.memory_space<hbm>> -> memref<128x32xf32, #tpu.memory_space<hbm>>
    %dma_wait3A_621 = arith.constant 0 : i32
    %dma_wait3A_622 = tpu.memref_slice %arg6[%arg0, %add3A_577, %dma_wait3A_621] : memref<2x10240x32xf32, #tpu.memory_space<hbm>> -> memref<1x128x32xf32, #tpu.memory_space<hbm>>
    %dma_wait3A_623 = tpu.memref_squeeze %dma_wait3A_622 : memref<1x128x32xf32, #tpu.memory_space<hbm>> -> memref<128x32xf32, #tpu.memory_space<hbm>>
    tpu.wait_dma2 semaphore(%arg30 : memref<!tpu.dma_semaphore, #tpu.memory_space<semaphore_mem>>) src(%arg17 : memref<128x32xf32, #tpu.memory_space<vmem>>) dst(%dma_wait3A_623 : memref<128x32xf32, #tpu.memory_space<hbm>>)
    %dma_wait3A_624 = arith.constant 0 : i32
    %dma_wait3A_625 = tpu.memref_slice %arg6[%arg0, %add3A_598, %dma_wait3A_624] : memref<2x10240x32xf32, #tpu.memory_space<hbm>> -> memref<1x128x32xf32, #tpu.memory_space<hbm>>
    %dma_wait3A_626 = tpu.memref_squeeze %dma_wait3A_625 : memref<1x128x32xf32, #tpu.memory_space<hbm>> -> memref<128x32xf32, #tpu.memory_space<hbm>>
    %dma_wait3A_627 = arith.constant 0 : i32
    %dma_wait3A_628 = tpu.memref_slice %arg6[%arg0, %add3A_598, %dma_wait3A_627] : memref<2x10240x32xf32, #tpu.memory_space<hbm>> -> memref<1x128x32xf32, #tpu.memory_space<hbm>>
    %dma_wait3A_629 = tpu.memref_squeeze %dma_wait3A_628 : memref<1x128x32xf32, #tpu.memory_space<hbm>> -> memref<128x32xf32, #tpu.memory_space<hbm>>
    tpu.wait_dma2 semaphore(%arg30 : memref<!tpu.dma_semaphore, #tpu.memory_space<semaphore_mem>>) src(%arg16 : memref<128x32xf32, #tpu.memory_space<vmem>>) dst(%dma_wait3A_629 : memref<128x32xf32, #tpu.memory_space<hbm>>)
    return
  }
}

module attributes {stable_mosaic.version = 14 : i64} {
  func.func @body(%arg0: i32, %arg1: memref<2048x128xf32, #tpu.memory_space<vmem>>, %arg2: memref<128x64xf32, #tpu.memory_space<vmem>>, %arg3: memref<1x64xf32, #tpu.memory_space<vmem>>, %arg4: memref<2x2048x32xf32, #tpu.memory_space<vmem>>) attributes {dimension_semantics = [#tpu.dimension_semantics<arbitrary>], iteration_bounds = array<i64: 5>, scalar_prefetch = 0 : i64, scratch_operands = 0 : i64, tpu.core_type = #tpu.core_type<tc>, window_params = [{transform_indices = @transform_0, window_bounds = array<i64: 2048, 128>}, {pipeline_mode = #tpu.pipeline_mode<synchronous>, transform_indices = @transform_1, window_bounds = array<i64: 128, 64>}, {pipeline_mode = #tpu.pipeline_mode<synchronous>, transform_indices = @transform_2, window_bounds = array<i64: 1, 64>}, {transform_indices = @transform_3, window_bounds = array<i64: 2, 2048, 32>}]} {
    %get3A = arith.constant 0 : index
    %get3A_0 = arith.constant 0 : index
    %get3A_1 = vector.load %arg1[%get3A, %get3A_0] : memref<2048x128xf32, #tpu.memory_space<vmem>>, vector<2048x128xf32>
    %get3A_2 = arith.constant 0 : index
    %get3A_3 = arith.constant 0 : index
    %get3A_4 = vector.load %arg2[%get3A_2, %get3A_3] : memref<128x64xf32, #tpu.memory_space<vmem>>, vector<128x64xf32>
    %dot_general3A = arith.constant dense<0.000000e+00> : vector<2048x64xf32>
    %dot_general3A_5 = tpu.matmul %get3A_1, %get3A_4, %dot_general3A {dimension_numbers = #tpu.dot_dimension_numbers<[1], [0], [0], [1], [0, 0, 1, 1], [], []>, transpose_lhs_hint = false} : vector<2048x128xf32>, vector<128x64xf32>, vector<2048x64xf32> -> vector<2048x64xf32>
    %get3A_6 = arith.constant 0 : index
    %get3A_7 = arith.constant 0 : index
    %get3A_8 = vector.load %arg3[%get3A_6, %get3A_7] : memref<1x64xf32, #tpu.memory_space<vmem>>, vector<1x64xf32>
    %add3A = vector.broadcast %get3A_8 : vector<1x64xf32> to vector<2048x64xf32>
    %add3A_9 = arith.addf %dot_general3A_5, %add3A : vector<2048x64xf32>
    %max3A = arith.constant 0.000000e+00 : f32
    %max3A_10 = vector.broadcast %max3A : f32 to vector<2048x64xf32>
    %max3A_11 = arith.maximumf %add3A_9, %max3A_10 : vector<2048x64xf32>
    %slice3A = vector.extract_strided_slice %max3A_11 {offsets = [0, 0], sizes = [2048, 32], strides = [1, 1]} : vector<2048x64xf32> to vector<2048x32xf32>
    %swap3A = arith.constant 0 : index
    %swap3A_12 = arith.constant 0 : index
    %swap3A_13 = arith.constant 0 : index
    %swap3A_14 = vector.load %arg4[%swap3A, %swap3A_12, %swap3A_13] : memref<2x2048x32xf32, #tpu.memory_space<vmem>>, vector<1x2048x32xf32>
    %swap3A_15 = vector.shape_cast %swap3A_14 : vector<1x2048x32xf32> to vector<2048x32xf32>
    %swap3A_16 = vector.shape_cast %slice3A : vector<2048x32xf32> to vector<1x2048x32xf32>
    tpu.vector_store %arg4[%swap3A, %swap3A_12, %swap3A_13], %swap3A_16 {strides = array<i32>} : memref<2x2048x32xf32, #tpu.memory_space<vmem>>, vector<1x2048x32xf32>,
    %slice3A_17 = vector.extract_strided_slice %max3A_11 {offsets = [0, 32], sizes = [2048, 32], strides = [1, 1]} : vector<2048x64xf32> to vector<2048x32xf32>
    %swap3A_18 = arith.constant 1 : index
    %swap3A_19 = arith.constant 0 : index
    %swap3A_20 = arith.constant 0 : index
    %swap3A_21 = vector.load %arg4[%swap3A_18, %swap3A_19, %swap3A_20] : memref<2x2048x32xf32, #tpu.memory_space<vmem>>, vector<1x2048x32xf32>
    %swap3A_22 = vector.shape_cast %swap3A_21 : vector<1x2048x32xf32> to vector<2048x32xf32>
    %swap3A_23 = vector.shape_cast %slice3A_17 : vector<2048x32xf32> to vector<1x2048x32xf32>
    tpu.vector_store %arg4[%swap3A_18, %swap3A_19, %swap3A_20], %swap3A_23 {strides = array<i32>} : memref<2x2048x32xf32, #tpu.memory_space<vmem>>, vector<1x2048x32xf32>,
    return
  }
  func.func @transform_0(%arg0: i32) -> (i32, i32) {
    %c0_i32 = arith.constant 0 : i32
    %c0_i32_0 = arith.constant 0 : i32
    return %arg0, %c0_i32 : i32, i32
  }
  func.func @transform_1(%arg0: i32) -> (i32, i32) {
    %c0_i32 = arith.constant 0 : i32
    %c0_i32_0 = arith.constant 0 : i32
    %c0_i32_1 = arith.constant 0 : i32
    return %c0_i32, %c0_i32_0 : i32, i32
  }
  func.func @transform_2(%arg0: i32) -> (i32, i32) {
    %c0_i32 = arith.constant 0 : i32
    %c0_i32_0 = arith.constant 0 : i32
    %c0_i32_1 = arith.constant 0 : i32
    return %c0_i32, %c0_i32_0 : i32, i32
  }
  func.func @transform_3(%arg0: i32) -> (i32, i32, i32) {
    %c0_i32 = arith.constant 0 : i32
    %c0_i32_0 = arith.constant 0 : i32
    %c0_i32_1 = arith.constant 0 : i32
    return %c0_i32, %arg0, %c0_i32_0 : i32, i32, i32
  }
}

module attributes {stable_mosaic.version = 14 : i64} {
  func.func @body(%arg0: i32, %arg1: memref<1x2048x32xf32, #tpu.memory_space<vmem>>, %arg2: memref<1x2048x32xf32, #tpu.memory_space<vmem>>, %arg3: memref<1x2048x32xf32, #tpu.memory_space<vmem>>, %arg4: memref<1x2048x32xf32, #tpu.memory_space<vmem>>, %arg5: memref<1x2048x32xf32, #tpu.memory_space<vmem>>, %arg6: memref<1x2048x32xf32, #tpu.memory_space<vmem>>, %arg7: memref<64x320xf32, #tpu.memory_space<vmem>>, %arg8: memref<1x64xf32, #tpu.memory_space<vmem>>, %arg9: memref<2048x64xf32, #tpu.memory_space<vmem>>) attributes {dimension_semantics = [#tpu.dimension_semantics<arbitrary>], iteration_bounds = array<i64: 5>, scalar_prefetch = 0 : i64, scratch_operands = 0 : i64, tpu.core_type = #tpu.core_type<tc>, window_params = [{transform_indices = @transform_0, window_bounds = array<i64: 1, 2048, 32>}, {transform_indices = @transform_1, window_bounds = array<i64: 1, 2048, 32>}, {transform_indices = @transform_2, window_bounds = array<i64: 1, 2048, 32>}, {transform_indices = @transform_3, window_bounds = array<i64: 1, 2048, 32>}, {transform_indices = @transform_4, window_bounds = array<i64: 1, 2048, 32>}, {transform_indices = @transform_5, window_bounds = array<i64: 1, 2048, 32>}, {pipeline_mode = #tpu.pipeline_mode<synchronous>, transform_indices = @transform_6, window_bounds = array<i64: 64, 320>}, {pipeline_mode = #tpu.pipeline_mode<synchronous>, transform_indices = @transform_7, window_bounds = array<i64: 1, 64>}, {transform_indices = @transform_8, window_bounds = array<i64: 2048, 64>}]} {
    %get3A = arith.constant 0 : index
    %get3A_0 = arith.constant 0 : index
    %get3A_1 = arith.constant 0 : index
    %get3A_2 = vector.load %arg1[%get3A, %get3A_0, %get3A_1] : memref<1x2048x32xf32, #tpu.memory_space<vmem>>, vector<1x2048x32xf32>
    %get3A_3 = vector.shape_cast %get3A_2 : vector<1x2048x32xf32> to vector<2048x32xf32>
    %get3A_4 = arith.constant 0 : index
    %get3A_5 = arith.constant 0 : index
    %get3A_6 = arith.constant 0 : index
    %get3A_7 = vector.load %arg2[%get3A_4, %get3A_5, %get3A_6] : memref<1x2048x32xf32, #tpu.memory_space<vmem>>, vector<1x2048x32xf32>
    %get3A_8 = vector.shape_cast %get3A_7 : vector<1x2048x32xf32> to vector<2048x32xf32>
    %get3A_9 = arith.constant 0 : index
    %get3A_10 = arith.constant 0 : index
    %get3A_11 = arith.constant 0 : index
    %get3A_12 = vector.load %arg3[%get3A_9, %get3A_10, %get3A_11] : memref<1x2048x32xf32, #tpu.memory_space<vmem>>, vector<1x2048x32xf32>
    %get3A_13 = vector.shape_cast %get3A_12 : vector<1x2048x32xf32> to vector<2048x32xf32>
    %get3A_14 = arith.constant 0 : index
    %get3A_15 = arith.constant 0 : index
    %get3A_16 = arith.constant 0 : index
    %get3A_17 = vector.load %arg4[%get3A_14, %get3A_15, %get3A_16] : memref<1x2048x32xf32, #tpu.memory_space<vmem>>, vector<1x2048x32xf32>
    %get3A_18 = vector.shape_cast %get3A_17 : vector<1x2048x32xf32> to vector<2048x32xf32>
    %get3A_19 = arith.constant 0 : index
    %get3A_20 = arith.constant 0 : index
    %get3A_21 = arith.constant 0 : index
    %get3A_22 = vector.load %arg5[%get3A_19, %get3A_20, %get3A_21] : memref<1x2048x32xf32, #tpu.memory_space<vmem>>, vector<1x2048x32xf32>
    %get3A_23 = vector.shape_cast %get3A_22 : vector<1x2048x32xf32> to vector<2048x32xf32>
    %get3A_24 = arith.constant 0 : index
    %get3A_25 = arith.constant 0 : index
    %get3A_26 = arith.constant 0 : index
    %get3A_27 = vector.load %arg6[%get3A_24, %get3A_25, %get3A_26] : memref<1x2048x32xf32, #tpu.memory_space<vmem>>, vector<1x2048x32xf32>
    %get3A_28 = vector.shape_cast %get3A_27 : vector<1x2048x32xf32> to vector<2048x32xf32>
    %concatenate3A = tpu.concatenate %get3A_3, %get3A_8, %get3A_13, %get3A_18, %get3A_23, %get3A_28 in 1 : vector<2048x32xf32>, vector<2048x32xf32>, vector<2048x32xf32>, vector<2048x32xf32>, vector<2048x32xf32>, vector<2048x32xf32> -> vector<2048x192xf32>
    %get3A_29 = arith.constant 0 : index
    %get3A_30 = arith.constant 0 : index
    %get3A_31 = vector.load %arg7[%get3A_29, %get3A_30] : memref<64x320xf32, #tpu.memory_space<vmem>>, vector<64x320xf32>
    %slice3A = vector.extract_strided_slice %get3A_31 {offsets = [0, 0], sizes = [64, 64], strides = [1, 1]} : vector<64x320xf32> to vector<64x64xf32>
    %slice3A_32 = vector.extract_strided_slice %get3A_31 {offsets = [0, 64], sizes = [64, 64], strides = [1, 1]} : vector<64x320xf32> to vector<64x64xf32>
    %slice3A_33 = vector.extract_strided_slice %get3A_31 {offsets = [0, 128], sizes = [64, 64], strides = [1, 1]} : vector<64x320xf32> to vector<64x64xf32>
    %add3A = arith.addf %slice3A_32, %slice3A_33 : vector<64x64xf32>
    %slice3A_34 = vector.extract_strided_slice %get3A_31 {offsets = [0, 192], sizes = [64, 64], strides = [1, 1]} : vector<64x320xf32> to vector<64x64xf32>
    %slice3A_35 = vector.extract_strided_slice %get3A_31 {offsets = [0, 256], sizes = [64, 64], strides = [1, 1]} : vector<64x320xf32> to vector<64x64xf32>
    %add3A_36 = arith.addf %slice3A_34, %slice3A_35 : vector<64x64xf32>
    %concatenate3A_37 = tpu.concatenate %slice3A, %add3A, %add3A_36 in 1 : vector<64x64xf32>, vector<64x64xf32>, vector<64x64xf32> -> vector<64x192xf32>
    %dot_general3A = arith.constant dense<0.000000e+00> : vector<2048x64xf32>
    %dot_general3A_38 = tpu.matmul %concatenate3A, %concatenate3A_37, %dot_general3A {dimension_numbers = #tpu.dot_dimension_numbers<[1], [1], [0], [0], [0, 0, 1, 0], [], []>, transpose_lhs_hint = false} : vector<2048x192xf32>, vector<64x192xf32>, vector<2048x64xf32> -> vector<2048x64xf32>
    %get3A_39 = arith.constant 0 : index
    %get3A_40 = arith.constant 0 : index
    %get3A_41 = vector.load %arg8[%get3A_39, %get3A_40] : memref<1x64xf32, #tpu.memory_space<vmem>>, vector<1x64xf32>
    %add3A_42 = vector.broadcast %get3A_41 : vector<1x64xf32> to vector<2048x64xf32>
    %add3A_43 = arith.addf %dot_general3A_38, %add3A_42 : vector<2048x64xf32>
    %swap3A = arith.constant 0 : index
    %swap3A_44 = arith.constant 0 : index
    %swap3A_45 = vector.load %arg9[%swap3A, %swap3A_44] : memref<2048x64xf32, #tpu.memory_space<vmem>>, vector<2048x64xf32>
    tpu.vector_store %arg9[%swap3A, %swap3A_44], %add3A_43 {strides = array<i32>} : memref<2048x64xf32, #tpu.memory_space<vmem>>, vector<2048x64xf32>,
    return
  }
  func.func @transform_0(%arg0: i32) -> (i32, i32, i32) {
    %c0_i32 = arith.constant 0 : i32
    %c0_i32_0 = arith.constant 0 : i32
    %c0_i32_1 = arith.constant 0 : i32
    return %c0_i32, %arg0, %c0_i32_0 : i32, i32, i32
  }
  func.func @transform_1(%arg0: i32) -> (i32, i32, i32) {
    %c1_i32 = arith.constant 1 : i32
    %c0_i32 = arith.constant 0 : i32
    %c0_i32_0 = arith.constant 0 : i32
    return %c1_i32, %arg0, %c0_i32 : i32, i32, i32
  }
  func.func @transform_2(%arg0: i32) -> (i32, i32, i32) {
    %c0_i32 = arith.constant 0 : i32
    %c0_i32_0 = arith.constant 0 : i32
    %c0_i32_1 = arith.constant 0 : i32
    return %c0_i32, %arg0, %c0_i32_0 : i32, i32, i32
  }
  func.func @transform_3(%arg0: i32) -> (i32, i32, i32) {
    %c1_i32 = arith.constant 1 : i32
    %c0_i32 = arith.constant 0 : i32
    %c0_i32_0 = arith.constant 0 : i32
    return %c1_i32, %arg0, %c0_i32 : i32, i32, i32
  }
  func.func @transform_4(%arg0: i32) -> (i32, i32, i32) {
    %c0_i32 = arith.constant 0 : i32
    %c0_i32_0 = arith.constant 0 : i32
    %c0_i32_1 = arith.constant 0 : i32
    return %c0_i32, %arg0, %c0_i32_0 : i32, i32, i32
  }
  func.func @transform_5(%arg0: i32) -> (i32, i32, i32) {
    %c1_i32 = arith.constant 1 : i32
    %c0_i32 = arith.constant 0 : i32
    %c0_i32_0 = arith.constant 0 : i32
    return %c1_i32, %arg0, %c0_i32 : i32, i32, i32
  }
  func.func @transform_6(%arg0: i32) -> (i32, i32) {
    %c0_i32 = arith.constant 0 : i32
    %c0_i32_0 = arith.constant 0 : i32
    %c0_i32_1 = arith.constant 0 : i32
    return %c0_i32, %c0_i32_0 : i32, i32
  }
  func.func @transform_7(%arg0: i32) -> (i32, i32) {
    %c0_i32 = arith.constant 0 : i32
    %c0_i32_0 = arith.constant 0 : i32
    %c0_i32_1 = arith.constant 0 : i32
    return %c0_i32, %c0_i32_0 : i32, i32
  }
  func.func @transform_8(%arg0: i32) -> (i32, i32) {
    %c0_i32 = arith.constant 0 : i32
    %c0_i32_0 = arith.constant 0 : i32
    return %arg0, %c0_i32 : i32, i32
  }
}

</mosaic_0001>

<sc_bundles>
// kernel: kernel.5.cloned.1.call-start
scs
__scs_entry_jumppad:
0x0: {  	(pc) =	sbr.rel $0x88, $3  }
0x1: {  	(tag) =	ssettag $0x0;
	lr =	simm.s32 $0x1  }
0x2: {  	[smem:$0x3F9B] =	sst lr;
	_ =	strace $0xD0000000  }
0x3: {  	_ = 	snop  }
0x4: {  	_ = 	snop  }
0x5: {  	_ = 	snop  }
0x6: {  	_ = 	snop  }
0x7: {  	_ = 	snop  }
__scs_overlays_trampoline_lowered:
0x8: {  	[smem:$0x3FAA] =	sst s0  }
0x9: {  	[smem:$0x3FAB] =	sst s1  }
0xa: {  	[smem:$0x3FAC] =	sst s2  }
0xb: {  	[smem:$0x3FAD] =	sst s3  }
0xc: {  	[smem:$0x3FAE] =	sst s4  }
0xd: {  	[smem:$0x3FAF] =	sst s5  }
0xe: {  	[smem:$0x3FB0] =	sst s6  }
0xf: {  	[smem:$0x3FB1] =	sst s7  }
0x10: {  	[smem:$0x3FB2] =	sst s8  }
0x11: {  	[smem:$0x3FB3] =	sst s9;
	s0 =	simm.s32 @!p0 $0x0  }
0x12: {  	s1 =	sld [smem:$0x3F99];
	s0 =	simm.s32 @p0 $0x1  }
0x13: {  	[smem:$0x3FB4] =	sst s0;
	s0 =	simm.s32 @!p1 $0x0  }
0x14: {  	s2 =	sld [smem:$0x3F98];
	s0 =	simm.s32 @p1 $0x1  }
0x15: {  	[smem:$0x3FB5] =	sst s0;
	s0 =	simm.s32 @!p2 $0x0  }
0x16: {  	s3 =	sld [smem:$0x3FDB];
	s0 =	simm.s32 @p2 $0x1  }
0x17: {  	s4 =	simm.s32 $0x1BF5;
	[smem:$0x3FB7] =	sst s0  }
0x18: {  	s0 =	sld [smem:$0x3F9A];
	_ =	swait.ge [sflag:s4], $0x0  }
0x19: {  	s7 =	sld [smem:$0x3F9B]  }
0x1a: {  	s8 =	sadd.s32 $0xFFFFE003, lr  }
0x1b: {  	s9 =	sadd.s32 $0xFFFFFEF7, lr;
	s5 =	simm.s32 $0xFFFFFFFF;
	p2 =	slt.u32 s8, $0xFFFFF086  }
0x1c: {  	p1 =	slt.u32 s9, $0xF7A;
	s5 =	simm.s32 @!p2 $0x0  }
0x1d: {  	s5 =	simm.s32 @p1 $0x1;
	p0 =	seq.s32 s7, s2  }
0x1e: {  	s7 =	smul.u32 @!p0 $0xF7A, s2;
	p2 =	seq.s32 @!p0 s5, $0x0  }
0x1f: {  	s9 =	smul.u32 $0xF7A, s1;
	s8 =	simm.s32 @!p0 $0x1BF5;
	p2 =	por !p2, p0  }
0x20: {  	[sflag:s8] =	ssyncset.s32 @!p0 $0xFFFFF086;
	s6 =	sadd.s32 @!p0 s3, s7;
	s7 =	simm.s32 @!p0 $0x108  }
0x21: {  	s3 =	sadd.s32 s3, s9;
	s6 =	sadd.s32 @!p0 $0x88, s6;
	s7 =	simm.s32 @p2 $0x1082  }
0x22: {  	[simem:s7], [sflag:s8] =	dma.local @!p0 [hbm:s6], $0xF7A  }
0x23: {  	s9 =	sor.u32 $0xD0000000, s2;
	s6 =	simm.s32 $0x108;
	_ =	swait.ge @!p0 [sflag:s8], $0x0  }
0x24: {  	s3 =	sadd.s32 $0x88, s3;
	s6 =	simm.s32 @!p1 $0x1082;
	[sflag:s4] =	ssyncset.s32 $0xFFFFF086  }
0x25: {  	[simem:s6], [sflag:s4] =	dma.local [hbm:s3], $0xF7A  }
0x26: {  	[smem:$0x3F9B] =	sst s1;
	(tag) =	ssettag s2;
	_ =	strace s9  }
0x27: {  	s1 =	sld [smem:$0x3FAB]  }
0x28: {  	s2 =	sld [smem:$0x3FAC]  }
0x29: {  	s4 =	sld [smem:$0x3FAE]  }
0x2a: {  	p0 =	seq.s32 s5, $0x0;
	s5 =	sld [smem:$0x3FAF]  }
0x2b: {  	s6 =	sld [smem:$0x3FB0]  }
0x2c: {  	s7 =	sld [smem:$0x3FB1]  }
0x2d: {  	s3 =	simm.s32 $0x108;
	s8 =	sld [smem:$0x3FB2]  }
0x2e: {  	s3 =	simm.s32 @!p0 $0x1082;
	s9 =	sld [smem:$0x3FB3]  }
0x2f: {  	lr =	sadd.s32 s0, s3;
	s0 =	sld [smem:$0x3FAA]  }
0x30: {  	s3 =	sld [smem:$0x3FAD]  }
0x31: {  	[smem:$0x3FB6] =	sst s10  }
0x32: {  	s10 =	sld [smem:$0x3FB4];
	_ =	sdelay $0x3  }
0x33: {  	p0 =	seq.s32 s10, $0x1;
	s10 =	sld [smem:$0x3FB6];
	_ =	sdelay $0x3  }
0x34: {  	[smem:$0x3FB6] =	sst s10  }
0x35: {  	s10 =	sld [smem:$0x3FB5];
	_ =	sdelay $0x3  }
0x36: {  	p1 =	seq.s32 s10, $0x1;
	s10 =	sld [smem:$0x3FB6];
	_ =	sdelay $0x3  }
0x37: {  	[smem:$0x3FB6] =	sst s10  }
0x38: {  	s10 =	sld [smem:$0x3FB7]  }
0x39: {  	_ = 	snop;
	(pc) =	sbr.ind lr, $3  }
0x3a: {  	_ = 	snop  }
0x3b: {  	_ = 	snop  }
0x3c: {  	p2 =	seq.s32 s10, $0x1;
	s10 =	sld [smem:$0x3FB6]  }
0x3d: {  	_ =	shalt  }
0x3e: {  	_ =	shalt  }
0x3f: {  	_ =	shalt  }
0x40: {  	_ =	shalt  }
0x41: {  	_ =	shalt  }
0x42: {  	_ =	shalt  }
0x43: {  	_ =	shalt  }
0x44: {  	_ =	shalt  }
0x45: {  	_ =	shalt  }
0x46: {  	_ =	shalt  }
0x47: {  	_ =	shalt  }
0x48: {  	_ =	shalt  }
0x49: {  	_ =	shalt  }
0x4a: {  	_ =	shalt  }
0x4b: {  	_ =	shalt  }
0x4c: {  	_ =	shalt  }
0x4d: {  	_ =	shalt  }
0x4e: {  	_ =	shalt  }
0x4f: {  	_ =	shalt  }
0x50: {  	_ =	shalt  }
0x51: {  	_ =	shalt  }
0x52: {  	_ =	shalt  }
0x53: {  	_ =	shalt  }
0x54: {  	_ =	shalt  }
0x55: {  	_ =	shalt  }
0x56: {  	_ =	shalt  }
0x57: {  	_ =	shalt  }
0x58: {  	_ =	shalt  }
0x59: {  	_ =	shalt  }
0x5a: {  	_ =	shalt  }
0x5b: {  	_ =	shalt  }
0x5c: {  	_ =	shalt  }
0x5d: {  	_ =	shalt  }
0x5e: {  	_ =	shalt  }
0x5f: {  	_ =	shalt  }
0x60: {  	_ =	shalt  }
0x61: {  	_ =	shalt  }
0x62: {  	_ =	shalt  }
0x63: {  	_ =	shalt  }
0x64: {  	_ =	shalt  }
0x65: {  	_ =	shalt  }
0x66: {  	_ =	shalt  }
0x67: {  	_ =	shalt  }
0x68: {  	_ =	shalt  }
0x69: {  	_ =	shalt  }
0x6a: {  	_ =	shalt  }
0x6b: {  	_ =	shalt  }
0x6c: {  	_ =	shalt  }
0x6d: {  	_ =	shalt  }
0x6e: {  	_ =	shalt  }
0x6f: {  	_ =	shalt  }
0x70: {  	_ =	shalt  }
0x71: {  	_ =	shalt  }
0x72: {  	_ =	shalt  }
0x73: {  	_ =	shalt  }
0x74: {  	_ =	shalt  }
0x75: {  	_ =	shalt  }
0x76: {  	_ =	shalt  }
0x77: {  	_ =	shalt  }
0x78: {  	_ =	shalt  }
0x79: {  	_ =	shalt  }
0x7a: {  	_ =	shalt  }
0x7b: {  	_ =	shalt  }
0x7c: {  	_ =	shalt  }
0x7d: {  	_ =	shalt  }
0x7e: {  	_ =	shalt  }
0x7f: {  	_ =	shalt  }
0x80: {  	_ =	shalt  }
0x81: {  	_ =	shalt  }
0x82: {  	_ =	shalt  }
0x83: {  	_ =	shalt  }
0x84: {  	_ =	shalt  }
0x85: {  	_ =	shalt  }
0x86: {  	_ =	shalt  }
0x87: {  	_ =	shalt  }
.Lfunc_end0:
.L_simem_size_0:
called_computation_lowered:
.L_overlay_start_0:
0x88: {  	s2 =	sld [smem:$0x3FD9]  }
0x89: {  	s3 =	sld [smem:$0x3FFE];
	_ =	sdelay $0x1  }
0x8a: {  	s1 =	srdreg.scid  }
0x8b: {  	s0 =	sand.u32 $0x1, s1  }
0x8c: {  	s17 =	sshll.u32 s0, $0xA;
	s2 =	sadd.s32 s3, s2  }
0x8d: {  	s2 =	sadd.s32 s2, s17  }
0x8e: {  	[smem:$0x3FC2] =	sst s2  }
0x8f: {  	_ = 	snop  }
0x90: {  	s2 =	sld [smem:$0x3FD0];
	(tm) =	ssettm $0x1  }
0x91: {  	s18 =	sld [smem:$0x3FFB];
	_ =	sdelay $0x3  }
0x92: {  	_ =	strace s18  }
0x93: {  	s3 =	sld [smem:$0x3FFC];
	_ =	sdelay $0x3  }
0x94: {  	_ =	strace s3  }
0x95: {  	s3 =	sld [smem:$0x3FFD];
	_ =	sdelay $0x3  }
0x96: {  	_ =	strace s3  }
0x97: {  	_ =	strace $0x8FFFFFFF  }
0x98: {  	s19 =	sld [smem:$0x3FDB];
	_ =	sdelay $0x1  }
0x99: {  	s4 =	simm.s32 $_scs_section_size  }
0x9a: {  	s5 =	simm.s32 $_size__tile_overlayer_lowered;
	s6 =	simm.s32 $_tile_overlayer_lowered  }
0x9b: {  	s22 =	simm.s32 $0x1BFF;
	s21 =	sshll.u32 s6, $0x1;
	s3 =	sadd.s32 s4, s19  }
0x9c: {  	s7 =	simm.s32 $0x0;
	s20 =	sshll.u32 s5, $0x1;
	s5 =	sadd.s32 s21, s3  }
0x9d: {  	[timem:s7], [sflag:s22] =	dma.local [hbm:s5], s20  }
0x9e: {  	_ =	swait.ge [sflag:s22], s20  }
0x9f: {  	s4 =	ssub.s32 $0x0, s20;
	[sflag:s22] =	ssyncset.done $0x0  }
0xa0: {  	[sflag:s22] =	ssyncadd.s32 s4;
	_ =	sdelay $0x1  }
0xa1: {  	s23 =	simm.s32 $0x1B8B  }
0xa2: {  	_ =	swait.ge [sflag:s23], $0x1  }
0xa3: {  	[sflag:s23] =	ssyncset.done $0x0  }
0xa4: {  	s25 =	simm.s32 $0x1B8E;
	s24 =	sld [smem:$0x3FFE];
	[sflag:s23] =	ssyncadd.s32 $0xFFFFFFFF  }
0xa5: {  	s26 =	simm.s32 $execute0_lowered;
	[smem:$0x3FD2] =	sst s25  }
0xa6: {  	s5 =	sshll.u32 s26, $0x1;
	_ =	strace $0x80000046;
	[dreg:$0x1] =	wrdreg $0xFFFFFFFF  }
0xa7: {  	s28 =	simm.s32 $_size_execute0_lowered;
	s3 =	sadd.s32 s3, s5;
	[dreg:$0x0] =	wrdreg $0x0  }
0xa8: {  	s5 =	sshll.u32 s28, $0x1;
	[dreg:$0x2] =	wrdreg s3  }
0xa9: {  	[dreg:$0x3] =	wrdreg s5  }
0xaa: {  	[dreg:$0x4] =	wrdreg $0xC0  }
0xab: {  	_ =	task [dreg:s7], $0x5FFFF  }
0xac: {  	[dreg:$0x1] =	wrdreg $0xFFFFFFFF  }
0xad: {  	[dreg:$0x0] =	wrdreg $0x60  }
0xae: {  	[dreg:$0x2] =	wrdreg s24  }
0xaf: {  	[dreg:$0x3] =	wrdreg s2  }
0xb0: {  	[dreg:$0x4] =	wrdreg $0xF0000  }
0xb1: {  	[dreg:$0x5] =	wrdreg $0xA0000  }
0xb2: {  	[dreg:$0x6] =	wrdreg $0x150000  }
0xb3: {  	[dreg:$0x7] =	wrdreg $0x9  }
0xb4: {  	_ =	task.clear_ibuf [dreg:s7], $0x8FFFF;
	_ =	strace $0x90000046  }
0xb5: {  	s29 =	simm.s32 $0x9;
	_ =	strace $0x80000048  }
0xb6: {  	_ =	swait.ge [sflag:s29], $0x1  }
0xb7: {  	[sflag:s29] =	ssyncadd.s32 $0xFFFFFFFF  }
0xb8: {  	_ =	strace $0x90000048  }
0xb9: {  	_ =	sfence  }
0xba: {  	s30 =	sld [smem:$0x0];
	_ =	sdelay $0x2  }
0xbb: {  	s31 =	sshll.u32 s1, $0xD;
	s1 =	sshrl.u32 s1, $0x2  }
0xbc: {  	s3 =	sand.u32 $0x4000, s31;
	s1 =	sadd.s32 s1, s30  }
0xbd: {  	s0 =	sor.u32 s3, s0;
	s1 =	sshll.u32 s1, $0x11  }
0xbe: {  	s0 =	sor.u32 s1, s0  }
0xbf: {  	s0 =	sadd.s32 $0x8F2B, s0  }
0xc0: {  	[sflag:s0] =	ssyncadd.remote.s32 $0x1  }
0xc1: {  	_ =	sfence.sel $0xFFFF  }
0xc2: {  	[dreg:$0x0] =	wrdreg $0xFFFFFFFF;
	(pc) =	sbr.abs _section_cstart, $3  }
0xc3: {  	[dreg:$0x1] =	wrdreg $0xFFFFFFFF  }
0xc4: {  	_ =	task.clear_ibuf [dreg:s7], $0x2FFFF;
	_ =	strace $0x9FFFFFFF  }
0xc5: {  	(tm) =	ssettm $0x7FFFFFFF  }
tec
execute0_lowered:
.L_overlay_start_1:
0x0: {  	(tag) =	ssettag $0x1  }
0x1: {  	s0 =	srdreg.scid  }
0x2: {  	s20 =	stileid.u32;
	s3 =	rddreg [dreg:$0x0]  }
0x3: {  	s5 =	rddreg [dreg:$0x1];
	s2 =	smul.u32 $0x5000, s20  }
0x4: {  	s1 =	rddreg [dreg:$0x2];
	s7 =	smul.u32 $0xA00, s20  }
0x5: {  	s25 =	simm.s32 $0x0;
	s0 =	sand.u32 $0x1, s0;
	s9 =	smul.u32 $0x280, s20  }
0x6: {  	[smem:$0x7FF] =	sst s25;
	s4 =	smul.u32 $0x50000, s0;
	s0 =	ssub.s32 $0x2, s0  }
0x7: {  	s11 =	sadd.s32 $0x32A00, s3;
	s10 =	sadd.s32 s7, s3;
	s12 =	sshrl.u32 s0, $0x1  }
0x8: {  	s13 =	sadd.s32 $0x80, s9;
	s5 =	sadd.s32 s5, s7;
	s7 =	sadd.s32 $0x100, s9  }
0x9: {  	s16 =	sadd.s32 $0x180, s9;
	s9 =	sadd.s32 $0x200, s9;
	s6 =	sadd.s32 s2, s4  }
0xa: {  	s0 =	ssub.s32 s0, s12;
	[dreg:$0x6] =	wrdreg s5;
	s5 =	sshll.u32 s13, $0x5  }
0xb: {  	s15 =	sshll.u32 s7, $0x5;
	s17 =	sshll.u32 s16, $0x5;
	s18 =	sshll.u32 s9, $0x5  }
0xc: {  	s6 =	sshrl.u32 s6, $0x3;
	s23 =	sadd.s32 s4, s5;
	s19 =	sadd.s32 s4, s17  }
0xd: {  	s8 =	sadd.s32 s6, s3;
	s22 =	sadd.s32 s11, s6;
	s12 =	sshrl.u32 s23, $0x3  }
0xe: {  	s19 =	sshrl.u32 s19, $0x3;
	[dreg:$0x7] =	wrdreg s22;
	s14 =	sadd.s32 s11, s12  }
0xf: {  	s3 =	sadd.s32 $0x1EA00, s3;
	s26 =	sadd.s32 s11, s19;
	[dreg:$0x8] =	wrdreg s14  }
0x10: {  	s24 =	sadd.s32 s4, s15;
	s6 =	sadd.s32 s3, s6;
	[dreg:$0xa] =	wrdreg s26  }
0x11: {  	s4 =	sadd.s32 s4, s18;
	s12 =	sadd.s32 s3, s12;
	[dreg:$0xc] =	wrdreg s6  }
0x12: {  	s19 =	sadd.s32 s3, s19;
	s14 =	sshrl.u32 s24, $0x3;
	[dreg:$0xd] =	wrdreg s12  }
0x13: {  	s4 =	sshrl.u32 s4, $0x3;
	[dreg:$0xf] =	wrdreg s19;
	s21 =	sadd.s32 s11, s14  }
0x14: {  	s11 =	sadd.s32 s11, s4;
	[dreg:$0x9] =	wrdreg s21  }
0x15: {  	s31 =	simm.s32 $0xD;
	s29 =	simm.s32 $0xF;
	[dreg:$0xb] =	wrdreg s11  }
0x16: {  	s28 =	simm.s32 $0xA;
	s14 =	sadd.s32 s3, s14;
	s11 =	rddreg [dreg:$0x3]  }
0x17: {  	s30 =	sadd.s32 s2, s1;
	s0 =	smax.u32 s0, $0x1;
	[dreg:$0xe] =	wrdreg s14  }
0x18: {  	s23 =	sadd.s32 $0x14A00, s10;
	s3 =	sadd.s32 s3, s4;
	s14 =	rddreg [dreg:$0x4]  }
0x19: {  	s10 =	sadd.s32 s5, s1;
	s22 =	smul.u32 $0xA000, s20;
	[dreg:$0x10] =	wrdreg s3  }
0x1a: {  	s24 =	sadd.s32 $0xA00, s8;
	_ =	strace $0x80000047;
	[dreg:$0x11] =	wrdreg s23  }
0x1b: {  	s12 =	sshll.u32 s9, $0x4;
	s19 =	sadd.s32 s15, s1;
	[dreg:$0x12] =	wrdreg s24  }
0x1c: {  	s9 =	simm.s32 $0x14000;
	s26 =	sshrl.u32 s22, $0x2;
	[dreg:$0x1a] =	wrdreg s10  }
0x1d: {  	s4 =	sshll.u32 s7, $0x4;
	s7 =	sshll.u32 s16, $0x4;
	[dreg:$0x1d] =	wrdreg s19  }
0x1e: {  	s16 =	smul.u32 $0x14000, s20;
	s21 =	sshll.u32 s20, $0x6;
	[smem:$0x7FC] =	sst s0  }
0x1f: {  	s3 =	sor.u32 $0x1C09, s21;
	s2 =	sadd.s32 s2, s11;
	[dreg:$0x14] =	wrdreg s30  }
0x20: {  	s6 =	sadd.s32 s4, s14;
	s8 =	sadd.s32 s5, s11;
	[dreg:$0x13] =	wrdreg s3  }
0x21: {  	s20 =	sadd.s32 s17, s11;
	s21 =	sadd.s32 s17, s1;
	[dreg:$0x15] =	wrdreg s2  }
0x22: {  	s22 =	sshrl.u32 s16, $0x2;
	s23 =	sadd.s32 s18, s11;
	[dreg:$0x18] =	wrdreg s6  }
0x23: {  	s24 =	sadd.s32 s18, s1;
	s16 =	simm.s32 $0x80;
	[dreg:$0x19] =	wrdreg s8  }
0x24: {  	s17 =	simm.s32 $0x18800;
	s19 =	simm.s32 $0x19800;
	[dreg:$0x1f] =	wrdreg s20  }
0x25: {  	s18 =	simm.s32 $0x1A800;
	s5 =	simm.s32 $0x1E800;
	[smem:$0x7F9] =	sst s21  }
0x26: {  	s4 =	simm.s32 $0x3;
	s2 =	sadd.s32 s26, s14;
	[smem:$0x7FA] =	sst s23  }
0x27: {  	s3 =	sshll.u32 s13, $0x4;
	s13 =	sadd.s32 s15, s11;
	[smem:$0x7FB] =	sst s24  }
0x28: {  	s26 =	sadd.s32 s22, s11;
	s15 =	simm.s32 $0x9;
	s6 =	simm.s32 $0x4  }
0x29: {  	s20 =	simm.s32 $0x6;
	s21 =	simm.s32 $0x7;
	s22 =	simm.s32 $0x8  }
0x2a: {  	s23 =	simm.s32 $0x11;
	s24 =	simm.s32 $0xB;
	[dreg:$0x16] =	wrdreg s2  }
0x2b: {  	s8 =	simm.s32 $0x0;
	s2 =	sadd.s32 s3, s14;
	[dreg:$0x1c] =	wrdreg s13  }
0x2c: {  	[smem:$0x7FD] =	sst s26;
	s13 =	simm.s32 $0x2;
	s26 =	simm.s32 $0x1D800  }
0x2d: {  	s3 =	simm.s32 $0x10;
	[dreg:$0x17] =	wrdreg s2;
	s2 =	sadd.s32 s7, s14  }
0x2e: {  	s7 =	simm.s32 $0x1B800;
	[dreg:$0x1b] =	wrdreg s2;
	s2 =	sadd.s32 s12, s14  }
0x2f: {  	v0 =	vimm.f32 $0.0e+00;
	v1 =	vimm.f32 $1.000000000e+00;
	s12 =	simm.s32 $0x1;
	[dreg:$0x1e] =	wrdreg s2;
	s2 =	simm.s32 $0x5  }
.LBB2_1:
0x30: {  	[smem:$0x7F8] =	sst s8  }
0x31: {  	s0 =	rddreg [dreg:$0x6]  }
0x32: {  	[tilespmem:s25], [sflag:$0x1] =	stream.linear.gather [hbm4b:s0+s25], $0x5000, $0x38;
	[tilespmem:$0x1F800] =	vst v63  }
0x33: {  	s8 =	rddreg [dreg:$0x11];
	s10 =	simm.s32 $0x5000  }
0x34: {  	[tilespmem:s10], [sflag:$0x2] =	stream.linear.gather [hbm4b:s8+s25], $0x5000, $0x38;
	[tilespmem:$0x1F800] =	vst v63  }
0x35: {  	s25 =	sshrl.u32 s30, $0x3;
	s30 =	rddreg [dreg:$0x12]  }
0x36: {  	s10 =	rddreg [dreg:$0x13];
	s8 =	simm.s32 $0x0  }
0x37: {  	[spmem:s25], [sflag:s10] =	dma.local [hbm:s30], $0xA00  }
.LBB2_2:
0x38: {  	p0 =	seq.s32 s8, $0x3F80  }
.Ltmp0:
0x39: {  	_ = 	snop;
	(pc) =	sbr.rel @!p0 .LBB2_2-.Ltmp0, $4  }
0x3a: {  	_ = 	snop  }
0x3b: {  	s10 =	sshra.s32 s8, $0x2  }
0x3c: {  	[tilespmem:s10+$0x17800] =	vst v0  }
0x3d: {  	s8 =	sadd.s32 $0x80, s8;
	[tilespmem:s10+$0x17810] =	vst v0  }
0x3e: {  	s8 =	simm.s32 $0x40;
	s10 =	simm.s32 $0x0  }
.LBB2_4:
0x3f: {  	p0 =	seq.s32 s8, $0x1FC0;
	[tilespmem:s10+$0x14000] =	vst v0;
	s10 =	smov.u32 s8;
	s8 =	sadd.s32 $0x40, s8  }
.Ltmp1:
0x40: {  	(pc) =	sbr.rel @!p0 .LBB2_4-.Ltmp1, $2  }
0x41: {  	_ =	sdelay $0x2  }
0x42: {  	s10 =	sshra.s32 s10, $0x2  }
0x43: {  	s0 =	sld [smem:$0x7FD];
	_ =	sdelay $0x1  }
0x44: {  	[tilespmem:s10+$0x14000] =	vst v0;
	s10 =	simm.s32 $0x17800;
	s8 =	simm.s32 $0x19  }
0x45: {  	[spmem:s0] =	stream.linear.scatter [tilespmem:s10], [sflag:$0x19], $0x1000, $0x38;
	[tilespmem:$0x1F800] =	vst v63  }
0x46: {  	_ =	swait.ge [sflag:s8], $0x1000  }
0x47: {  	[sflag:s8] =	ssyncset.done $0x0  }
0x48: {  	s30 =	rddreg [dreg:$0x16];
	[sflag:s8] =	ssyncadd.s32 $0xFFFFF000  }
0x49: {  	[spmem:s30] =	stream.linear.scatter [tilespmem:s9], [sflag:$0x19], $0x800, $0x38;
	[tilespmem:$0x1F800] =	vst v63  }
0x4a: {  	_ =	swait.ge [sflag:s8], $0x800  }
0x4b: {  	[sflag:s8] =	ssyncset.done $0x0  }
0x4c: {  	s25 =	rddreg [dreg:$0x19];
	[sflag:s8] =	ssyncadd.s32 $0xFFFFF800  }
0x4d: {  	[spmem:s25] =	stream.linear.scatter [tilespmem:s10], [sflag:$0x19], $0x1000, $0x38;
	[tilespmem:$0x1F800] =	vst v63  }
0x4e: {  	_ =	swait.ge [sflag:s8], $0x1000  }
0x4f: {  	[sflag:s8] =	ssyncset.done $0x0  }
0x50: {  	s30 =	rddreg [dreg:$0x17];
	[sflag:s8] =	ssyncadd.s32 $0xFFFFF000  }
0x51: {  	[spmem:s30] =	stream.linear.scatter [tilespmem:s9], [sflag:$0x19], $0x800, $0x38;
	[tilespmem:$0x1F800] =	vst v63  }
0x52: {  	_ =	swait.ge [sflag:s8], $0x800  }
0x53: {  	[sflag:s8] =	ssyncset.done $0x0  }
0x54: {  	s25 =	rddreg [dreg:$0x1c];
	[sflag:s8] =	ssyncadd.s32 $0xFFFFF800  }
0x55: {  	[spmem:s25] =	stream.linear.scatter [tilespmem:s10], [sflag:$0x19], $0x1000, $0x38;
	[tilespmem:$0x1F800] =	vst v63  }
0x56: {  	_ =	swait.ge [sflag:s8], $0x1000  }
0x57: {  	[sflag:s8] =	ssyncset.done $0x0  }
0x58: {  	s30 =	rddreg [dreg:$0x18];
	[sflag:s8] =	ssyncadd.s32 $0xFFFFF000  }
0x59: {  	[spmem:s30] =	stream.linear.scatter [tilespmem:s9], [sflag:$0x19], $0x800, $0x38;
	[tilespmem:$0x1F800] =	vst v63  }
0x5a: {  	_ =	swait.ge [sflag:s8], $0x800  }
0x5b: {  	[sflag:s8] =	ssyncset.done $0x0  }
0x5c: {  	s25 =	rddreg [dreg:$0x1f];
	[sflag:s8] =	ssyncadd.s32 $0xFFFFF800  }
0x5d: {  	[spmem:s25] =	stream.linear.scatter [tilespmem:s10], [sflag:$0x19], $0x1000, $0x38;
	[tilespmem:$0x1F800] =	vst v63  }
0x5e: {  	_ =	swait.ge [sflag:s8], $0x1000  }
0x5f: {  	[sflag:s8] =	ssyncset.done $0x0  }
0x60: {  	s30 =	rddreg [dreg:$0x1b];
	[sflag:s8] =	ssyncadd.s32 $0xFFFFF000  }
0x61: {  	[spmem:s30] =	stream.linear.scatter [tilespmem:s9], [sflag:$0x19], $0x800, $0x38;
	[tilespmem:$0x1F800] =	vst v63  }
0x62: {  	_ =	swait.ge [sflag:s8], $0x800  }
0x63: {  	s25 =	sld [smem:$0x7FA]  }
0x64: {  	[sflag:s8] =	ssyncset.done $0x0  }
0x65: {  	[sflag:s8] =	ssyncadd.s32 $0xFFFFF800  }
0x66: {  	[spmem:s25] =	stream.linear.scatter [tilespmem:s10], [sflag:$0x19], $0x1000, $0x38;
	[tilespmem:$0x1F800] =	vst v63  }
0x67: {  	_ =	swait.ge [sflag:s8], $0x1000  }
0x68: {  	[sflag:s8] =	ssyncset.done $0x0  }
0x69: {  	s30 =	rddreg [dreg:$0x1e];
	[sflag:s8] =	ssyncadd.s32 $0xFFFFF000  }
0x6a: {  	[spmem:s30] =	stream.linear.scatter [tilespmem:s9], [sflag:$0x19], $0x800, $0x38;
	[tilespmem:$0x1F800] =	vst v63  }
0x6b: {  	_ =	swait.ge [sflag:s8], $0x800  }
0x6c: {  	[sflag:s8] =	ssyncset.done $0x0  }
0x6d: {  	s10 =	simm.s32 $0x0;
	[sflag:s8] =	ssyncadd.s32 $0xFFFFF800;
	s8 =	simm.s32 $0x40  }
.LBB2_6:
0x6e: {  	p0 =	sne.s32 s8, $0x1FC0;
	[tilespmem:s10+$0x14000] =	vst v1;
	s10 =	smov.u32 s8;
	s8 =	sadd.s32 $0x40, s8  }
.Ltmp2:
0x6f: {  	(pc) =	sbr.rel @p0 .LBB2_6-.Ltmp2, $2  }
0x70: {  	_ =	sdelay $0x2  }
0x71: {  	s10 =	sshra.s32 s10, $0x2  }
0x72: {  	[tilespmem:s10+$0x14000] =	vst v1  }
0x73: {  	_ =	swait.ge [sflag:s12], $0x5000  }
0x74: {  	[sflag:s12] =	ssyncset.done $0x0  }
0x75: {  	[sflag:s12] =	ssyncadd.s32 $0xFFFFB000  }
0x76: {  	_ =	swait.ge [sflag:s13], $0x5000  }
0x77: {  	[sflag:s13] =	ssyncset.done $0x0  }
0x78: {  	[sflag:s13] =	ssyncadd.s32 $0xFFFFB000  }
0x79: {  	_ =	swait.ge [sflag:s15], $0xA00  }
0x7a: {  	[sflag:s15] =	ssyncset.done $0x0  }
0x7b: {  	[sflag:s15] =	ssyncadd.s32 $0xFFFFF600  }
0x7c: {  	s8 =	simm.s32 $0x0;
	s0 =	simm.s32 $0x17800;
	[bflag:$0x0] =	sbarrier.arrive $0xFFFF  }
0x7d: {  	[tilespmem:s0], [sflag:$0x1] =	stream.indirect.gather [spmem:s1], $0x20, s8, s16, $0xb8;
	[tilespmem:$0x1F800] =	vst v63  }
0x7e: {  	_ = 	snop  }
0x7f: {  	[tilespmem:s17], [sflag:$0x2] =	stream.indirect.gather [spmem:s1], $0x20, s16, s16, $0xb8;
	[tilespmem:$0x1F800] =	vst v63  }
0x80: {  	s10 =	simm.s32 $0x100  }
0x81: {  	[tilespmem:s19], [sflag:$0x3] =	stream.indirect.gather [spmem:s1], $0x20, s10, s16, $0xb8;
	[tilespmem:$0x1F800] =	vst v63  }
0x82: {  	s25 =	simm.s32 $0x180  }
0x83: {  	[tilespmem:s18], [sflag:$0x4] =	stream.indirect.gather [spmem:s1], $0x20, s25, s16, $0xb8;
	[tilespmem:$0x1F800] =	vst v63  }
0x84: {  	s10 =	simm.s32 $0x200  }
0x85: {  	[tilespmem:s7], [sflag:$0x5] =	stream.indirect.gather [spmem:s1], $0x20, s10, s16, $0xb8;
	[tilespmem:$0x1F800] =	vst v63  }
0x86: {  	s30 =	simm.s32 $0x1C800;
	s25 =	simm.s32 $0x280  }
0x87: {  	[tilespmem:s30], [sflag:$0x6] =	stream.indirect.gather [spmem:s1], $0x20, s25, s16, $0xb8;
	[tilespmem:$0x1F800] =	vst v63  }
0x88: {  	s10 =	simm.s32 $0x300  }
0x89: {  	[tilespmem:s26], [sflag:$0x7] =	stream.indirect.gather [spmem:s1], $0x20, s10, s16, $0xb8;
	[tilespmem:$0x1F800] =	vst v63  }
0x8a: {  	s25 =	simm.s32 $0x380  }
0x8b: {  	[tilespmem:s5], [sflag:$0x8] =	stream.indirect.gather [spmem:s1], $0x20, s25, s16, $0xb8;
	[tilespmem:$0x1F800] =	vst v63  }
.LBB2_8:
0x8c: {  	_ =	swait.ge [sflag:s12], $0x1000  }
0x8d: {  	s25 =	sshra.s32 s8, $0x2;
	[sflag:s12] =	ssyncset.done $0x0  }
0x8e: {  	s0 =	simm.s32 $0x17800;
	s10 =	sadd.s32 $0x5000, s25;
	[sflag:s12] =	ssyncadd.s32 $0xFFFFF000  }
0x8f: {  	[spmem:s11] =	stream.indirect.scatter.add.f32 [tilespmem:s0], [sflag:$0x9], $0x20, s10, s16, $0xb8;
	[tilespmem:$0x1F800] =	vst v63  }
0x90: {  	_ = 	snop  }
0x91: {  	[spmem:s14] =	stream.indirect.scatter.add.f32 [tilespmem:s9], [sflag:$0x11], $0x10, s10, s16, $0xb8;
	[tilespmem:$0x1F800] =	vst v63  }
0x92: {  	_ =	swait.ge [sflag:s13], $0x1000  }
0x93: {  	[sflag:s13] =	ssyncset.done $0x0  }
0x94: {  	s0 =	sadd.s32 $0x5080, s25;
	[sflag:s13] =	ssyncadd.s32 $0xFFFFF000  }
0x95: {  	[spmem:s11] =	stream.indirect.scatter.add.f32 [tilespmem:s17], [sflag:$0xA], $0x20, s0, s16, $0xb8;
	[tilespmem:$0x1F800] =	vst v63  }
0x96: {  	_ = 	snop  }
0x97: {  	[spmem:s14] =	stream.indirect.scatter.add.f32 [tilespmem:s9], [sflag:$0x12], $0x10, s0, s16, $0xb8;
	[tilespmem:$0x1F800] =	vst v63  }
0x98: {  	_ =	swait.ge [sflag:s4], $0x1000  }
0x99: {  	[sflag:s4] =	ssyncset.done $0x0  }
0x9a: {  	s0 =	sadd.s32 $0x5100, s25;
	[sflag:s4] =	ssyncadd.s32 $0xFFFFF000  }
0x9b: {  	[spmem:s11] =	stream.indirect.scatter.add.f32 [tilespmem:s19], [sflag:$0xB], $0x20, s0, s16, $0xb8;
	[tilespmem:$0x1F800] =	vst v63  }
0x9c: {  	_ = 	snop  }
0x9d: {  	[spmem:s14] =	stream.indirect.scatter.add.f32 [tilespmem:s9], [sflag:$0x13], $0x10, s0, s16, $0xb8;
	[tilespmem:$0x1F800] =	vst v63  }
0x9e: {  	_ =	swait.ge [sflag:s6], $0x1000  }
0x9f: {  	[sflag:s6] =	ssyncset.done $0x0  }
0xa0: {  	s17 =	sadd.s32 $0x5180, s25;
	[sflag:s6] =	ssyncadd.s32 $0xFFFFF000  }
0xa1: {  	[spmem:s11] =	stream.indirect.scatter.add.f32 [tilespmem:s18], [sflag:$0xC], $0x20, s17, s16, $0xb8;
	[tilespmem:$0x1F800] =	vst v63  }
0xa2: {  	_ = 	snop  }
0xa3: {  	[spmem:s14] =	stream.indirect.scatter.add.f32 [tilespmem:s9], [sflag:$0x14], $0x10, s17, s16, $0xb8;
	[tilespmem:$0x1F800] =	vst v63  }
0xa4: {  	_ =	swait.ge [sflag:s2], $0x1000  }
0xa5: {  	[sflag:s2] =	ssyncset.done $0x0  }
0xa6: {  	s0 =	sadd.s32 $0x5200, s25;
	[sflag:s2] =	ssyncadd.s32 $0xFFFFF000  }
0xa7: {  	[spmem:s11] =	stream.indirect.scatter.add.f32 [tilespmem:s7], [sflag:$0xD], $0x20, s0, s16, $0xb8;
	[tilespmem:$0x1F800] =	vst v63  }
0xa8: {  	_ = 	snop  }
0xa9: {  	[spmem:s14] =	stream.indirect.scatter.add.f32 [tilespmem:s9], [sflag:$0x15], $0x10, s0, s16, $0xb8;
	[tilespmem:$0x1F800] =	vst v63  }
0xaa: {  	_ =	swait.ge [sflag:s20], $0x1000  }
0xab: {  	[sflag:s20] =	ssyncset.done $0x0  }
0xac: {  	s17 =	sadd.s32 $0x5280, s25;
	[sflag:s20] =	ssyncadd.s32 $0xFFFFF000  }
0xad: {  	[spmem:s11] =	stream.indirect.scatter.add.f32 [tilespmem:s30], [sflag:$0xE], $0x20, s17, s16, $0xb8;
	[tilespmem:$0x1F800] =	vst v63  }
0xae: {  	_ = 	snop  }
0xaf: {  	[spmem:s14] =	stream.indirect.scatter.add.f32 [tilespmem:s9], [sflag:$0x16], $0x10, s17, s16, $0xb8;
	[tilespmem:$0x1F800] =	vst v63  }
0xb0: {  	_ =	swait.ge [sflag:s21], $0x1000  }
0xb1: {  	[sflag:s21] =	ssyncset.done $0x0  }
0xb2: {  	s0 =	sadd.s32 $0x5300, s25;
	[sflag:s21] =	ssyncadd.s32 $0xFFFFF000  }
0xb3: {  	[spmem:s11] =	stream.indirect.scatter.add.f32 [tilespmem:s26], [sflag:$0xF], $0x20, s0, s16, $0xb8;
	[tilespmem:$0x1F800] =	vst v63  }
0xb4: {  	_ = 	snop  }
0xb5: {  	[spmem:s14] =	stream.indirect.scatter.add.f32 [tilespmem:s9], [sflag:$0x17], $0x10, s0, s16, $0xb8;
	[tilespmem:$0x1F800] =	vst v63  }
0xb6: {  	_ =	swait.ge [sflag:s22], $0x1000  }
0xb7: {  	[sflag:s22] =	ssyncset.done $0x0  }
0xb8: {  	s17 =	sadd.s32 $0x5380, s25;
	[sflag:s22] =	ssyncadd.s32 $0xFFFFF000  }
0xb9: {  	[spmem:s11] =	stream.indirect.scatter.add.f32 [tilespmem:s5], [sflag:$0x10], $0x20, s17, s16, $0xb8;
	[tilespmem:$0x1F800] =	vst v63  }
0xba: {  	_ = 	snop  }
0xbb: {  	[spmem:s14] =	stream.indirect.scatter.add.f32 [tilespmem:s9], [sflag:$0x18], $0x10, s17, s16, $0xb8;
	[tilespmem:$0x1F800] =	vst v63  }
0xbc: {  	_ =	swait.ge [sflag:s15], $0x1000  }
0xbd: {  	[sflag:s15] =	ssyncset.done $0x0  }
0xbe: {  	[sflag:s15] =	ssyncadd.s32 $0xFFFFF000  }
0xbf: {  	_ =	swait.ge [sflag:s23], $0x800  }
0xc0: {  	p0 =	seq.s32 s8, $0x13000;
	[sflag:s23] =	ssyncset.done $0x0  }
0xc1: {  	s10 =	simm.s32 @p0 $0xA;
	[sflag:s23] =	ssyncadd.s32 $0xFFFFF800  }
0xc2: {  	_ =	swait.ge @p0 [sflag:s10], $0x1000  }
0xc3: {  	[sflag:s10] =	ssyncset.done @p0 $0x0  }
0xc4: {  	[sflag:s10] =	ssyncadd.s32 @p0 $0xFFFFF000;
	s10 =	simm.s32 @p0 $0x12  }
0xc5: {  	_ =	swait.ge @p0 [sflag:s10], $0x800  }
0xc6: {  	[sflag:s10] =	ssyncset.done @p0 $0x0  }
0xc7: {  	[sflag:s10] =	ssyncadd.s32 @p0 $0xFFFFF800;
	s10 =	sshra.s32 @!p0 s8, $0x2  }
0xc8: {  	s0 =	simm.s32 @!p0 $0x17800;
	s17 =	simm.s32 @!p0 $0x80;
	s30 =	sadd.s32 @!p0 $0x400, s10  }
0xc9: {  	[tilespmem:s0], [sflag:$0x1] =	stream.indirect.gather @!p0 [spmem:s1], $0x20, s30, s17, $0xb8;
	[tilespmem:$0x1F800] =	vst v63  }
0xca: {  	s0 =	simm.s32 @!p0 $0xA  }
0xcb: {  	_ =	swait.ge @!p0 [sflag:s0], $0x1000  }
0xcc: {  	[sflag:s0] =	ssyncset.done @!p0 $0x0  }
0xcd: {  	[sflag:s0] =	ssyncadd.s32 @!p0 $0xFFFFF000;
	s0 =	simm.s32 @!p0 $0x12  }
0xce: {  	_ =	swait.ge @!p0 [sflag:s0], $0x800  }
0xcf: {  	[sflag:s0] =	ssyncset.done @!p0 $0x0  }
0xd0: {  	s30 =	simm.s32 @!p0 $0x18800;
	[sflag:s0] =	ssyncadd.s32 @!p0 $0xFFFFF800;
	s0 =	sadd.s32 @!p0 $0x480, s10  }
0xd1: {  	[tilespmem:s30], [sflag:$0x2] =	stream.indirect.gather @!p0 [spmem:s1], $0x20, s0, s17, $0xb8;
	[tilespmem:$0x1F800] =	vst v63  }
0xd2: {  	_ =	swait.ge [sflag:s24], $0x1000  }
0xd3: {  	[sflag:s24] =	ssyncset.done $0x0  }
0xd4: {  	s30 =	simm.s32 $0x13;
	[sflag:s24] =	ssyncadd.s32 $0xFFFFF000  }
0xd5: {  	_ =	swait.ge [sflag:s30], $0x800  }
0xd6: {  	[sflag:s30] =	ssyncset.done $0x0  }
0xd7: {  	s0 =	simm.s32 @p0 $0xC;
	[sflag:s30] =	ssyncadd.s32 $0xFFFFF800  }
0xd8: {  	_ =	swait.ge @p0 [sflag:s0], $0x1000  }
0xd9: {  	[sflag:s0] =	ssyncset.done @p0 $0x0  }
0xda: {  	[sflag:s0] =	ssyncadd.s32 @p0 $0xFFFFF000;
	s0 =	simm.s32 @p0 $0x14  }
0xdb: {  	_ =	swait.ge @p0 [sflag:s0], $0x800  }
0xdc: {  	[sflag:s0] =	ssyncset.done @p0 $0x0  }
0xdd: {  	s30 =	simm.s32 @!p0 $0x19800;
	[sflag:s0] =	ssyncadd.s32 @p0 $0xFFFFF800;
	s0 =	sadd.s32 @!p0 $0x500, s10  }
0xde: {  	[tilespmem:s30], [sflag:$0x3] =	stream.indirect.gather @!p0 [spmem:s1], $0x20, s0, s17, $0xb8;
	[tilespmem:$0x1F800] =	vst v63  }
0xdf: {  	s0 =	simm.s32 @!p0 $0xC  }
0xe0: {  	_ =	swait.ge @!p0 [sflag:s0], $0x1000  }
0xe1: {  	[sflag:s0] =	ssyncset.done @!p0 $0x0  }
0xe2: {  	[sflag:s0] =	ssyncadd.s32 @!p0 $0xFFFFF000;
	s0 =	simm.s32 @!p0 $0x14  }
0xe3: {  	_ =	swait.ge @!p0 [sflag:s0], $0x800  }
0xe4: {  	[sflag:s0] =	ssyncset.done @!p0 $0x0  }
0xe5: {  	s30 =	simm.s32 @!p0 $0x1A800;
	[sflag:s0] =	ssyncadd.s32 @!p0 $0xFFFFF800;
	s0 =	sadd.s32 @!p0 $0x580, s10  }
0xe6: {  	[tilespmem:s30], [sflag:$0x4] =	stream.indirect.gather @!p0 [spmem:s1], $0x20, s0, s17, $0xb8;
	[tilespmem:$0x1F800] =	vst v63  }
0xe7: {  	_ =	swait.ge [sflag:s31], $0x1000  }
0xe8: {  	[sflag:s31] =	ssyncset.done $0x0  }
0xe9: {  	s30 =	simm.s32 $0x15;
	[sflag:s31] =	ssyncadd.s32 $0xFFFFF000  }
0xea: {  	_ =	swait.ge [sflag:s30], $0x800  }
0xeb: {  	[sflag:s30] =	ssyncset.done $0x0  }
0xec: {  	s0 =	simm.s32 @p0 $0xE;
	[sflag:s30] =	ssyncadd.s32 $0xFFFFF800  }
0xed: {  	_ =	swait.ge @p0 [sflag:s0], $0x1000  }
0xee: {  	[sflag:s0] =	ssyncset.done @p0 $0x0  }
0xef: {  	[sflag:s0] =	ssyncadd.s32 @p0 $0xFFFFF000;
	s0 =	simm.s32 @p0 $0x16  }
0xf0: {  	_ =	swait.ge @p0 [sflag:s0], $0x800  }
0xf1: {  	[sflag:s0] =	ssyncset.done @p0 $0x0  }
0xf2: {  	s30 =	simm.s32 @!p0 $0x1B800;
	[sflag:s0] =	ssyncadd.s32 @p0 $0xFFFFF800;
	s0 =	sadd.s32 @!p0 $0x600, s10  }
0xf3: {  	[tilespmem:s30], [sflag:$0x5] =	stream.indirect.gather @!p0 [spmem:s1], $0x20, s0, s17, $0xb8;
	[tilespmem:$0x1F800] =	vst v63  }
0xf4: {  	s0 =	simm.s32 @!p0 $0xE  }
0xf5: {  	_ =	swait.ge @!p0 [sflag:s0], $0x1000  }
0xf6: {  	[sflag:s0] =	ssyncset.done @!p0 $0x0  }
0xf7: {  	[sflag:s0] =	ssyncadd.s32 @!p0 $0xFFFFF000;
	s0 =	simm.s32 @!p0 $0x16  }
0xf8: {  	_ =	swait.ge @!p0 [sflag:s0], $0x800  }
0xf9: {  	[sflag:s0] =	ssyncset.done @!p0 $0x0  }
0xfa: {  	[sflag:s0] =	ssyncadd.s32 @!p0 $0xFFFFF800;
	s0 =	sadd.s32 @!p0 $0x680, s10;
	s10 =	simm.s32 @!p0 $0x1C800  }
0xfb: {  	[tilespmem:s10], [sflag:$0x6] =	stream.indirect.gather @!p0 [spmem:s1], $0x20, s0, s17, $0xb8;
	[tilespmem:$0x1F800] =	vst v63  }
0xfc: {  	p0 =	sne.s32 s8, $0x13000;
	_ =	swait.ge [sflag:s29], $0x1000  }
.Ltmp3:
0xfd: {  	[sflag:s29] =	ssyncset.done $0x0;
	(pc) =	sbr.rel @!p0 .LBB2_9-.Ltmp3, $4  }
0xfe: {  	s30 =	simm.s32 $0x17;
	[sflag:s29] =	ssyncadd.s32 $0xFFFFF000  }
0xff: {  	_ =	swait.ge [sflag:s30], $0x800  }
0x100: {  	[sflag:s30] =	ssyncset.done $0x0  }
0x101: {  	[sflag:s30] =	ssyncadd.s32 $0xFFFFF800  }
0x102: {  	s0 =	sadd.s32 $0x700, s25  }
0x103: {  	[tilespmem:s26], [sflag:$0x7] =	stream.indirect.gather [spmem:s1], $0x20, s0, s16, $0xb8;
	[tilespmem:$0x1F800] =	vst v63  }
0x104: {  	s8 =	sadd.s32 $0x1000, s8;
	_ =	swait.ge [sflag:s3], $0x1000  }
0x105: {  	p0 =	sne.s32 s8, $0x14000;
	[sflag:s3] =	ssyncset.done $0x0  }
.Ltmp4:
0x106: {  	s17 =	simm.s32 $0x18;
	[sflag:s3] =	ssyncadd.s32 $0xFFFFF000;
	(pc) =	sbr.rel @p0 .LBB2_8-.Ltmp4, $4  }
.Ltmp5:
0x107: {  	_ =	swait.ge [sflag:s17], $0x800;
	(pc) =	sbr.rel @!p0 .LBB2_11-.Ltmp5, $4  }
0x108: {  	s25 =	sadd.s32 $0x780, s25;
	[sflag:s17] =	ssyncset.done $0x0  }
0x109: {  	s30 =	simm.s32 $0x1C800;
	[sflag:s17] =	ssyncadd.s32 $0xFFFFF800;
	s17 =	simm.s32 $0x18800  }
0x10a: {  	[tilespmem:s5], [sflag:$0x8] =	stream.indirect.gather [spmem:s1], $0x20, s25, s16, $0xb8;
	[tilespmem:$0x1F800] =	vst v63  }
0x10b: {  	_ = 	snop  }
.LBB2_9:
0x10c: {  	_ =	swait.ge [sflag:s3], $0x1000  }
0x10d: {  	[sflag:s3] =	ssyncset.done $0x0  }
0x10e: {  	s0 =	simm.s32 $0x18;
	[sflag:s3] =	ssyncadd.s32 $0xFFFFF000  }
0x10f: {  	_ =	swait.ge [sflag:s0], $0x800  }
0x110: {  	[sflag:s0] =	ssyncset.done $0x0  }
0x111: {  	[sflag:s0] =	ssyncadd.s32 $0xFFFFF800  }
.LBB2_11:
0x112: {  	[bflag:$0x0] =	sbarrier.arrive $0xFFFF;
	s8 =	simm.s32 $0x80;
	s10 =	simm.s32 $0x0  }
.LBB2_12:
0x113: {  	p0 =	sne.s32 s8, $0x3F80;
	[tilespmem:s10+$0x17800] =	vst v0;
	s0 =	smov.u32 s8;
	s8 =	sadd.s32 $0x80, s8  }
.Ltmp6:
0x114: {  	[tilespmem:s10+$0x17810] =	vst v0;
	(pc) =	sbr.rel @p0 .LBB2_12-.Ltmp6, $2  }
0x115: {  	_ =	sdelay $0x2  }
0x116: {  	s10 =	sshra.s32 s0, $0x2  }
0x117: {  	[tilespmem:s10+$0x17800] =	vst v0  }
0x118: {  	[tilespmem:s10+$0x17810] =	vst v0;
	s0 =	rddreg [dreg:$0x15]  }
0x119: {  	[tilespmem:s19], [sflag:$0x1] =	stream.linear.gather [spmem:s0], $0x1000, $0x38;
	[tilespmem:$0x1F800] =	vst v63  }
0x11a: {  	s7 =	rddreg [dreg:$0x16]  }
0x11b: {  	[tilespmem:s9], [sflag:$0x11] =	stream.linear.gather [spmem:s7], $0x800, $0x38;
	[tilespmem:$0x1F800] =	vst v63  }
0x11c: {  	s8 =	rddreg [dreg:$0x19]  }
0x11d: {  	[tilespmem:s18], [sflag:$0x2] =	stream.linear.gather [spmem:s8], $0x1000, $0x38;
	[tilespmem:$0x1F800] =	vst v63  }
0x11e: {  	s10 =	rddreg [dreg:$0x17];
	s25 =	simm.s32 $0x14800  }
0x11f: {  	[tilespmem:s25], [sflag:$0x12] =	stream.linear.gather [spmem:s10], $0x800, $0x38;
	[tilespmem:$0x1F800] =	vst v63  }
0x120: {  	_ =	swait.ge [sflag:s12], $0x1000  }
0x121: {  	[sflag:s12] =	ssyncset.done $0x0  }
0x122: {  	[sflag:s12] =	ssyncadd.s32 $0xFFFFF000  }
0x123: {  	_ =	swait.ge [sflag:s23], $0x800  }
0x124: {  	[sflag:s23] =	ssyncset.done $0x0  }
0x125: {  	s17 =	simm.s32 $0x0;
	[sflag:s23] =	ssyncadd.s32 $0xFFFFF800  }
0x126: {  	v2 =	vld [tilespmem:s17+$0x14000];
	_ =	sdelay $0x4  }
0x127: {  	(erf) = vrcp.f32 v2;
	_ =	sdelay $0x4  }
0x128: {  	s8 =	simm.s32 $0x19810  }
0x129: {  	v3 =	vld [tilespmem:s8+$0xFFFFFFF0]  }
0x12a: {  	v4 =	vld [tilespmem:s8+$0x0];
	_ =	sdelay $0x1  }
0x12b: {  	vm0 =	vgt.f32 v2, $0.0e+00;
	v2 =	vpop (erf)  }
0x12c: {  	v2 =	vnsel vm0, $0x0, v2  }
0x12d: {  	v3 =	vmul.f32 v2, v3  }
0x12e: {  	v2 =	vmul.f32 v4, v2  }
0x12f: {  	[tilespmem:s8+$0xFFFFFFF0] =	vst v3  }
0x130: {  	s10 =	simm.s32 $0x80;
	s30 =	rddreg [dreg:$0x14];
	s17 =	simm.s32 $0x10;
	[tilespmem:s8+$0x0] =	vst v2  }
.LBB2_14:
0x131: {  	p0 =	sne.s32 s10, $0x1FC0;
	v2 =	vld [tilespmem:s17+$0x14000];
	_ =	sdelay $0x4  }
0x132: {  	(erf) = vrcp.f32 v2;
	_ =	sdelay $0x3  }
0x133: {  	s8 =	sadd.s32 $0x20, s8  }
0x134: {  	v3 =	vld [tilespmem:s8+$0xFFFFFFF0]  }
0x135: {  	v4 =	vld [tilespmem:s8+$0x0];
	_ =	sdelay $0x2  }
0x136: {  	vm0 =	vgt.f32 v2, $0.0e+00;
	v2 =	vpop (erf)  }
.Ltmp7:
0x137: {  	v2 =	vnsel vm0, $0x0, v2;
	(pc) =	sbr.rel @p0 .LBB2_14-.Ltmp7, $3  }
0x138: {  	v3 =	vmul.f32 v2, v3;
	v2 =	vmul.f32 v4, v2;
	_ =	sdelay $0x1  }
0x139: {  	[tilespmem:s8+$0xFFFFFFF0] =	vst v3  }
0x13a: {  	s17 =	sshra.s32 s10, $0x2;
	s10 =	sadd.s32 $0x40, s10;
	[tilespmem:s8+$0x0] =	vst v2  }
0x13b: {  	v2 =	vld [tilespmem:s17+$0x14000];
	_ =	sdelay $0x4  }
0x13c: {  	(erf) = vrcp.f32 v2;
	_ =	sdelay $0x4  }
0x13d: {  	s0 =	sadd.s32 $0x20, s8  }
0x13e: {  	v3 =	vld [tilespmem:s0+$0xFFFFFFF0]  }
0x13f: {  	v4 =	vld [tilespmem:s0+$0x0];
	_ =	sdelay $0x1  }
0x140: {  	vm0 =	vgt.f32 v2, $0.0e+00;
	v2 =	vpop (erf)  }
0x141: {  	v2 =	vnsel vm0, $0x0, v2  }
0x142: {  	v3 =	vmul.f32 v2, v3  }
0x143: {  	v2 =	vmul.f32 v4, v2  }
0x144: {  	[tilespmem:s0+$0xFFFFFFF0] =	vst v3  }
0x145: {  	s10 =	simm.s32 $0x0;
	s17 =	rddreg [dreg:$0x7];
	[tilespmem:s0+$0x0] =	vst v2  }
0x146: {  	[hbm4b:s17+s10] =	stream.linear.scatter [tilespmem:s19], [sflag:$0x9], $0x1000, $0x38;
	[tilespmem:$0x1F800] =	vst v63  }
0x147: {  	_ = 	snop  }
0x148: {  	[spmem:s30] =	stream.linear.scatter [tilespmem:s19], [sflag:$0xA], $0x1000, $0x38;
	[tilespmem:$0x1F800] =	vst v63  }
0x149: {  	s7 =	simm.s32 $0x17800;
	s30 =	rddreg [dreg:$0x15]  }
0x14a: {  	[spmem:s30] =	stream.linear.scatter [tilespmem:s7], [sflag:$0xB], $0x1000, $0x38;
	[tilespmem:$0x1F800] =	vst v63  }
0x14b: {  	_ =	swait.ge [sflag:s15], $0x1000  }
0x14c: {  	[sflag:s15] =	ssyncset.done $0x0  }
0x14d: {  	[sflag:s15] =	ssyncadd.s32 $0xFFFFF000  }
0x14e: {  	_ =	swait.ge [sflag:s28], $0x1000  }
0x14f: {  	[sflag:s28] =	ssyncset.done $0x0  }
0x150: {  	[sflag:s28] =	ssyncadd.s32 $0xFFFFF000  }
0x151: {  	_ =	swait.ge [sflag:s24], $0x1000  }
0x152: {  	[sflag:s24] =	ssyncset.done $0x0  }
0x153: {  	s8 =	rddreg [dreg:$0x1c];
	[sflag:s24] =	ssyncadd.s32 $0xFFFFF000  }
0x154: {  	[tilespmem:s19], [sflag:$0x1] =	stream.linear.gather [spmem:s8], $0x1000, $0x38;
	[tilespmem:$0x1F800] =	vst v63  }
0x155: {  	s10 =	rddreg [dreg:$0x18]  }
0x156: {  	[tilespmem:s9], [sflag:$0x11] =	stream.linear.gather [spmem:s10], $0x800, $0x38;
	[tilespmem:$0x1F800] =	vst v63  }
0x157: {  	_ =	swait.ge [sflag:s13], $0x1000  }
0x158: {  	[sflag:s13] =	ssyncset.done $0x0  }
0x159: {  	s17 =	simm.s32 $0x12;
	[sflag:s13] =	ssyncadd.s32 $0xFFFFF000  }
0x15a: {  	_ =	swait.ge [sflag:s17], $0x800  }
0x15b: {  	[sflag:s17] =	ssyncset.done $0x0  }
0x15c: {  	s30 =	simm.s32 $0x0;
	[sflag:s17] =	ssyncadd.s32 $0xFFFFF800  }
0x15d: {  	v2 =	vld [tilespmem:s30+$0x14800];
	_ =	sdelay $0x4  }
0x15e: {  	(erf) = vrcp.f32 v2;
	_ =	sdelay $0x4  }
0x15f: {  	s8 =	simm.s32 $0x1A810  }
0x160: {  	v3 =	vld [tilespmem:s8+$0xFFFFFFF0]  }
0x161: {  	v63 =	vld [tilespmem:s8+$0x0];
	_ =	sdelay $0x1  }
0x162: {  	vm15 =	vgt.f32 v2, $0.0e+00;
	v2 =	vpop (erf)  }
0x163: {  	v2 =	vnsel vm15, $0x0, v2  }
0x164: {  	v3 =	vmul.f32 v2, v3  }
0x165: {  	v2 =	vmul.f32 v63, v2  }
0x166: {  	[tilespmem:s8+$0xFFFFFFF0] =	vst v3  }
0x167: {  	s10 =	simm.s32 $0x80;
	s17 =	simm.s32 $0x10;
	[tilespmem:s8+$0x0] =	vst v2  }
.LBB2_16:
0x168: {  	p0 =	sne.s32 s10, $0x1FC0;
	v2 =	vld [tilespmem:s17+$0x14800];
	_ =	sdelay $0x4  }
0x169: {  	(erf) = vrcp.f32 v2;
	_ =	sdelay $0x3  }
0x16a: {  	s8 =	sadd.s32 $0x20, s8  }
0x16b: {  	v3 =	vld [tilespmem:s8+$0xFFFFFFF0]  }
0x16c: {  	v4 =	vld [tilespmem:s8+$0x0];
	_ =	sdelay $0x2  }
0x16d: {  	vm0 =	vgt.f32 v2, $0.0e+00;
	v2 =	vpop (erf)  }
.Ltmp8:
0x16e: {  	v2 =	vnsel vm0, $0x0, v2;
	(pc) =	sbr.rel @p0 .LBB2_16-.Ltmp8, $3  }
0x16f: {  	v3 =	vmul.f32 v2, v3;
	v2 =	vmul.f32 v4, v2;
	_ =	sdelay $0x1  }
0x170: {  	[tilespmem:s8+$0xFFFFFFF0] =	vst v3  }
0x171: {  	s17 =	sshra.s32 s10, $0x2;
	s10 =	sadd.s32 $0x40, s10;
	[tilespmem:s8+$0x0] =	vst v2  }
0x172: {  	v2 =	vld [tilespmem:s17+$0x14800];
	_ =	sdelay $0x4  }
0x173: {  	(erf) = vrcp.f32 v2;
	_ =	sdelay $0x4  }
0x174: {  	s0 =	sadd.s32 $0x20, s8  }
0x175: {  	v3 =	vld [tilespmem:s0+$0xFFFFFFF0]  }
0x176: {  	v4 =	vld [tilespmem:s0+$0x0];
	_ =	sdelay $0x1  }
0x177: {  	vm0 =	vgt.f32 v2, $0.0e+00;
	v2 =	vpop (erf)  }
0x178: {  	v2 =	vnsel vm0, $0x0, v2  }
0x179: {  	v3 =	vmul.f32 v2, v3  }
0x17a: {  	v2 =	vmul.f32 v4, v2  }
0x17b: {  	[tilespmem:s0+$0xFFFFFFF0] =	vst v3  }
0x17c: {  	s17 =	simm.s32 $0x0;
	s30 =	rddreg [dreg:$0x8];
	[tilespmem:s0+$0x0] =	vst v2  }
0x17d: {  	[hbm4b:s30+s17] =	stream.linear.scatter [tilespmem:s18], [sflag:$0x9], $0x1000, $0x38;
	[tilespmem:$0x1F800] =	vst v63  }
0x17e: {  	s7 =	rddreg [dreg:$0x1a]  }
0x17f: {  	[spmem:s7] =	stream.linear.scatter [tilespmem:s18], [sflag:$0xA], $0x1000, $0x38;
	[tilespmem:$0x1F800] =	vst v63  }
0x180: {  	s8 =	rddreg [dreg:$0x19];
	s7 =	simm.s32 $0x17800  }
0x181: {  	[spmem:s8] =	stream.linear.scatter [tilespmem:s7], [sflag:$0xB], $0x1000, $0x38;
	[tilespmem:$0x1F800] =	vst v63  }
0x182: {  	_ =	swait.ge [sflag:s15], $0x1000  }
0x183: {  	[sflag:s15] =	ssyncset.done $0x0  }
0x184: {  	[sflag:s15] =	ssyncadd.s32 $0xFFFFF000  }
0x185: {  	_ =	swait.ge [sflag:s28], $0x1000  }
0x186: {  	[sflag:s28] =	ssyncset.done $0x0  }
0x187: {  	[sflag:s28] =	ssyncadd.s32 $0xFFFFF000  }
0x188: {  	_ =	swait.ge [sflag:s24], $0x1000  }
0x189: {  	[sflag:s24] =	ssyncset.done $0x0  }
0x18a: {  	s10 =	rddreg [dreg:$0x1f];
	[sflag:s24] =	ssyncadd.s32 $0xFFFFF000  }
0x18b: {  	[tilespmem:s18], [sflag:$0x2] =	stream.linear.gather [spmem:s10], $0x1000, $0x38;
	[tilespmem:$0x1F800] =	vst v63  }
0x18c: {  	s17 =	rddreg [dreg:$0x1b]  }
0x18d: {  	[tilespmem:s25], [sflag:$0x12] =	stream.linear.gather [spmem:s17], $0x800, $0x38;
	[tilespmem:$0x1F800] =	vst v63  }
0x18e: {  	_ =	swait.ge [sflag:s12], $0x1000  }
0x18f: {  	[sflag:s12] =	ssyncset.done $0x0  }
0x190: {  	[sflag:s12] =	ssyncadd.s32 $0xFFFFF000  }
0x191: {  	_ =	swait.ge [sflag:s23], $0x800  }
0x192: {  	[sflag:s23] =	ssyncset.done $0x0  }
0x193: {  	s30 =	simm.s32 $0x0;
	[sflag:s23] =	ssyncadd.s32 $0xFFFFF800  }
0x194: {  	v2 =	vld [tilespmem:s30+$0x14000];
	_ =	sdelay $0x4  }
0x195: {  	(erf) = vrcp.f32 v2;
	_ =	sdelay $0x4  }
0x196: {  	s8 =	simm.s32 $0x19810  }
0x197: {  	v3 =	vld [tilespmem:s8+$0xFFFFFFF0]  }
0x198: {  	v63 =	vld [tilespmem:s8+$0x0];
	_ =	sdelay $0x1  }
0x199: {  	vm15 =	vgt.f32 v2, $0.0e+00;
	v2 =	vpop (erf)  }
0x19a: {  	v2 =	vnsel vm15, $0x0, v2  }
0x19b: {  	v3 =	vmul.f32 v2, v3  }
0x19c: {  	v2 =	vmul.f32 v63, v2  }
0x19d: {  	[tilespmem:s8+$0xFFFFFFF0] =	vst v3  }
0x19e: {  	s10 =	simm.s32 $0x80;
	s17 =	simm.s32 $0x10;
	[tilespmem:s8+$0x0] =	vst v2  }
.LBB2_18:
0x19f: {  	p0 =	sne.s32 s10, $0x1FC0;
	v2 =	vld [tilespmem:s17+$0x14000];
	_ =	sdelay $0x4  }
0x1a0: {  	(erf) = vrcp.f32 v2;
	_ =	sdelay $0x3  }
0x1a1: {  	s8 =	sadd.s32 $0x20, s8  }
0x1a2: {  	v3 =	vld [tilespmem:s8+$0xFFFFFFF0]  }
0x1a3: {  	v4 =	vld [tilespmem:s8+$0x0];
	_ =	sdelay $0x2  }
0x1a4: {  	vm0 =	vgt.f32 v2, $0.0e+00;
	v2 =	vpop (erf)  }
.Ltmp9:
0x1a5: {  	v2 =	vnsel vm0, $0x0, v2;
	(pc) =	sbr.rel @p0 .LBB2_18-.Ltmp9, $3  }
0x1a6: {  	v3 =	vmul.f32 v2, v3;
	v2 =	vmul.f32 v4, v2;
	_ =	sdelay $0x1  }
0x1a7: {  	[tilespmem:s8+$0xFFFFFFF0] =	vst v3  }
0x1a8: {  	s17 =	sshra.s32 s10, $0x2;
	s10 =	sadd.s32 $0x40, s10;
	[tilespmem:s8+$0x0] =	vst v2  }
0x1a9: {  	v2 =	vld [tilespmem:s17+$0x14000];
	_ =	sdelay $0x4  }
0x1aa: {  	(erf) = vrcp.f32 v2;
	_ =	sdelay $0x4  }
0x1ab: {  	s0 =	sadd.s32 $0x20, s8  }
0x1ac: {  	v3 =	vld [tilespmem:s0+$0xFFFFFFF0]  }
0x1ad: {  	v4 =	vld [tilespmem:s0+$0x0];
	_ =	sdelay $0x1  }
0x1ae: {  	vm0 =	vgt.f32 v2, $0.0e+00;
	v2 =	vpop (erf)  }
0x1af: {  	v2 =	vnsel vm0, $0x0, v2  }
0x1b0: {  	v3 =	vmul.f32 v2, v3  }
0x1b1: {  	v2 =	vmul.f32 v4, v2  }
0x1b2: {  	[tilespmem:s0+$0xFFFFFFF0] =	vst v3  }
0x1b3: {  	s25 =	simm.s32 $0x0;
	s30 =	rddreg [dreg:$0x9];
	[tilespmem:s0+$0x0] =	vst v2  }
0x1b4: {  	[hbm4b:s30+s25] =	stream.linear.scatter [tilespmem:s19], [sflag:$0x9], $0x1000, $0x38;
	[tilespmem:$0x1F800] =	vst v63  }
0x1b5: {  	s7 =	rddreg [dreg:$0x1d]  }
0x1b6: {  	[spmem:s7] =	stream.linear.scatter [tilespmem:s19], [sflag:$0xA], $0x1000, $0x38;
	[tilespmem:$0x1F800] =	vst v63  }
0x1b7: {  	s8 =	rddreg [dreg:$0x1c];
	s7 =	simm.s32 $0x17800  }
0x1b8: {  	[spmem:s8] =	stream.linear.scatter [tilespmem:s7], [sflag:$0xB], $0x1000, $0x38;
	[tilespmem:$0x1F800] =	vst v63  }
0x1b9: {  	_ =	swait.ge [sflag:s15], $0x1000  }
0x1ba: {  	[sflag:s15] =	ssyncset.done $0x0  }
0x1bb: {  	[sflag:s15] =	ssyncadd.s32 $0xFFFFF000  }
0x1bc: {  	_ =	swait.ge [sflag:s28], $0x1000  }
0x1bd: {  	[sflag:s28] =	ssyncset.done $0x0  }
0x1be: {  	[sflag:s28] =	ssyncadd.s32 $0xFFFFF000  }
0x1bf: {  	_ =	swait.ge [sflag:s24], $0x1000  }
0x1c0: {  	s10 =	sld [smem:$0x7FA]  }
0x1c1: {  	[sflag:s24] =	ssyncset.done $0x0  }
0x1c2: {  	[sflag:s24] =	ssyncadd.s32 $0xFFFFF000  }
0x1c3: {  	[tilespmem:s19], [sflag:$0x1] =	stream.linear.gather [spmem:s10], $0x1000, $0x38;
	[tilespmem:$0x1F800] =	vst v63  }
0x1c4: {  	s17 =	rddreg [dreg:$0x1e]  }
0x1c5: {  	[tilespmem:s9], [sflag:$0x11] =	stream.linear.gather [spmem:s17], $0x800, $0x38;
	[tilespmem:$0x1F800] =	vst v63  }
0x1c6: {  	_ =	swait.ge [sflag:s13], $0x1000  }
0x1c7: {  	[sflag:s13] =	ssyncset.done $0x0  }
0x1c8: {  	s25 =	simm.s32 $0x12;
	[sflag:s13] =	ssyncadd.s32 $0xFFFFF000  }
0x1c9: {  	_ =	swait.ge [sflag:s25], $0x800  }
0x1ca: {  	[sflag:s25] =	ssyncset.done $0x0  }
0x1cb: {  	s30 =	simm.s32 $0x0;
	[sflag:s25] =	ssyncadd.s32 $0xFFFFF800  }
0x1cc: {  	v2 =	vld [tilespmem:s30+$0x14800];
	_ =	sdelay $0x4  }
0x1cd: {  	(erf) = vrcp.f32 v2;
	_ =	sdelay $0x4  }
0x1ce: {  	s8 =	simm.s32 $0x1A810  }
0x1cf: {  	v3 =	vld [tilespmem:s8+$0xFFFFFFF0]  }
0x1d0: {  	v63 =	vld [tilespmem:s8+$0x0];
	_ =	sdelay $0x1  }
0x1d1: {  	vm15 =	vgt.f32 v2, $0.0e+00;
	v2 =	vpop (erf)  }
0x1d2: {  	v2 =	vnsel vm15, $0x0, v2  }
0x1d3: {  	v3 =	vmul.f32 v2, v3  }
0x1d4: {  	v2 =	vmul.f32 v63, v2  }
0x1d5: {  	[tilespmem:s8+$0xFFFFFFF0] =	vst v3  }
0x1d6: {  	s10 =	simm.s32 $0x80;
	s17 =	simm.s32 $0x10;
	[tilespmem:s8+$0x0] =	vst v2  }
.LBB2_20:
0x1d7: {  	p0 =	sne.s32 s10, $0x1FC0;
	v2 =	vld [tilespmem:s17+$0x14800];
	_ =	sdelay $0x4  }
0x1d8: {  	(erf) = vrcp.f32 v2;
	_ =	sdelay $0x3  }
0x1d9: {  	s8 =	sadd.s32 $0x20, s8  }
0x1da: {  	v3 =	vld [tilespmem:s8+$0xFFFFFFF0]  }
0x1db: {  	v4 =	vld [tilespmem:s8+$0x0];
	_ =	sdelay $0x2  }
0x1dc: {  	vm0 =	vgt.f32 v2, $0.0e+00;
	v2 =	vpop (erf)  }
.Ltmp10:
0x1dd: {  	v2 =	vnsel vm0, $0x0, v2;
	(pc) =	sbr.rel @p0 .LBB2_20-.Ltmp10, $3  }
0x1de: {  	v3 =	vmul.f32 v2, v3;
	v2 =	vmul.f32 v4, v2;
	_ =	sdelay $0x1  }
0x1df: {  	[tilespmem:s8+$0xFFFFFFF0] =	vst v3  }
0x1e0: {  	s17 =	sshra.s32 s10, $0x2;
	s10 =	sadd.s32 $0x40, s10;
	[tilespmem:s8+$0x0] =	vst v2  }
0x1e1: {  	v2 =	vld [tilespmem:s17+$0x14800];
	_ =	sdelay $0x4  }
0x1e2: {  	(erf) = vrcp.f32 v2;
	_ =	sdelay $0x4  }
0x1e3: {  	s0 =	sadd.s32 $0x20, s8  }
0x1e4: {  	v3 =	vld [tilespmem:s0+$0xFFFFFFF0]  }
0x1e5: {  	v4 =	vld [tilespmem:s0+$0x0];
	_ =	sdelay $0x1  }
0x1e6: {  	vm0 =	vgt.f32 v2, $0.0e+00;
	v2 =	vpop (erf)  }
0x1e7: {  	v2 =	vnsel vm0, $0x0, v2  }
0x1e8: {  	v3 =	vmul.f32 v2, v3  }
0x1e9: {  	v2 =	vmul.f32 v4, v2  }
0x1ea: {  	s10 =	rddreg [dreg:$0xa];
	[tilespmem:s0+$0xFFFFFFF0] =	vst v3  }
0x1eb: {  	s8 =	simm.s32 $0x0;
	s17 =	sld [smem:$0x7F9];
	[tilespmem:s0+$0x0] =	vst v2  }
0x1ec: {  	[hbm4b:s10+s8] =	stream.linear.scatter [tilespmem:s18], [sflag:$0x9], $0x1000, $0x38;
	[tilespmem:$0x1F800] =	vst v63  }
0x1ed: {  	_ = 	snop  }
0x1ee: {  	[spmem:s17] =	stream.linear.scatter [tilespmem:s18], [sflag:$0xA], $0x1000, $0x38;
	[tilespmem:$0x1F800] =	vst v63  }
0x1ef: {  	s25 =	rddreg [dreg:$0x1f];
	s7 =	simm.s32 $0x17800  }
0x1f0: {  	[spmem:s25] =	stream.linear.scatter [tilespmem:s7], [sflag:$0xB], $0x1000, $0x38;
	[tilespmem:$0x1F800] =	vst v63  }
0x1f1: {  	_ =	swait.ge [sflag:s12], $0x1000  }
0x1f2: {  	[sflag:s12] =	ssyncset.done $0x0  }
0x1f3: {  	[sflag:s12] =	ssyncadd.s32 $0xFFFFF000  }
0x1f4: {  	_ =	swait.ge [sflag:s23], $0x800  }
0x1f5: {  	[sflag:s23] =	ssyncset.done $0x0  }
0x1f6: {  	s30 =	simm.s32 $0x0;
	[sflag:s23] =	ssyncadd.s32 $0xFFFFF800  }
0x1f7: {  	v2 =	vld [tilespmem:s30+$0x14000];
	_ =	sdelay $0x4  }
0x1f8: {  	(erf) = vrcp.f32 v2;
	_ =	sdelay $0x4  }
0x1f9: {  	s8 =	simm.s32 $0x19810  }
0x1fa: {  	v3 =	vld [tilespmem:s8+$0xFFFFFFF0]  }
0x1fb: {  	v63 =	vld [tilespmem:s8+$0x0];
	_ =	sdelay $0x1  }
0x1fc: {  	vm15 =	vgt.f32 v2, $0.0e+00;
	v2 =	vpop (erf)  }
0x1fd: {  	v2 =	vnsel vm15, $0x0, v2  }
0x1fe: {  	v3 =	vmul.f32 v2, v3  }
0x1ff: {  	v2 =	vmul.f32 v63, v2  }
0x200: {  	[tilespmem:s8+$0xFFFFFFF0] =	vst v3  }
0x201: {  	s10 =	simm.s32 $0x80;
	s17 =	simm.s32 $0x10;
	[tilespmem:s8+$0x0] =	vst v2  }
.LBB2_22:
0x202: {  	p0 =	sne.s32 s10, $0x1FC0;
	v2 =	vld [tilespmem:s17+$0x14000];
	_ =	sdelay $0x4  }
0x203: {  	(erf) = vrcp.f32 v2;
	_ =	sdelay $0x3  }
0x204: {  	s8 =	sadd.s32 $0x20, s8  }
0x205: {  	v3 =	vld [tilespmem:s8+$0xFFFFFFF0]  }
0x206: {  	v4 =	vld [tilespmem:s8+$0x0];
	_ =	sdelay $0x2  }
0x207: {  	vm0 =	vgt.f32 v2, $0.0e+00;
	v2 =	vpop (erf)  }
.Ltmp11:
0x208: {  	v2 =	vnsel vm0, $0x0, v2;
	(pc) =	sbr.rel @p0 .LBB2_22-.Ltmp11, $3  }
0x209: {  	v3 =	vmul.f32 v2, v3;
	v2 =	vmul.f32 v4, v2;
	_ =	sdelay $0x1  }
0x20a: {  	[tilespmem:s8+$0xFFFFFFF0] =	vst v3  }
0x20b: {  	s17 =	sshra.s32 s10, $0x2;
	s10 =	sadd.s32 $0x40, s10;
	[tilespmem:s8+$0x0] =	vst v2  }
0x20c: {  	v2 =	vld [tilespmem:s17+$0x14000];
	_ =	sdelay $0x4  }
0x20d: {  	(erf) = vrcp.f32 v2;
	_ =	sdelay $0x4  }
0x20e: {  	s0 =	sadd.s32 $0x20, s8  }
0x20f: {  	v3 =	vld [tilespmem:s0+$0xFFFFFFF0]  }
0x210: {  	v4 =	vld [tilespmem:s0+$0x0];
	_ =	sdelay $0x1  }
0x211: {  	vm0 =	vgt.f32 v2, $0.0e+00;
	v2 =	vpop (erf)  }
0x212: {  	v2 =	vnsel vm0, $0x0, v2  }
0x213: {  	v3 =	vmul.f32 v2, v3  }
0x214: {  	v2 =	vmul.f32 v4, v2  }
0x215: {  	s25 =	rddreg [dreg:$0xb];
	[tilespmem:s0+$0xFFFFFFF0] =	vst v3  }
0x216: {  	s8 =	simm.s32 $0x0;
	s7 =	sld [smem:$0x7FB];
	[tilespmem:s0+$0x0] =	vst v2  }
0x217: {  	[hbm4b:s25+s8] =	stream.linear.scatter [tilespmem:s19], [sflag:$0x9], $0x1000, $0x38;
	[tilespmem:$0x1F800] =	vst v63  }
0x218: {  	s10 =	sld [smem:$0x7FA]  }
0x219: {  	[spmem:s7] =	stream.linear.scatter [tilespmem:s19], [sflag:$0xA], $0x1000, $0x38;
	[tilespmem:$0x1F800] =	vst v63  }
0x21a: {  	s17 =	simm.s32 $0x17800  }
0x21b: {  	[spmem:s10] =	stream.linear.scatter [tilespmem:s17], [sflag:$0xB], $0x1000, $0x38;
	[tilespmem:$0x1F800] =	vst v63  }
0x21c: {  	_ =	swait.ge [sflag:s15], $0x1000  }
0x21d: {  	[sflag:s15] =	ssyncset.done $0x0  }
0x21e: {  	[sflag:s15] =	ssyncadd.s32 $0xFFFFF000  }
0x21f: {  	_ =	swait.ge [sflag:s28], $0x1000  }
0x220: {  	[sflag:s28] =	ssyncset.done $0x0  }
0x221: {  	[sflag:s28] =	ssyncadd.s32 $0xFFFFF000  }
0x222: {  	_ =	swait.ge [sflag:s24], $0x1000  }
0x223: {  	[sflag:s24] =	ssyncset.done $0x0  }
0x224: {  	[sflag:s24] =	ssyncadd.s32 $0xFFFFF000  }
0x225: {  	_ =	swait.ge [sflag:s15], $0x1000  }
0x226: {  	[sflag:s15] =	ssyncset.done $0x0  }
0x227: {  	[sflag:s15] =	ssyncadd.s32 $0xFFFFF000  }
0x228: {  	_ =	swait.ge [sflag:s28], $0x1000  }
0x229: {  	[sflag:s28] =	ssyncset.done $0x0  }
0x22a: {  	[sflag:s28] =	ssyncadd.s32 $0xFFFFF000  }
0x22b: {  	_ =	swait.ge [sflag:s24], $0x1000  }
0x22c: {  	[sflag:s24] =	ssyncset.done $0x0  }
0x22d: {  	[sflag:s24] =	ssyncadd.s32 $0xFFFFF000  }
0x22e: {  	[bflag:$0x0] =	sbarrier.arrive $0xFFFF  }
0x22f: {  	[tilespmem:s17], [sflag:$0x1] =	stream.indirect.gather [spmem:s1], $0x20, s8, s16, $0xb8;
	[tilespmem:$0x1F800] =	vst v63  }
0x230: {  	s10 =	simm.s32 $0x18800  }
0x231: {  	[tilespmem:s10], [sflag:$0x2] =	stream.indirect.gather [spmem:s1], $0x20, s16, s16, $0xb8;
	[tilespmem:$0x1F800] =	vst v63  }
0x232: {  	s25 =	simm.s32 $0x100  }
0x233: {  	[tilespmem:s19], [sflag:$0x3] =	stream.indirect.gather [spmem:s1], $0x20, s25, s16, $0xb8;
	[tilespmem:$0x1F800] =	vst v63  }
0x234: {  	s7 =	simm.s32 $0x180  }
0x235: {  	[tilespmem:s18], [sflag:$0x4] =	stream.indirect.gather [spmem:s1], $0x20, s7, s16, $0xb8;
	[tilespmem:$0x1F800] =	vst v63  }
0x236: {  	s25 =	simm.s32 $0x200;
	s7 =	simm.s32 $0x1B800  }
0x237: {  	[tilespmem:s7], [sflag:$0x5] =	stream.indirect.gather [spmem:s1], $0x20, s25, s16, $0xb8;
	[tilespmem:$0x1F800] =	vst v63  }
0x238: {  	s30 =	simm.s32 $0x1C800;
	s25 =	simm.s32 $0x280  }
0x239: {  	[tilespmem:s30], [sflag:$0x6] =	stream.indirect.gather [spmem:s1], $0x20, s25, s16, $0xb8;
	[tilespmem:$0x1F800] =	vst v63  }
0x23a: {  	s25 =	simm.s32 $0x300  }
0x23b: {  	[tilespmem:s26], [sflag:$0x7] =	stream.indirect.gather [spmem:s1], $0x20, s25, s16, $0xb8;
	[tilespmem:$0x1F800] =	vst v63  }
0x23c: {  	s25 =	simm.s32 $0x380  }
0x23d: {  	[tilespmem:s5], [sflag:$0x8] =	stream.indirect.gather [spmem:s1], $0x20, s25, s16, $0xb8;
	[tilespmem:$0x1F800] =	vst v63  }
.LBB2_24:
0x23e: {  	_ =	swait.ge [sflag:s12], $0x1000  }
0x23f: {  	s25 =	sshra.s32 s8, $0x2;
	[sflag:s12] =	ssyncset.done $0x0  }
0x240: {  	s0 =	sadd.s32 $0x5000, s25;
	[sflag:s12] =	ssyncadd.s32 $0xFFFFF000  }
0x241: {  	[spmem:s11] =	stream.indirect.scatter.add.f32 [tilespmem:s17], [sflag:$0x9], $0x20, s0, s16, $0xb8;
	[tilespmem:$0x1F800] =	vst v63  }
0x242: {  	_ =	swait.ge [sflag:s13], $0x1000  }
0x243: {  	[sflag:s13] =	ssyncset.done $0x0  }
0x244: {  	s0 =	sadd.s32 $0x5080, s25;
	[sflag:s13] =	ssyncadd.s32 $0xFFFFF000  }
0x245: {  	[spmem:s11] =	stream.indirect.scatter.add.f32 [tilespmem:s10], [sflag:$0xA], $0x20, s0, s16, $0xb8;
	[tilespmem:$0x1F800] =	vst v63  }
0x246: {  	_ =	swait.ge [sflag:s4], $0x1000  }
0x247: {  	[sflag:s4] =	ssyncset.done $0x0  }
0x248: {  	s0 =	sadd.s32 $0x5100, s25;
	[sflag:s4] =	ssyncadd.s32 $0xFFFFF000  }
0x249: {  	[spmem:s11] =	stream.indirect.scatter.add.f32 [tilespmem:s19], [sflag:$0xB], $0x20, s0, s16, $0xb8;
	[tilespmem:$0x1F800] =	vst v63  }
0x24a: {  	_ =	swait.ge [sflag:s6], $0x1000  }
0x24b: {  	[sflag:s6] =	ssyncset.done $0x0  }
0x24c: {  	s0 =	sadd.s32 $0x5180, s25;
	[sflag:s6] =	ssyncadd.s32 $0xFFFFF000  }
0x24d: {  	[spmem:s11] =	stream.indirect.scatter.add.f32 [tilespmem:s18], [sflag:$0xC], $0x20, s0, s16, $0xb8;
	[tilespmem:$0x1F800] =	vst v63  }
0x24e: {  	_ =	swait.ge [sflag:s2], $0x1000  }
0x24f: {  	[sflag:s2] =	ssyncset.done $0x0  }
0x250: {  	s0 =	sadd.s32 $0x5200, s25;
	[sflag:s2] =	ssyncadd.s32 $0xFFFFF000  }
0x251: {  	[spmem:s11] =	stream.indirect.scatter.add.f32 [tilespmem:s7], [sflag:$0xD], $0x20, s0, s16, $0xb8;
	[tilespmem:$0x1F800] =	vst v63  }
0x252: {  	_ =	swait.ge [sflag:s20], $0x1000  }
0x253: {  	[sflag:s20] =	ssyncset.done $0x0  }
0x254: {  	s0 =	sadd.s32 $0x5280, s25;
	[sflag:s20] =	ssyncadd.s32 $0xFFFFF000  }
0x255: {  	[spmem:s11] =	stream.indirect.scatter.add.f32 [tilespmem:s30], [sflag:$0xE], $0x20, s0, s16, $0xb8;
	[tilespmem:$0x1F800] =	vst v63  }
0x256: {  	_ =	swait.ge [sflag:s21], $0x1000  }
0x257: {  	[sflag:s21] =	ssyncset.done $0x0  }
0x258: {  	s0 =	sadd.s32 $0x5300, s25;
	[sflag:s21] =	ssyncadd.s32 $0xFFFFF000  }
0x259: {  	[spmem:s11] =	stream.indirect.scatter.add.f32 [tilespmem:s26], [sflag:$0xF], $0x20, s0, s16, $0xb8;
	[tilespmem:$0x1F800] =	vst v63  }
0x25a: {  	_ =	swait.ge [sflag:s22], $0x1000  }
0x25b: {  	p0 =	sne.s32 s8, $0x13000;
	[sflag:s22] =	ssyncset.done $0x0  }
.Ltmp12:
0x25c: {  	s0 =	sadd.s32 $0x5380, s25;
	[sflag:s22] =	ssyncadd.s32 $0xFFFFF000;
	(pc) =	sbr.rel @!p0 .LBB2_25-.Ltmp12, $4  }
0x25d: {  	[spmem:s11] =	stream.indirect.scatter.add.f32 [tilespmem:s5], [sflag:$0x10], $0x20, s0, s16, $0xb8;
	[tilespmem:$0x1F800] =	vst v63  }
0x25e: {  	_ =	swait.ge [sflag:s15], $0x1000  }
0x25f: {  	[sflag:s15] =	ssyncset.done $0x0  }
0x260: {  	[sflag:s15] =	ssyncadd.s32 $0xFFFFF000  }
0x261: {  	s0 =	sadd.s32 $0x400, s25  }
0x262: {  	[tilespmem:s17], [sflag:$0x1] =	stream.indirect.gather [spmem:s1], $0x20, s0, s16, $0xb8;
	[tilespmem:$0x1F800] =	vst v63  }
0x263: {  	_ =	swait.ge [sflag:s28], $0x1000  }
0x264: {  	[sflag:s28] =	ssyncset.done $0x0  }
0x265: {  	s0 =	sadd.s32 $0x480, s25;
	[sflag:s28] =	ssyncadd.s32 $0xFFFFF000  }
0x266: {  	[tilespmem:s10], [sflag:$0x2] =	stream.indirect.gather [spmem:s1], $0x20, s0, s16, $0xb8;
	[tilespmem:$0x1F800] =	vst v63  }
0x267: {  	_ =	swait.ge [sflag:s24], $0x1000  }
0x268: {  	[sflag:s24] =	ssyncset.done $0x0  }
0x269: {  	s0 =	sadd.s32 $0x500, s25;
	[sflag:s24] =	ssyncadd.s32 $0xFFFFF000  }
0x26a: {  	[tilespmem:s19], [sflag:$0x3] =	stream.indirect.gather [spmem:s1], $0x20, s0, s16, $0xb8;
	[tilespmem:$0x1F800] =	vst v63  }
0x26b: {  	s0 =	simm.s32 $0xC  }
0x26c: {  	_ =	swait.ge [sflag:s0], $0x1000  }
0x26d: {  	[sflag:s0] =	ssyncset.done $0x0  }
0x26e: {  	[sflag:s0] =	ssyncadd.s32 $0xFFFFF000;
	s0 =	sadd.s32 $0x580, s25  }
0x26f: {  	[tilespmem:s18], [sflag:$0x4] =	stream.indirect.gather [spmem:s1], $0x20, s0, s16, $0xb8;
	[tilespmem:$0x1F800] =	vst v63  }
0x270: {  	_ =	swait.ge [sflag:s31], $0x1000  }
0x271: {  	[sflag:s31] =	ssyncset.done $0x0  }
0x272: {  	s0 =	sadd.s32 $0x600, s25;
	[sflag:s31] =	ssyncadd.s32 $0xFFFFF000  }
0x273: {  	[tilespmem:s7], [sflag:$0x5] =	stream.indirect.gather [spmem:s1], $0x20, s0, s16, $0xb8;
	[tilespmem:$0x1F800] =	vst v63  }
0x274: {  	s0 =	simm.s32 $0xE  }
0x275: {  	_ =	swait.ge [sflag:s0], $0x1000  }
0x276: {  	[sflag:s0] =	ssyncset.done $0x0  }
0x277: {  	[sflag:s0] =	ssyncadd.s32 $0xFFFFF000;
	s0 =	sadd.s32 $0x680, s25  }
0x278: {  	[tilespmem:s30], [sflag:$0x6] =	stream.indirect.gather [spmem:s1], $0x20, s0, s16, $0xb8;
	[tilespmem:$0x1F800] =	vst v63  }
0x279: {  	_ =	swait.ge [sflag:s29], $0x1000  }
0x27a: {  	s8 =	sadd.s32 $0x1000, s8;
	[sflag:s29] =	ssyncset.done $0x0  }
0x27b: {  	p0 =	sne.s32 s8, $0x14000;
	s0 =	sadd.s32 $0x700, s25;
	[sflag:s29] =	ssyncadd.s32 $0xFFFFF000  }
0x27c: {  	[tilespmem:s26], [sflag:$0x7] =	stream.indirect.gather [spmem:s1], $0x20, s0, s16, $0xb8;
	[tilespmem:$0x1F800] =	vst v63  }
.Ltmp13:
0x27d: {  	_ = 	snop;
	(pc) =	sbr.rel @p0 .LBB2_24-.Ltmp13, $4  }
.Ltmp14:
0x27e: {  	_ =	swait.ge [sflag:s3], $0x1000;
	(pc) =	sbr.rel @!p0 .LBB2_27-.Ltmp14, $4  }
0x27f: {  	[sflag:s3] =	ssyncset.done $0x0  }
0x280: {  	s25 =	sadd.s32 $0x780, s25;
	[sflag:s3] =	ssyncadd.s32 $0xFFFFF000  }
0x281: {  	[tilespmem:s5], [sflag:$0x8] =	stream.indirect.gather [spmem:s1], $0x20, s25, s16, $0xb8;
	[tilespmem:$0x1F800] =	vst v63  }
0x282: {  	_ = 	snop  }
.LBB2_25:
0x283: {  	_ =	swait.ge [sflag:s28], $0x1000  }
0x284: {  	[sflag:s28] =	ssyncset.done $0x0  }
0x285: {  	[sflag:s28] =	ssyncadd.s32 $0xFFFFF000  }
0x286: {  	_ =	swait.ge [sflag:s24], $0x1000  }
0x287: {  	[sflag:s24] =	ssyncset.done $0x0  }
0x288: {  	s0 =	simm.s32 $0xC;
	[sflag:s24] =	ssyncadd.s32 $0xFFFFF000  }
0x289: {  	_ =	swait.ge [sflag:s0], $0x1000  }
0x28a: {  	[sflag:s0] =	ssyncset.done $0x0  }
0x28b: {  	[sflag:s0] =	ssyncadd.s32 $0xFFFFF000  }
0x28c: {  	_ =	swait.ge [sflag:s31], $0x1000  }
0x28d: {  	[sflag:s31] =	ssyncset.done $0x0  }
0x28e: {  	s30 =	simm.s32 $0xE;
	[sflag:s31] =	ssyncadd.s32 $0xFFFFF000  }
0x28f: {  	_ =	swait.ge [sflag:s30], $0x1000  }
0x290: {  	[sflag:s30] =	ssyncset.done $0x0  }
0x291: {  	[sflag:s30] =	ssyncadd.s32 $0xFFFFF000  }
0x292: {  	_ =	swait.ge [sflag:s29], $0x1000  }
0x293: {  	[sflag:s29] =	ssyncset.done $0x0  }
0x294: {  	[sflag:s29] =	ssyncadd.s32 $0xFFFFF000  }
0x295: {  	_ =	swait.ge [sflag:s3], $0x1000  }
0x296: {  	[sflag:s3] =	ssyncset.done $0x0  }
0x297: {  	[sflag:s3] =	ssyncadd.s32 $0xFFFFF000  }
.LBB2_27:
0x298: {  	[bflag:$0x0] =	sbarrier.arrive $0xFFFF  }
0x299: {  	s0 =	rddreg [dreg:$0x15]  }
0x29a: {  	[tilespmem:s19], [sflag:$0x1] =	stream.linear.gather [spmem:s0], $0x1000, $0x38;
	[tilespmem:$0x1F800] =	vst v63  }
0x29b: {  	s8 =	rddreg [dreg:$0x16]  }
0x29c: {  	[tilespmem:s9], [sflag:$0x11] =	stream.linear.gather [spmem:s8], $0x800, $0x38;
	[tilespmem:$0x1F800] =	vst v63  }
0x29d: {  	s10 =	rddreg [dreg:$0x19]  }
0x29e: {  	[tilespmem:s18], [sflag:$0x2] =	stream.linear.gather [spmem:s10], $0x1000, $0x38;
	[tilespmem:$0x1F800] =	vst v63  }
0x29f: {  	s30 =	simm.s32 $0x14800;
	s17 =	rddreg [dreg:$0x17]  }
0x2a0: {  	[tilespmem:s30], [sflag:$0x12] =	stream.linear.gather [spmem:s17], $0x800, $0x38;
	[tilespmem:$0x1F800] =	vst v63  }
0x2a1: {  	_ =	swait.ge [sflag:s12], $0x1000  }
0x2a2: {  	[sflag:s12] =	ssyncset.done $0x0  }
0x2a3: {  	[sflag:s12] =	ssyncadd.s32 $0xFFFFF000  }
0x2a4: {  	_ =	swait.ge [sflag:s23], $0x800  }
0x2a5: {  	[sflag:s23] =	ssyncset.done $0x0  }
0x2a6: {  	s25 =	simm.s32 $0x0;
	[sflag:s23] =	ssyncadd.s32 $0xFFFFF800  }
0x2a7: {  	v2 =	vld [tilespmem:s25+$0x14000];
	_ =	sdelay $0x4  }
0x2a8: {  	(erf) = vrcp.f32 v2;
	_ =	sdelay $0x4  }
0x2a9: {  	s8 =	simm.s32 $0x19810  }
0x2aa: {  	v3 =	vld [tilespmem:s8+$0xFFFFFFF0]  }
0x2ab: {  	v4 =	vld [tilespmem:s8+$0x0];
	_ =	sdelay $0x1  }
0x2ac: {  	vm0 =	vgt.f32 v2, $0.0e+00;
	v2 =	vpop (erf)  }
0x2ad: {  	v2 =	vnsel vm0, $0x0, v2  }
0x2ae: {  	v3 =	vmul.f32 v2, v3  }
0x2af: {  	v2 =	vmul.f32 v4, v2  }
0x2b0: {  	[tilespmem:s8+$0xFFFFFFF0] =	vst v3  }
0x2b1: {  	s7 =	simm.s32 $0x1B800;
	s10 =	simm.s32 $0x80;
	s17 =	simm.s32 $0x10;
	[tilespmem:s8+$0x0] =	vst v2  }
.LBB2_28:
0x2b2: {  	p0 =	sne.s32 s10, $0x1FC0;
	v2 =	vld [tilespmem:s17+$0x14000];
	_ =	sdelay $0x4  }
0x2b3: {  	(erf) = vrcp.f32 v2;
	_ =	sdelay $0x3  }
0x2b4: {  	s8 =	sadd.s32 $0x20, s8  }
0x2b5: {  	v3 =	vld [tilespmem:s8+$0xFFFFFFF0]  }
0x2b6: {  	v4 =	vld [tilespmem:s8+$0x0];
	_ =	sdelay $0x2  }
0x2b7: {  	vm0 =	vgt.f32 v2, $0.0e+00;
	v2 =	vpop (erf)  }
.Ltmp15:
0x2b8: {  	v2 =	vnsel vm0, $0x0, v2;
	(pc) =	sbr.rel @p0 .LBB2_28-.Ltmp15, $3  }
0x2b9: {  	v3 =	vmul.f32 v2, v3;
	v2 =	vmul.f32 v4, v2;
	_ =	sdelay $0x1  }
0x2ba: {  	[tilespmem:s8+$0xFFFFFFF0] =	vst v3  }
0x2bb: {  	s17 =	sshra.s32 s10, $0x2;
	s10 =	sadd.s32 $0x40, s10;
	[tilespmem:s8+$0x0] =	vst v2  }
0x2bc: {  	v2 =	vld [tilespmem:s17+$0x14000];
	_ =	sdelay $0x4  }
0x2bd: {  	(erf) = vrcp.f32 v2;
	_ =	sdelay $0x4  }
0x2be: {  	s0 =	sadd.s32 $0x20, s8  }
0x2bf: {  	v3 =	vld [tilespmem:s0+$0xFFFFFFF0]  }
0x2c0: {  	v4 =	vld [tilespmem:s0+$0x0];
	_ =	sdelay $0x1  }
0x2c1: {  	vm0 =	vgt.f32 v2, $0.0e+00;
	v2 =	vpop (erf)  }
0x2c2: {  	v2 =	vnsel vm0, $0x0, v2  }
0x2c3: {  	v3 =	vmul.f32 v2, v3  }
0x2c4: {  	v2 =	vmul.f32 v4, v2  }
0x2c5: {  	[tilespmem:s0+$0xFFFFFFF0] =	vst v3  }
0x2c6: {  	s17 =	simm.s32 $0x0;
	s25 =	rddreg [dreg:$0xc];
	[tilespmem:s0+$0x0] =	vst v2  }
0x2c7: {  	[hbm4b:s25+s17] =	stream.linear.scatter [tilespmem:s19], [sflag:$0x9], $0x1000, $0x38;
	[tilespmem:$0x1F800] =	vst v63  }
0x2c8: {  	_ =	swait.ge [sflag:s15], $0x1000  }
0x2c9: {  	[sflag:s15] =	ssyncset.done $0x0  }
0x2ca: {  	s8 =	rddreg [dreg:$0x1c];
	[sflag:s15] =	ssyncadd.s32 $0xFFFFF000  }
0x2cb: {  	[tilespmem:s19], [sflag:$0x1] =	stream.linear.gather [spmem:s8], $0x1000, $0x38;
	[tilespmem:$0x1F800] =	vst v63  }
0x2cc: {  	s10 =	rddreg [dreg:$0x18]  }
0x2cd: {  	[tilespmem:s9], [sflag:$0x11] =	stream.linear.gather [spmem:s10], $0x800, $0x38;
	[tilespmem:$0x1F800] =	vst v63  }
0x2ce: {  	_ =	swait.ge [sflag:s13], $0x1000  }
0x2cf: {  	[sflag:s13] =	ssyncset.done $0x0  }
0x2d0: {  	s17 =	simm.s32 $0x12;
	[sflag:s13] =	ssyncadd.s32 $0xFFFFF000  }
0x2d1: {  	_ =	swait.ge [sflag:s17], $0x800  }
0x2d2: {  	[sflag:s17] =	ssyncset.done $0x0  }
0x2d3: {  	s25 =	simm.s32 $0x0;
	[sflag:s17] =	ssyncadd.s32 $0xFFFFF800  }
0x2d4: {  	v2 =	vld [tilespmem:s25+$0x14800];
	_ =	sdelay $0x4  }
0x2d5: {  	(erf) = vrcp.f32 v2;
	_ =	sdelay $0x4  }
0x2d6: {  	s8 =	simm.s32 $0x1A810  }
0x2d7: {  	v3 =	vld [tilespmem:s8+$0xFFFFFFF0]  }
0x2d8: {  	v63 =	vld [tilespmem:s8+$0x0];
	_ =	sdelay $0x1  }
0x2d9: {  	vm15 =	vgt.f32 v2, $0.0e+00;
	v2 =	vpop (erf)  }
0x2da: {  	v2 =	vnsel vm15, $0x0, v2  }
0x2db: {  	v3 =	vmul.f32 v2, v3  }
0x2dc: {  	v2 =	vmul.f32 v63, v2  }
0x2dd: {  	[tilespmem:s8+$0xFFFFFFF0] =	vst v3  }
0x2de: {  	s10 =	simm.s32 $0x80;
	s17 =	simm.s32 $0x10;
	s25 =	simm.s32 $0x0;
	[tilespmem:s8+$0x0] =	vst v2  }
.LBB2_30:
0x2df: {  	p0 =	sne.s32 s10, $0x1FC0;
	v2 =	vld [tilespmem:s17+$0x14800];
	_ =	sdelay $0x4  }
0x2e0: {  	(erf) = vrcp.f32 v2;
	_ =	sdelay $0x3  }
0x2e1: {  	s8 =	sadd.s32 $0x20, s8  }
0x2e2: {  	v3 =	vld [tilespmem:s8+$0xFFFFFFF0]  }
0x2e3: {  	v4 =	vld [tilespmem:s8+$0x0];
	_ =	sdelay $0x2  }
0x2e4: {  	vm0 =	vgt.f32 v2, $0.0e+00;
	v2 =	vpop (erf)  }
.Ltmp16:
0x2e5: {  	v2 =	vnsel vm0, $0x0, v2;
	(pc) =	sbr.rel @p0 .LBB2_30-.Ltmp16, $3  }
0x2e6: {  	v3 =	vmul.f32 v2, v3;
	v2 =	vmul.f32 v4, v2;
	_ =	sdelay $0x1  }
0x2e7: {  	[tilespmem:s8+$0xFFFFFFF0] =	vst v3  }
0x2e8: {  	s17 =	sshra.s32 s10, $0x2;
	s10 =	sadd.s32 $0x40, s10;
	[tilespmem:s8+$0x0] =	vst v2  }
0x2e9: {  	v2 =	vld [tilespmem:s17+$0x14800];
	_ =	sdelay $0x4  }
0x2ea: {  	(erf) = vrcp.f32 v2;
	_ =	sdelay $0x4  }
0x2eb: {  	s0 =	sadd.s32 $0x20, s8  }
0x2ec: {  	v3 =	vld [tilespmem:s0+$0xFFFFFFF0]  }
0x2ed: {  	v4 =	vld [tilespmem:s0+$0x0];
	_ =	sdelay $0x1  }
0x2ee: {  	vm0 =	vgt.f32 v2, $0.0e+00;
	v2 =	vpop (erf)  }
0x2ef: {  	v2 =	vnsel vm0, $0x0, v2  }
0x2f0: {  	v3 =	vmul.f32 v2, v3  }
0x2f1: {  	v2 =	vmul.f32 v4, v2  }
0x2f2: {  	[tilespmem:s0+$0xFFFFFFF0] =	vst v3  }
0x2f3: {  	s10 =	simm.s32 $0x0;
	s17 =	rddreg [dreg:$0xd];
	[tilespmem:s0+$0x0] =	vst v2  }
0x2f4: {  	[hbm4b:s17+s10] =	stream.linear.scatter [tilespmem:s18], [sflag:$0x9], $0x1000, $0x38;
	[tilespmem:$0x1F800] =	vst v63  }
0x2f5: {  	_ =	swait.ge [sflag:s15], $0x1000  }
0x2f6: {  	[sflag:s15] =	ssyncset.done $0x0  }
0x2f7: {  	s10 =	rddreg [dreg:$0x1f];
	[sflag:s15] =	ssyncadd.s32 $0xFFFFF000  }
0x2f8: {  	[tilespmem:s18], [sflag:$0x2] =	stream.linear.gather [spmem:s10], $0x1000, $0x38;
	[tilespmem:$0x1F800] =	vst v63  }
0x2f9: {  	s17 =	rddreg [dreg:$0x1b]  }
0x2fa: {  	[tilespmem:s30], [sflag:$0x12] =	stream.linear.gather [spmem:s17], $0x800, $0x38;
	[tilespmem:$0x1F800] =	vst v63  }
0x2fb: {  	_ =	swait.ge [sflag:s12], $0x1000  }
0x2fc: {  	[sflag:s12] =	ssyncset.done $0x0  }
0x2fd: {  	[sflag:s12] =	ssyncadd.s32 $0xFFFFF000  }
0x2fe: {  	_ =	swait.ge [sflag:s23], $0x800  }
0x2ff: {  	[sflag:s23] =	ssyncset.done $0x0  }
0x300: {  	s30 =	simm.s32 $0x0;
	[sflag:s23] =	ssyncadd.s32 $0xFFFFF800  }
0x301: {  	v2 =	vld [tilespmem:s30+$0x14000];
	_ =	sdelay $0x4  }
0x302: {  	(erf) = vrcp.f32 v2;
	_ =	sdelay $0x4  }
0x303: {  	s8 =	simm.s32 $0x19810  }
0x304: {  	v3 =	vld [tilespmem:s8+$0xFFFFFFF0]  }
0x305: {  	v63 =	vld [tilespmem:s8+$0x0];
	_ =	sdelay $0x1  }
0x306: {  	vm15 =	vgt.f32 v2, $0.0e+00;
	v2 =	vpop (erf)  }
0x307: {  	v2 =	vnsel vm15, $0x0, v2  }
0x308: {  	v3 =	vmul.f32 v2, v3  }
0x309: {  	v2 =	vmul.f32 v63, v2  }
0x30a: {  	[tilespmem:s8+$0xFFFFFFF0] =	vst v3  }
0x30b: {  	s10 =	simm.s32 $0x80;
	s17 =	simm.s32 $0x10;
	[tilespmem:s8+$0x0] =	vst v2  }
.LBB2_32:
0x30c: {  	p0 =	sne.s32 s10, $0x1FC0;
	v2 =	vld [tilespmem:s17+$0x14000];
	_ =	sdelay $0x4  }
0x30d: {  	(erf) = vrcp.f32 v2;
	_ =	sdelay $0x3  }
0x30e: {  	s8 =	sadd.s32 $0x20, s8  }
0x30f: {  	v3 =	vld [tilespmem:s8+$0xFFFFFFF0]  }
0x310: {  	v4 =	vld [tilespmem:s8+$0x0];
	_ =	sdelay $0x2  }
0x311: {  	vm0 =	vgt.f32 v2, $0.0e+00;
	v2 =	vpop (erf)  }
.Ltmp17:
0x312: {  	v2 =	vnsel vm0, $0x0, v2;
	(pc) =	sbr.rel @p0 .LBB2_32-.Ltmp17, $3  }
0x313: {  	v3 =	vmul.f32 v2, v3;
	v2 =	vmul.f32 v4, v2;
	_ =	sdelay $0x1  }
0x314: {  	[tilespmem:s8+$0xFFFFFFF0] =	vst v3  }
0x315: {  	s17 =	sshra.s32 s10, $0x2;
	s10 =	sadd.s32 $0x40, s10;
	[tilespmem:s8+$0x0] =	vst v2  }
0x316: {  	v2 =	vld [tilespmem:s17+$0x14000];
	_ =	sdelay $0x4  }
0x317: {  	(erf) = vrcp.f32 v2;
	_ =	sdelay $0x4  }
0x318: {  	s0 =	sadd.s32 $0x20, s8  }
0x319: {  	v3 =	vld [tilespmem:s0+$0xFFFFFFF0]  }
0x31a: {  	v4 =	vld [tilespmem:s0+$0x0];
	_ =	sdelay $0x1  }
0x31b: {  	vm0 =	vgt.f32 v2, $0.0e+00;
	v2 =	vpop (erf)  }
0x31c: {  	v2 =	vnsel vm0, $0x0, v2  }
0x31d: {  	v3 =	vmul.f32 v2, v3  }
0x31e: {  	v2 =	vmul.f32 v4, v2  }
0x31f: {  	[tilespmem:s0+$0xFFFFFFF0] =	vst v3  }
0x320: {  	s8 =	simm.s32 $0x0;
	s10 =	rddreg [dreg:$0xe];
	[tilespmem:s0+$0x0] =	vst v2  }
0x321: {  	[hbm4b:s10+s8] =	stream.linear.scatter [tilespmem:s19], [sflag:$0x9], $0x1000, $0x38;
	[tilespmem:$0x1F800] =	vst v63  }
0x322: {  	_ =	swait.ge [sflag:s15], $0x1000  }
0x323: {  	s17 =	sld [smem:$0x7FA]  }
0x324: {  	[sflag:s15] =	ssyncset.done $0x0  }
0x325: {  	[sflag:s15] =	ssyncadd.s32 $0xFFFFF000  }
0x326: {  	[tilespmem:s19], [sflag:$0x1] =	stream.linear.gather [spmem:s17], $0x1000, $0x38;
	[tilespmem:$0x1F800] =	vst v63  }
0x327: {  	s8 =	rddreg [dreg:$0x1e]  }
0x328: {  	[tilespmem:s9], [sflag:$0x11] =	stream.linear.gather [spmem:s8], $0x800, $0x38;
	[tilespmem:$0x1F800] =	vst v63  }
0x329: {  	_ =	swait.ge [sflag:s13], $0x1000  }
0x32a: {  	[sflag:s13] =	ssyncset.done $0x0  }
0x32b: {  	s10 =	simm.s32 $0x12;
	[sflag:s13] =	ssyncadd.s32 $0xFFFFF000  }
0x32c: {  	_ =	swait.ge [sflag:s10], $0x800  }
0x32d: {  	[sflag:s10] =	ssyncset.done $0x0  }
0x32e: {  	s17 =	simm.s32 $0x0;
	[sflag:s10] =	ssyncadd.s32 $0xFFFFF800  }
0x32f: {  	v2 =	vld [tilespmem:s17+$0x14800];
	_ =	sdelay $0x4  }
0x330: {  	(erf) = vrcp.f32 v2;
	_ =	sdelay $0x4  }
0x331: {  	s8 =	simm.s32 $0x1A810  }
0x332: {  	v3 =	vld [tilespmem:s8+$0xFFFFFFF0]  }
0x333: {  	v63 =	vld [tilespmem:s8+$0x0];
	_ =	sdelay $0x1  }
0x334: {  	vm15 =	vgt.f32 v2, $0.0e+00;
	v2 =	vpop (erf)  }
0x335: {  	v2 =	vnsel vm15, $0x0, v2  }
0x336: {  	v3 =	vmul.f32 v2, v3  }
0x337: {  	v2 =	vmul.f32 v63, v2  }
0x338: {  	[tilespmem:s8+$0xFFFFFFF0] =	vst v3  }
0x339: {  	s30 =	rddreg [dreg:$0x14];
	s10 =	simm.s32 $0x80;
	s17 =	simm.s32 $0x10;
	[tilespmem:s8+$0x0] =	vst v2  }
.LBB2_34:
0x33a: {  	p0 =	sne.s32 s10, $0x1FC0;
	v2 =	vld [tilespmem:s17+$0x14800];
	_ =	sdelay $0x4  }
0x33b: {  	(erf) = vrcp.f32 v2;
	_ =	sdelay $0x3  }
0x33c: {  	s8 =	sadd.s32 $0x20, s8  }
0x33d: {  	v3 =	vld [tilespmem:s8+$0xFFFFFFF0]  }
0x33e: {  	v4 =	vld [tilespmem:s8+$0x0];
	_ =	sdelay $0x2  }
0x33f: {  	vm0 =	vgt.f32 v2, $0.0e+00;
	v2 =	vpop (erf)  }
.Ltmp18:
0x340: {  	v2 =	vnsel vm0, $0x0, v2;
	(pc) =	sbr.rel @p0 .LBB2_34-.Ltmp18, $3  }
0x341: {  	v3 =	vmul.f32 v2, v3;
	v2 =	vmul.f32 v4, v2;
	_ =	sdelay $0x1  }
0x342: {  	[tilespmem:s8+$0xFFFFFFF0] =	vst v3  }
0x343: {  	s17 =	sshra.s32 s10, $0x2;
	s10 =	sadd.s32 $0x40, s10;
	[tilespmem:s8+$0x0] =	vst v2  }
0x344: {  	v2 =	vld [tilespmem:s17+$0x14800];
	_ =	sdelay $0x4  }
0x345: {  	(erf) = vrcp.f32 v2;
	_ =	sdelay $0x4  }
0x346: {  	s0 =	sadd.s32 $0x20, s8  }
0x347: {  	v3 =	vld [tilespmem:s0+$0xFFFFFFF0]  }
0x348: {  	v4 =	vld [tilespmem:s0+$0x0];
	_ =	sdelay $0x1  }
0x349: {  	vm0 =	vgt.f32 v2, $0.0e+00;
	v2 =	vpop (erf)  }
0x34a: {  	v2 =	vnsel vm0, $0x0, v2  }
0x34b: {  	v3 =	vmul.f32 v2, v3  }
0x34c: {  	v2 =	vmul.f32 v4, v2  }
0x34d: {  	[tilespmem:s0+$0xFFFFFFF0] =	vst v3  }
0x34e: {  	s8 =	simm.s32 $0x0;
	s10 =	rddreg [dreg:$0xf];
	[tilespmem:s0+$0x0] =	vst v2  }
0x34f: {  	[hbm4b:s10+s8] =	stream.linear.scatter [tilespmem:s18], [sflag:$0x9], $0x1000, $0x38;
	[tilespmem:$0x1F800] =	vst v63  }
0x350: {  	_ =	swait.ge [sflag:s12], $0x1000  }
0x351: {  	[sflag:s12] =	ssyncset.done $0x0  }
0x352: {  	[sflag:s12] =	ssyncadd.s32 $0xFFFFF000  }
0x353: {  	_ =	swait.ge [sflag:s23], $0x800  }
0x354: {  	[sflag:s23] =	ssyncset.done $0x0  }
0x355: {  	s17 =	simm.s32 $0x0;
	[sflag:s23] =	ssyncadd.s32 $0xFFFFF800  }
0x356: {  	v2 =	vld [tilespmem:s17+$0x14000];
	_ =	sdelay $0x4  }
0x357: {  	(erf) = vrcp.f32 v2;
	_ =	sdelay $0x4  }
0x358: {  	s8 =	simm.s32 $0x19810  }
0x359: {  	v3 =	vld [tilespmem:s8+$0xFFFFFFF0]  }
0x35a: {  	v63 =	vld [tilespmem:s8+$0x0];
	_ =	sdelay $0x1  }
0x35b: {  	vm15 =	vgt.f32 v2, $0.0e+00;
	v2 =	vpop (erf)  }
0x35c: {  	v2 =	vnsel vm15, $0x0, v2  }
0x35d: {  	v3 =	vmul.f32 v2, v3  }
0x35e: {  	v2 =	vmul.f32 v63, v2  }
0x35f: {  	[tilespmem:s8+$0xFFFFFFF0] =	vst v3  }
0x360: {  	s10 =	simm.s32 $0x80;
	s17 =	simm.s32 $0x10;
	[tilespmem:s8+$0x0] =	vst v2  }
.LBB2_36:
0x361: {  	p0 =	sne.s32 s10, $0x1FC0;
	v2 =	vld [tilespmem:s17+$0x14000];
	_ =	sdelay $0x4  }
0x362: {  	(erf) = vrcp.f32 v2;
	_ =	sdelay $0x3  }
0x363: {  	s8 =	sadd.s32 $0x20, s8  }
0x364: {  	v3 =	vld [tilespmem:s8+$0xFFFFFFF0]  }
0x365: {  	v4 =	vld [tilespmem:s8+$0x0];
	_ =	sdelay $0x2  }
0x366: {  	vm0 =	vgt.f32 v2, $0.0e+00;
	v2 =	vpop (erf)  }
.Ltmp19:
0x367: {  	v2 =	vnsel vm0, $0x0, v2;
	(pc) =	sbr.rel @p0 .LBB2_36-.Ltmp19, $3  }
0x368: {  	v3 =	vmul.f32 v2, v3;
	v2 =	vmul.f32 v4, v2;
	_ =	sdelay $0x1  }
0x369: {  	[tilespmem:s8+$0xFFFFFFF0] =	vst v3  }
0x36a: {  	s17 =	sshra.s32 s10, $0x2;
	s10 =	sadd.s32 $0x40, s10;
	[tilespmem:s8+$0x0] =	vst v2  }
0x36b: {  	v2 =	vld [tilespmem:s17+$0x14000];
	_ =	sdelay $0x4  }
0x36c: {  	(erf) = vrcp.f32 v2;
	_ =	sdelay $0x4  }
0x36d: {  	s0 =	sadd.s32 $0x20, s8  }
0x36e: {  	v3 =	vld [tilespmem:s0+$0xFFFFFFF0]  }
0x36f: {  	v4 =	vld [tilespmem:s0+$0x0];
	_ =	sdelay $0x1  }
0x370: {  	vm0 =	vgt.f32 v2, $0.0e+00;
	v2 =	vpop (erf)  }
0x371: {  	v2 =	vnsel vm0, $0x0, v2  }
0x372: {  	v3 =	vmul.f32 v2, v3  }
0x373: {  	v2 =	vmul.f32 v4, v2  }
0x374: {  	[tilespmem:s0+$0xFFFFFFF0] =	vst v3  }
0x375: {  	s8 =	rddreg [dreg:$0x10];
	[tilespmem:s0+$0x0] =	vst v2  }
0x376: {  	[hbm4b:s8+s25] =	stream.linear.scatter [tilespmem:s19], [sflag:$0x9], $0x1000, $0x38;
	[tilespmem:$0x1F800] =	vst v63  }
0x377: {  	_ =	swait.ge [sflag:s15], $0x1000  }
0x378: {  	[sflag:s15] =	ssyncset.done $0x0  }
0x379: {  	[sflag:s15] =	ssyncadd.s32 $0xFFFFF000  }
0x37a: {  	_ =	swait.ge [sflag:s15], $0x1000  }
0x37b: {  	s10 =	sld [smem:$0x7F8]  }
0x37c: {  	s17 =	sld [smem:$0x7FC];
	_ =	sdelay $0x1  }
0x37d: {  	s8 =	sadd.s32 $0x1, s10  }
0x37e: {  	p0 =	sne.s32 s8, s17  }
.Ltmp20:
0x37f: {  	_ = 	snop;
	(pc) =	sbr.rel @p0 .LBB2_1-.Ltmp20, $3  }
0x380: {  	_ =	sdelay $0x1  }
0x381: {  	[sflag:s15] =	ssyncset.done $0x0  }
0x382: {  	[sflag:s15] =	ssyncadd.s32 $0xFFFFF000;
	s17 =	simm.s32 $0x18800  }
0x383: {  	_ =	sfence.sel $0x180000  }
0x384: {  	[bflag:$0x0] =	sbarrier.arrive $0xFFFF  }
0x385: {  	_ =	strace $0x90000047  }
0x386: {  	s0 =	stileid.u32;
	[bflag:$0x2] =	sbarrier.arrive $0xFFFF  }
0x387: {  	p0 =	sne.s32 s0, $0x0;
	s0 =	rddreg [dreg:$0x5]  }
0x388: {  	s0 =	sadd.s32 @!p0 $0x100000, s0  }
0x389: {  	[sflag:s0] =	ssyncadd.tile.s32 @!p0 $0x1;
	_ =	shalt  }
.Lfunc_end2:
_tile_overlayer_lowered:
.L_overlay_start_2:
0x38a: {  	(tag) =	ssettag $0x2  }
0x38b: {  	s0 =	rddreg [dreg:$0x0];
	s2 =	stileid.u32  }
0x38c: {  	s1 =	rddreg [dreg:$0x1];
	p0 =	sne.s32 s2, $0x0  }
0x38d: {  	s3 =	rddreg [dreg:$0x2];
	[bflag:$0x3] =	sbarrier.arrive $0xFFFF;
	s2 =	simm.s32 @!p0 $0x1C19  }
0x38e: {  	[timem:s3], [sflag:s2] =	dma.local @!p0 [hbm:s0], s1  }
0x38f: {  	s0 =	simm.s32 @!p0 $0x19  }
0x390: {  	_ =	swait.ge @!p0 [sflag:s0], s1  }
0x391: {  	s1 =	ssub.s32 @!p0 $0x0, s1;
	[sflag:s0] =	ssyncset.done @!p0 $0x0  }
0x392: {  	[sflag:s0] =	ssyncadd.s32 @!p0 s1  }
0x393: {  	[bflag:$0x3] =	sbarrier.arrive $0xFFFF  }
0x394: {  	_ =	shalt  }

</sc_bundles>
